<compile_context>
chip_gen: v7x
topology: tpu7x:2x2x1
jax: 0.10.2.dev20260603
libtpu: 0.0.44.dev20260713+nightly
codegen_flags: <defaults>
</compile_context>

<pallas_src>
import functools

import jax
import jax.numpy as jnp
from jax import lax
from jax.experimental import pallas as pl
from jax.experimental.pallas import tpu as pltpu
from jax.experimental.pallas import tpu_sc as plsc

N_NODES = 10000
N_EDGES = 320000
D = 128
N_GRAPHS = 256

NC = 2
NS = 16
NW = NC * NS
E_PER_TILE = N_EDGES // NW
CHUNK = 80
N_CHUNKS = E_PER_TILE // CHUNK

ROWS_A = 640
ROWS_LAST = N_NODES - (NS - 1) * ROWS_A

RB = 1000
N_RB = N_NODES // RB

_mesh = plsc.VectorSubcoreMesh(core_axis_name="c", subcore_axis_name="s")


_NB_DEG = 5


@functools.partial(
    pl.kernel,
    out_type=jax.ShapeDtypeStruct((NC, N_NODES), jnp.float32),
    mesh=_mesh,
    scratch_types=[
        pltpu.VMEM((125, CHUNK), jnp.int32),
        pltpu.VMEM((CHUNK,), jnp.float32),
        pltpu.VMEM((ROWS_A,), jnp.float32),
        pltpu.VMEM_SHARED((N_NODES,), jnp.float32),
        pltpu.SemaphoreType.DMA,
    ],
)
def _deg_kernel(dst_hbm, out_hbm, di, ones_v, zeros_v, acc, sem):
    c = lax.axis_index("c")
    s = lax.axis_index("s")
    wid = c * NS + s
    for i in range(CHUNK // 16):
        ones_v[pl.ds(i * 16, 16)] = jnp.ones((16,), jnp.float32)
    for i in range(ROWS_A // 16):
        zeros_v[pl.ds(i * 16, 16)] = jnp.zeros((16,), jnp.float32)

    start = s * ROWS_A

    @pl.when(s < NS - 1)
    def _():
        pltpu.sync_copy(zeros_v, acc.at[pl.ds(start, ROWS_A)])

    @pl.when(s == NS - 1)
    def _():
        pltpu.sync_copy(zeros_v.at[pl.ds(0, ROWS_LAST)],
                        acc.at[pl.ds((NS - 1) * ROWS_A, ROWS_LAST)])

    pltpu.sync_copy(dst_hbm.at[wid], di)
    plsc.subcore_barrier()

    def body(g, carry):
        j0 = g * _NB_DEG
        for b in range(_NB_DEG):
            pltpu.async_copy(ones_v, acc.at[di.at[j0 + b]], sem, add=True)

        @pl.when(g > 0)
        def _():
            for b in range(_NB_DEG):
                pltpu.make_async_copy(ones_v, acc.at[di.at[0]], sem).wait()
        return carry

    lax.fori_loop(0, N_CHUNKS // _NB_DEG, body, 0)
    for b in range(_NB_DEG):
        pltpu.make_async_copy(ones_v, acc.at[di.at[0]], sem).wait()
    plsc.subcore_barrier()

    @pl.when(s == 0)
    def _():
        pltpu.sync_copy(acc, out_hbm.at[c])


NB = 4
N_GROUPS = N_CHUNKS // NB
TAIL = N_CHUNKS - N_GROUPS * NB


@functools.partial(
    pl.kernel,
    out_type=jax.ShapeDtypeStruct((NC, N_NODES, D), jnp.float32),
    mesh=_mesh,
    scratch_types=[
        pltpu.VMEM((2 * NB, CHUNK), jnp.int32),
        pltpu.VMEM((2 * NB, CHUNK), jnp.int32),
        [pltpu.VMEM((CHUNK, D), jnp.float32) for _ in range(NB)],
        pltpu.VMEM_SHARED((N_NODES, D), jnp.float32),
        [pltpu.SemaphoreType.DMA for _ in range(NB)],
        [pltpu.SemaphoreType.DMA for _ in range(NB)],
        [pltpu.SemaphoreType.DMA for _ in range(NB)],
    ],
)
def _edge_pass(src_hbm, dst_hbm, y_hbm, zeros_hbm, out_hbm,
               si, di, rows, acc, isem, gsem, ssem):
    c = lax.axis_index("c")
    s = lax.axis_index("s")
    wid = c * NS + s
    start = s * ROWS_A

    @pl.when(s < NS - 1)
    def _():
        pltpu.sync_copy(zeros_hbm.at[pl.ds(start, ROWS_A)],
                        acc.at[pl.ds(start, ROWS_A)])

    @pl.when(s == NS - 1)
    def _():
        pltpu.sync_copy(zeros_hbm.at[pl.ds((NS - 1) * ROWS_A, ROWS_LAST)],
                        acc.at[pl.ds((NS - 1) * ROWS_A, ROWS_LAST)])

    plsc.subcore_barrier()

    def fetch_idx(j, slot, b):
        pltpu.async_copy(src_hbm.at[wid, j], si.at[slot], isem[b])
        pltpu.async_copy(dst_hbm.at[wid, j], di.at[slot], isem[b])

    def wait_idx(slot, b):
        pltpu.make_async_copy(src_hbm.at[wid, 0], si.at[slot], isem[b]).wait()
        pltpu.make_async_copy(dst_hbm.at[wid, 0], di.at[slot], isem[b]).wait()

    def wait_gather(b):
        pltpu.make_async_copy(y_hbm.at[si.at[b]], rows[b], gsem[b]).wait()

    def wait_scatter(b):
        pltpu.make_async_copy(rows[b], acc.at[di.at[b]], ssem[b]).wait()

    for b in range(NB):
        fetch_idx(b, b, b)

    def body(g, carry):
        j0 = g * NB
        p = (g % 2) * NB
        pn = ((g + 1) % 2) * NB
        for b in range(NB):
            wait_idx(p + b, b)

            @pl.when(g > 0)
            def _():
                wait_scatter(b)
            pltpu.async_copy(y_hbm.at[si.at[p + b]], rows[b], gsem[b])
        for b in range(NB):
            wait_gather(b)
            pltpu.async_copy(rows[b], acc.at[di.at[p + b]], ssem[b],
                             add=True)
        for b in range(NB):
            nxt = j0 + b + NB

            @pl.when(nxt < N_CHUNKS)
            def _():
                fetch_idx(nxt, pn + b, b)
        return carry

    lax.fori_loop(0, N_GROUPS, body, 0)

    pt = (N_GROUPS % 2) * NB
    for t in range(TAIL):
        wait_idx(pt + t, t)
        wait_scatter(t)
        pltpu.async_copy(y_hbm.at[si.at[pt + t]], rows[t], gsem[t])
        wait_gather(t)
        pltpu.async_copy(rows[t], acc.at[di.at[pt + t]], ssem[t], add=True)
        wait_scatter(t)
    for b in range(TAIL, NB):
        wait_scatter(b)
    plsc.subcore_barrier()

    @pl.when(s < NS - 1)
    def _():
        pltpu.sync_copy(acc.at[pl.ds(start, ROWS_A)],
                        out_hbm.at[c, pl.ds(start, ROWS_A)])

    @pl.when(s == NS - 1)
    def _():
        pltpu.sync_copy(acc.at[pl.ds((NS - 1) * ROWS_A, ROWS_LAST)],
                        out_hbm.at[c, pl.ds((NS - 1) * ROWS_A, ROWS_LAST)])


def _dinv_of(degp_blk):
    deg = degp_blk[0, 0, 0, :] + degp_blk[1, 0, 0, :] + 1.0
    return lax.rsqrt(deg)


def _tca_body(x_ref, w_ref, degp_ref, y_ref):
    dinv = _dinv_of(degp_ref[...])
    xw = jnp.dot(x_ref[...], w_ref[...], preferred_element_type=jnp.float32)
    y_ref[...] = xw * dinv[:, None]


def _tca(x, W1, degp):
    return pl.pallas_call(
        _tca_body,
        grid=(N_RB,),
        in_specs=[
            pl.BlockSpec((RB, D), lambda i: (i, 0)),
            pl.BlockSpec((D, D), lambda i: (0, 0)),
            pl.BlockSpec((NC, 1, 1, RB), lambda i: (0, i, 0, 0)),
        ],
        out_specs=pl.BlockSpec((RB, D), lambda i: (i, 0)),
        out_shape=jax.ShapeDtypeStruct((N_NODES, D), jnp.float32),
    )(x, W1, degp)


def _tcb_body(a_ref, y1_ref, degp_ref, b1_ref, w2_ref, y2_ref):
    dinv = _dinv_of(degp_ref[...])
    agg = a_ref[0] + a_ref[1] + y1_ref[...]
    h1 = jnp.maximum(agg * dinv[:, None] + b1_ref[...], 0.0)
    y2_ref[...] = jnp.dot(h1, w2_ref[...],
                          preferred_element_type=jnp.float32) * dinv[:, None]


def _tcb(A1, y1, degp, b1, W2):
    return pl.pallas_call(
        _tcb_body,
        grid=(N_RB,),
        in_specs=[
            pl.BlockSpec((NC, RB, D), lambda i: (0, i, 0)),
            pl.BlockSpec((RB, D), lambda i: (i, 0)),
            pl.BlockSpec((NC, 1, 1, RB), lambda i: (0, i, 0, 0)),
            pl.BlockSpec((D,), lambda i: (0,)),
            pl.BlockSpec((D, D), lambda i: (0, 0)),
        ],
        out_specs=pl.BlockSpec((RB, D), lambda i: (i, 0)),
        out_shape=jax.ShapeDtypeStruct((N_NODES, D), jnp.float32),
    )(A1, y1, degp, b1, W2)


def _tcc_body(a_ref, y2_ref, degp_ref, b2_ref, batch_ref, wfc_ref, bfc_ref,
              acc_ref, cnt_ref, out_ref):
    i = pl.program_id(0)
    dinv = _dinv_of(degp_ref[...])
    agg = a_ref[0] + a_ref[1] + y2_ref[...]
    h2 = jnp.maximum(agg * dinv[:, None] + b2_ref[...], 0.0)

    b = batch_ref[0, 0, :]
    gids = lax.broadcasted_iota(jnp.int32, (RB, N_GRAPHS), 1)
    oh = (b[:, None] == gids).astype(jnp.float32)
    part = lax.dot_general(oh, h2, (((0,), (0,)), ((), ())),
                           preferred_element_type=jnp.float32)
    ones = jnp.ones((RB, D), jnp.float32)
    pcnt = lax.dot_general(oh, ones, (((0,), (0,)), ((), ())),
                           preferred_element_type=jnp.float32)

    @pl.when(i == 0)
    def _():
        acc_ref[...] = jnp.zeros_like(acc_ref)
        cnt_ref[...] = jnp.zeros_like(cnt_ref)

    acc_ref[...] += part
    cnt_ref[...] += pcnt

    @pl.when(i == pl.num_programs(0) - 1)
    def _():
        pooled = acc_ref[...] / jnp.maximum(cnt_ref[...], 1.0)
        out_ref[...] = jnp.dot(pooled, wfc_ref[...],
                               preferred_element_type=jnp.float32) + bfc_ref[...]


def _tcc(A2, y2, degp, b2, batch3, Wfc, bfc):
    _, _, out = pl.pallas_call(
        _tcc_body,
        grid=(N_RB,),
        in_specs=[
            pl.BlockSpec((NC, RB, D), lambda i: (0, i, 0)),
            pl.BlockSpec((RB, D), lambda i: (i, 0)),
            pl.BlockSpec((NC, 1, 1, RB), lambda i: (0, i, 0, 0)),
            pl.BlockSpec((D,), lambda i: (0,)),
            pl.BlockSpec((1, 1, RB), lambda i: (i, 0, 0)),
            pl.BlockSpec((D, D), lambda i: (0, 0)),
            pl.BlockSpec((D,), lambda i: (0,)),
        ],
        out_specs=[
            pl.BlockSpec((N_GRAPHS, D), lambda i: (0, 0)),
            pl.BlockSpec((N_GRAPHS, D), lambda i: (0, 0)),
            pl.BlockSpec((N_GRAPHS, D), lambda i: (0, 0)),
        ],
        out_shape=[
            jax.ShapeDtypeStruct((N_GRAPHS, D), jnp.float32),
            jax.ShapeDtypeStruct((N_GRAPHS, D), jnp.float32),
            jax.ShapeDtypeStruct((N_GRAPHS, D), jnp.float32),
        ],
    )(A2, y2, degp, b2, batch3, Wfc, bfc)
    return out


def kernel(x, edge_index, batch, W1, b1, W2, b2, Wfc, bfc):
    src = edge_index[0].reshape(NW, N_CHUNKS, CHUNK)
    dst = edge_index[1].reshape(NW, N_CHUNKS, CHUNK)
    zeros_nd = jnp.zeros((N_NODES, D), jnp.float32)

    degp = _deg_kernel(dst)
    degp4 = degp.reshape(NC, N_RB, 1, RB)
    y1 = _tca(x, W1, degp4)
    A1 = _edge_pass(src, dst, y1, zeros_nd)
    y2 = _tcb(A1, y1, degp4, b1, W2)
    A2 = _edge_pass(src, dst, y2, zeros_nd)
    batch3 = batch.reshape(N_RB, 1, RB)
    return _tcc(A2, y2, degp4, b2, batch3, Wfc, bfc)

# --- scband reference (transcript-rebuilt; emitter-appended) ---
"""Pipeline reference for scband-drug-graph-gnn-2224793059951 (READ-ONLY COPY).

The authoritative reference and input builder live on the scoring server;
editing this copy changes nothing except your own understanding.
"""

import jax, jax.numpy as jnp
import numpy as np

N_NODES = 10000
N_EDGES = 320000
D_IN = 128
D_HID = 128
D_OUT = 128
N_GRAPHS = 256


def setup_inputs(seed: int = 0) -> dict:
    key = jax.random.key(seed)
    ks = jax.random.split(key, 10)
    x = jax.random.normal(ks[0], (N_NODES, D_IN), dtype=jnp.float32)
    edge_index = jax.random.randint(ks[1], (2, N_EDGES), 0, N_NODES, dtype=jnp.int32)
    batch = jnp.sort(jax.random.randint(ks[2], (N_NODES,), 0, N_GRAPHS, dtype=jnp.int32))
    s1 = 1.0 / np.sqrt(D_IN)
    s2 = 1.0 / np.sqrt(D_HID)
    W1 = jax.random.normal(ks[3], (D_IN, D_HID), dtype=jnp.float32) * s1
    b1 = jnp.zeros((D_HID,), dtype=jnp.float32)
    W2 = jax.random.normal(ks[4], (D_HID, D_HID), dtype=jnp.float32) * s2
    b2 = jnp.zeros((D_HID,), dtype=jnp.float32)
    Wfc = jax.random.normal(ks[5], (D_HID, D_OUT), dtype=jnp.float32) * s2
    bfc = jnp.zeros((D_OUT,), dtype=jnp.float32)
    return {"x": x, "edge_index": edge_index, "batch": batch,
            "W1": W1, "b1": b1, "W2": W2, "b2": b2, "Wfc": Wfc, "bfc": bfc}


def _gcn_conv(x, src, dst, W, b, n):
    # PyG GCNConv: linear transform, symmetric normalization, scatter-add aggregation
    xw = x @ W
    ones = jnp.ones(src.shape[0], dtype=xw.dtype)
    deg = jax.ops.segment_sum(ones, dst, num_segments=n)
    dinv = jnp.where(deg > 0, jax.lax.rsqrt(jnp.maximum(deg, 1e-12)), 0.0)
    norm = dinv[src] * dinv[dst]
    msg = xw[src] * norm[:, None]
    out = jax.ops.segment_sum(msg, dst, num_segments=n)
    return out + b


def reference(x, edge_index, batch, W1, b1, W2, b2, Wfc, bfc):
    n = x.shape[0]
    loop = jnp.arange(n, dtype=edge_index.dtype)
    src = jnp.concatenate([edge_index[0], loop])  # add self loops
    dst = jnp.concatenate([edge_index[1], loop])
    h = _gcn_conv(x, src, dst, W1, b1, n)
    h = jax.nn.relu(h)
    h = _gcn_conv(h, src, dst, W2, b2, n)
    h = jax.nn.relu(h)
    # global_mean_pool over batch assignment
    summed = jax.ops.segment_sum(h, batch, num_segments=N_GRAPHS)
    counts = jax.ops.segment_sum(jnp.ones((n,), dtype=h.dtype), batch, num_segments=N_GRAPHS)
    pooled = summed / jnp.maximum(counts, 1.0)[:, None]
    return pooled @ Wfc + bfc

if __name__ == "__main__":
    import jax
    _d = setup_inputs()
    print(jax.jit(kernel)(*tuple(_d.values())))

</pallas_src>

<mosaic_0001>
#map = affine_map<(d0, d1) -> (0, 0, 0)>
#map1 = affine_map<(d0, d1) -> (0, 0)>
module attributes {stable_mosaic.version = 14 : i64} {
  func.func @_edge_pass(%arg0: i32, %arg1: i32, %arg2: memref<32x125x80xi32, #tpu.memory_space<hbm>>, %arg3: memref<32x125x80xi32, #tpu.memory_space<hbm>>, %arg4: memref<10000x128xf32, #tpu.memory_space<hbm>>, %arg5: memref<10000x128xf32, #tpu.memory_space<hbm>>, %arg6: memref<2x10000x128xf32, #tpu.memory_space<hbm>>, %arg7: memref<8x80xi32, #tpu.memory_space<vmem>>, %arg8: memref<8x80xi32, #tpu.memory_space<vmem>>, %arg9: memref<80x128xf32, #tpu.memory_space<vmem>>, %arg10: memref<80x128xf32, #tpu.memory_space<vmem>>, %arg11: memref<80x128xf32, #tpu.memory_space<vmem>>, %arg12: memref<80x128xf32, #tpu.memory_space<vmem>>, %arg13: memref<10000x128xf32, #tpu.memory_space<vmem_shared>>, %arg14: memref<!tpu.dma_semaphore, #tpu.memory_space<semaphore_mem>>, %arg15: memref<!tpu.dma_semaphore, #tpu.memory_space<semaphore_mem>>, %arg16: memref<!tpu.dma_semaphore, #tpu.memory_space<semaphore_mem>>, %arg17: memref<!tpu.dma_semaphore, #tpu.memory_space<semaphore_mem>>, %arg18: memref<!tpu.dma_semaphore, #tpu.memory_space<semaphore_mem>>, %arg19: memref<!tpu.dma_semaphore, #tpu.memory_space<semaphore_mem>>, %arg20: memref<!tpu.dma_semaphore, #tpu.memory_space<semaphore_mem>>, %arg21: memref<!tpu.dma_semaphore, #tpu.memory_space<semaphore_mem>>, %arg22: memref<!tpu.dma_semaphore, #tpu.memory_space<semaphore_mem>>, %arg23: memref<!tpu.dma_semaphore, #tpu.memory_space<semaphore_mem>>, %arg24: memref<!tpu.dma_semaphore, #tpu.memory_space<semaphore_mem>>, %arg25: memref<!tpu.dma_semaphore, #tpu.memory_space<semaphore_mem>>) attributes {dimension_semantics = [#tpu.dimension_semantics<core_parallel>, #tpu.dimension_semantics<subcore_parallel>], iteration_bounds = array<i64: 2, 16>, scalar_prefetch = 0 : i64, scratch_operands = 19 : i64, tpu.core_type = #tpu.core_type<sc_vector_subcore>, window_params = [{transform_indices = #map}, {transform_indices = #map}, {transform_indices = #map1}, {transform_indices = #map1}, {transform_indices = #map}]} {
    %mul3A = arith.constant 16 : i32
    %mul3A_0 = arith.muli %arg0, %mul3A : i32
    %add3A = arith.addi %mul3A_0, %arg1 : i32
    %mul3A_1 = arith.constant 640 : i32
    %mul3A_2 = arith.muli %arg1, %mul3A_1 : i32
    %lt3A = arith.constant 15 : i32
    %lt3A_3 = arith.cmpi slt, %arg1, %lt3A : i32
    %convert_element_type3A = arith.extui %lt3A_3 : i1 to i32
    %cond3A = arith.constant 0 : i32
    %cond3A_4 = arith.cmpi ne, %convert_element_type3A, %cond3A : i32
    scf.if %cond3A_4 {
      "tpu.region"() ({
        %run_scoped3A = tpu.sem_alloc : memref<!tpu.dma_semaphore, #tpu.memory_space<semaphore_mem>>
        %dma_start3A_219 = arith.constant 0 : i32
        %dma_start3A_220 = tpu.memref_slice %arg13[%mul3A_2, %dma_start3A_219] : memref<10000x128xf32, #tpu.memory_space<vmem_shared>> -> memref<640x128xf32, #tpu.memory_space<vmem_shared>>
        %dma_start3A_221 = arith.constant 0 : i32
        %dma_start3A_222 = tpu.memref_slice %arg5[%mul3A_2, %dma_start3A_221] : memref<10000x128xf32, #tpu.memory_space<hbm>> -> memref<640x128xf32, #tpu.memory_space<hbm>>
        tpu.enqueue_dma source(%dma_start3A_222 : memref<640x128xf32, #tpu.memory_space<hbm>>) target(%dma_start3A_220 : memref<640x128xf32, #tpu.memory_space<vmem_shared>>) target_semaphore(%run_scoped3A : memref<!tpu.dma_semaphore, #tpu.memory_space<semaphore_mem>>)
        %dma_wait3A_223 = arith.constant 0 : i32
        %dma_wait3A_224 = tpu.memref_slice %arg13[%mul3A_2, %dma_wait3A_223] : memref<10000x128xf32, #tpu.memory_space<vmem_shared>> -> memref<640x128xf32, #tpu.memory_space<vmem_shared>>
        %dma_wait3A_225 = arith.constant 0 : i32
        %dma_wait3A_226 = tpu.memref_slice %arg5[%mul3A_2, %dma_wait3A_225] : memref<10000x128xf32, #tpu.memory_space<hbm>> -> memref<640x128xf32, #tpu.memory_space<hbm>>
        tpu.wait_dma2 semaphore(%run_scoped3A : memref<!tpu.dma_semaphore, #tpu.memory_space<semaphore_mem>>) src(%dma_wait3A_226 : memref<640x128xf32, #tpu.memory_space<hbm>>) dst(%dma_wait3A_224 : memref<640x128xf32, #tpu.memory_space<vmem_shared>>)
        tpu.yield
      }) : () -> ()
    } else {
    }
    %eq3A = arith.constant 15 : i32
    %eq3A_5 = arith.cmpi eq, %arg1, %eq3A : i32
    %convert_element_type3A_6 = arith.extui %eq3A_5 : i1 to i32
    %cond3A_7 = arith.constant 0 : i32
    %cond3A_8 = arith.cmpi ne, %convert_element_type3A_6, %cond3A_7 : i32
    scf.if %cond3A_8 {
      "tpu.region"() ({
        %run_scoped3A = tpu.sem_alloc : memref<!tpu.dma_semaphore, #tpu.memory_space<semaphore_mem>>
        %dma_start3A_219 = arith.constant 9600 : i32
        %dma_start3A_220 = arith.constant 0 : i32
        %dma_start3A_221 = tpu.memref_slice %arg13[%dma_start3A_219, %dma_start3A_220] : memref<10000x128xf32, #tpu.memory_space<vmem_shared>> -> memref<400x128xf32, #tpu.memory_space<vmem_shared>>
        %dma_start3A_222 = arith.constant 9600 : i32
        %dma_start3A_223 = arith.constant 0 : i32
        %dma_start3A_224 = tpu.memref_slice %arg5[%dma_start3A_222, %dma_start3A_223] : memref<10000x128xf32, #tpu.memory_space<hbm>> -> memref<400x128xf32, #tpu.memory_space<hbm>>
        tpu.enqueue_dma source(%dma_start3A_224 : memref<400x128xf32, #tpu.memory_space<hbm>>) target(%dma_start3A_221 : memref<400x128xf32, #tpu.memory_space<vmem_shared>>) target_semaphore(%run_scoped3A : memref<!tpu.dma_semaphore, #tpu.memory_space<semaphore_mem>>)
        %dma_wait3A_225 = arith.constant 9600 : i32
        %dma_wait3A_226 = arith.constant 0 : i32
        %dma_wait3A_227 = tpu.memref_slice %arg13[%dma_wait3A_225, %dma_wait3A_226] : memref<10000x128xf32, #tpu.memory_space<vmem_shared>> -> memref<400x128xf32, #tpu.memory_space<vmem_shared>>
        %dma_wait3A_228 = arith.constant 9600 : i32
        %dma_wait3A_229 = arith.constant 0 : i32
        %dma_wait3A_230 = tpu.memref_slice %arg5[%dma_wait3A_228, %dma_wait3A_229] : memref<10000x128xf32, #tpu.memory_space<hbm>> -> memref<400x128xf32, #tpu.memory_space<hbm>>
        tpu.wait_dma2 semaphore(%run_scoped3A : memref<!tpu.dma_semaphore, #tpu.memory_space<semaphore_mem>>) src(%dma_wait3A_230 : memref<400x128xf32, #tpu.memory_space<hbm>>) dst(%dma_wait3A_227 : memref<400x128xf32, #tpu.memory_space<vmem_shared>>)
        tpu.yield
      }) : () -> ()
    } else {
    }
    %barrier3A = arith.constant 0 : index
    tpu.barrier barrier_id(%barrier3A)
    %dma_start3A = arith.constant 0 : i32
    %dma_start3A_9 = arith.constant 0 : i32
    %dma_start3A_10 = arith.constant 0 : i32
    %dma_start3A_11 = tpu.memref_slice %arg7[%dma_start3A_9, %dma_start3A_10] : memref<8x80xi32, #tpu.memory_space<vmem>> -> memref<1x80xi32, #tpu.memory_space<vmem>>
    %dma_start3A_12 = tpu.memref_squeeze %dma_start3A_11 : memref<1x80xi32, #tpu.memory_space<vmem>> -> memref<80xi32, #tpu.memory_space<vmem>>
    %dma_start3A_13 = arith.constant 0 : i32
    %dma_start3A_14 = tpu.memref_slice %arg2[%add3A, %dma_start3A, %dma_start3A_13] : memref<32x125x80xi32, #tpu.memory_space<hbm>> -> memref<1x1x80xi32, #tpu.memory_space<hbm>>
    %dma_start3A_15 = tpu.memref_squeeze %dma_start3A_14 : memref<1x1x80xi32, #tpu.memory_space<hbm>> -> memref<80xi32, #tpu.memory_space<hbm>>
    %dma_start3A_16 = arith.constant 0 : i32
    %dma_start3A_17 = tpu.memref_slice %arg7[%dma_start3A_9, %dma_start3A_16] : memref<8x80xi32, #tpu.memory_space<vmem>> -> memref<1x80xi32, #tpu.memory_space<vmem>>
    %dma_start3A_18 = tpu.memref_squeeze %dma_start3A_17 : memref<1x80xi32, #tpu.memory_space<vmem>> -> memref<80xi32, #tpu.memory_space<vmem>>
    %dma_start3A_19 = arith.constant 0 : i32
    %dma_start3A_20 = tpu.memref_slice %arg2[%add3A, %dma_start3A, %dma_start3A_19] : memref<32x125x80xi32, #tpu.memory_space<hbm>> -> memref<1x1x80xi32, #tpu.memory_space<hbm>>
    %dma_start3A_21 = tpu.memref_squeeze %dma_start3A_20 : memref<1x1x80xi32, #tpu.memory_space<hbm>> -> memref<80xi32, #tpu.memory_space<hbm>>
    tpu.enqueue_dma source(%dma_start3A_21 : memref<80xi32, #tpu.memory_space<hbm>>) target(%dma_start3A_18 : memref<80xi32, #tpu.memory_space<vmem>>) target_semaphore(%arg14 : memref<!tpu.dma_semaphore, #tpu.memory_space<semaphore_mem>>)
    %dma_start3A_22 = arith.constant 0 : i32
    %dma_start3A_23 = arith.constant 0 : i32
    %dma_start3A_24 = arith.constant 0 : i32
    %dma_start3A_25 = tpu.memref_slice %arg8[%dma_start3A_23, %dma_start3A_24] : memref<8x80xi32, #tpu.memory_space<vmem>> -> memref<1x80xi32, #tpu.memory_space<vmem>>
    %dma_start3A_26 = tpu.memref_squeeze %dma_start3A_25 : memref<1x80xi32, #tpu.memory_space<vmem>> -> memref<80xi32, #tpu.memory_space<vmem>>
    %dma_start3A_27 = arith.constant 0 : i32
    %dma_start3A_28 = tpu.memref_slice %arg3[%add3A, %dma_start3A_22, %dma_start3A_27] : memref<32x125x80xi32, #tpu.memory_space<hbm>> -> memref<1x1x80xi32, #tpu.memory_space<hbm>>
    %dma_start3A_29 = tpu.memref_squeeze %dma_start3A_28 : memref<1x1x80xi32, #tpu.memory_space<hbm>> -> memref<80xi32, #tpu.memory_space<hbm>>
    %dma_start3A_30 = arith.constant 0 : i32
    %dma_start3A_31 = tpu.memref_slice %arg8[%dma_start3A_23, %dma_start3A_30] : memref<8x80xi32, #tpu.memory_space<vmem>> -> memref<1x80xi32, #tpu.memory_space<vmem>>
    %dma_start3A_32 = tpu.memref_squeeze %dma_start3A_31 : memref<1x80xi32, #tpu.memory_space<vmem>> -> memref<80xi32, #tpu.memory_space<vmem>>
    %dma_start3A_33 = arith.constant 0 : i32
    %dma_start3A_34 = tpu.memref_slice %arg3[%add3A, %dma_start3A_22, %dma_start3A_33] : memref<32x125x80xi32, #tpu.memory_space<hbm>> -> memref<1x1x80xi32, #tpu.memory_space<hbm>>
    %dma_start3A_35 = tpu.memref_squeeze %dma_start3A_34 : memref<1x1x80xi32, #tpu.memory_space<hbm>> -> memref<80xi32, #tpu.memory_space<hbm>>
    tpu.enqueue_dma source(%dma_start3A_35 : memref<80xi32, #tpu.memory_space<hbm>>) target(%dma_start3A_32 : memref<80xi32, #tpu.memory_space<vmem>>) target_semaphore(%arg14 : memref<!tpu.dma_semaphore, #tpu.memory_space<semaphore_mem>>)
    %dma_start3A_36 = arith.constant 1 : i32
    %dma_start3A_37 = arith.constant 1 : i32
    %dma_start3A_38 = arith.constant 0 : i32
    %dma_start3A_39 = tpu.memref_slice %arg7[%dma_start3A_37, %dma_start3A_38] : memref<8x80xi32, #tpu.memory_space<vmem>> -> memref<1x80xi32, #tpu.memory_space<vmem>>
    %dma_start3A_40 = tpu.memref_squeeze %dma_start3A_39 : memref<1x80xi32, #tpu.memory_space<vmem>> -> memref<80xi32, #tpu.memory_space<vmem>>
    %dma_start3A_41 = arith.constant 0 : i32
    %dma_start3A_42 = tpu.memref_slice %arg2[%add3A, %dma_start3A_36, %dma_start3A_41] : memref<32x125x80xi32, #tpu.memory_space<hbm>> -> memref<1x1x80xi32, #tpu.memory_space<hbm>>
    %dma_start3A_43 = tpu.memref_squeeze %dma_start3A_42 : memref<1x1x80xi32, #tpu.memory_space<hbm>> -> memref<80xi32, #tpu.memory_space<hbm>>
    %dma_start3A_44 = arith.constant 0 : i32
    %dma_start3A_45 = tpu.memref_slice %arg7[%dma_start3A_37, %dma_start3A_44] : memref<8x80xi32, #tpu.memory_space<vmem>> -> memref<1x80xi32, #tpu.memory_space<vmem>>
    %dma_start3A_46 = tpu.memref_squeeze %dma_start3A_45 : memref<1x80xi32, #tpu.memory_space<vmem>> -> memref<80xi32, #tpu.memory_space<vmem>>
    %dma_start3A_47 = arith.constant 0 : i32
    %dma_start3A_48 = tpu.memref_slice %arg2[%add3A, %dma_start3A_36, %dma_start3A_47] : memref<32x125x80xi32, #tpu.memory_space<hbm>> -> memref<1x1x80xi32, #tpu.memory_space<hbm>>
    %dma_start3A_49 = tpu.memref_squeeze %dma_start3A_48 : memref<1x1x80xi32, #tpu.memory_space<hbm>> -> memref<80xi32, #tpu.memory_space<hbm>>
    tpu.enqueue_dma source(%dma_start3A_49 : memref<80xi32, #tpu.memory_space<hbm>>) target(%dma_start3A_46 : memref<80xi32, #tpu.memory_space<vmem>>) target_semaphore(%arg15 : memref<!tpu.dma_semaphore, #tpu.memory_space<semaphore_mem>>)
    %dma_start3A_50 = arith.constant 1 : i32
    %dma_start3A_51 = arith.constant 1 : i32
    %dma_start3A_52 = arith.constant 0 : i32
    %dma_start3A_53 = tpu.memref_slice %arg8[%dma_start3A_51, %dma_start3A_52] : memref<8x80xi32, #tpu.memory_space<vmem>> -> memref<1x80xi32, #tpu.memory_space<vmem>>
    %dma_start3A_54 = tpu.memref_squeeze %dma_start3A_53 : memref<1x80xi32, #tpu.memory_space<vmem>> -> memref<80xi32, #tpu.memory_space<vmem>>
    %dma_start3A_55 = arith.constant 0 : i32
    %dma_start3A_56 = tpu.memref_slice %arg3[%add3A, %dma_start3A_50, %dma_start3A_55] : memref<32x125x80xi32, #tpu.memory_space<hbm>> -> memref<1x1x80xi32, #tpu.memory_space<hbm>>
    %dma_start3A_57 = tpu.memref_squeeze %dma_start3A_56 : memref<1x1x80xi32, #tpu.memory_space<hbm>> -> memref<80xi32, #tpu.memory_space<hbm>>
    %dma_start3A_58 = arith.constant 0 : i32
    %dma_start3A_59 = tpu.memref_slice %arg8[%dma_start3A_51, %dma_start3A_58] : memref<8x80xi32, #tpu.memory_space<vmem>> -> memref<1x80xi32, #tpu.memory_space<vmem>>
    %dma_start3A_60 = tpu.memref_squeeze %dma_start3A_59 : memref<1x80xi32, #tpu.memory_space<vmem>> -> memref<80xi32, #tpu.memory_space<vmem>>
    %dma_start3A_61 = arith.constant 0 : i32
    %dma_start3A_62 = tpu.memref_slice %arg3[%add3A, %dma_start3A_50, %dma_start3A_61] : memref<32x125x80xi32, #tpu.memory_space<hbm>> -> memref<1x1x80xi32, #tpu.memory_space<hbm>>
    %dma_start3A_63 = tpu.memref_squeeze %dma_start3A_62 : memref<1x1x80xi32, #tpu.memory_space<hbm>> -> memref<80xi32, #tpu.memory_space<hbm>>
    tpu.enqueue_dma source(%dma_start3A_63 : memref<80xi32, #tpu.memory_space<hbm>>) target(%dma_start3A_60 : memref<80xi32, #tpu.memory_space<vmem>>) target_semaphore(%arg15 : memref<!tpu.dma_semaphore, #tpu.memory_space<semaphore_mem>>)
    %dma_start3A_64 = arith.constant 2 : i32
    %dma_start3A_65 = arith.constant 2 : i32
    %dma_start3A_66 = arith.constant 0 : i32
    %dma_start3A_67 = tpu.memref_slice %arg7[%dma_start3A_65, %dma_start3A_66] : memref<8x80xi32, #tpu.memory_space<vmem>> -> memref<1x80xi32, #tpu.memory_space<vmem>>
    %dma_start3A_68 = tpu.memref_squeeze %dma_start3A_67 : memref<1x80xi32, #tpu.memory_space<vmem>> -> memref<80xi32, #tpu.memory_space<vmem>>
    %dma_start3A_69 = arith.constant 0 : i32
    %dma_start3A_70 = tpu.memref_slice %arg2[%add3A, %dma_start3A_64, %dma_start3A_69] : memref<32x125x80xi32, #tpu.memory_space<hbm>> -> memref<1x1x80xi32, #tpu.memory_space<hbm>>
    %dma_start3A_71 = tpu.memref_squeeze %dma_start3A_70 : memref<1x1x80xi32, #tpu.memory_space<hbm>> -> memref<80xi32, #tpu.memory_space<hbm>>
    %dma_start3A_72 = arith.constant 0 : i32
    %dma_start3A_73 = tpu.memref_slice %arg7[%dma_start3A_65, %dma_start3A_72] : memref<8x80xi32, #tpu.memory_space<vmem>> -> memref<1x80xi32, #tpu.memory_space<vmem>>
    %dma_start3A_74 = tpu.memref_squeeze %dma_start3A_73 : memref<1x80xi32, #tpu.memory_space<vmem>> -> memref<80xi32, #tpu.memory_space<vmem>>
    %dma_start3A_75 = arith.constant 0 : i32
    %dma_start3A_76 = tpu.memref_slice %arg2[%add3A, %dma_start3A_64, %dma_start3A_75] : memref<32x125x80xi32, #tpu.memory_space<hbm>> -> memref<1x1x80xi32, #tpu.memory_space<hbm>>
    %dma_start3A_77 = tpu.memref_squeeze %dma_start3A_76 : memref<1x1x80xi32, #tpu.memory_space<hbm>> -> memref<80xi32, #tpu.memory_space<hbm>>
    tpu.enqueue_dma source(%dma_start3A_77 : memref<80xi32, #tpu.memory_space<hbm>>) target(%dma_start3A_74 : memref<80xi32, #tpu.memory_space<vmem>>) target_semaphore(%arg16 : memref<!tpu.dma_semaphore, #tpu.memory_space<semaphore_mem>>)
    %dma_start3A_78 = arith.constant 2 : i32
    %dma_start3A_79 = arith.constant 2 : i32
    %dma_start3A_80 = arith.constant 0 : i32
    %dma_start3A_81 = tpu.memref_slice %arg8[%dma_start3A_79, %dma_start3A_80] : memref<8x80xi32, #tpu.memory_space<vmem>> -> memref<1x80xi32, #tpu.memory_space<vmem>>
    %dma_start3A_82 = tpu.memref_squeeze %dma_start3A_81 : memref<1x80xi32, #tpu.memory_space<vmem>> -> memref<80xi32, #tpu.memory_space<vmem>>
    %dma_start3A_83 = arith.constant 0 : i32
    %dma_start3A_84 = tpu.memref_slice %arg3[%add3A, %dma_start3A_78, %dma_start3A_83] : memref<32x125x80xi32, #tpu.memory_space<hbm>> -> memref<1x1x80xi32, #tpu.memory_space<hbm>>
    %dma_start3A_85 = tpu.memref_squeeze %dma_start3A_84 : memref<1x1x80xi32, #tpu.memory_space<hbm>> -> memref<80xi32, #tpu.memory_space<hbm>>
    %dma_start3A_86 = arith.constant 0 : i32
    %dma_start3A_87 = tpu.memref_slice %arg8[%dma_start3A_79, %dma_start3A_86] : memref<8x80xi32, #tpu.memory_space<vmem>> -> memref<1x80xi32, #tpu.memory_space<vmem>>
    %dma_start3A_88 = tpu.memref_squeeze %dma_start3A_87 : memref<1x80xi32, #tpu.memory_space<vmem>> -> memref<80xi32, #tpu.memory_space<vmem>>
    %dma_start3A_89 = arith.constant 0 : i32
    %dma_start3A_90 = tpu.memref_slice %arg3[%add3A, %dma_start3A_78, %dma_start3A_89] : memref<32x125x80xi32, #tpu.memory_space<hbm>> -> memref<1x1x80xi32, #tpu.memory_space<hbm>>
    %dma_start3A_91 = tpu.memref_squeeze %dma_start3A_90 : memref<1x1x80xi32, #tpu.memory_space<hbm>> -> memref<80xi32, #tpu.memory_space<hbm>>
    tpu.enqueue_dma source(%dma_start3A_91 : memref<80xi32, #tpu.memory_space<hbm>>) target(%dma_start3A_88 : memref<80xi32, #tpu.memory_space<vmem>>) target_semaphore(%arg16 : memref<!tpu.dma_semaphore, #tpu.memory_space<semaphore_mem>>)
    %dma_start3A_92 = arith.constant 3 : i32
    %dma_start3A_93 = arith.constant 3 : i32
    %dma_start3A_94 = arith.constant 0 : i32
    %dma_start3A_95 = tpu.memref_slice %arg7[%dma_start3A_93, %dma_start3A_94] : memref<8x80xi32, #tpu.memory_space<vmem>> -> memref<1x80xi32, #tpu.memory_space<vmem>>
    %dma_start3A_96 = tpu.memref_squeeze %dma_start3A_95 : memref<1x80xi32, #tpu.memory_space<vmem>> -> memref<80xi32, #tpu.memory_space<vmem>>
    %dma_start3A_97 = arith.constant 0 : i32
    %dma_start3A_98 = tpu.memref_slice %arg2[%add3A, %dma_start3A_92, %dma_start3A_97] : memref<32x125x80xi32, #tpu.memory_space<hbm>> -> memref<1x1x80xi32, #tpu.memory_space<hbm>>
    %dma_start3A_99 = tpu.memref_squeeze %dma_start3A_98 : memref<1x1x80xi32, #tpu.memory_space<hbm>> -> memref<80xi32, #tpu.memory_space<hbm>>
    %dma_start3A_100 = arith.constant 0 : i32
    %dma_start3A_101 = tpu.memref_slice %arg7[%dma_start3A_93, %dma_start3A_100] : memref<8x80xi32, #tpu.memory_space<vmem>> -> memref<1x80xi32, #tpu.memory_space<vmem>>
    %dma_start3A_102 = tpu.memref_squeeze %dma_start3A_101 : memref<1x80xi32, #tpu.memory_space<vmem>> -> memref<80xi32, #tpu.memory_space<vmem>>
    %dma_start3A_103 = arith.constant 0 : i32
    %dma_start3A_104 = tpu.memref_slice %arg2[%add3A, %dma_start3A_92, %dma_start3A_103] : memref<32x125x80xi32, #tpu.memory_space<hbm>> -> memref<1x1x80xi32, #tpu.memory_space<hbm>>
    %dma_start3A_105 = tpu.memref_squeeze %dma_start3A_104 : memref<1x1x80xi32, #tpu.memory_space<hbm>> -> memref<80xi32, #tpu.memory_space<hbm>>
    tpu.enqueue_dma source(%dma_start3A_105 : memref<80xi32, #tpu.memory_space<hbm>>) target(%dma_start3A_102 : memref<80xi32, #tpu.memory_space<vmem>>) target_semaphore(%arg17 : memref<!tpu.dma_semaphore, #tpu.memory_space<semaphore_mem>>)
    %dma_start3A_106 = arith.constant 3 : i32
    %dma_start3A_107 = arith.constant 3 : i32
    %dma_start3A_108 = arith.constant 0 : i32
    %dma_start3A_109 = tpu.memref_slice %arg8[%dma_start3A_107, %dma_start3A_108] : memref<8x80xi32, #tpu.memory_space<vmem>> -> memref<1x80xi32, #tpu.memory_space<vmem>>
    %dma_start3A_110 = tpu.memref_squeeze %dma_start3A_109 : memref<1x80xi32, #tpu.memory_space<vmem>> -> memref<80xi32, #tpu.memory_space<vmem>>
    %dma_start3A_111 = arith.constant 0 : i32
    %dma_start3A_112 = tpu.memref_slice %arg3[%add3A, %dma_start3A_106, %dma_start3A_111] : memref<32x125x80xi32, #tpu.memory_space<hbm>> -> memref<1x1x80xi32, #tpu.memory_space<hbm>>
    %dma_start3A_113 = tpu.memref_squeeze %dma_start3A_112 : memref<1x1x80xi32, #tpu.memory_space<hbm>> -> memref<80xi32, #tpu.memory_space<hbm>>
    %dma_start3A_114 = arith.constant 0 : i32
    %dma_start3A_115 = tpu.memref_slice %arg8[%dma_start3A_107, %dma_start3A_114] : memref<8x80xi32, #tpu.memory_space<vmem>> -> memref<1x80xi32, #tpu.memory_space<vmem>>
    %dma_start3A_116 = tpu.memref_squeeze %dma_start3A_115 : memref<1x80xi32, #tpu.memory_space<vmem>> -> memref<80xi32, #tpu.memory_space<vmem>>
    %dma_start3A_117 = arith.constant 0 : i32
    %dma_start3A_118 = tpu.memref_slice %arg3[%add3A, %dma_start3A_106, %dma_start3A_117] : memref<32x125x80xi32, #tpu.memory_space<hbm>> -> memref<1x1x80xi32, #tpu.memory_space<hbm>>
    %dma_start3A_119 = tpu.memref_squeeze %dma_start3A_118 : memref<1x1x80xi32, #tpu.memory_space<hbm>> -> memref<80xi32, #tpu.memory_space<hbm>>
    tpu.enqueue_dma source(%dma_start3A_119 : memref<80xi32, #tpu.memory_space<hbm>>) target(%dma_start3A_116 : memref<80xi32, #tpu.memory_space<vmem>>) target_semaphore(%arg17 : memref<!tpu.dma_semaphore, #tpu.memory_space<semaphore_mem>>)
    %scan3A = arith.constant 0 : i32
    %scan3A_120 = arith.constant 0 : i32
    %scan3A_121 = arith.constant 31 : i32
    %scan3A_122 = arith.addi %scan3A_120, %scan3A_121 : i32
    %scan3A_123 = arith.constant 1 : i32
    scf.for %scan3A_219 = %scan3A_120 to %scan3A_122 step %scan3A_123  : i32 {
      %mul3A_220 = arith.constant 4 : i32
      %mul3A_221 = arith.muli %scan3A_219, %mul3A_220 : i32
      %jit3A = arith.constant 2 : i32
      %eq3A_222 = arith.constant 0 : i32
      %eq3A_223 = arith.cmpi eq, %jit3A, %eq3A_222 : i32
      %jit3A_224 = arith.constant 1 : i32
      %select_n3A = arith.select %eq3A_223, %jit3A_224, %jit3A : i32
      %rem3A = arith.remsi %scan3A_219, %select_n3A : i32
      %ne3A = arith.constant 0 : i32
      %ne3A_225 = arith.cmpi ne, %rem3A, %ne3A : i32
      %lt3A_226 = arith.constant 0 : i32
      %lt3A_227 = arith.cmpi slt, %rem3A, %lt3A_226 : i32
      %lt3A_228 = arith.constant 0 : i32
      %lt3A_229 = arith.cmpi slt, %select_n3A, %lt3A_228 : i32
      %ne3A_230 = arith.xori %lt3A_227, %lt3A_229 : i1
      %and3A = arith.andi %ne3A_230, %ne3A_225 : i1
      %add3A_231 = arith.addi %rem3A, %select_n3A : i32
      %select_n3A_232 = arith.select %and3A, %add3A_231, %rem3A : i32
      %mul3A_233 = arith.constant 4 : i32
      %mul3A_234 = arith.muli %select_n3A_232, %mul3A_233 : i32
      %add3A_235 = arith.constant 1 : i32
      %add3A_236 = arith.addi %scan3A_219, %add3A_235 : i32
      %jit3A_237 = arith.constant 2 : i32
      %eq3A_238 = arith.constant 0 : i32
      %eq3A_239 = arith.cmpi eq, %jit3A_237, %eq3A_238 : i32
      %jit3A_240 = arith.constant 1 : i32
      %select_n3A_241 = arith.select %eq3A_239, %jit3A_240, %jit3A_237 : i32
      %rem3A_242 = arith.remsi %add3A_236, %select_n3A_241 : i32
      %ne3A_243 = arith.constant 0 : i32
      %ne3A_244 = arith.cmpi ne, %rem3A_242, %ne3A_243 : i32
      %lt3A_245 = arith.constant 0 : i32
      %lt3A_246 = arith.cmpi slt, %rem3A_242, %lt3A_245 : i32
      %lt3A_247 = arith.constant 0 : i32
      %lt3A_248 = arith.cmpi slt, %select_n3A_241, %lt3A_247 : i32
      %ne3A_249 = arith.xori %lt3A_246, %lt3A_248 : i1
      %and3A_250 = arith.andi %ne3A_249, %ne3A_244 : i1
      %add3A_251 = arith.addi %rem3A_242, %select_n3A_241 : i32
      %select_n3A_252 = arith.select %and3A_250, %add3A_251, %rem3A_242 : i32
      %mul3A_253 = arith.constant 4 : i32
      %mul3A_254 = arith.muli %select_n3A_252, %mul3A_253 : i32
      %add3A_255 = arith.constant 0 : i32
      %add3A_256 = arith.addi %mul3A_234, %add3A_255 : i32
      %dma_wait3A_257 = arith.constant 0 : i32
      %dma_wait3A_258 = arith.constant 0 : i32
      %dma_wait3A_259 = tpu.memref_slice %arg7[%add3A_256, %dma_wait3A_258] : memref<8x80xi32, #tpu.memory_space<vmem>> -> memref<1x80xi32, #tpu.memory_space<vmem>>
      %dma_wait3A_260 = tpu.memref_squeeze %dma_wait3A_259 : memref<1x80xi32, #tpu.memory_space<vmem>> -> memref<80xi32, #tpu.memory_space<vmem>>
      %dma_wait3A_261 = arith.constant 0 : i32
      %dma_wait3A_262 = tpu.memref_slice %arg2[%add3A, %dma_wait3A_257, %dma_wait3A_261] : memref<32x125x80xi32, #tpu.memory_space<hbm>> -> memref<1x1x80xi32, #tpu.memory_space<hbm>>
      %dma_wait3A_263 = tpu.memref_squeeze %dma_wait3A_262 : memref<1x1x80xi32, #tpu.memory_space<hbm>> -> memref<80xi32, #tpu.memory_space<hbm>>
      %dma_wait3A_264 = arith.constant 0 : i32
      %dma_wait3A_265 = tpu.memref_slice %arg7[%add3A_256, %dma_wait3A_264] : memref<8x80xi32, #tpu.memory_space<vmem>> -> memref<1x80xi32, #tpu.memory_space<vmem>>
      %dma_wait3A_266 = tpu.memref_squeeze %dma_wait3A_265 : memref<1x80xi32, #tpu.memory_space<vmem>> -> memref<80xi32, #tpu.memory_space<vmem>>
      %dma_wait3A_267 = arith.constant 0 : i32
      %dma_wait3A_268 = tpu.memref_slice %arg2[%add3A, %dma_wait3A_257, %dma_wait3A_267] : memref<32x125x80xi32, #tpu.memory_space<hbm>> -> memref<1x1x80xi32, #tpu.memory_space<hbm>>
      %dma_wait3A_269 = tpu.memref_squeeze %dma_wait3A_268 : memref<1x1x80xi32, #tpu.memory_space<hbm>> -> memref<80xi32, #tpu.memory_space<hbm>>
      tpu.wait_dma2 semaphore(%arg14 : memref<!tpu.dma_semaphore, #tpu.memory_space<semaphore_mem>>) src(%dma_wait3A_269 : memref<80xi32, #tpu.memory_space<hbm>>) dst(%dma_wait3A_266 : memref<80xi32, #tpu.memory_space<vmem>>)
      %dma_wait3A_270 = arith.constant 0 : i32
      %dma_wait3A_271 = arith.constant 0 : i32
      %dma_wait3A_272 = tpu.memref_slice %arg8[%add3A_256, %dma_wait3A_271] : memref<8x80xi32, #tpu.memory_space<vmem>> -> memref<1x80xi32, #tpu.memory_space<vmem>>
      %dma_wait3A_273 = tpu.memref_squeeze %dma_wait3A_272 : memref<1x80xi32, #tpu.memory_space<vmem>> -> memref<80xi32, #tpu.memory_space<vmem>>
      %dma_wait3A_274 = arith.constant 0 : i32
      %dma_wait3A_275 = tpu.memref_slice %arg3[%add3A, %dma_wait3A_270, %dma_wait3A_274] : memref<32x125x80xi32, #tpu.memory_space<hbm>> -> memref<1x1x80xi32, #tpu.memory_space<hbm>>
      %dma_wait3A_276 = tpu.memref_squeeze %dma_wait3A_275 : memref<1x1x80xi32, #tpu.memory_space<hbm>> -> memref<80xi32, #tpu.memory_space<hbm>>
      %dma_wait3A_277 = arith.constant 0 : i32
      %dma_wait3A_278 = tpu.memref_slice %arg8[%add3A_256, %dma_wait3A_277] : memref<8x80xi32, #tpu.memory_space<vmem>> -> memref<1x80xi32, #tpu.memory_space<vmem>>
      %dma_wait3A_279 = tpu.memref_squeeze %dma_wait3A_278 : memref<1x80xi32, #tpu.memory_space<vmem>> -> memref<80xi32, #tpu.memory_space<vmem>>
      %dma_wait3A_280 = arith.constant 0 : i32
      %dma_wait3A_281 = tpu.memref_slice %arg3[%add3A, %dma_wait3A_270, %dma_wait3A_280] : memref<32x125x80xi32, #tpu.memory_space<hbm>> -> memref<1x1x80xi32, #tpu.memory_space<hbm>>
      %dma_wait3A_282 = tpu.memref_squeeze %dma_wait3A_281 : memref<1x1x80xi32, #tpu.memory_space<hbm>> -> memref<80xi32, #tpu.memory_space<hbm>>
      tpu.wait_dma2 semaphore(%arg14 : memref<!tpu.dma_semaphore, #tpu.memory_space<semaphore_mem>>) src(%dma_wait3A_282 : memref<80xi32, #tpu.memory_space<hbm>>) dst(%dma_wait3A_279 : memref<80xi32, #tpu.memory_space<vmem>>)
      %gt3A = arith.constant 0 : i32
      %gt3A_283 = arith.cmpi sgt, %scan3A_219, %gt3A : i32
      %convert_element_type3A_284 = arith.extui %gt3A_283 : i1 to i32
      %cond3A_285 = arith.constant 0 : i32
      %cond3A_286 = arith.cmpi ne, %convert_element_type3A_284, %cond3A_285 : i32
      scf.if %cond3A_286 {
        %dma_wait3A_514 = arith.constant 0 : i32
        %dma_wait3A_515 = arith.constant 0 : i32
        %dma_wait3A_516 = tpu.memref_slice %arg8[%dma_wait3A_514, %dma_wait3A_515] : memref<8x80xi32, #tpu.memory_space<vmem>> -> memref<1x80xi32, #tpu.memory_space<vmem>>
        %dma_wait3A_517 = tpu.memref_squeeze %dma_wait3A_516 : memref<1x80xi32, #tpu.memory_space<vmem>> -> memref<80xi32, #tpu.memory_space<vmem>>
        %dma_wait3A_518 = arith.constant 0 : i32
        %dma_wait3A_519 = arith.constant 0 : i32
        %dma_wait3A_520 = tpu.memref_slice %arg13[%dma_wait3A_518, %dma_wait3A_519] : memref<10000x128xf32, #tpu.memory_space<vmem_shared>> -> memref<10000x128xf32, #tpu.memory_space<vmem_shared>>
        tpu.wait_indirect_dma semaphore(%arg22 : memref<!tpu.dma_semaphore, #tpu.memory_space<semaphore_mem>>) src(%arg9 : memref<80x128xf32, #tpu.memory_space<vmem>>) dst(%dma_wait3A_520 : memref<10000x128xf32, #tpu.memory_space<vmem_shared>>)
      } else {
      }
      %add3A_287 = arith.constant 0 : i32
      %add3A_288 = arith.addi %mul3A_234, %add3A_287 : i32
      %dma_start3A_289 = arith.constant 0 : i32
      %dma_start3A_290 = tpu.memref_slice %arg7[%add3A_288, %dma_start3A_289] : memref<8x80xi32, #tpu.memory_space<vmem>> -> memref<1x80xi32, #tpu.memory_space<vmem>>
      %dma_start3A_291 = tpu.memref_squeeze %dma_start3A_290 : memref<1x80xi32, #tpu.memory_space<vmem>> -> memref<80xi32, #tpu.memory_space<vmem>>
      %dma_start3A_292 = arith.constant 0 : i32
      %dma_start3A_293 = arith.constant 0 : i32
      %dma_start3A_294 = tpu.memref_slice %arg4[%dma_start3A_292, %dma_start3A_293] : memref<10000x128xf32, #tpu.memory_space<hbm>> -> memref<10000x128xf32, #tpu.memory_space<hbm>>
      tpu.enqueue_indirect_dma source(%dma_start3A_294 : memref<10000x128xf32, #tpu.memory_space<hbm>>) target(%arg9 : memref<80x128xf32, #tpu.memory_space<vmem>>) offsets(%dma_start3A_291 : memref<80xi32, #tpu.memory_space<vmem>>) semaphore(%arg18 : memref<!tpu.dma_semaphore, #tpu.memory_space<semaphore_mem>>)
      %add3A_295 = arith.constant 1 : i32
      %add3A_296 = arith.addi %mul3A_234, %add3A_295 : i32
      %dma_wait3A_297 = arith.constant 0 : i32
      %dma_wait3A_298 = arith.constant 0 : i32
      %dma_wait3A_299 = tpu.memref_slice %arg7[%add3A_296, %dma_wait3A_298] : memref<8x80xi32, #tpu.memory_space<vmem>> -> memref<1x80xi32, #tpu.memory_space<vmem>>
      %dma_wait3A_300 = tpu.memref_squeeze %dma_wait3A_299 : memref<1x80xi32, #tpu.memory_space<vmem>> -> memref<80xi32, #tpu.memory_space<vmem>>
      %dma_wait3A_301 = arith.constant 0 : i32
      %dma_wait3A_302 = tpu.memref_slice %arg2[%add3A, %dma_wait3A_297, %dma_wait3A_301] : memref<32x125x80xi32, #tpu.memory_space<hbm>> -> memref<1x1x80xi32, #tpu.memory_space<hbm>>
      %dma_wait3A_303 = tpu.memref_squeeze %dma_wait3A_302 : memref<1x1x80xi32, #tpu.memory_space<hbm>> -> memref<80xi32, #tpu.memory_space<hbm>>
      %dma_wait3A_304 = arith.constant 0 : i32
      %dma_wait3A_305 = tpu.memref_slice %arg7[%add3A_296, %dma_wait3A_304] : memref<8x80xi32, #tpu.memory_space<vmem>> -> memref<1x80xi32, #tpu.memory_space<vmem>>
      %dma_wait3A_306 = tpu.memref_squeeze %dma_wait3A_305 : memref<1x80xi32, #tpu.memory_space<vmem>> -> memref<80xi32, #tpu.memory_space<vmem>>
      %dma_wait3A_307 = arith.constant 0 : i32
      %dma_wait3A_308 = tpu.memref_slice %arg2[%add3A, %dma_wait3A_297, %dma_wait3A_307] : memref<32x125x80xi32, #tpu.memory_space<hbm>> -> memref<1x1x80xi32, #tpu.memory_space<hbm>>
      %dma_wait3A_309 = tpu.memref_squeeze %dma_wait3A_308 : memref<1x1x80xi32, #tpu.memory_space<hbm>> -> memref<80xi32, #tpu.memory_space<hbm>>
      tpu.wait_dma2 semaphore(%arg15 : memref<!tpu.dma_semaphore, #tpu.memory_space<semaphore_mem>>) src(%dma_wait3A_309 : memref<80xi32, #tpu.memory_space<hbm>>) dst(%dma_wait3A_306 : memref<80xi32, #tpu.memory_space<vmem>>)
      %dma_wait3A_310 = arith.constant 0 : i32
      %dma_wait3A_311 = arith.constant 0 : i32
      %dma_wait3A_312 = tpu.memref_slice %arg8[%add3A_296, %dma_wait3A_311] : memref<8x80xi32, #tpu.memory_space<vmem>> -> memref<1x80xi32, #tpu.memory_space<vmem>>
      %dma_wait3A_313 = tpu.memref_squeeze %dma_wait3A_312 : memref<1x80xi32, #tpu.memory_space<vmem>> -> memref<80xi32, #tpu.memory_space<vmem>>
      %dma_wait3A_314 = arith.constant 0 : i32
      %dma_wait3A_315 = tpu.memref_slice %arg3[%add3A, %dma_wait3A_310, %dma_wait3A_314] : memref<32x125x80xi32, #tpu.memory_space<hbm>> -> memref<1x1x80xi32, #tpu.memory_space<hbm>>
      %dma_wait3A_316 = tpu.memref_squeeze %dma_wait3A_315 : memref<1x1x80xi32, #tpu.memory_space<hbm>> -> memref<80xi32, #tpu.memory_space<hbm>>
      %dma_wait3A_317 = arith.constant 0 : i32
      %dma_wait3A_318 = tpu.memref_slice %arg8[%add3A_296, %dma_wait3A_317] : memref<8x80xi32, #tpu.memory_space<vmem>> -> memref<1x80xi32, #tpu.memory_space<vmem>>
      %dma_wait3A_319 = tpu.memref_squeeze %dma_wait3A_318 : memref<1x80xi32, #tpu.memory_space<vmem>> -> memref<80xi32, #tpu.memory_space<vmem>>
      %dma_wait3A_320 = arith.constant 0 : i32
      %dma_wait3A_321 = tpu.memref_slice %arg3[%add3A, %dma_wait3A_310, %dma_wait3A_320] : memref<32x125x80xi32, #tpu.memory_space<hbm>> -> memref<1x1x80xi32, #tpu.memory_space<hbm>>
      %dma_wait3A_322 = tpu.memref_squeeze %dma_wait3A_321 : memref<1x1x80xi32, #tpu.memory_space<hbm>> -> memref<80xi32, #tpu.memory_space<hbm>>
      tpu.wait_dma2 semaphore(%arg15 : memref<!tpu.dma_semaphore, #tpu.memory_space<semaphore_mem>>) src(%dma_wait3A_322 : memref<80xi32, #tpu.memory_space<hbm>>) dst(%dma_wait3A_319 : memref<80xi32, #tpu.memory_space<vmem>>)
      %gt3A_323 = arith.constant 0 : i32
      %gt3A_324 = arith.cmpi sgt, %scan3A_219, %gt3A_323 : i32
      %convert_element_type3A_325 = arith.extui %gt3A_324 : i1 to i32
      %cond3A_326 = arith.constant 0 : i32
      %cond3A_327 = arith.cmpi ne, %convert_element_type3A_325, %cond3A_326 : i32
      scf.if %cond3A_327 {
        %dma_wait3A_514 = arith.constant 1 : i32
        %dma_wait3A_515 = arith.constant 0 : i32
        %dma_wait3A_516 = tpu.memref_slice %arg8[%dma_wait3A_514, %dma_wait3A_515] : memref<8x80xi32, #tpu.memory_space<vmem>> -> memref<1x80xi32, #tpu.memory_space<vmem>>
        %dma_wait3A_517 = tpu.memref_squeeze %dma_wait3A_516 : memref<1x80xi32, #tpu.memory_space<vmem>> -> memref<80xi32, #tpu.memory_space<vmem>>
        %dma_wait3A_518 = arith.constant 0 : i32
        %dma_wait3A_519 = arith.constant 0 : i32
        %dma_wait3A_520 = tpu.memref_slice %arg13[%dma_wait3A_518, %dma_wait3A_519] : memref<10000x128xf32, #tpu.memory_space<vmem_shared>> -> memref<10000x128xf32, #tpu.memory_space<vmem_shared>>
        tpu.wait_indirect_dma semaphore(%arg23 : memref<!tpu.dma_semaphore, #tpu.memory_space<semaphore_mem>>) src(%arg10 : memref<80x128xf32, #tpu.memory_space<vmem>>) dst(%dma_wait3A_520 : memref<10000x128xf32, #tpu.memory_space<vmem_shared>>)
      } else {
      }
      %add3A_328 = arith.constant 1 : i32
      %add3A_329 = arith.addi %mul3A_234, %add3A_328 : i32
      %dma_start3A_330 = arith.constant 0 : i32
      %dma_start3A_331 = tpu.memref_slice %arg7[%add3A_329, %dma_start3A_330] : memref<8x80xi32, #tpu.memory_space<vmem>> -> memref<1x80xi32, #tpu.memory_space<vmem>>
      %dma_start3A_332 = tpu.memref_squeeze %dma_start3A_331 : memref<1x80xi32, #tpu.memory_space<vmem>> -> memref<80xi32, #tpu.memory_space<vmem>>
      %dma_start3A_333 = arith.constant 0 : i32
      %dma_start3A_334 = arith.constant 0 : i32
      %dma_start3A_335 = tpu.memref_slice %arg4[%dma_start3A_333, %dma_start3A_334] : memref<10000x128xf32, #tpu.memory_space<hbm>> -> memref<10000x128xf32, #tpu.memory_space<hbm>>
      tpu.enqueue_indirect_dma source(%dma_start3A_335 : memref<10000x128xf32, #tpu.memory_space<hbm>>) target(%arg10 : memref<80x128xf32, #tpu.memory_space<vmem>>) offsets(%dma_start3A_332 : memref<80xi32, #tpu.memory_space<vmem>>) semaphore(%arg19 : memref<!tpu.dma_semaphore, #tpu.memory_space<semaphore_mem>>)
      %add3A_336 = arith.constant 2 : i32
      %add3A_337 = arith.addi %mul3A_234, %add3A_336 : i32
      %dma_wait3A_338 = arith.constant 0 : i32
      %dma_wait3A_339 = arith.constant 0 : i32
      %dma_wait3A_340 = tpu.memref_slice %arg7[%add3A_337, %dma_wait3A_339] : memref<8x80xi32, #tpu.memory_space<vmem>> -> memref<1x80xi32, #tpu.memory_space<vmem>>
      %dma_wait3A_341 = tpu.memref_squeeze %dma_wait3A_340 : memref<1x80xi32, #tpu.memory_space<vmem>> -> memref<80xi32, #tpu.memory_space<vmem>>
      %dma_wait3A_342 = arith.constant 0 : i32
      %dma_wait3A_343 = tpu.memref_slice %arg2[%add3A, %dma_wait3A_338, %dma_wait3A_342] : memref<32x125x80xi32, #tpu.memory_space<hbm>> -> memref<1x1x80xi32, #tpu.memory_space<hbm>>
      %dma_wait3A_344 = tpu.memref_squeeze %dma_wait3A_343 : memref<1x1x80xi32, #tpu.memory_space<hbm>> -> memref<80xi32, #tpu.memory_space<hbm>>
      %dma_wait3A_345 = arith.constant 0 : i32
      %dma_wait3A_346 = tpu.memref_slice %arg7[%add3A_337, %dma_wait3A_345] : memref<8x80xi32, #tpu.memory_space<vmem>> -> memref<1x80xi32, #tpu.memory_space<vmem>>
      %dma_wait3A_347 = tpu.memref_squeeze %dma_wait3A_346 : memref<1x80xi32, #tpu.memory_space<vmem>> -> memref<80xi32, #tpu.memory_space<vmem>>
      %dma_wait3A_348 = arith.constant 0 : i32
      %dma_wait3A_349 = tpu.memref_slice %arg2[%add3A, %dma_wait3A_338, %dma_wait3A_348] : memref<32x125x80xi32, #tpu.memory_space<hbm>> -> memref<1x1x80xi32, #tpu.memory_space<hbm>>
      %dma_wait3A_350 = tpu.memref_squeeze %dma_wait3A_349 : memref<1x1x80xi32, #tpu.memory_space<hbm>> -> memref<80xi32, #tpu.memory_space<hbm>>
      tpu.wait_dma2 semaphore(%arg16 : memref<!tpu.dma_semaphore, #tpu.memory_space<semaphore_mem>>) src(%dma_wait3A_350 : memref<80xi32, #tpu.memory_space<hbm>>) dst(%dma_wait3A_347 : memref<80xi32, #tpu.memory_space<vmem>>)
      %dma_wait3A_351 = arith.constant 0 : i32
      %dma_wait3A_352 = arith.constant 0 : i32
      %dma_wait3A_353 = tpu.memref_slice %arg8[%add3A_337, %dma_wait3A_352] : memref<8x80xi32, #tpu.memory_space<vmem>> -> memref<1x80xi32, #tpu.memory_space<vmem>>
      %dma_wait3A_354 = tpu.memref_squeeze %dma_wait3A_353 : memref<1x80xi32, #tpu.memory_space<vmem>> -> memref<80xi32, #tpu.memory_space<vmem>>
      %dma_wait3A_355 = arith.constant 0 : i32
      %dma_wait3A_356 = tpu.memref_slice %arg3[%add3A, %dma_wait3A_351, %dma_wait3A_355] : memref<32x125x80xi32, #tpu.memory_space<hbm>> -> memref<1x1x80xi32, #tpu.memory_space<hbm>>
      %dma_wait3A_357 = tpu.memref_squeeze %dma_wait3A_356 : memref<1x1x80xi32, #tpu.memory_space<hbm>> -> memref<80xi32, #tpu.memory_space<hbm>>
      %dma_wait3A_358 = arith.constant 0 : i32
      %dma_wait3A_359 = tpu.memref_slice %arg8[%add3A_337, %dma_wait3A_358] : memref<8x80xi32, #tpu.memory_space<vmem>> -> memref<1x80xi32, #tpu.memory_space<vmem>>
      %dma_wait3A_360 = tpu.memref_squeeze %dma_wait3A_359 : memref<1x80xi32, #tpu.memory_space<vmem>> -> memref<80xi32, #tpu.memory_space<vmem>>
      %dma_wait3A_361 = arith.constant 0 : i32
      %dma_wait3A_362 = tpu.memref_slice %arg3[%add3A, %dma_wait3A_351, %dma_wait3A_361] : memref<32x125x80xi32, #tpu.memory_space<hbm>> -> memref<1x1x80xi32, #tpu.memory_space<hbm>>
      %dma_wait3A_363 = tpu.memref_squeeze %dma_wait3A_362 : memref<1x1x80xi32, #tpu.memory_space<hbm>> -> memref<80xi32, #tpu.memory_space<hbm>>
      tpu.wait_dma2 semaphore(%arg16 : memref<!tpu.dma_semaphore, #tpu.memory_space<semaphore_mem>>) src(%dma_wait3A_363 : memref<80xi32, #tpu.memory_space<hbm>>) dst(%dma_wait3A_360 : memref<80xi32, #tpu.memory_space<vmem>>)
      %gt3A_364 = arith.constant 0 : i32
      %gt3A_365 = arith.cmpi sgt, %scan3A_219, %gt3A_364 : i32
      %convert_element_type3A_366 = arith.extui %gt3A_365 : i1 to i32
      %cond3A_367 = arith.constant 0 : i32
      %cond3A_368 = arith.cmpi ne, %convert_element_type3A_366, %cond3A_367 : i32
      scf.if %cond3A_368 {
        %dma_wait3A_514 = arith.constant 2 : i32
        %dma_wait3A_515 = arith.constant 0 : i32
        %dma_wait3A_516 = tpu.memref_slice %arg8[%dma_wait3A_514, %dma_wait3A_515] : memref<8x80xi32, #tpu.memory_space<vmem>> -> memref<1x80xi32, #tpu.memory_space<vmem>>
        %dma_wait3A_517 = tpu.memref_squeeze %dma_wait3A_516 : memref<1x80xi32, #tpu.memory_space<vmem>> -> memref<80xi32, #tpu.memory_space<vmem>>
        %dma_wait3A_518 = arith.constant 0 : i32
        %dma_wait3A_519 = arith.constant 0 : i32
        %dma_wait3A_520 = tpu.memref_slice %arg13[%dma_wait3A_518, %dma_wait3A_519] : memref<10000x128xf32, #tpu.memory_space<vmem_shared>> -> memref<10000x128xf32, #tpu.memory_space<vmem_shared>>
        tpu.wait_indirect_dma semaphore(%arg24 : memref<!tpu.dma_semaphore, #tpu.memory_space<semaphore_mem>>) src(%arg11 : memref<80x128xf32, #tpu.memory_space<vmem>>) dst(%dma_wait3A_520 : memref<10000x128xf32, #tpu.memory_space<vmem_shared>>)
      } else {
      }
      %add3A_369 = arith.constant 2 : i32
      %add3A_370 = arith.addi %mul3A_234, %add3A_369 : i32
      %dma_start3A_371 = arith.constant 0 : i32
      %dma_start3A_372 = tpu.memref_slice %arg7[%add3A_370, %dma_start3A_371] : memref<8x80xi32, #tpu.memory_space<vmem>> -> memref<1x80xi32, #tpu.memory_space<vmem>>
      %dma_start3A_373 = tpu.memref_squeeze %dma_start3A_372 : memref<1x80xi32, #tpu.memory_space<vmem>> -> memref<80xi32, #tpu.memory_space<vmem>>
      %dma_start3A_374 = arith.constant 0 : i32
      %dma_start3A_375 = arith.constant 0 : i32
      %dma_start3A_376 = tpu.memref_slice %arg4[%dma_start3A_374, %dma_start3A_375] : memref<10000x128xf32, #tpu.memory_space<hbm>> -> memref<10000x128xf32, #tpu.memory_space<hbm>>
      tpu.enqueue_indirect_dma source(%dma_start3A_376 : memref<10000x128xf32, #tpu.memory_space<hbm>>) target(%arg11 : memref<80x128xf32, #tpu.memory_space<vmem>>) offsets(%dma_start3A_373 : memref<80xi32, #tpu.memory_space<vmem>>) semaphore(%arg20 : memref<!tpu.dma_semaphore, #tpu.memory_space<semaphore_mem>>)
      %add3A_377 = arith.constant 3 : i32
      %add3A_378 = arith.addi %mul3A_234, %add3A_377 : i32
      %dma_wait3A_379 = arith.constant 0 : i32
      %dma_wait3A_380 = arith.constant 0 : i32
      %dma_wait3A_381 = tpu.memref_slice %arg7[%add3A_378, %dma_wait3A_380] : memref<8x80xi32, #tpu.memory_space<vmem>> -> memref<1x80xi32, #tpu.memory_space<vmem>>
      %dma_wait3A_382 = tpu.memref_squeeze %dma_wait3A_381 : memref<1x80xi32, #tpu.memory_space<vmem>> -> memref<80xi32, #tpu.memory_space<vmem>>
      %dma_wait3A_383 = arith.constant 0 : i32
      %dma_wait3A_384 = tpu.memref_slice %arg2[%add3A, %dma_wait3A_379, %dma_wait3A_383] : memref<32x125x80xi32, #tpu.memory_space<hbm>> -> memref<1x1x80xi32, #tpu.memory_space<hbm>>
      %dma_wait3A_385 = tpu.memref_squeeze %dma_wait3A_384 : memref<1x1x80xi32, #tpu.memory_space<hbm>> -> memref<80xi32, #tpu.memory_space<hbm>>
      %dma_wait3A_386 = arith.constant 0 : i32
      %dma_wait3A_387 = tpu.memref_slice %arg7[%add3A_378, %dma_wait3A_386] : memref<8x80xi32, #tpu.memory_space<vmem>> -> memref<1x80xi32, #tpu.memory_space<vmem>>
      %dma_wait3A_388 = tpu.memref_squeeze %dma_wait3A_387 : memref<1x80xi32, #tpu.memory_space<vmem>> -> memref<80xi32, #tpu.memory_space<vmem>>
      %dma_wait3A_389 = arith.constant 0 : i32
      %dma_wait3A_390 = tpu.memref_slice %arg2[%add3A, %dma_wait3A_379, %dma_wait3A_389] : memref<32x125x80xi32, #tpu.memory_space<hbm>> -> memref<1x1x80xi32, #tpu.memory_space<hbm>>
      %dma_wait3A_391 = tpu.memref_squeeze %dma_wait3A_390 : memref<1x1x80xi32, #tpu.memory_space<hbm>> -> memref<80xi32, #tpu.memory_space<hbm>>
      tpu.wait_dma2 semaphore(%arg17 : memref<!tpu.dma_semaphore, #tpu.memory_space<semaphore_mem>>) src(%dma_wait3A_391 : memref<80xi32, #tpu.memory_space<hbm>>) dst(%dma_wait3A_388 : memref<80xi32, #tpu.memory_space<vmem>>)
      %dma_wait3A_392 = arith.constant 0 : i32
      %dma_wait3A_393 = arith.constant 0 : i32
      %dma_wait3A_394 = tpu.memref_slice %arg8[%add3A_378, %dma_wait3A_393] : memref<8x80xi32, #tpu.memory_space<vmem>> -> memref<1x80xi32, #tpu.memory_space<vmem>>
      %dma_wait3A_395 = tpu.memref_squeeze %dma_wait3A_394 : memref<1x80xi32, #tpu.memory_space<vmem>> -> memref<80xi32, #tpu.memory_space<vmem>>
      %dma_wait3A_396 = arith.constant 0 : i32
      %dma_wait3A_397 = tpu.memref_slice %arg3[%add3A, %dma_wait3A_392, %dma_wait3A_396] : memref<32x125x80xi32, #tpu.memory_space<hbm>> -> memref<1x1x80xi32, #tpu.memory_space<hbm>>
      %dma_wait3A_398 = tpu.memref_squeeze %dma_wait3A_397 : memref<1x1x80xi32, #tpu.memory_space<hbm>> -> memref<80xi32, #tpu.memory_space<hbm>>
      %dma_wait3A_399 = arith.constant 0 : i32
      %dma_wait3A_400 = tpu.memref_slice %arg8[%add3A_378, %dma_wait3A_399] : memref<8x80xi32, #tpu.memory_space<vmem>> -> memref<1x80xi32, #tpu.memory_space<vmem>>
      %dma_wait3A_401 = tpu.memref_squeeze %dma_wait3A_400 : memref<1x80xi32, #tpu.memory_space<vmem>> -> memref<80xi32, #tpu.memory_space<vmem>>
      %dma_wait3A_402 = arith.constant 0 : i32
      %dma_wait3A_403 = tpu.memref_slice %arg3[%add3A, %dma_wait3A_392, %dma_wait3A_402] : memref<32x125x80xi32, #tpu.memory_space<hbm>> -> memref<1x1x80xi32, #tpu.memory_space<hbm>>
      %dma_wait3A_404 = tpu.memref_squeeze %dma_wait3A_403 : memref<1x1x80xi32, #tpu.memory_space<hbm>> -> memref<80xi32, #tpu.memory_space<hbm>>
      tpu.wait_dma2 semaphore(%arg17 : memref<!tpu.dma_semaphore, #tpu.memory_space<semaphore_mem>>) src(%dma_wait3A_404 : memref<80xi32, #tpu.memory_space<hbm>>) dst(%dma_wait3A_401 : memref<80xi32, #tpu.memory_space<vmem>>)
      %gt3A_405 = arith.constant 0 : i32
      %gt3A_406 = arith.cmpi sgt, %scan3A_219, %gt3A_405 : i32
      %convert_element_type3A_407 = arith.extui %gt3A_406 : i1 to i32
      %cond3A_408 = arith.constant 0 : i32
      %cond3A_409 = arith.cmpi ne, %convert_element_type3A_407, %cond3A_408 : i32
      scf.if %cond3A_409 {
        %dma_wait3A_514 = arith.constant 3 : i32
        %dma_wait3A_515 = arith.constant 0 : i32
        %dma_wait3A_516 = tpu.memref_slice %arg8[%dma_wait3A_514, %dma_wait3A_515] : memref<8x80xi32, #tpu.memory_space<vmem>> -> memref<1x80xi32, #tpu.memory_space<vmem>>
        %dma_wait3A_517 = tpu.memref_squeeze %dma_wait3A_516 : memref<1x80xi32, #tpu.memory_space<vmem>> -> memref<80xi32, #tpu.memory_space<vmem>>
        %dma_wait3A_518 = arith.constant 0 : i32
        %dma_wait3A_519 = arith.constant 0 : i32
        %dma_wait3A_520 = tpu.memref_slice %arg13[%dma_wait3A_518, %dma_wait3A_519] : memref<10000x128xf32, #tpu.memory_space<vmem_shared>> -> memref<10000x128xf32, #tpu.memory_space<vmem_shared>>
        tpu.wait_indirect_dma semaphore(%arg25 : memref<!tpu.dma_semaphore, #tpu.memory_space<semaphore_mem>>) src(%arg12 : memref<80x128xf32, #tpu.memory_space<vmem>>) dst(%dma_wait3A_520 : memref<10000x128xf32, #tpu.memory_space<vmem_shared>>)
      } else {
      }
      %add3A_410 = arith.constant 3 : i32
      %add3A_411 = arith.addi %mul3A_234, %add3A_410 : i32
      %dma_start3A_412 = arith.constant 0 : i32
      %dma_start3A_413 = tpu.memref_slice %arg7[%add3A_411, %dma_start3A_412] : memref<8x80xi32, #tpu.memory_space<vmem>> -> memref<1x80xi32, #tpu.memory_space<vmem>>
      %dma_start3A_414 = tpu.memref_squeeze %dma_start3A_413 : memref<1x80xi32, #tpu.memory_space<vmem>> -> memref<80xi32, #tpu.memory_space<vmem>>
      %dma_start3A_415 = arith.constant 0 : i32
      %dma_start3A_416 = arith.constant 0 : i32
      %dma_start3A_417 = tpu.memref_slice %arg4[%dma_start3A_415, %dma_start3A_416] : memref<10000x128xf32, #tpu.memory_space<hbm>> -> memref<10000x128xf32, #tpu.memory_space<hbm>>
      tpu.enqueue_indirect_dma source(%dma_start3A_417 : memref<10000x128xf32, #tpu.memory_space<hbm>>) target(%arg12 : memref<80x128xf32, #tpu.memory_space<vmem>>) offsets(%dma_start3A_414 : memref<80xi32, #tpu.memory_space<vmem>>) semaphore(%arg21 : memref<!tpu.dma_semaphore, #tpu.memory_space<semaphore_mem>>)
      %dma_wait3A_418 = arith.constant 0 : i32
      %dma_wait3A_419 = arith.constant 0 : i32
      %dma_wait3A_420 = tpu.memref_slice %arg7[%dma_wait3A_418, %dma_wait3A_419] : memref<8x80xi32, #tpu.memory_space<vmem>> -> memref<1x80xi32, #tpu.memory_space<vmem>>
      %dma_wait3A_421 = tpu.memref_squeeze %dma_wait3A_420 : memref<1x80xi32, #tpu.memory_space<vmem>> -> memref<80xi32, #tpu.memory_space<vmem>>
      %dma_wait3A_422 = arith.constant 0 : i32
      %dma_wait3A_423 = arith.constant 0 : i32
      %dma_wait3A_424 = tpu.memref_slice %arg4[%dma_wait3A_422, %dma_wait3A_423] : memref<10000x128xf32, #tpu.memory_space<hbm>> -> memref<10000x128xf32, #tpu.memory_space<hbm>>
      tpu.wait_indirect_dma semaphore(%arg18 : memref<!tpu.dma_semaphore, #tpu.memory_space<semaphore_mem>>) src(%dma_wait3A_424 : memref<10000x128xf32, #tpu.memory_space<hbm>>) dst(%arg9 : memref<80x128xf32, #tpu.memory_space<vmem>>)
      %add3A_425 = arith.constant 0 : i32
      %add3A_426 = arith.addi %mul3A_234, %add3A_425 : i32
      %dma_start3A_427 = arith.constant 0 : i32
      %dma_start3A_428 = tpu.memref_slice %arg8[%add3A_426, %dma_start3A_427] : memref<8x80xi32, #tpu.memory_space<vmem>> -> memref<1x80xi32, #tpu.memory_space<vmem>>
      %dma_start3A_429 = tpu.memref_squeeze %dma_start3A_428 : memref<1x80xi32, #tpu.memory_space<vmem>> -> memref<80xi32, #tpu.memory_space<vmem>>
      %dma_start3A_430 = arith.constant 0 : i32
      %dma_start3A_431 = arith.constant 0 : i32
      %dma_start3A_432 = tpu.memref_slice %arg13[%dma_start3A_430, %dma_start3A_431] : memref<10000x128xf32, #tpu.memory_space<vmem_shared>> -> memref<10000x128xf32, #tpu.memory_space<vmem_shared>>
      tpu.enqueue_indirect_dma source(%arg9 : memref<80x128xf32, #tpu.memory_space<vmem>>) target(%dma_start3A_432 : memref<10000x128xf32, #tpu.memory_space<vmem_shared>>) offsets(%dma_start3A_429 : memref<80xi32, #tpu.memory_space<vmem>>) semaphore(%arg22 : memref<!tpu.dma_semaphore, #tpu.memory_space<semaphore_mem>>) {add = true}
      %dma_wait3A_433 = arith.constant 1 : i32
      %dma_wait3A_434 = arith.constant 0 : i32
      %dma_wait3A_435 = tpu.memref_slice %arg7[%dma_wait3A_433, %dma_wait3A_434] : memref<8x80xi32, #tpu.memory_space<vmem>> -> memref<1x80xi32, #tpu.memory_space<vmem>>
      %dma_wait3A_436 = tpu.memref_squeeze %dma_wait3A_435 : memref<1x80xi32, #tpu.memory_space<vmem>> -> memref<80xi32, #tpu.memory_space<vmem>>
      %dma_wait3A_437 = arith.constant 0 : i32
      %dma_wait3A_438 = arith.constant 0 : i32
      %dma_wait3A_439 = tpu.memref_slice %arg4[%dma_wait3A_437, %dma_wait3A_438] : memref<10000x128xf32, #tpu.memory_space<hbm>> -> memref<10000x128xf32, #tpu.memory_space<hbm>>
      tpu.wait_indirect_dma semaphore(%arg19 : memref<!tpu.dma_semaphore, #tpu.memory_space<semaphore_mem>>) src(%dma_wait3A_439 : memref<10000x128xf32, #tpu.memory_space<hbm>>) dst(%arg10 : memref<80x128xf32, #tpu.memory_space<vmem>>)
      %add3A_440 = arith.constant 1 : i32
      %add3A_441 = arith.addi %mul3A_234, %add3A_440 : i32
      %dma_start3A_442 = arith.constant 0 : i32
      %dma_start3A_443 = tpu.memref_slice %arg8[%add3A_441, %dma_start3A_442] : memref<8x80xi32, #tpu.memory_space<vmem>> -> memref<1x80xi32, #tpu.memory_space<vmem>>
      %dma_start3A_444 = tpu.memref_squeeze %dma_start3A_443 : memref<1x80xi32, #tpu.memory_space<vmem>> -> memref<80xi32, #tpu.memory_space<vmem>>
      %dma_start3A_445 = arith.constant 0 : i32
      %dma_start3A_446 = arith.constant 0 : i32
      %dma_start3A_447 = tpu.memref_slice %arg13[%dma_start3A_445, %dma_start3A_446] : memref<10000x128xf32, #tpu.memory_space<vmem_shared>> -> memref<10000x128xf32, #tpu.memory_space<vmem_shared>>
      tpu.enqueue_indirect_dma source(%arg10 : memref<80x128xf32, #tpu.memory_space<vmem>>) target(%dma_start3A_447 : memref<10000x128xf32, #tpu.memory_space<vmem_shared>>) offsets(%dma_start3A_444 : memref<80xi32, #tpu.memory_space<vmem>>) semaphore(%arg23 : memref<!tpu.dma_semaphore, #tpu.memory_space<semaphore_mem>>) {add = true}
      %dma_wait3A_448 = arith.constant 2 : i32
      %dma_wait3A_449 = arith.constant 0 : i32
      %dma_wait3A_450 = tpu.memref_slice %arg7[%dma_wait3A_448, %dma_wait3A_449] : memref<8x80xi32, #tpu.memory_space<vmem>> -> memref<1x80xi32, #tpu.memory_space<vmem>>
      %dma_wait3A_451 = tpu.memref_squeeze %dma_wait3A_450 : memref<1x80xi32, #tpu.memory_space<vmem>> -> memref<80xi32, #tpu.memory_space<vmem>>
      %dma_wait3A_452 = arith.constant 0 : i32
      %dma_wait3A_453 = arith.constant 0 : i32
      %dma_wait3A_454 = tpu.memref_slice %arg4[%dma_wait3A_452, %dma_wait3A_453] : memref<10000x128xf32, #tpu.memory_space<hbm>> -> memref<10000x128xf32, #tpu.memory_space<hbm>>
      tpu.wait_indirect_dma semaphore(%arg20 : memref<!tpu.dma_semaphore, #tpu.memory_space<semaphore_mem>>) src(%dma_wait3A_454 : memref<10000x128xf32, #tpu.memory_space<hbm>>) dst(%arg11 : memref<80x128xf32, #tpu.memory_space<vmem>>)
      %add3A_455 = arith.constant 2 : i32
      %add3A_456 = arith.addi %mul3A_234, %add3A_455 : i32
      %dma_start3A_457 = arith.constant 0 : i32
      %dma_start3A_458 = tpu.memref_slice %arg8[%add3A_456, %dma_start3A_457] : memref<8x80xi32, #tpu.memory_space<vmem>> -> memref<1x80xi32, #tpu.memory_space<vmem>>
      %dma_start3A_459 = tpu.memref_squeeze %dma_start3A_458 : memref<1x80xi32, #tpu.memory_space<vmem>> -> memref<80xi32, #tpu.memory_space<vmem>>
      %dma_start3A_460 = arith.constant 0 : i32
      %dma_start3A_461 = arith.constant 0 : i32
      %dma_start3A_462 = tpu.memref_slice %arg13[%dma_start3A_460, %dma_start3A_461] : memref<10000x128xf32, #tpu.memory_space<vmem_shared>> -> memref<10000x128xf32, #tpu.memory_space<vmem_shared>>
      tpu.enqueue_indirect_dma source(%arg11 : memref<80x128xf32, #tpu.memory_space<vmem>>) target(%dma_start3A_462 : memref<10000x128xf32, #tpu.memory_space<vmem_shared>>) offsets(%dma_start3A_459 : memref<80xi32, #tpu.memory_space<vmem>>) semaphore(%arg24 : memref<!tpu.dma_semaphore, #tpu.memory_space<semaphore_mem>>) {add = true}
      %dma_wait3A_463 = arith.constant 3 : i32
      %dma_wait3A_464 = arith.constant 0 : i32
      %dma_wait3A_465 = tpu.memref_slice %arg7[%dma_wait3A_463, %dma_wait3A_464] : memref<8x80xi32, #tpu.memory_space<vmem>> -> memref<1x80xi32, #tpu.memory_space<vmem>>
      %dma_wait3A_466 = tpu.memref_squeeze %dma_wait3A_465 : memref<1x80xi32, #tpu.memory_space<vmem>> -> memref<80xi32, #tpu.memory_space<vmem>>
      %dma_wait3A_467 = arith.constant 0 : i32
      %dma_wait3A_468 = arith.constant 0 : i32
      %dma_wait3A_469 = tpu.memref_slice %arg4[%dma_wait3A_467, %dma_wait3A_468] : memref<10000x128xf32, #tpu.memory_space<hbm>> -> memref<10000x128xf32, #tpu.memory_space<hbm>>
      tpu.wait_indirect_dma semaphore(%arg21 : memref<!tpu.dma_semaphore, #tpu.memory_space<semaphore_mem>>) src(%dma_wait3A_469 : memref<10000x128xf32, #tpu.memory_space<hbm>>) dst(%arg12 : memref<80x128xf32, #tpu.memory_space<vmem>>)
      %add3A_470 = arith.constant 3 : i32
      %add3A_471 = arith.addi %mul3A_234, %add3A_470 : i32
      %dma_start3A_472 = arith.constant 0 : i32
      %dma_start3A_473 = tpu.memref_slice %arg8[%add3A_471, %dma_start3A_472] : memref<8x80xi32, #tpu.memory_space<vmem>> -> memref<1x80xi32, #tpu.memory_space<vmem>>
      %dma_start3A_474 = tpu.memref_squeeze %dma_start3A_473 : memref<1x80xi32, #tpu.memory_space<vmem>> -> memref<80xi32, #tpu.memory_space<vmem>>
      %dma_start3A_475 = arith.constant 0 : i32
      %dma_start3A_476 = arith.constant 0 : i32
      %dma_start3A_477 = tpu.memref_slice %arg13[%dma_start3A_475, %dma_start3A_476] : memref<10000x128xf32, #tpu.memory_space<vmem_shared>> -> memref<10000x128xf32, #tpu.memory_space<vmem_shared>>
      tpu.enqueue_indirect_dma source(%arg12 : memref<80x128xf32, #tpu.memory_space<vmem>>) target(%dma_start3A_477 : memref<10000x128xf32, #tpu.memory_space<vmem_shared>>) offsets(%dma_start3A_474 : memref<80xi32, #tpu.memory_space<vmem>>) semaphore(%arg25 : memref<!tpu.dma_semaphore, #tpu.memory_space<semaphore_mem>>) {add = true}
      %add3A_478 = arith.constant 0 : i32
      %add3A_479 = arith.addi %mul3A_221, %add3A_478 : i32
      %add3A_480 = arith.constant 4 : i32
      %add3A_481 = arith.addi %add3A_479, %add3A_480 : i32
      %lt3A_482 = arith.constant 125 : i32
      %lt3A_483 = arith.cmpi slt, %add3A_481, %lt3A_482 : i32
      %convert_element_type3A_484 = arith.extui %lt3A_483 : i1 to i32
      %cond3A_485 = arith.constant 0 : i32
      %cond3A_486 = arith.cmpi ne, %convert_element_type3A_484, %cond3A_485 : i32
      scf.if %cond3A_486 {
        %add3A_514 = arith.constant 0 : i32
        %add3A_515 = arith.addi %mul3A_254, %add3A_514 : i32
        %dma_start3A_516 = arith.constant 0 : i32
        %dma_start3A_517 = tpu.memref_slice %arg7[%add3A_515, %dma_start3A_516] : memref<8x80xi32, #tpu.memory_space<vmem>> -> memref<1x80xi32, #tpu.memory_space<vmem>>
        %dma_start3A_518 = tpu.memref_squeeze %dma_start3A_517 : memref<1x80xi32, #tpu.memory_space<vmem>> -> memref<80xi32, #tpu.memory_space<vmem>>
        %dma_start3A_519 = arith.constant 0 : i32
        %dma_start3A_520 = tpu.memref_slice %arg2[%add3A, %add3A_481, %dma_start3A_519] : memref<32x125x80xi32, #tpu.memory_space<hbm>> -> memref<1x1x80xi32, #tpu.memory_space<hbm>>
        %dma_start3A_521 = tpu.memref_squeeze %dma_start3A_520 : memref<1x1x80xi32, #tpu.memory_space<hbm>> -> memref<80xi32, #tpu.memory_space<hbm>>
        %dma_start3A_522 = arith.constant 0 : i32
        %dma_start3A_523 = tpu.memref_slice %arg7[%add3A_515, %dma_start3A_522] : memref<8x80xi32, #tpu.memory_space<vmem>> -> memref<1x80xi32, #tpu.memory_space<vmem>>
        %dma_start3A_524 = tpu.memref_squeeze %dma_start3A_523 : memref<1x80xi32, #tpu.memory_space<vmem>> -> memref<80xi32, #tpu.memory_space<vmem>>
        %dma_start3A_525 = arith.constant 0 : i32
        %dma_start3A_526 = tpu.memref_slice %arg2[%add3A, %add3A_481, %dma_start3A_525] : memref<32x125x80xi32, #tpu.memory_space<hbm>> -> memref<1x1x80xi32, #tpu.memory_space<hbm>>
        %dma_start3A_527 = tpu.memref_squeeze %dma_start3A_526 : memref<1x1x80xi32, #tpu.memory_space<hbm>> -> memref<80xi32, #tpu.memory_space<hbm>>
        tpu.enqueue_dma source(%dma_start3A_527 : memref<80xi32, #tpu.memory_space<hbm>>) target(%dma_start3A_524 : memref<80xi32, #tpu.memory_space<vmem>>) target_semaphore(%arg14 : memref<!tpu.dma_semaphore, #tpu.memory_space<semaphore_mem>>)
        %dma_start3A_528 = arith.constant 0 : i32
        %dma_start3A_529 = tpu.memref_slice %arg8[%add3A_515, %dma_start3A_528] : memref<8x80xi32, #tpu.memory_space<vmem>> -> memref<1x80xi32, #tpu.memory_space<vmem>>
        %dma_start3A_530 = tpu.memref_squeeze %dma_start3A_529 : memref<1x80xi32, #tpu.memory_space<vmem>> -> memref<80xi32, #tpu.memory_space<vmem>>
        %dma_start3A_531 = arith.constant 0 : i32
        %dma_start3A_532 = tpu.memref_slice %arg3[%add3A, %add3A_481, %dma_start3A_531] : memref<32x125x80xi32, #tpu.memory_space<hbm>> -> memref<1x1x80xi32, #tpu.memory_space<hbm>>
        %dma_start3A_533 = tpu.memref_squeeze %dma_start3A_532 : memref<1x1x80xi32, #tpu.memory_space<hbm>> -> memref<80xi32, #tpu.memory_space<hbm>>
        %dma_start3A_534 = arith.constant 0 : i32
        %dma_start3A_535 = tpu.memref_slice %arg8[%add3A_515, %dma_start3A_534] : memref<8x80xi32, #tpu.memory_space<vmem>> -> memref<1x80xi32, #tpu.memory_space<vmem>>
        %dma_start3A_536 = tpu.memref_squeeze %dma_start3A_535 : memref<1x80xi32, #tpu.memory_space<vmem>> -> memref<80xi32, #tpu.memory_space<vmem>>
        %dma_start3A_537 = arith.constant 0 : i32
        %dma_start3A_538 = tpu.memref_slice %arg3[%add3A, %add3A_481, %dma_start3A_537] : memref<32x125x80xi32, #tpu.memory_space<hbm>> -> memref<1x1x80xi32, #tpu.memory_space<hbm>>
        %dma_start3A_539 = tpu.memref_squeeze %dma_start3A_538 : memref<1x1x80xi32, #tpu.memory_space<hbm>> -> memref<80xi32, #tpu.memory_space<hbm>>
        tpu.enqueue_dma source(%dma_start3A_539 : memref<80xi32, #tpu.memory_space<hbm>>) target(%dma_start3A_536 : memref<80xi32, #tpu.memory_space<vmem>>) target_semaphore(%arg14 : memref<!tpu.dma_semaphore, #tpu.memory_space<semaphore_mem>>)
      } else {
      }
      %add3A_487 = arith.constant 1 : i32
      %add3A_488 = arith.addi %mul3A_221, %add3A_487 : i32
      %add3A_489 = arith.constant 4 : i32
      %add3A_490 = arith.addi %add3A_488, %add3A_489 : i32
      %lt3A_491 = arith.constant 125 : i32
      %lt3A_492 = arith.cmpi slt, %add3A_490, %lt3A_491 : i32
      %convert_element_type3A_493 = arith.extui %lt3A_492 : i1 to i32
      %cond3A_494 = arith.constant 0 : i32
      %cond3A_495 = arith.cmpi ne, %convert_element_type3A_493, %cond3A_494 : i32
      scf.if %cond3A_495 {
        %add3A_514 = arith.constant 1 : i32
        %add3A_515 = arith.addi %mul3A_254, %add3A_514 : i32
        %dma_start3A_516 = arith.constant 0 : i32
        %dma_start3A_517 = tpu.memref_slice %arg7[%add3A_515, %dma_start3A_516] : memref<8x80xi32, #tpu.memory_space<vmem>> -> memref<1x80xi32, #tpu.memory_space<vmem>>
        %dma_start3A_518 = tpu.memref_squeeze %dma_start3A_517 : memref<1x80xi32, #tpu.memory_space<vmem>> -> memref<80xi32, #tpu.memory_space<vmem>>
        %dma_start3A_519 = arith.constant 0 : i32
        %dma_start3A_520 = tpu.memref_slice %arg2[%add3A, %add3A_490, %dma_start3A_519] : memref<32x125x80xi32, #tpu.memory_space<hbm>> -> memref<1x1x80xi32, #tpu.memory_space<hbm>>
        %dma_start3A_521 = tpu.memref_squeeze %dma_start3A_520 : memref<1x1x80xi32, #tpu.memory_space<hbm>> -> memref<80xi32, #tpu.memory_space<hbm>>
        %dma_start3A_522 = arith.constant 0 : i32
        %dma_start3A_523 = tpu.memref_slice %arg7[%add3A_515, %dma_start3A_522] : memref<8x80xi32, #tpu.memory_space<vmem>> -> memref<1x80xi32, #tpu.memory_space<vmem>>
        %dma_start3A_524 = tpu.memref_squeeze %dma_start3A_523 : memref<1x80xi32, #tpu.memory_space<vmem>> -> memref<80xi32, #tpu.memory_space<vmem>>
        %dma_start3A_525 = arith.constant 0 : i32
        %dma_start3A_526 = tpu.memref_slice %arg2[%add3A, %add3A_490, %dma_start3A_525] : memref<32x125x80xi32, #tpu.memory_space<hbm>> -> memref<1x1x80xi32, #tpu.memory_space<hbm>>
        %dma_start3A_527 = tpu.memref_squeeze %dma_start3A_526 : memref<1x1x80xi32, #tpu.memory_space<hbm>> -> memref<80xi32, #tpu.memory_space<hbm>>
        tpu.enqueue_dma source(%dma_start3A_527 : memref<80xi32, #tpu.memory_space<hbm>>) target(%dma_start3A_524 : memref<80xi32, #tpu.memory_space<vmem>>) target_semaphore(%arg15 : memref<!tpu.dma_semaphore, #tpu.memory_space<semaphore_mem>>)
        %dma_start3A_528 = arith.constant 0 : i32
        %dma_start3A_529 = tpu.memref_slice %arg8[%add3A_515, %dma_start3A_528] : memref<8x80xi32, #tpu.memory_space<vmem>> -> memref<1x80xi32, #tpu.memory_space<vmem>>
        %dma_start3A_530 = tpu.memref_squeeze %dma_start3A_529 : memref<1x80xi32, #tpu.memory_space<vmem>> -> memref<80xi32, #tpu.memory_space<vmem>>
        %dma_start3A_531 = arith.constant 0 : i32
        %dma_start3A_532 = tpu.memref_slice %arg3[%add3A, %add3A_490, %dma_start3A_531] : memref<32x125x80xi32, #tpu.memory_space<hbm>> -> memref<1x1x80xi32, #tpu.memory_space<hbm>>
        %dma_start3A_533 = tpu.memref_squeeze %dma_start3A_532 : memref<1x1x80xi32, #tpu.memory_space<hbm>> -> memref<80xi32, #tpu.memory_space<hbm>>
        %dma_start3A_534 = arith.constant 0 : i32
        %dma_start3A_535 = tpu.memref_slice %arg8[%add3A_515, %dma_start3A_534] : memref<8x80xi32, #tpu.memory_space<vmem>> -> memref<1x80xi32, #tpu.memory_space<vmem>>
        %dma_start3A_536 = tpu.memref_squeeze %dma_start3A_535 : memref<1x80xi32, #tpu.memory_space<vmem>> -> memref<80xi32, #tpu.memory_space<vmem>>
        %dma_start3A_537 = arith.constant 0 : i32
        %dma_start3A_538 = tpu.memref_slice %arg3[%add3A, %add3A_490, %dma_start3A_537] : memref<32x125x80xi32, #tpu.memory_space<hbm>> -> memref<1x1x80xi32, #tpu.memory_space<hbm>>
        %dma_start3A_539 = tpu.memref_squeeze %dma_start3A_538 : memref<1x1x80xi32, #tpu.memory_space<hbm>> -> memref<80xi32, #tpu.memory_space<hbm>>
        tpu.enqueue_dma source(%dma_start3A_539 : memref<80xi32, #tpu.memory_space<hbm>>) target(%dma_start3A_536 : memref<80xi32, #tpu.memory_space<vmem>>) target_semaphore(%arg15 : memref<!tpu.dma_semaphore, #tpu.memory_space<semaphore_mem>>)
      } else {
      }
      %add3A_496 = arith.constant 2 : i32
      %add3A_497 = arith.addi %mul3A_221, %add3A_496 : i32
      %add3A_498 = arith.constant 4 : i32
      %add3A_499 = arith.addi %add3A_497, %add3A_498 : i32
      %lt3A_500 = arith.constant 125 : i32
      %lt3A_501 = arith.cmpi slt, %add3A_499, %lt3A_500 : i32
      %convert_element_type3A_502 = arith.extui %lt3A_501 : i1 to i32
      %cond3A_503 = arith.constant 0 : i32
      %cond3A_504 = arith.cmpi ne, %convert_element_type3A_502, %cond3A_503 : i32
      scf.if %cond3A_504 {
        %add3A_514 = arith.constant 2 : i32
        %add3A_515 = arith.addi %mul3A_254, %add3A_514 : i32
        %dma_start3A_516 = arith.constant 0 : i32
        %dma_start3A_517 = tpu.memref_slice %arg7[%add3A_515, %dma_start3A_516] : memref<8x80xi32, #tpu.memory_space<vmem>> -> memref<1x80xi32, #tpu.memory_space<vmem>>
        %dma_start3A_518 = tpu.memref_squeeze %dma_start3A_517 : memref<1x80xi32, #tpu.memory_space<vmem>> -> memref<80xi32, #tpu.memory_space<vmem>>
        %dma_start3A_519 = arith.constant 0 : i32
        %dma_start3A_520 = tpu.memref_slice %arg2[%add3A, %add3A_499, %dma_start3A_519] : memref<32x125x80xi32, #tpu.memory_space<hbm>> -> memref<1x1x80xi32, #tpu.memory_space<hbm>>
        %dma_start3A_521 = tpu.memref_squeeze %dma_start3A_520 : memref<1x1x80xi32, #tpu.memory_space<hbm>> -> memref<80xi32, #tpu.memory_space<hbm>>
        %dma_start3A_522 = arith.constant 0 : i32
        %dma_start3A_523 = tpu.memref_slice %arg7[%add3A_515, %dma_start3A_522] : memref<8x80xi32, #tpu.memory_space<vmem>> -> memref<1x80xi32, #tpu.memory_space<vmem>>
        %dma_start3A_524 = tpu.memref_squeeze %dma_start3A_523 : memref<1x80xi32, #tpu.memory_space<vmem>> -> memref<80xi32, #tpu.memory_space<vmem>>
        %dma_start3A_525 = arith.constant 0 : i32
        %dma_start3A_526 = tpu.memref_slice %arg2[%add3A, %add3A_499, %dma_start3A_525] : memref<32x125x80xi32, #tpu.memory_space<hbm>> -> memref<1x1x80xi32, #tpu.memory_space<hbm>>
        %dma_start3A_527 = tpu.memref_squeeze %dma_start3A_526 : memref<1x1x80xi32, #tpu.memory_space<hbm>> -> memref<80xi32, #tpu.memory_space<hbm>>
        tpu.enqueue_dma source(%dma_start3A_527 : memref<80xi32, #tpu.memory_space<hbm>>) target(%dma_start3A_524 : memref<80xi32, #tpu.memory_space<vmem>>) target_semaphore(%arg16 : memref<!tpu.dma_semaphore, #tpu.memory_space<semaphore_mem>>)
        %dma_start3A_528 = arith.constant 0 : i32
        %dma_start3A_529 = tpu.memref_slice %arg8[%add3A_515, %dma_start3A_528] : memref<8x80xi32, #tpu.memory_space<vmem>> -> memref<1x80xi32, #tpu.memory_space<vmem>>
        %dma_start3A_530 = tpu.memref_squeeze %dma_start3A_529 : memref<1x80xi32, #tpu.memory_space<vmem>> -> memref<80xi32, #tpu.memory_space<vmem>>
        %dma_start3A_531 = arith.constant 0 : i32
        %dma_start3A_532 = tpu.memref_slice %arg3[%add3A, %add3A_499, %dma_start3A_531] : memref<32x125x80xi32, #tpu.memory_space<hbm>> -> memref<1x1x80xi32, #tpu.memory_space<hbm>>
        %dma_start3A_533 = tpu.memref_squeeze %dma_start3A_532 : memref<1x1x80xi32, #tpu.memory_space<hbm>> -> memref<80xi32, #tpu.memory_space<hbm>>
        %dma_start3A_534 = arith.constant 0 : i32
        %dma_start3A_535 = tpu.memref_slice %arg8[%add3A_515, %dma_start3A_534] : memref<8x80xi32, #tpu.memory_space<vmem>> -> memref<1x80xi32, #tpu.memory_space<vmem>>
        %dma_start3A_536 = tpu.memref_squeeze %dma_start3A_535 : memref<1x80xi32, #tpu.memory_space<vmem>> -> memref<80xi32, #tpu.memory_space<vmem>>
        %dma_start3A_537 = arith.constant 0 : i32
        %dma_start3A_538 = tpu.memref_slice %arg3[%add3A, %add3A_499, %dma_start3A_537] : memref<32x125x80xi32, #tpu.memory_space<hbm>> -> memref<1x1x80xi32, #tpu.memory_space<hbm>>
        %dma_start3A_539 = tpu.memref_squeeze %dma_start3A_538 : memref<1x1x80xi32, #tpu.memory_space<hbm>> -> memref<80xi32, #tpu.memory_space<hbm>>
        tpu.enqueue_dma source(%dma_start3A_539 : memref<80xi32, #tpu.memory_space<hbm>>) target(%dma_start3A_536 : memref<80xi32, #tpu.memory_space<vmem>>) target_semaphore(%arg16 : memref<!tpu.dma_semaphore, #tpu.memory_space<semaphore_mem>>)
      } else {
      }
      %add3A_505 = arith.constant 3 : i32
      %add3A_506 = arith.addi %mul3A_221, %add3A_505 : i32
      %add3A_507 = arith.constant 4 : i32
      %add3A_508 = arith.addi %add3A_506, %add3A_507 : i32
      %lt3A_509 = arith.constant 125 : i32
      %lt3A_510 = arith.cmpi slt, %add3A_508, %lt3A_509 : i32
      %convert_element_type3A_511 = arith.extui %lt3A_510 : i1 to i32
      %cond3A_512 = arith.constant 0 : i32
      %cond3A_513 = arith.cmpi ne, %convert_element_type3A_511, %cond3A_512 : i32
      scf.if %cond3A_513 {
        %add3A_514 = arith.constant 3 : i32
        %add3A_515 = arith.addi %mul3A_254, %add3A_514 : i32
        %dma_start3A_516 = arith.constant 0 : i32
        %dma_start3A_517 = tpu.memref_slice %arg7[%add3A_515, %dma_start3A_516] : memref<8x80xi32, #tpu.memory_space<vmem>> -> memref<1x80xi32, #tpu.memory_space<vmem>>
        %dma_start3A_518 = tpu.memref_squeeze %dma_start3A_517 : memref<1x80xi32, #tpu.memory_space<vmem>> -> memref<80xi32, #tpu.memory_space<vmem>>
        %dma_start3A_519 = arith.constant 0 : i32
        %dma_start3A_520 = tpu.memref_slice %arg2[%add3A, %add3A_508, %dma_start3A_519] : memref<32x125x80xi32, #tpu.memory_space<hbm>> -> memref<1x1x80xi32, #tpu.memory_space<hbm>>
        %dma_start3A_521 = tpu.memref_squeeze %dma_start3A_520 : memref<1x1x80xi32, #tpu.memory_space<hbm>> -> memref<80xi32, #tpu.memory_space<hbm>>
        %dma_start3A_522 = arith.constant 0 : i32
        %dma_start3A_523 = tpu.memref_slice %arg7[%add3A_515, %dma_start3A_522] : memref<8x80xi32, #tpu.memory_space<vmem>> -> memref<1x80xi32, #tpu.memory_space<vmem>>
        %dma_start3A_524 = tpu.memref_squeeze %dma_start3A_523 : memref<1x80xi32, #tpu.memory_space<vmem>> -> memref<80xi32, #tpu.memory_space<vmem>>
        %dma_start3A_525 = arith.constant 0 : i32
        %dma_start3A_526 = tpu.memref_slice %arg2[%add3A, %add3A_508, %dma_start3A_525] : memref<32x125x80xi32, #tpu.memory_space<hbm>> -> memref<1x1x80xi32, #tpu.memory_space<hbm>>
        %dma_start3A_527 = tpu.memref_squeeze %dma_start3A_526 : memref<1x1x80xi32, #tpu.memory_space<hbm>> -> memref<80xi32, #tpu.memory_space<hbm>>
        tpu.enqueue_dma source(%dma_start3A_527 : memref<80xi32, #tpu.memory_space<hbm>>) target(%dma_start3A_524 : memref<80xi32, #tpu.memory_space<vmem>>) target_semaphore(%arg17 : memref<!tpu.dma_semaphore, #tpu.memory_space<semaphore_mem>>)
        %dma_start3A_528 = arith.constant 0 : i32
        %dma_start3A_529 = tpu.memref_slice %arg8[%add3A_515, %dma_start3A_528] : memref<8x80xi32, #tpu.memory_space<vmem>> -> memref<1x80xi32, #tpu.memory_space<vmem>>
        %dma_start3A_530 = tpu.memref_squeeze %dma_start3A_529 : memref<1x80xi32, #tpu.memory_space<vmem>> -> memref<80xi32, #tpu.memory_space<vmem>>
        %dma_start3A_531 = arith.constant 0 : i32
        %dma_start3A_532 = tpu.memref_slice %arg3[%add3A, %add3A_508, %dma_start3A_531] : memref<32x125x80xi32, #tpu.memory_space<hbm>> -> memref<1x1x80xi32, #tpu.memory_space<hbm>>
        %dma_start3A_533 = tpu.memref_squeeze %dma_start3A_532 : memref<1x1x80xi32, #tpu.memory_space<hbm>> -> memref<80xi32, #tpu.memory_space<hbm>>
        %dma_start3A_534 = arith.constant 0 : i32
        %dma_start3A_535 = tpu.memref_slice %arg8[%add3A_515, %dma_start3A_534] : memref<8x80xi32, #tpu.memory_space<vmem>> -> memref<1x80xi32, #tpu.memory_space<vmem>>
        %dma_start3A_536 = tpu.memref_squeeze %dma_start3A_535 : memref<1x80xi32, #tpu.memory_space<vmem>> -> memref<80xi32, #tpu.memory_space<vmem>>
        %dma_start3A_537 = arith.constant 0 : i32
        %dma_start3A_538 = tpu.memref_slice %arg3[%add3A, %add3A_508, %dma_start3A_537] : memref<32x125x80xi32, #tpu.memory_space<hbm>> -> memref<1x1x80xi32, #tpu.memory_space<hbm>>
        %dma_start3A_539 = tpu.memref_squeeze %dma_start3A_538 : memref<1x1x80xi32, #tpu.memory_space<hbm>> -> memref<80xi32, #tpu.memory_space<hbm>>
        tpu.enqueue_dma source(%dma_start3A_539 : memref<80xi32, #tpu.memory_space<hbm>>) target(%dma_start3A_536 : memref<80xi32, #tpu.memory_space<vmem>>) target_semaphore(%arg17 : memref<!tpu.dma_semaphore, #tpu.memory_space<semaphore_mem>>)
      } else {
      }
    }
    %scan3A_124 = arith.constant 31 : i32
    %dma_wait3A = arith.constant 0 : i32
    %dma_wait3A_125 = arith.constant 4 : i32
    %dma_wait3A_126 = arith.constant 0 : i32
    %dma_wait3A_127 = tpu.memref_slice %arg7[%dma_wait3A_125, %dma_wait3A_126] : memref<8x80xi32, #tpu.memory_space<vmem>> -> memref<1x80xi32, #tpu.memory_space<vmem>>
    %dma_wait3A_128 = tpu.memref_squeeze %dma_wait3A_127 : memref<1x80xi32, #tpu.memory_space<vmem>> -> memref<80xi32, #tpu.memory_space<vmem>>
    %dma_wait3A_129 = arith.constant 0 : i32
    %dma_wait3A_130 = tpu.memref_slice %arg2[%add3A, %dma_wait3A, %dma_wait3A_129] : memref<32x125x80xi32, #tpu.memory_space<hbm>> -> memref<1x1x80xi32, #tpu.memory_space<hbm>>
    %dma_wait3A_131 = tpu.memref_squeeze %dma_wait3A_130 : memref<1x1x80xi32, #tpu.memory_space<hbm>> -> memref<80xi32, #tpu.memory_space<hbm>>
    %dma_wait3A_132 = arith.constant 0 : i32
    %dma_wait3A_133 = tpu.memref_slice %arg7[%dma_wait3A_125, %dma_wait3A_132] : memref<8x80xi32, #tpu.memory_space<vmem>> -> memref<1x80xi32, #tpu.memory_space<vmem>>
    %dma_wait3A_134 = tpu.memref_squeeze %dma_wait3A_133 : memref<1x80xi32, #tpu.memory_space<vmem>> -> memref<80xi32, #tpu.memory_space<vmem>>
    %dma_wait3A_135 = arith.constant 0 : i32
    %dma_wait3A_136 = tpu.memref_slice %arg2[%add3A, %dma_wait3A, %dma_wait3A_135] : memref<32x125x80xi32, #tpu.memory_space<hbm>> -> memref<1x1x80xi32, #tpu.memory_space<hbm>>
    %dma_wait3A_137 = tpu.memref_squeeze %dma_wait3A_136 : memref<1x1x80xi32, #tpu.memory_space<hbm>> -> memref<80xi32, #tpu.memory_space<hbm>>
    tpu.wait_dma2 semaphore(%arg14 : memref<!tpu.dma_semaphore, #tpu.memory_space<semaphore_mem>>) src(%dma_wait3A_137 : memref<80xi32, #tpu.memory_space<hbm>>) dst(%dma_wait3A_134 : memref<80xi32, #tpu.memory_space<vmem>>)
    %dma_wait3A_138 = arith.constant 0 : i32
    %dma_wait3A_139 = arith.constant 4 : i32
    %dma_wait3A_140 = arith.constant 0 : i32
    %dma_wait3A_141 = tpu.memref_slice %arg8[%dma_wait3A_139, %dma_wait3A_140] : memref<8x80xi32, #tpu.memory_space<vmem>> -> memref<1x80xi32, #tpu.memory_space<vmem>>
    %dma_wait3A_142 = tpu.memref_squeeze %dma_wait3A_141 : memref<1x80xi32, #tpu.memory_space<vmem>> -> memref<80xi32, #tpu.memory_space<vmem>>
    %dma_wait3A_143 = arith.constant 0 : i32
    %dma_wait3A_144 = tpu.memref_slice %arg3[%add3A, %dma_wait3A_138, %dma_wait3A_143] : memref<32x125x80xi32, #tpu.memory_space<hbm>> -> memref<1x1x80xi32, #tpu.memory_space<hbm>>
    %dma_wait3A_145 = tpu.memref_squeeze %dma_wait3A_144 : memref<1x1x80xi32, #tpu.memory_space<hbm>> -> memref<80xi32, #tpu.memory_space<hbm>>
    %dma_wait3A_146 = arith.constant 0 : i32
    %dma_wait3A_147 = tpu.memref_slice %arg8[%dma_wait3A_139, %dma_wait3A_146] : memref<8x80xi32, #tpu.memory_space<vmem>> -> memref<1x80xi32, #tpu.memory_space<vmem>>
    %dma_wait3A_148 = tpu.memref_squeeze %dma_wait3A_147 : memref<1x80xi32, #tpu.memory_space<vmem>> -> memref<80xi32, #tpu.memory_space<vmem>>
    %dma_wait3A_149 = arith.constant 0 : i32
    %dma_wait3A_150 = tpu.memref_slice %arg3[%add3A, %dma_wait3A_138, %dma_wait3A_149] : memref<32x125x80xi32, #tpu.memory_space<hbm>> -> memref<1x1x80xi32, #tpu.memory_space<hbm>>
    %dma_wait3A_151 = tpu.memref_squeeze %dma_wait3A_150 : memref<1x1x80xi32, #tpu.memory_space<hbm>> -> memref<80xi32, #tpu.memory_space<hbm>>
    tpu.wait_dma2 semaphore(%arg14 : memref<!tpu.dma_semaphore, #tpu.memory_space<semaphore_mem>>) src(%dma_wait3A_151 : memref<80xi32, #tpu.memory_space<hbm>>) dst(%dma_wait3A_148 : memref<80xi32, #tpu.memory_space<vmem>>)
    %dma_wait3A_152 = arith.constant 0 : i32
    %dma_wait3A_153 = arith.constant 0 : i32
    %dma_wait3A_154 = tpu.memref_slice %arg8[%dma_wait3A_152, %dma_wait3A_153] : memref<8x80xi32, #tpu.memory_space<vmem>> -> memref<1x80xi32, #tpu.memory_space<vmem>>
    %dma_wait3A_155 = tpu.memref_squeeze %dma_wait3A_154 : memref<1x80xi32, #tpu.memory_space<vmem>> -> memref<80xi32, #tpu.memory_space<vmem>>
    %dma_wait3A_156 = arith.constant 0 : i32
    %dma_wait3A_157 = arith.constant 0 : i32
    %dma_wait3A_158 = tpu.memref_slice %arg13[%dma_wait3A_156, %dma_wait3A_157] : memref<10000x128xf32, #tpu.memory_space<vmem_shared>> -> memref<10000x128xf32, #tpu.memory_space<vmem_shared>>
    tpu.wait_indirect_dma semaphore(%arg22 : memref<!tpu.dma_semaphore, #tpu.memory_space<semaphore_mem>>) src(%arg9 : memref<80x128xf32, #tpu.memory_space<vmem>>) dst(%dma_wait3A_158 : memref<10000x128xf32, #tpu.memory_space<vmem_shared>>)
    %dma_start3A_159 = arith.constant 4 : i32
    %dma_start3A_160 = arith.constant 0 : i32
    %dma_start3A_161 = tpu.memref_slice %arg7[%dma_start3A_159, %dma_start3A_160] : memref<8x80xi32, #tpu.memory_space<vmem>> -> memref<1x80xi32, #tpu.memory_space<vmem>>
    %dma_start3A_162 = tpu.memref_squeeze %dma_start3A_161 : memref<1x80xi32, #tpu.memory_space<vmem>> -> memref<80xi32, #tpu.memory_space<vmem>>
    %dma_start3A_163 = arith.constant 0 : i32
    %dma_start3A_164 = arith.constant 0 : i32
    %dma_start3A_165 = tpu.memref_slice %arg4[%dma_start3A_163, %dma_start3A_164] : memref<10000x128xf32, #tpu.memory_space<hbm>> -> memref<10000x128xf32, #tpu.memory_space<hbm>>
    tpu.enqueue_indirect_dma source(%dma_start3A_165 : memref<10000x128xf32, #tpu.memory_space<hbm>>) target(%arg9 : memref<80x128xf32, #tpu.memory_space<vmem>>) offsets(%dma_start3A_162 : memref<80xi32, #tpu.memory_space<vmem>>) semaphore(%arg18 : memref<!tpu.dma_semaphore, #tpu.memory_space<semaphore_mem>>)
    %dma_wait3A_166 = arith.constant 0 : i32
    %dma_wait3A_167 = arith.constant 0 : i32
    %dma_wait3A_168 = tpu.memref_slice %arg7[%dma_wait3A_166, %dma_wait3A_167] : memref<8x80xi32, #tpu.memory_space<vmem>> -> memref<1x80xi32, #tpu.memory_space<vmem>>
    %dma_wait3A_169 = tpu.memref_squeeze %dma_wait3A_168 : memref<1x80xi32, #tpu.memory_space<vmem>> -> memref<80xi32, #tpu.memory_space<vmem>>
    %dma_wait3A_170 = arith.constant 0 : i32
    %dma_wait3A_171 = arith.constant 0 : i32
    %dma_wait3A_172 = tpu.memref_slice %arg4[%dma_wait3A_170, %dma_wait3A_171] : memref<10000x128xf32, #tpu.memory_space<hbm>> -> memref<10000x128xf32, #tpu.memory_space<hbm>>
    tpu.wait_indirect_dma semaphore(%arg18 : memref<!tpu.dma_semaphore, #tpu.memory_space<semaphore_mem>>) src(%dma_wait3A_172 : memref<10000x128xf32, #tpu.memory_space<hbm>>) dst(%arg9 : memref<80x128xf32, #tpu.memory_space<vmem>>)
    %dma_start3A_173 = arith.constant 4 : i32
    %dma_start3A_174 = arith.constant 0 : i32
    %dma_start3A_175 = tpu.memref_slice %arg8[%dma_start3A_173, %dma_start3A_174] : memref<8x80xi32, #tpu.memory_space<vmem>> -> memref<1x80xi32, #tpu.memory_space<vmem>>
    %dma_start3A_176 = tpu.memref_squeeze %dma_start3A_175 : memref<1x80xi32, #tpu.memory_space<vmem>> -> memref<80xi32, #tpu.memory_space<vmem>>
    %dma_start3A_177 = arith.constant 0 : i32
    %dma_start3A_178 = arith.constant 0 : i32
    %dma_start3A_179 = tpu.memref_slice %arg13[%dma_start3A_177, %dma_start3A_178] : memref<10000x128xf32, #tpu.memory_space<vmem_shared>> -> memref<10000x128xf32, #tpu.memory_space<vmem_shared>>
    tpu.enqueue_indirect_dma source(%arg9 : memref<80x128xf32, #tpu.memory_space<vmem>>) target(%dma_start3A_179 : memref<10000x128xf32, #tpu.memory_space<vmem_shared>>) offsets(%dma_start3A_176 : memref<80xi32, #tpu.memory_space<vmem>>) semaphore(%arg22 : memref<!tpu.dma_semaphore, #tpu.memory_space<semaphore_mem>>) {add = true}
    %dma_wait3A_180 = arith.constant 0 : i32
    %dma_wait3A_181 = arith.constant 0 : i32
    %dma_wait3A_182 = tpu.memref_slice %arg8[%dma_wait3A_180, %dma_wait3A_181] : memref<8x80xi32, #tpu.memory_space<vmem>> -> memref<1x80xi32, #tpu.memory_space<vmem>>
    %dma_wait3A_183 = tpu.memref_squeeze %dma_wait3A_182 : memref<1x80xi32, #tpu.memory_space<vmem>> -> memref<80xi32, #tpu.memory_space<vmem>>
    %dma_wait3A_184 = arith.constant 0 : i32
    %dma_wait3A_185 = arith.constant 0 : i32
    %dma_wait3A_186 = tpu.memref_slice %arg13[%dma_wait3A_184, %dma_wait3A_185] : memref<10000x128xf32, #tpu.memory_space<vmem_shared>> -> memref<10000x128xf32, #tpu.memory_space<vmem_shared>>
    tpu.wait_indirect_dma semaphore(%arg22 : memref<!tpu.dma_semaphore, #tpu.memory_space<semaphore_mem>>) src(%arg9 : memref<80x128xf32, #tpu.memory_space<vmem>>) dst(%dma_wait3A_186 : memref<10000x128xf32, #tpu.memory_space<vmem_shared>>)
    %dma_wait3A_187 = arith.constant 1 : i32
    %dma_wait3A_188 = arith.constant 0 : i32
    %dma_wait3A_189 = tpu.memref_slice %arg8[%dma_wait3A_187, %dma_wait3A_188] : memref<8x80xi32, #tpu.memory_space<vmem>> -> memref<1x80xi32, #tpu.memory_space<vmem>>
    %dma_wait3A_190 = tpu.memref_squeeze %dma_wait3A_189 : memref<1x80xi32, #tpu.memory_space<vmem>> -> memref<80xi32, #tpu.memory_space<vmem>>
    %dma_wait3A_191 = arith.constant 0 : i32
    %dma_wait3A_192 = arith.constant 0 : i32
    %dma_wait3A_193 = tpu.memref_slice %arg13[%dma_wait3A_191, %dma_wait3A_192] : memref<10000x128xf32, #tpu.memory_space<vmem_shared>> -> memref<10000x128xf32, #tpu.memory_space<vmem_shared>>
    tpu.wait_indirect_dma semaphore(%arg23 : memref<!tpu.dma_semaphore, #tpu.memory_space<semaphore_mem>>) src(%arg10 : memref<80x128xf32, #tpu.memory_space<vmem>>) dst(%dma_wait3A_193 : memref<10000x128xf32, #tpu.memory_space<vmem_shared>>)
    %dma_wait3A_194 = arith.constant 2 : i32
    %dma_wait3A_195 = arith.constant 0 : i32
    %dma_wait3A_196 = tpu.memref_slice %arg8[%dma_wait3A_194, %dma_wait3A_195] : memref<8x80xi32, #tpu.memory_space<vmem>> -> memref<1x80xi32, #tpu.memory_space<vmem>>
    %dma_wait3A_197 = tpu.memref_squeeze %dma_wait3A_196 : memref<1x80xi32, #tpu.memory_space<vmem>> -> memref<80xi32, #tpu.memory_space<vmem>>
    %dma_wait3A_198 = arith.constant 0 : i32
    %dma_wait3A_199 = arith.constant 0 : i32
    %dma_wait3A_200 = tpu.memref_slice %arg13[%dma_wait3A_198, %dma_wait3A_199] : memref<10000x128xf32, #tpu.memory_space<vmem_shared>> -> memref<10000x128xf32, #tpu.memory_space<vmem_shared>>
    tpu.wait_indirect_dma semaphore(%arg24 : memref<!tpu.dma_semaphore, #tpu.memory_space<semaphore_mem>>) src(%arg11 : memref<80x128xf32, #tpu.memory_space<vmem>>) dst(%dma_wait3A_200 : memref<10000x128xf32, #tpu.memory_space<vmem_shared>>)
    %dma_wait3A_201 = arith.constant 3 : i32
    %dma_wait3A_202 = arith.constant 0 : i32
    %dma_wait3A_203 = tpu.memref_slice %arg8[%dma_wait3A_201, %dma_wait3A_202] : memref<8x80xi32, #tpu.memory_space<vmem>> -> memref<1x80xi32, #tpu.memory_space<vmem>>
    %dma_wait3A_204 = tpu.memref_squeeze %dma_wait3A_203 : memref<1x80xi32, #tpu.memory_space<vmem>> -> memref<80xi32, #tpu.memory_space<vmem>>
    %dma_wait3A_205 = arith.constant 0 : i32
    %dma_wait3A_206 = arith.constant 0 : i32
    %dma_wait3A_207 = tpu.memref_slice %arg13[%dma_wait3A_205, %dma_wait3A_206] : memref<10000x128xf32, #tpu.memory_space<vmem_shared>> -> memref<10000x128xf32, #tpu.memory_space<vmem_shared>>
    tpu.wait_indirect_dma semaphore(%arg25 : memref<!tpu.dma_semaphore, #tpu.memory_space<semaphore_mem>>) src(%arg12 : memref<80x128xf32, #tpu.memory_space<vmem>>) dst(%dma_wait3A_207 : memref<10000x128xf32, #tpu.memory_space<vmem_shared>>)
    %barrier3A_208 = arith.constant 0 : index
    tpu.barrier barrier_id(%barrier3A_208)
    %lt3A_209 = arith.constant 15 : i32
    %lt3A_210 = arith.cmpi slt, %arg1, %lt3A_209 : i32
    %convert_element_type3A_211 = arith.extui %lt3A_210 : i1 to i32
    %cond3A_212 = arith.constant 0 : i32
    %cond3A_213 = arith.cmpi ne, %convert_element_type3A_211, %cond3A_212 : i32
    scf.if %cond3A_213 {
      "tpu.region"() ({
        %run_scoped3A = tpu.sem_alloc : memref<!tpu.dma_semaphore, #tpu.memory_space<semaphore_mem>>
        %dma_start3A_219 = arith.constant 0 : i32
        %dma_start3A_220 = tpu.memref_slice %arg6[%arg0, %mul3A_2, %dma_start3A_219] : memref<2x10000x128xf32, #tpu.memory_space<hbm>> -> memref<1x640x128xf32, #tpu.memory_space<hbm>>
        %dma_start3A_221 = tpu.memref_squeeze %dma_start3A_220 : memref<1x640x128xf32, #tpu.memory_space<hbm>> -> memref<640x128xf32, #tpu.memory_space<hbm>>
        %dma_start3A_222 = arith.constant 0 : i32
        %dma_start3A_223 = tpu.memref_slice %arg13[%mul3A_2, %dma_start3A_222] : memref<10000x128xf32, #tpu.memory_space<vmem_shared>> -> memref<640x128xf32, #tpu.memory_space<vmem_shared>>
        tpu.enqueue_dma source(%dma_start3A_223 : memref<640x128xf32, #tpu.memory_space<vmem_shared>>) target(%dma_start3A_221 : memref<640x128xf32, #tpu.memory_space<hbm>>) target_semaphore(%run_scoped3A : memref<!tpu.dma_semaphore, #tpu.memory_space<semaphore_mem>>)
        %dma_wait3A_224 = arith.constant 0 : i32
        %dma_wait3A_225 = tpu.memref_slice %arg6[%arg0, %mul3A_2, %dma_wait3A_224] : memref<2x10000x128xf32, #tpu.memory_space<hbm>> -> memref<1x640x128xf32, #tpu.memory_space<hbm>>
        %dma_wait3A_226 = tpu.memref_squeeze %dma_wait3A_225 : memref<1x640x128xf32, #tpu.memory_space<hbm>> -> memref<640x128xf32, #tpu.memory_space<hbm>>
        %dma_wait3A_227 = arith.constant 0 : i32
        %dma_wait3A_228 = tpu.memref_slice %arg13[%mul3A_2, %dma_wait3A_227] : memref<10000x128xf32, #tpu.memory_space<vmem_shared>> -> memref<640x128xf32, #tpu.memory_space<vmem_shared>>
        tpu.wait_dma2 semaphore(%run_scoped3A : memref<!tpu.dma_semaphore, #tpu.memory_space<semaphore_mem>>) src(%dma_wait3A_228 : memref<640x128xf32, #tpu.memory_space<vmem_shared>>) dst(%dma_wait3A_226 : memref<640x128xf32, #tpu.memory_space<hbm>>)
        tpu.yield
      }) : () -> ()
    } else {
    }
    %eq3A_214 = arith.constant 15 : i32
    %eq3A_215 = arith.cmpi eq, %arg1, %eq3A_214 : i32
    %convert_element_type3A_216 = arith.extui %eq3A_215 : i1 to i32
    %cond3A_217 = arith.constant 0 : i32
    %cond3A_218 = arith.cmpi ne, %convert_element_type3A_216, %cond3A_217 : i32
    scf.if %cond3A_218 {
      "tpu.region"() ({
        %run_scoped3A = tpu.sem_alloc : memref<!tpu.dma_semaphore, #tpu.memory_space<semaphore_mem>>
        %dma_start3A_219 = arith.constant 9600 : i32
        %dma_start3A_220 = arith.constant 0 : i32
        %dma_start3A_221 = tpu.memref_slice %arg6[%arg0, %dma_start3A_219, %dma_start3A_220] : memref<2x10000x128xf32, #tpu.memory_space<hbm>> -> memref<1x400x128xf32, #tpu.memory_space<hbm>>
        %dma_start3A_222 = tpu.memref_squeeze %dma_start3A_221 : memref<1x400x128xf32, #tpu.memory_space<hbm>> -> memref<400x128xf32, #tpu.memory_space<hbm>>
        %dma_start3A_223 = arith.constant 9600 : i32
        %dma_start3A_224 = arith.constant 0 : i32
        %dma_start3A_225 = tpu.memref_slice %arg13[%dma_start3A_223, %dma_start3A_224] : memref<10000x128xf32, #tpu.memory_space<vmem_shared>> -> memref<400x128xf32, #tpu.memory_space<vmem_shared>>
        tpu.enqueue_dma source(%dma_start3A_225 : memref<400x128xf32, #tpu.memory_space<vmem_shared>>) target(%dma_start3A_222 : memref<400x128xf32, #tpu.memory_space<hbm>>) target_semaphore(%run_scoped3A : memref<!tpu.dma_semaphore, #tpu.memory_space<semaphore_mem>>)
        %dma_wait3A_226 = arith.constant 9600 : i32
        %dma_wait3A_227 = arith.constant 0 : i32
        %dma_wait3A_228 = tpu.memref_slice %arg6[%arg0, %dma_wait3A_226, %dma_wait3A_227] : memref<2x10000x128xf32, #tpu.memory_space<hbm>> -> memref<1x400x128xf32, #tpu.memory_space<hbm>>
        %dma_wait3A_229 = tpu.memref_squeeze %dma_wait3A_228 : memref<1x400x128xf32, #tpu.memory_space<hbm>> -> memref<400x128xf32, #tpu.memory_space<hbm>>
        %dma_wait3A_230 = arith.constant 9600 : i32
        %dma_wait3A_231 = arith.constant 0 : i32
        %dma_wait3A_232 = tpu.memref_slice %arg13[%dma_wait3A_230, %dma_wait3A_231] : memref<10000x128xf32, #tpu.memory_space<vmem_shared>> -> memref<400x128xf32, #tpu.memory_space<vmem_shared>>
        tpu.wait_dma2 semaphore(%run_scoped3A : memref<!tpu.dma_semaphore, #tpu.memory_space<semaphore_mem>>) src(%dma_wait3A_232 : memref<400x128xf32, #tpu.memory_space<vmem_shared>>) dst(%dma_wait3A_229 : memref<400x128xf32, #tpu.memory_space<hbm>>)
        tpu.yield
      }) : () -> ()
    } else {
    }
    return
  }
}

#map = affine_map<(d0, d1) -> (0, 0, 0)>
#map1 = affine_map<(d0, d1) -> (0, 0)>
module attributes {stable_mosaic.version = 14 : i64} {
  func.func @_deg_kernel(%arg0: i32, %arg1: i32, %arg2: memref<32x125x80xi32, #tpu.memory_space<hbm>>, %arg3: memref<2x10000xf32, #tpu.memory_space<hbm>>, %arg4: memref<125x80xi32, #tpu.memory_space<vmem>>, %arg5: memref<80xf32, #tpu.memory_space<vmem>>, %arg6: memref<640xf32, #tpu.memory_space<vmem>>, %arg7: memref<10000xf32, #tpu.memory_space<vmem_shared>>, %arg8: memref<!tpu.dma_semaphore, #tpu.memory_space<semaphore_mem>>) attributes {dimension_semantics = [#tpu.dimension_semantics<core_parallel>, #tpu.dimension_semantics<subcore_parallel>], iteration_bounds = array<i64: 2, 16>, scalar_prefetch = 0 : i64, scratch_operands = 5 : i64, tpu.core_type = #tpu.core_type<sc_vector_subcore>, window_params = [{transform_indices = #map}, {transform_indices = #map1}]} {
    %mul3A = arith.constant 16 : i32
    %mul3A_0 = arith.muli %arg0, %mul3A : i32
    %add3A = arith.addi %mul3A_0, %arg1 : i32
    %broadcast_in_dim3A = arith.constant 1.000000e+00 : f32
    %broadcast_in_dim3A_1 = vector.broadcast %broadcast_in_dim3A : f32 to vector<16xf32>
    %swap3A = arith.constant 0 : index
    %swap3A_2 = tpu.vector_load %arg5[%swap3A] {strides = array<i32>} : memref<80xf32, #tpu.memory_space<vmem>>, vector<16xf32>,
    %swap3A_3 = vector.shape_cast %swap3A_2 : vector<16xf32> to vector<16xf32>
    %swap3A_4 = vector.shape_cast %broadcast_in_dim3A_1 : vector<16xf32> to vector<16xf32>
    tpu.vector_store %arg5[%swap3A], %swap3A_4 {strides = array<i32>} : memref<80xf32, #tpu.memory_space<vmem>>, vector<16xf32>,
    %broadcast_in_dim3A_5 = arith.constant 1.000000e+00 : f32
    %broadcast_in_dim3A_6 = vector.broadcast %broadcast_in_dim3A_5 : f32 to vector<16xf32>
    %swap3A_7 = arith.constant 16 : index
    %swap3A_8 = tpu.vector_load %arg5[%swap3A_7] {strides = array<i32>} : memref<80xf32, #tpu.memory_space<vmem>>, vector<16xf32>,
    %swap3A_9 = vector.shape_cast %swap3A_8 : vector<16xf32> to vector<16xf32>
    %swap3A_10 = vector.shape_cast %broadcast_in_dim3A_6 : vector<16xf32> to vector<16xf32>
    tpu.vector_store %arg5[%swap3A_7], %swap3A_10 {strides = array<i32>} : memref<80xf32, #tpu.memory_space<vmem>>, vector<16xf32>,
    %broadcast_in_dim3A_11 = arith.constant 1.000000e+00 : f32
    %broadcast_in_dim3A_12 = vector.broadcast %broadcast_in_dim3A_11 : f32 to vector<16xf32>
    %swap3A_13 = arith.constant 32 : index
    %swap3A_14 = tpu.vector_load %arg5[%swap3A_13] {strides = array<i32>} : memref<80xf32, #tpu.memory_space<vmem>>, vector<16xf32>,
    %swap3A_15 = vector.shape_cast %swap3A_14 : vector<16xf32> to vector<16xf32>
    %swap3A_16 = vector.shape_cast %broadcast_in_dim3A_12 : vector<16xf32> to vector<16xf32>
    tpu.vector_store %arg5[%swap3A_13], %swap3A_16 {strides = array<i32>} : memref<80xf32, #tpu.memory_space<vmem>>, vector<16xf32>,
    %broadcast_in_dim3A_17 = arith.constant 1.000000e+00 : f32
    %broadcast_in_dim3A_18 = vector.broadcast %broadcast_in_dim3A_17 : f32 to vector<16xf32>
    %swap3A_19 = arith.constant 48 : index
    %swap3A_20 = tpu.vector_load %arg5[%swap3A_19] {strides = array<i32>} : memref<80xf32, #tpu.memory_space<vmem>>, vector<16xf32>,
    %swap3A_21 = vector.shape_cast %swap3A_20 : vector<16xf32> to vector<16xf32>
    %swap3A_22 = vector.shape_cast %broadcast_in_dim3A_18 : vector<16xf32> to vector<16xf32>
    tpu.vector_store %arg5[%swap3A_19], %swap3A_22 {strides = array<i32>} : memref<80xf32, #tpu.memory_space<vmem>>, vector<16xf32>,
    %broadcast_in_dim3A_23 = arith.constant 1.000000e+00 : f32
    %broadcast_in_dim3A_24 = vector.broadcast %broadcast_in_dim3A_23 : f32 to vector<16xf32>
    %swap3A_25 = arith.constant 64 : index
    %swap3A_26 = tpu.vector_load %arg5[%swap3A_25] {strides = array<i32>} : memref<80xf32, #tpu.memory_space<vmem>>, vector<16xf32>,
    %swap3A_27 = vector.shape_cast %swap3A_26 : vector<16xf32> to vector<16xf32>
    %swap3A_28 = vector.shape_cast %broadcast_in_dim3A_24 : vector<16xf32> to vector<16xf32>
    tpu.vector_store %arg5[%swap3A_25], %swap3A_28 {strides = array<i32>} : memref<80xf32, #tpu.memory_space<vmem>>, vector<16xf32>,
    %broadcast_in_dim3A_29 = arith.constant 0.000000e+00 : f32
    %broadcast_in_dim3A_30 = vector.broadcast %broadcast_in_dim3A_29 : f32 to vector<16xf32>
    %swap3A_31 = arith.constant 0 : index
    %swap3A_32 = tpu.vector_load %arg6[%swap3A_31] {strides = array<i32>} : memref<640xf32, #tpu.memory_space<vmem>>, vector<16xf32>,
    %swap3A_33 = vector.shape_cast %swap3A_32 : vector<16xf32> to vector<16xf32>
    %swap3A_34 = vector.shape_cast %broadcast_in_dim3A_30 : vector<16xf32> to vector<16xf32>
    tpu.vector_store %arg6[%swap3A_31], %swap3A_34 {strides = array<i32>} : memref<640xf32, #tpu.memory_space<vmem>>, vector<16xf32>,
    %broadcast_in_dim3A_35 = arith.constant 0.000000e+00 : f32
    %broadcast_in_dim3A_36 = vector.broadcast %broadcast_in_dim3A_35 : f32 to vector<16xf32>
    %swap3A_37 = arith.constant 16 : index
    %swap3A_38 = tpu.vector_load %arg6[%swap3A_37] {strides = array<i32>} : memref<640xf32, #tpu.memory_space<vmem>>, vector<16xf32>,
    %swap3A_39 = vector.shape_cast %swap3A_38 : vector<16xf32> to vector<16xf32>
    %swap3A_40 = vector.shape_cast %broadcast_in_dim3A_36 : vector<16xf32> to vector<16xf32>
    tpu.vector_store %arg6[%swap3A_37], %swap3A_40 {strides = array<i32>} : memref<640xf32, #tpu.memory_space<vmem>>, vector<16xf32>,
    %broadcast_in_dim3A_41 = arith.constant 0.000000e+00 : f32
    %broadcast_in_dim3A_42 = vector.broadcast %broadcast_in_dim3A_41 : f32 to vector<16xf32>
    %swap3A_43 = arith.constant 32 : index
    %swap3A_44 = tpu.vector_load %arg6[%swap3A_43] {strides = array<i32>} : memref<640xf32, #tpu.memory_space<vmem>>, vector<16xf32>,
    %swap3A_45 = vector.shape_cast %swap3A_44 : vector<16xf32> to vector<16xf32>
    %swap3A_46 = vector.shape_cast %broadcast_in_dim3A_42 : vector<16xf32> to vector<16xf32>
    tpu.vector_store %arg6[%swap3A_43], %swap3A_46 {strides = array<i32>} : memref<640xf32, #tpu.memory_space<vmem>>, vector<16xf32>,
    %broadcast_in_dim3A_47 = arith.constant 0.000000e+00 : f32
    %broadcast_in_dim3A_48 = vector.broadcast %broadcast_in_dim3A_47 : f32 to vector<16xf32>
    %swap3A_49 = arith.constant 48 : index
    %swap3A_50 = tpu.vector_load %arg6[%swap3A_49] {strides = array<i32>} : memref<640xf32, #tpu.memory_space<vmem>>, vector<16xf32>,
    %swap3A_51 = vector.shape_cast %swap3A_50 : vector<16xf32> to vector<16xf32>
    %swap3A_52 = vector.shape_cast %broadcast_in_dim3A_48 : vector<16xf32> to vector<16xf32>
    tpu.vector_store %arg6[%swap3A_49], %swap3A_52 {strides = array<i32>} : memref<640xf32, #tpu.memory_space<vmem>>, vector<16xf32>,
    %broadcast_in_dim3A_53 = arith.constant 0.000000e+00 : f32
    %broadcast_in_dim3A_54 = vector.broadcast %broadcast_in_dim3A_53 : f32 to vector<16xf32>
    %swap3A_55 = arith.constant 64 : index
    %swap3A_56 = tpu.vector_load %arg6[%swap3A_55] {strides = array<i32>} : memref<640xf32, #tpu.memory_space<vmem>>, vector<16xf32>,
    %swap3A_57 = vector.shape_cast %swap3A_56 : vector<16xf32> to vector<16xf32>
    %swap3A_58 = vector.shape_cast %broadcast_in_dim3A_54 : vector<16xf32> to vector<16xf32>
    tpu.vector_store %arg6[%swap3A_55], %swap3A_58 {strides = array<i32>} : memref<640xf32, #tpu.memory_space<vmem>>, vector<16xf32>,
    %broadcast_in_dim3A_59 = arith.constant 0.000000e+00 : f32
    %broadcast_in_dim3A_60 = vector.broadcast %broadcast_in_dim3A_59 : f32 to vector<16xf32>
    %swap3A_61 = arith.constant 80 : index
    %swap3A_62 = tpu.vector_load %arg6[%swap3A_61] {strides = array<i32>} : memref<640xf32, #tpu.memory_space<vmem>>, vector<16xf32>,
    %swap3A_63 = vector.shape_cast %swap3A_62 : vector<16xf32> to vector<16xf32>
    %swap3A_64 = vector.shape_cast %broadcast_in_dim3A_60 : vector<16xf32> to vector<16xf32>
    tpu.vector_store %arg6[%swap3A_61], %swap3A_64 {strides = array<i32>} : memref<640xf32, #tpu.memory_space<vmem>>, vector<16xf32>,
    %broadcast_in_dim3A_65 = arith.constant 0.000000e+00 : f32
    %broadcast_in_dim3A_66 = vector.broadcast %broadcast_in_dim3A_65 : f32 to vector<16xf32>
    %swap3A_67 = arith.constant 96 : index
    %swap3A_68 = tpu.vector_load %arg6[%swap3A_67] {strides = array<i32>} : memref<640xf32, #tpu.memory_space<vmem>>, vector<16xf32>,
    %swap3A_69 = vector.shape_cast %swap3A_68 : vector<16xf32> to vector<16xf32>
    %swap3A_70 = vector.shape_cast %broadcast_in_dim3A_66 : vector<16xf32> to vector<16xf32>
    tpu.vector_store %arg6[%swap3A_67], %swap3A_70 {strides = array<i32>} : memref<640xf32, #tpu.memory_space<vmem>>, vector<16xf32>,
    %broadcast_in_dim3A_71 = arith.constant 0.000000e+00 : f32
    %broadcast_in_dim3A_72 = vector.broadcast %broadcast_in_dim3A_71 : f32 to vector<16xf32>
    %swap3A_73 = arith.constant 112 : index
    %swap3A_74 = tpu.vector_load %arg6[%swap3A_73] {strides = array<i32>} : memref<640xf32, #tpu.memory_space<vmem>>, vector<16xf32>,
    %swap3A_75 = vector.shape_cast %swap3A_74 : vector<16xf32> to vector<16xf32>
    %swap3A_76 = vector.shape_cast %broadcast_in_dim3A_72 : vector<16xf32> to vector<16xf32>
    tpu.vector_store %arg6[%swap3A_73], %swap3A_76 {strides = array<i32>} : memref<640xf32, #tpu.memory_space<vmem>>, vector<16xf32>,
    %broadcast_in_dim3A_77 = arith.constant 0.000000e+00 : f32
    %broadcast_in_dim3A_78 = vector.broadcast %broadcast_in_dim3A_77 : f32 to vector<16xf32>
    %swap3A_79 = arith.constant 128 : index
    %swap3A_80 = tpu.vector_load %arg6[%swap3A_79] {strides = array<i32>} : memref<640xf32, #tpu.memory_space<vmem>>, vector<16xf32>,
    %swap3A_81 = vector.shape_cast %swap3A_80 : vector<16xf32> to vector<16xf32>
    %swap3A_82 = vector.shape_cast %broadcast_in_dim3A_78 : vector<16xf32> to vector<16xf32>
    tpu.vector_store %arg6[%swap3A_79], %swap3A_82 {strides = array<i32>} : memref<640xf32, #tpu.memory_space<vmem>>, vector<16xf32>,
    %broadcast_in_dim3A_83 = arith.constant 0.000000e+00 : f32
    %broadcast_in_dim3A_84 = vector.broadcast %broadcast_in_dim3A_83 : f32 to vector<16xf32>
    %swap3A_85 = arith.constant 144 : index
    %swap3A_86 = tpu.vector_load %arg6[%swap3A_85] {strides = array<i32>} : memref<640xf32, #tpu.memory_space<vmem>>, vector<16xf32>,
    %swap3A_87 = vector.shape_cast %swap3A_86 : vector<16xf32> to vector<16xf32>
    %swap3A_88 = vector.shape_cast %broadcast_in_dim3A_84 : vector<16xf32> to vector<16xf32>
    tpu.vector_store %arg6[%swap3A_85], %swap3A_88 {strides = array<i32>} : memref<640xf32, #tpu.memory_space<vmem>>, vector<16xf32>,
    %broadcast_in_dim3A_89 = arith.constant 0.000000e+00 : f32
    %broadcast_in_dim3A_90 = vector.broadcast %broadcast_in_dim3A_89 : f32 to vector<16xf32>
    %swap3A_91 = arith.constant 160 : index
    %swap3A_92 = tpu.vector_load %arg6[%swap3A_91] {strides = array<i32>} : memref<640xf32, #tpu.memory_space<vmem>>, vector<16xf32>,
    %swap3A_93 = vector.shape_cast %swap3A_92 : vector<16xf32> to vector<16xf32>
    %swap3A_94 = vector.shape_cast %broadcast_in_dim3A_90 : vector<16xf32> to vector<16xf32>
    tpu.vector_store %arg6[%swap3A_91], %swap3A_94 {strides = array<i32>} : memref<640xf32, #tpu.memory_space<vmem>>, vector<16xf32>,
    %broadcast_in_dim3A_95 = arith.constant 0.000000e+00 : f32
    %broadcast_in_dim3A_96 = vector.broadcast %broadcast_in_dim3A_95 : f32 to vector<16xf32>
    %swap3A_97 = arith.constant 176 : index
    %swap3A_98 = tpu.vector_load %arg6[%swap3A_97] {strides = array<i32>} : memref<640xf32, #tpu.memory_space<vmem>>, vector<16xf32>,
    %swap3A_99 = vector.shape_cast %swap3A_98 : vector<16xf32> to vector<16xf32>
    %swap3A_100 = vector.shape_cast %broadcast_in_dim3A_96 : vector<16xf32> to vector<16xf32>
    tpu.vector_store %arg6[%swap3A_97], %swap3A_100 {strides = array<i32>} : memref<640xf32, #tpu.memory_space<vmem>>, vector<16xf32>,
    %broadcast_in_dim3A_101 = arith.constant 0.000000e+00 : f32
    %broadcast_in_dim3A_102 = vector.broadcast %broadcast_in_dim3A_101 : f32 to vector<16xf32>
    %swap3A_103 = arith.constant 192 : index
    %swap3A_104 = tpu.vector_load %arg6[%swap3A_103] {strides = array<i32>} : memref<640xf32, #tpu.memory_space<vmem>>, vector<16xf32>,
    %swap3A_105 = vector.shape_cast %swap3A_104 : vector<16xf32> to vector<16xf32>
    %swap3A_106 = vector.shape_cast %broadcast_in_dim3A_102 : vector<16xf32> to vector<16xf32>
    tpu.vector_store %arg6[%swap3A_103], %swap3A_106 {strides = array<i32>} : memref<640xf32, #tpu.memory_space<vmem>>, vector<16xf32>,
    %broadcast_in_dim3A_107 = arith.constant 0.000000e+00 : f32
    %broadcast_in_dim3A_108 = vector.broadcast %broadcast_in_dim3A_107 : f32 to vector<16xf32>
    %swap3A_109 = arith.constant 208 : index
    %swap3A_110 = tpu.vector_load %arg6[%swap3A_109] {strides = array<i32>} : memref<640xf32, #tpu.memory_space<vmem>>, vector<16xf32>,
    %swap3A_111 = vector.shape_cast %swap3A_110 : vector<16xf32> to vector<16xf32>
    %swap3A_112 = vector.shape_cast %broadcast_in_dim3A_108 : vector<16xf32> to vector<16xf32>
    tpu.vector_store %arg6[%swap3A_109], %swap3A_112 {strides = array<i32>} : memref<640xf32, #tpu.memory_space<vmem>>, vector<16xf32>,
    %broadcast_in_dim3A_113 = arith.constant 0.000000e+00 : f32
    %broadcast_in_dim3A_114 = vector.broadcast %broadcast_in_dim3A_113 : f32 to vector<16xf32>
    %swap3A_115 = arith.constant 224 : index
    %swap3A_116 = tpu.vector_load %arg6[%swap3A_115] {strides = array<i32>} : memref<640xf32, #tpu.memory_space<vmem>>, vector<16xf32>,
    %swap3A_117 = vector.shape_cast %swap3A_116 : vector<16xf32> to vector<16xf32>
    %swap3A_118 = vector.shape_cast %broadcast_in_dim3A_114 : vector<16xf32> to vector<16xf32>
    tpu.vector_store %arg6[%swap3A_115], %swap3A_118 {strides = array<i32>} : memref<640xf32, #tpu.memory_space<vmem>>, vector<16xf32>,
    %broadcast_in_dim3A_119 = arith.constant 0.000000e+00 : f32
    %broadcast_in_dim3A_120 = vector.broadcast %broadcast_in_dim3A_119 : f32 to vector<16xf32>
    %swap3A_121 = arith.constant 240 : index
    %swap3A_122 = tpu.vector_load %arg6[%swap3A_121] {strides = array<i32>} : memref<640xf32, #tpu.memory_space<vmem>>, vector<16xf32>,
    %swap3A_123 = vector.shape_cast %swap3A_122 : vector<16xf32> to vector<16xf32>
    %swap3A_124 = vector.shape_cast %broadcast_in_dim3A_120 : vector<16xf32> to vector<16xf32>
    tpu.vector_store %arg6[%swap3A_121], %swap3A_124 {strides = array<i32>} : memref<640xf32, #tpu.memory_space<vmem>>, vector<16xf32>,
    %broadcast_in_dim3A_125 = arith.constant 0.000000e+00 : f32
    %broadcast_in_dim3A_126 = vector.broadcast %broadcast_in_dim3A_125 : f32 to vector<16xf32>
    %swap3A_127 = arith.constant 256 : index
    %swap3A_128 = tpu.vector_load %arg6[%swap3A_127] {strides = array<i32>} : memref<640xf32, #tpu.memory_space<vmem>>, vector<16xf32>,
    %swap3A_129 = vector.shape_cast %swap3A_128 : vector<16xf32> to vector<16xf32>
    %swap3A_130 = vector.shape_cast %broadcast_in_dim3A_126 : vector<16xf32> to vector<16xf32>
    tpu.vector_store %arg6[%swap3A_127], %swap3A_130 {strides = array<i32>} : memref<640xf32, #tpu.memory_space<vmem>>, vector<16xf32>,
    %broadcast_in_dim3A_131 = arith.constant 0.000000e+00 : f32
    %broadcast_in_dim3A_132 = vector.broadcast %broadcast_in_dim3A_131 : f32 to vector<16xf32>
    %swap3A_133 = arith.constant 272 : index
    %swap3A_134 = tpu.vector_load %arg6[%swap3A_133] {strides = array<i32>} : memref<640xf32, #tpu.memory_space<vmem>>, vector<16xf32>,
    %swap3A_135 = vector.shape_cast %swap3A_134 : vector<16xf32> to vector<16xf32>
    %swap3A_136 = vector.shape_cast %broadcast_in_dim3A_132 : vector<16xf32> to vector<16xf32>
    tpu.vector_store %arg6[%swap3A_133], %swap3A_136 {strides = array<i32>} : memref<640xf32, #tpu.memory_space<vmem>>, vector<16xf32>,
    %broadcast_in_dim3A_137 = arith.constant 0.000000e+00 : f32
    %broadcast_in_dim3A_138 = vector.broadcast %broadcast_in_dim3A_137 : f32 to vector<16xf32>
    %swap3A_139 = arith.constant 288 : index
    %swap3A_140 = tpu.vector_load %arg6[%swap3A_139] {strides = array<i32>} : memref<640xf32, #tpu.memory_space<vmem>>, vector<16xf32>,
    %swap3A_141 = vector.shape_cast %swap3A_140 : vector<16xf32> to vector<16xf32>
    %swap3A_142 = vector.shape_cast %broadcast_in_dim3A_138 : vector<16xf32> to vector<16xf32>
    tpu.vector_store %arg6[%swap3A_139], %swap3A_142 {strides = array<i32>} : memref<640xf32, #tpu.memory_space<vmem>>, vector<16xf32>,
    %broadcast_in_dim3A_143 = arith.constant 0.000000e+00 : f32
    %broadcast_in_dim3A_144 = vector.broadcast %broadcast_in_dim3A_143 : f32 to vector<16xf32>
    %swap3A_145 = arith.constant 304 : index
    %swap3A_146 = tpu.vector_load %arg6[%swap3A_145] {strides = array<i32>} : memref<640xf32, #tpu.memory_space<vmem>>, vector<16xf32>,
    %swap3A_147 = vector.shape_cast %swap3A_146 : vector<16xf32> to vector<16xf32>
    %swap3A_148 = vector.shape_cast %broadcast_in_dim3A_144 : vector<16xf32> to vector<16xf32>
    tpu.vector_store %arg6[%swap3A_145], %swap3A_148 {strides = array<i32>} : memref<640xf32, #tpu.memory_space<vmem>>, vector<16xf32>,
    %broadcast_in_dim3A_149 = arith.constant 0.000000e+00 : f32
    %broadcast_in_dim3A_150 = vector.broadcast %broadcast_in_dim3A_149 : f32 to vector<16xf32>
    %swap3A_151 = arith.constant 320 : index
    %swap3A_152 = tpu.vector_load %arg6[%swap3A_151] {strides = array<i32>} : memref<640xf32, #tpu.memory_space<vmem>>, vector<16xf32>,
    %swap3A_153 = vector.shape_cast %swap3A_152 : vector<16xf32> to vector<16xf32>
    %swap3A_154 = vector.shape_cast %broadcast_in_dim3A_150 : vector<16xf32> to vector<16xf32>
    tpu.vector_store %arg6[%swap3A_151], %swap3A_154 {strides = array<i32>} : memref<640xf32, #tpu.memory_space<vmem>>, vector<16xf32>,
    %broadcast_in_dim3A_155 = arith.constant 0.000000e+00 : f32
    %broadcast_in_dim3A_156 = vector.broadcast %broadcast_in_dim3A_155 : f32 to vector<16xf32>
    %swap3A_157 = arith.constant 336 : index
    %swap3A_158 = tpu.vector_load %arg6[%swap3A_157] {strides = array<i32>} : memref<640xf32, #tpu.memory_space<vmem>>, vector<16xf32>,
    %swap3A_159 = vector.shape_cast %swap3A_158 : vector<16xf32> to vector<16xf32>
    %swap3A_160 = vector.shape_cast %broadcast_in_dim3A_156 : vector<16xf32> to vector<16xf32>
    tpu.vector_store %arg6[%swap3A_157], %swap3A_160 {strides = array<i32>} : memref<640xf32, #tpu.memory_space<vmem>>, vector<16xf32>,
    %broadcast_in_dim3A_161 = arith.constant 0.000000e+00 : f32
    %broadcast_in_dim3A_162 = vector.broadcast %broadcast_in_dim3A_161 : f32 to vector<16xf32>
    %swap3A_163 = arith.constant 352 : index
    %swap3A_164 = tpu.vector_load %arg6[%swap3A_163] {strides = array<i32>} : memref<640xf32, #tpu.memory_space<vmem>>, vector<16xf32>,
    %swap3A_165 = vector.shape_cast %swap3A_164 : vector<16xf32> to vector<16xf32>
    %swap3A_166 = vector.shape_cast %broadcast_in_dim3A_162 : vector<16xf32> to vector<16xf32>
    tpu.vector_store %arg6[%swap3A_163], %swap3A_166 {strides = array<i32>} : memref<640xf32, #tpu.memory_space<vmem>>, vector<16xf32>,
    %broadcast_in_dim3A_167 = arith.constant 0.000000e+00 : f32
    %broadcast_in_dim3A_168 = vector.broadcast %broadcast_in_dim3A_167 : f32 to vector<16xf32>
    %swap3A_169 = arith.constant 368 : index
    %swap3A_170 = tpu.vector_load %arg6[%swap3A_169] {strides = array<i32>} : memref<640xf32, #tpu.memory_space<vmem>>, vector<16xf32>,
    %swap3A_171 = vector.shape_cast %swap3A_170 : vector<16xf32> to vector<16xf32>
    %swap3A_172 = vector.shape_cast %broadcast_in_dim3A_168 : vector<16xf32> to vector<16xf32>
    tpu.vector_store %arg6[%swap3A_169], %swap3A_172 {strides = array<i32>} : memref<640xf32, #tpu.memory_space<vmem>>, vector<16xf32>,
    %broadcast_in_dim3A_173 = arith.constant 0.000000e+00 : f32
    %broadcast_in_dim3A_174 = vector.broadcast %broadcast_in_dim3A_173 : f32 to vector<16xf32>
    %swap3A_175 = arith.constant 384 : index
    %swap3A_176 = tpu.vector_load %arg6[%swap3A_175] {strides = array<i32>} : memref<640xf32, #tpu.memory_space<vmem>>, vector<16xf32>,
    %swap3A_177 = vector.shape_cast %swap3A_176 : vector<16xf32> to vector<16xf32>
    %swap3A_178 = vector.shape_cast %broadcast_in_dim3A_174 : vector<16xf32> to vector<16xf32>
    tpu.vector_store %arg6[%swap3A_175], %swap3A_178 {strides = array<i32>} : memref<640xf32, #tpu.memory_space<vmem>>, vector<16xf32>,
    %broadcast_in_dim3A_179 = arith.constant 0.000000e+00 : f32
    %broadcast_in_dim3A_180 = vector.broadcast %broadcast_in_dim3A_179 : f32 to vector<16xf32>
    %swap3A_181 = arith.constant 400 : index
    %swap3A_182 = tpu.vector_load %arg6[%swap3A_181] {strides = array<i32>} : memref<640xf32, #tpu.memory_space<vmem>>, vector<16xf32>,
    %swap3A_183 = vector.shape_cast %swap3A_182 : vector<16xf32> to vector<16xf32>
    %swap3A_184 = vector.shape_cast %broadcast_in_dim3A_180 : vector<16xf32> to vector<16xf32>
    tpu.vector_store %arg6[%swap3A_181], %swap3A_184 {strides = array<i32>} : memref<640xf32, #tpu.memory_space<vmem>>, vector<16xf32>,
    %broadcast_in_dim3A_185 = arith.constant 0.000000e+00 : f32
    %broadcast_in_dim3A_186 = vector.broadcast %broadcast_in_dim3A_185 : f32 to vector<16xf32>
    %swap3A_187 = arith.constant 416 : index
    %swap3A_188 = tpu.vector_load %arg6[%swap3A_187] {strides = array<i32>} : memref<640xf32, #tpu.memory_space<vmem>>, vector<16xf32>,
    %swap3A_189 = vector.shape_cast %swap3A_188 : vector<16xf32> to vector<16xf32>
    %swap3A_190 = vector.shape_cast %broadcast_in_dim3A_186 : vector<16xf32> to vector<16xf32>
    tpu.vector_store %arg6[%swap3A_187], %swap3A_190 {strides = array<i32>} : memref<640xf32, #tpu.memory_space<vmem>>, vector<16xf32>,
    %broadcast_in_dim3A_191 = arith.constant 0.000000e+00 : f32
    %broadcast_in_dim3A_192 = vector.broadcast %broadcast_in_dim3A_191 : f32 to vector<16xf32>
    %swap3A_193 = arith.constant 432 : index
    %swap3A_194 = tpu.vector_load %arg6[%swap3A_193] {strides = array<i32>} : memref<640xf32, #tpu.memory_space<vmem>>, vector<16xf32>,
    %swap3A_195 = vector.shape_cast %swap3A_194 : vector<16xf32> to vector<16xf32>
    %swap3A_196 = vector.shape_cast %broadcast_in_dim3A_192 : vector<16xf32> to vector<16xf32>
    tpu.vector_store %arg6[%swap3A_193], %swap3A_196 {strides = array<i32>} : memref<640xf32, #tpu.memory_space<vmem>>, vector<16xf32>,
    %broadcast_in_dim3A_197 = arith.constant 0.000000e+00 : f32
    %broadcast_in_dim3A_198 = vector.broadcast %broadcast_in_dim3A_197 : f32 to vector<16xf32>
    %swap3A_199 = arith.constant 448 : index
    %swap3A_200 = tpu.vector_load %arg6[%swap3A_199] {strides = array<i32>} : memref<640xf32, #tpu.memory_space<vmem>>, vector<16xf32>,
    %swap3A_201 = vector.shape_cast %swap3A_200 : vector<16xf32> to vector<16xf32>
    %swap3A_202 = vector.shape_cast %broadcast_in_dim3A_198 : vector<16xf32> to vector<16xf32>
    tpu.vector_store %arg6[%swap3A_199], %swap3A_202 {strides = array<i32>} : memref<640xf32, #tpu.memory_space<vmem>>, vector<16xf32>,
    %broadcast_in_dim3A_203 = arith.constant 0.000000e+00 : f32
    %broadcast_in_dim3A_204 = vector.broadcast %broadcast_in_dim3A_203 : f32 to vector<16xf32>
    %swap3A_205 = arith.constant 464 : index
    %swap3A_206 = tpu.vector_load %arg6[%swap3A_205] {strides = array<i32>} : memref<640xf32, #tpu.memory_space<vmem>>, vector<16xf32>,
    %swap3A_207 = vector.shape_cast %swap3A_206 : vector<16xf32> to vector<16xf32>
    %swap3A_208 = vector.shape_cast %broadcast_in_dim3A_204 : vector<16xf32> to vector<16xf32>
    tpu.vector_store %arg6[%swap3A_205], %swap3A_208 {strides = array<i32>} : memref<640xf32, #tpu.memory_space<vmem>>, vector<16xf32>,
    %broadcast_in_dim3A_209 = arith.constant 0.000000e+00 : f32
    %broadcast_in_dim3A_210 = vector.broadcast %broadcast_in_dim3A_209 : f32 to vector<16xf32>
    %swap3A_211 = arith.constant 480 : index
    %swap3A_212 = tpu.vector_load %arg6[%swap3A_211] {strides = array<i32>} : memref<640xf32, #tpu.memory_space<vmem>>, vector<16xf32>,
    %swap3A_213 = vector.shape_cast %swap3A_212 : vector<16xf32> to vector<16xf32>
    %swap3A_214 = vector.shape_cast %broadcast_in_dim3A_210 : vector<16xf32> to vector<16xf32>
    tpu.vector_store %arg6[%swap3A_211], %swap3A_214 {strides = array<i32>} : memref<640xf32, #tpu.memory_space<vmem>>, vector<16xf32>,
    %broadcast_in_dim3A_215 = arith.constant 0.000000e+00 : f32
    %broadcast_in_dim3A_216 = vector.broadcast %broadcast_in_dim3A_215 : f32 to vector<16xf32>
    %swap3A_217 = arith.constant 496 : index
    %swap3A_218 = tpu.vector_load %arg6[%swap3A_217] {strides = array<i32>} : memref<640xf32, #tpu.memory_space<vmem>>, vector<16xf32>,
    %swap3A_219 = vector.shape_cast %swap3A_218 : vector<16xf32> to vector<16xf32>
    %swap3A_220 = vector.shape_cast %broadcast_in_dim3A_216 : vector<16xf32> to vector<16xf32>
    tpu.vector_store %arg6[%swap3A_217], %swap3A_220 {strides = array<i32>} : memref<640xf32, #tpu.memory_space<vmem>>, vector<16xf32>,
    %broadcast_in_dim3A_221 = arith.constant 0.000000e+00 : f32
    %broadcast_in_dim3A_222 = vector.broadcast %broadcast_in_dim3A_221 : f32 to vector<16xf32>
    %swap3A_223 = arith.constant 512 : index
    %swap3A_224 = tpu.vector_load %arg6[%swap3A_223] {strides = array<i32>} : memref<640xf32, #tpu.memory_space<vmem>>, vector<16xf32>,
    %swap3A_225 = vector.shape_cast %swap3A_224 : vector<16xf32> to vector<16xf32>
    %swap3A_226 = vector.shape_cast %broadcast_in_dim3A_222 : vector<16xf32> to vector<16xf32>
    tpu.vector_store %arg6[%swap3A_223], %swap3A_226 {strides = array<i32>} : memref<640xf32, #tpu.memory_space<vmem>>, vector<16xf32>,
    %broadcast_in_dim3A_227 = arith.constant 0.000000e+00 : f32
    %broadcast_in_dim3A_228 = vector.broadcast %broadcast_in_dim3A_227 : f32 to vector<16xf32>
    %swap3A_229 = arith.constant 528 : index
    %swap3A_230 = tpu.vector_load %arg6[%swap3A_229] {strides = array<i32>} : memref<640xf32, #tpu.memory_space<vmem>>, vector<16xf32>,
    %swap3A_231 = vector.shape_cast %swap3A_230 : vector<16xf32> to vector<16xf32>
    %swap3A_232 = vector.shape_cast %broadcast_in_dim3A_228 : vector<16xf32> to vector<16xf32>
    tpu.vector_store %arg6[%swap3A_229], %swap3A_232 {strides = array<i32>} : memref<640xf32, #tpu.memory_space<vmem>>, vector<16xf32>,
    %broadcast_in_dim3A_233 = arith.constant 0.000000e+00 : f32
    %broadcast_in_dim3A_234 = vector.broadcast %broadcast_in_dim3A_233 : f32 to vector<16xf32>
    %swap3A_235 = arith.constant 544 : index
    %swap3A_236 = tpu.vector_load %arg6[%swap3A_235] {strides = array<i32>} : memref<640xf32, #tpu.memory_space<vmem>>, vector<16xf32>,
    %swap3A_237 = vector.shape_cast %swap3A_236 : vector<16xf32> to vector<16xf32>
    %swap3A_238 = vector.shape_cast %broadcast_in_dim3A_234 : vector<16xf32> to vector<16xf32>
    tpu.vector_store %arg6[%swap3A_235], %swap3A_238 {strides = array<i32>} : memref<640xf32, #tpu.memory_space<vmem>>, vector<16xf32>,
    %broadcast_in_dim3A_239 = arith.constant 0.000000e+00 : f32
    %broadcast_in_dim3A_240 = vector.broadcast %broadcast_in_dim3A_239 : f32 to vector<16xf32>
    %swap3A_241 = arith.constant 560 : index
    %swap3A_242 = tpu.vector_load %arg6[%swap3A_241] {strides = array<i32>} : memref<640xf32, #tpu.memory_space<vmem>>, vector<16xf32>,
    %swap3A_243 = vector.shape_cast %swap3A_242 : vector<16xf32> to vector<16xf32>
    %swap3A_244 = vector.shape_cast %broadcast_in_dim3A_240 : vector<16xf32> to vector<16xf32>
    tpu.vector_store %arg6[%swap3A_241], %swap3A_244 {strides = array<i32>} : memref<640xf32, #tpu.memory_space<vmem>>, vector<16xf32>,
    %broadcast_in_dim3A_245 = arith.constant 0.000000e+00 : f32
    %broadcast_in_dim3A_246 = vector.broadcast %broadcast_in_dim3A_245 : f32 to vector<16xf32>
    %swap3A_247 = arith.constant 576 : index
    %swap3A_248 = tpu.vector_load %arg6[%swap3A_247] {strides = array<i32>} : memref<640xf32, #tpu.memory_space<vmem>>, vector<16xf32>,
    %swap3A_249 = vector.shape_cast %swap3A_248 : vector<16xf32> to vector<16xf32>
    %swap3A_250 = vector.shape_cast %broadcast_in_dim3A_246 : vector<16xf32> to vector<16xf32>
    tpu.vector_store %arg6[%swap3A_247], %swap3A_250 {strides = array<i32>} : memref<640xf32, #tpu.memory_space<vmem>>, vector<16xf32>,
    %broadcast_in_dim3A_251 = arith.constant 0.000000e+00 : f32
    %broadcast_in_dim3A_252 = vector.broadcast %broadcast_in_dim3A_251 : f32 to vector<16xf32>
    %swap3A_253 = arith.constant 592 : index
    %swap3A_254 = tpu.vector_load %arg6[%swap3A_253] {strides = array<i32>} : memref<640xf32, #tpu.memory_space<vmem>>, vector<16xf32>,
    %swap3A_255 = vector.shape_cast %swap3A_254 : vector<16xf32> to vector<16xf32>
    %swap3A_256 = vector.shape_cast %broadcast_in_dim3A_252 : vector<16xf32> to vector<16xf32>
    tpu.vector_store %arg6[%swap3A_253], %swap3A_256 {strides = array<i32>} : memref<640xf32, #tpu.memory_space<vmem>>, vector<16xf32>,
    %broadcast_in_dim3A_257 = arith.constant 0.000000e+00 : f32
    %broadcast_in_dim3A_258 = vector.broadcast %broadcast_in_dim3A_257 : f32 to vector<16xf32>
    %swap3A_259 = arith.constant 608 : index
    %swap3A_260 = tpu.vector_load %arg6[%swap3A_259] {strides = array<i32>} : memref<640xf32, #tpu.memory_space<vmem>>, vector<16xf32>,
    %swap3A_261 = vector.shape_cast %swap3A_260 : vector<16xf32> to vector<16xf32>
    %swap3A_262 = vector.shape_cast %broadcast_in_dim3A_258 : vector<16xf32> to vector<16xf32>
    tpu.vector_store %arg6[%swap3A_259], %swap3A_262 {strides = array<i32>} : memref<640xf32, #tpu.memory_space<vmem>>, vector<16xf32>,
    %broadcast_in_dim3A_263 = arith.constant 0.000000e+00 : f32
    %broadcast_in_dim3A_264 = vector.broadcast %broadcast_in_dim3A_263 : f32 to vector<16xf32>
    %swap3A_265 = arith.constant 624 : index
    %swap3A_266 = tpu.vector_load %arg6[%swap3A_265] {strides = array<i32>} : memref<640xf32, #tpu.memory_space<vmem>>, vector<16xf32>,
    %swap3A_267 = vector.shape_cast %swap3A_266 : vector<16xf32> to vector<16xf32>
    %swap3A_268 = vector.shape_cast %broadcast_in_dim3A_264 : vector<16xf32> to vector<16xf32>
    tpu.vector_store %arg6[%swap3A_265], %swap3A_268 {strides = array<i32>} : memref<640xf32, #tpu.memory_space<vmem>>, vector<16xf32>,
    %mul3A_269 = arith.constant 640 : i32
    %mul3A_270 = arith.muli %arg1, %mul3A_269 : i32
    %lt3A = arith.constant 15 : i32
    %lt3A_271 = arith.cmpi slt, %arg1, %lt3A : i32
    %convert_element_type3A = arith.extui %lt3A_271 : i1 to i32
    %cond3A = arith.constant 0 : i32
    %cond3A_272 = arith.cmpi ne, %convert_element_type3A, %cond3A : i32
    scf.if %cond3A_272 {
      "tpu.region"() ({
        %run_scoped3A = tpu.sem_alloc : memref<!tpu.dma_semaphore, #tpu.memory_space<semaphore_mem>>
        %dma_start3A = tpu.memref_slice %arg7[%mul3A_270] : memref<10000xf32, #tpu.memory_space<vmem_shared>> -> memref<640xf32, #tpu.memory_space<vmem_shared>>
        %dma_start3A_317 = tpu.memref_slice %arg7[%mul3A_270] : memref<10000xf32, #tpu.memory_space<vmem_shared>> -> memref<640xf32, #tpu.memory_space<vmem_shared>>
        tpu.enqueue_dma source(%arg6 : memref<640xf32, #tpu.memory_space<vmem>>) target(%dma_start3A_317 : memref<640xf32, #tpu.memory_space<vmem_shared>>) target_semaphore(%run_scoped3A : memref<!tpu.dma_semaphore, #tpu.memory_space<semaphore_mem>>)
        %dma_wait3A_318 = tpu.memref_slice %arg7[%mul3A_270] : memref<10000xf32, #tpu.memory_space<vmem_shared>> -> memref<640xf32, #tpu.memory_space<vmem_shared>>
        %dma_wait3A_319 = tpu.memref_slice %arg7[%mul3A_270] : memref<10000xf32, #tpu.memory_space<vmem_shared>> -> memref<640xf32, #tpu.memory_space<vmem_shared>>
        tpu.wait_dma2 semaphore(%run_scoped3A : memref<!tpu.dma_semaphore, #tpu.memory_space<semaphore_mem>>) src(%arg6 : memref<640xf32, #tpu.memory_space<vmem>>) dst(%dma_wait3A_319 : memref<640xf32, #tpu.memory_space<vmem_shared>>)
        tpu.yield
      }) : () -> ()
    } else {
    }
    %eq3A = arith.constant 15 : i32
    %eq3A_273 = arith.cmpi eq, %arg1, %eq3A : i32
    %convert_element_type3A_274 = arith.extui %eq3A_273 : i1 to i32
    %cond3A_275 = arith.constant 0 : i32
    %cond3A_276 = arith.cmpi ne, %convert_element_type3A_274, %cond3A_275 : i32
    scf.if %cond3A_276 {
      "tpu.region"() ({
        %run_scoped3A = tpu.sem_alloc : memref<!tpu.dma_semaphore, #tpu.memory_space<semaphore_mem>>
        %dma_start3A = arith.constant 0 : i32
        %dma_start3A_317 = tpu.memref_slice %arg6[%dma_start3A] : memref<640xf32, #tpu.memory_space<vmem>> -> memref<400xf32, #tpu.memory_space<vmem>>
        %dma_start3A_318 = arith.constant 9600 : i32
        %dma_start3A_319 = tpu.memref_slice %arg7[%dma_start3A_318] : memref<10000xf32, #tpu.memory_space<vmem_shared>> -> memref<400xf32, #tpu.memory_space<vmem_shared>>
        %dma_start3A_320 = arith.constant 9600 : i32
        %dma_start3A_321 = tpu.memref_slice %arg7[%dma_start3A_320] : memref<10000xf32, #tpu.memory_space<vmem_shared>> -> memref<400xf32, #tpu.memory_space<vmem_shared>>
        %dma_start3A_322 = arith.constant 0 : i32
        %dma_start3A_323 = tpu.memref_slice %arg6[%dma_start3A_322] : memref<640xf32, #tpu.memory_space<vmem>> -> memref<400xf32, #tpu.memory_space<vmem>>
        tpu.enqueue_dma source(%dma_start3A_323 : memref<400xf32, #tpu.memory_space<vmem>>) target(%dma_start3A_321 : memref<400xf32, #tpu.memory_space<vmem_shared>>) target_semaphore(%run_scoped3A : memref<!tpu.dma_semaphore, #tpu.memory_space<semaphore_mem>>)
        %dma_wait3A_324 = arith.constant 0 : i32
        %dma_wait3A_325 = tpu.memref_slice %arg6[%dma_wait3A_324] : memref<640xf32, #tpu.memory_space<vmem>> -> memref<400xf32, #tpu.memory_space<vmem>>
        %dma_wait3A_326 = arith.constant 9600 : i32
        %dma_wait3A_327 = tpu.memref_slice %arg7[%dma_wait3A_326] : memref<10000xf32, #tpu.memory_space<vmem_shared>> -> memref<400xf32, #tpu.memory_space<vmem_shared>>
        %dma_wait3A_328 = arith.constant 9600 : i32
        %dma_wait3A_329 = tpu.memref_slice %arg7[%dma_wait3A_328] : memref<10000xf32, #tpu.memory_space<vmem_shared>> -> memref<400xf32, #tpu.memory_space<vmem_shared>>
        %dma_wait3A_330 = arith.constant 0 : i32
        %dma_wait3A_331 = tpu.memref_slice %arg6[%dma_wait3A_330] : memref<640xf32, #tpu.memory_space<vmem>> -> memref<400xf32, #tpu.memory_space<vmem>>
        tpu.wait_dma2 semaphore(%run_scoped3A : memref<!tpu.dma_semaphore, #tpu.memory_space<semaphore_mem>>) src(%dma_wait3A_331 : memref<400xf32, #tpu.memory_space<vmem>>) dst(%dma_wait3A_329 : memref<400xf32, #tpu.memory_space<vmem_shared>>)
        tpu.yield
      }) : () -> ()
    } else {
    }
    "tpu.region"() ({
      %run_scoped3A = tpu.sem_alloc : memref<!tpu.dma_semaphore, #tpu.memory_space<semaphore_mem>>
      %dma_start3A = arith.constant 0 : i32
      %dma_start3A_317 = arith.constant 0 : i32
      %dma_start3A_318 = tpu.memref_slice %arg2[%add3A, %dma_start3A, %dma_start3A_317] : memref<32x125x80xi32, #tpu.memory_space<hbm>> -> memref<1x125x80xi32, #tpu.memory_space<hbm>>
      %dma_start3A_319 = tpu.memref_squeeze %dma_start3A_318 : memref<1x125x80xi32, #tpu.memory_space<hbm>> -> memref<125x80xi32, #tpu.memory_space<hbm>>
      %dma_start3A_320 = arith.constant 0 : i32
      %dma_start3A_321 = arith.constant 0 : i32
      %dma_start3A_322 = tpu.memref_slice %arg2[%add3A, %dma_start3A_320, %dma_start3A_321] : memref<32x125x80xi32, #tpu.memory_space<hbm>> -> memref<1x125x80xi32, #tpu.memory_space<hbm>>
      %dma_start3A_323 = tpu.memref_squeeze %dma_start3A_322 : memref<1x125x80xi32, #tpu.memory_space<hbm>> -> memref<125x80xi32, #tpu.memory_space<hbm>>
      tpu.enqueue_dma source(%dma_start3A_323 : memref<125x80xi32, #tpu.memory_space<hbm>>) target(%arg4 : memref<125x80xi32, #tpu.memory_space<vmem>>) target_semaphore(%run_scoped3A : memref<!tpu.dma_semaphore, #tpu.memory_space<semaphore_mem>>)
      %dma_wait3A_324 = arith.constant 0 : i32
      %dma_wait3A_325 = arith.constant 0 : i32
      %dma_wait3A_326 = tpu.memref_slice %arg2[%add3A, %dma_wait3A_324, %dma_wait3A_325] : memref<32x125x80xi32, #tpu.memory_space<hbm>> -> memref<1x125x80xi32, #tpu.memory_space<hbm>>
      %dma_wait3A_327 = tpu.memref_squeeze %dma_wait3A_326 : memref<1x125x80xi32, #tpu.memory_space<hbm>> -> memref<125x80xi32, #tpu.memory_space<hbm>>
      %dma_wait3A_328 = arith.constant 0 : i32
      %dma_wait3A_329 = arith.constant 0 : i32
      %dma_wait3A_330 = tpu.memref_slice %arg2[%add3A, %dma_wait3A_328, %dma_wait3A_329] : memref<32x125x80xi32, #tpu.memory_space<hbm>> -> memref<1x125x80xi32, #tpu.memory_space<hbm>>
      %dma_wait3A_331 = tpu.memref_squeeze %dma_wait3A_330 : memref<1x125x80xi32, #tpu.memory_space<hbm>> -> memref<125x80xi32, #tpu.memory_space<hbm>>
      tpu.wait_dma2 semaphore(%run_scoped3A : memref<!tpu.dma_semaphore, #tpu.memory_space<semaphore_mem>>) src(%dma_wait3A_331 : memref<125x80xi32, #tpu.memory_space<hbm>>) dst(%arg4 : memref<125x80xi32, #tpu.memory_space<vmem>>)
      tpu.yield
    }) : () -> ()
    %barrier3A = arith.constant 0 : index
    tpu.barrier barrier_id(%barrier3A)
    %scan3A = arith.constant 0 : i32
    %scan3A_277 = arith.constant 0 : i32
    %scan3A_278 = arith.constant 25 : i32
    %scan3A_279 = arith.addi %scan3A_277, %scan3A_278 : i32
    %scan3A_280 = arith.constant 1 : i32
    scf.for %scan3A_317 = %scan3A_277 to %scan3A_279 step %scan3A_280  : i32 {
      %mul3A_318 = arith.constant 5 : i32
      %mul3A_319 = arith.muli %scan3A_317, %mul3A_318 : i32
      %add3A_320 = arith.constant 0 : i32
      %add3A_321 = arith.addi %mul3A_319, %add3A_320 : i32
      %dma_start3A = arith.constant 0 : i32
      %dma_start3A_322 = tpu.memref_slice %arg4[%add3A_321, %dma_start3A] : memref<125x80xi32, #tpu.memory_space<vmem>> -> memref<1x80xi32, #tpu.memory_space<vmem>>
      %dma_start3A_323 = tpu.memref_squeeze %dma_start3A_322 : memref<1x80xi32, #tpu.memory_space<vmem>> -> memref<80xi32, #tpu.memory_space<vmem>>
      %dma_start3A_324 = arith.constant 0 : i32
      %dma_start3A_325 = tpu.memref_slice %arg7[%dma_start3A_324] : memref<10000xf32, #tpu.memory_space<vmem_shared>> -> memref<10000xf32, #tpu.memory_space<vmem_shared>>
      tpu.enqueue_indirect_dma source(%arg5 : memref<80xf32, #tpu.memory_space<vmem>>) target(%dma_start3A_325 : memref<10000xf32, #tpu.memory_space<vmem_shared>>) offsets(%dma_start3A_323 : memref<80xi32, #tpu.memory_space<vmem>>) semaphore(%arg8 : memref<!tpu.dma_semaphore, #tpu.memory_space<semaphore_mem>>) {add = true}
      %add3A_326 = arith.constant 1 : i32
      %add3A_327 = arith.addi %mul3A_319, %add3A_326 : i32
      %dma_start3A_328 = arith.constant 0 : i32
      %dma_start3A_329 = tpu.memref_slice %arg4[%add3A_327, %dma_start3A_328] : memref<125x80xi32, #tpu.memory_space<vmem>> -> memref<1x80xi32, #tpu.memory_space<vmem>>
      %dma_start3A_330 = tpu.memref_squeeze %dma_start3A_329 : memref<1x80xi32, #tpu.memory_space<vmem>> -> memref<80xi32, #tpu.memory_space<vmem>>
      %dma_start3A_331 = arith.constant 0 : i32
      %dma_start3A_332 = tpu.memref_slice %arg7[%dma_start3A_331] : memref<10000xf32, #tpu.memory_space<vmem_shared>> -> memref<10000xf32, #tpu.memory_space<vmem_shared>>
      tpu.enqueue_indirect_dma source(%arg5 : memref<80xf32, #tpu.memory_space<vmem>>) target(%dma_start3A_332 : memref<10000xf32, #tpu.memory_space<vmem_shared>>) offsets(%dma_start3A_330 : memref<80xi32, #tpu.memory_space<vmem>>) semaphore(%arg8 : memref<!tpu.dma_semaphore, #tpu.memory_space<semaphore_mem>>) {add = true}
      %add3A_333 = arith.constant 2 : i32
      %add3A_334 = arith.addi %mul3A_319, %add3A_333 : i32
      %dma_start3A_335 = arith.constant 0 : i32
      %dma_start3A_336 = tpu.memref_slice %arg4[%add3A_334, %dma_start3A_335] : memref<125x80xi32, #tpu.memory_space<vmem>> -> memref<1x80xi32, #tpu.memory_space<vmem>>
      %dma_start3A_337 = tpu.memref_squeeze %dma_start3A_336 : memref<1x80xi32, #tpu.memory_space<vmem>> -> memref<80xi32, #tpu.memory_space<vmem>>
      %dma_start3A_338 = arith.constant 0 : i32
      %dma_start3A_339 = tpu.memref_slice %arg7[%dma_start3A_338] : memref<10000xf32, #tpu.memory_space<vmem_shared>> -> memref<10000xf32, #tpu.memory_space<vmem_shared>>
      tpu.enqueue_indirect_dma source(%arg5 : memref<80xf32, #tpu.memory_space<vmem>>) target(%dma_start3A_339 : memref<10000xf32, #tpu.memory_space<vmem_shared>>) offsets(%dma_start3A_337 : memref<80xi32, #tpu.memory_space<vmem>>) semaphore(%arg8 : memref<!tpu.dma_semaphore, #tpu.memory_space<semaphore_mem>>) {add = true}
      %add3A_340 = arith.constant 3 : i32
      %add3A_341 = arith.addi %mul3A_319, %add3A_340 : i32
      %dma_start3A_342 = arith.constant 0 : i32
      %dma_start3A_343 = tpu.memref_slice %arg4[%add3A_341, %dma_start3A_342] : memref<125x80xi32, #tpu.memory_space<vmem>> -> memref<1x80xi32, #tpu.memory_space<vmem>>
      %dma_start3A_344 = tpu.memref_squeeze %dma_start3A_343 : memref<1x80xi32, #tpu.memory_space<vmem>> -> memref<80xi32, #tpu.memory_space<vmem>>
      %dma_start3A_345 = arith.constant 0 : i32
      %dma_start3A_346 = tpu.memref_slice %arg7[%dma_start3A_345] : memref<10000xf32, #tpu.memory_space<vmem_shared>> -> memref<10000xf32, #tpu.memory_space<vmem_shared>>
      tpu.enqueue_indirect_dma source(%arg5 : memref<80xf32, #tpu.memory_space<vmem>>) target(%dma_start3A_346 : memref<10000xf32, #tpu.memory_space<vmem_shared>>) offsets(%dma_start3A_344 : memref<80xi32, #tpu.memory_space<vmem>>) semaphore(%arg8 : memref<!tpu.dma_semaphore, #tpu.memory_space<semaphore_mem>>) {add = true}
      %add3A_347 = arith.constant 4 : i32
      %add3A_348 = arith.addi %mul3A_319, %add3A_347 : i32
      %dma_start3A_349 = arith.constant 0 : i32
      %dma_start3A_350 = tpu.memref_slice %arg4[%add3A_348, %dma_start3A_349] : memref<125x80xi32, #tpu.memory_space<vmem>> -> memref<1x80xi32, #tpu.memory_space<vmem>>
      %dma_start3A_351 = tpu.memref_squeeze %dma_start3A_350 : memref<1x80xi32, #tpu.memory_space<vmem>> -> memref<80xi32, #tpu.memory_space<vmem>>
      %dma_start3A_352 = arith.constant 0 : i32
      %dma_start3A_353 = tpu.memref_slice %arg7[%dma_start3A_352] : memref<10000xf32, #tpu.memory_space<vmem_shared>> -> memref<10000xf32, #tpu.memory_space<vmem_shared>>
      tpu.enqueue_indirect_dma source(%arg5 : memref<80xf32, #tpu.memory_space<vmem>>) target(%dma_start3A_353 : memref<10000xf32, #tpu.memory_space<vmem_shared>>) offsets(%dma_start3A_351 : memref<80xi32, #tpu.memory_space<vmem>>) semaphore(%arg8 : memref<!tpu.dma_semaphore, #tpu.memory_space<semaphore_mem>>) {add = true}
      %gt3A = arith.constant 0 : i32
      %gt3A_354 = arith.cmpi sgt, %scan3A_317, %gt3A : i32
      %convert_element_type3A_355 = arith.extui %gt3A_354 : i1 to i32
      %cond3A_356 = arith.constant 0 : i32
      %cond3A_357 = arith.cmpi ne, %convert_element_type3A_355, %cond3A_356 : i32
      scf.if %cond3A_357 {
        %dma_wait3A_358 = arith.constant 0 : i32
        %dma_wait3A_359 = arith.constant 0 : i32
        %dma_wait3A_360 = tpu.memref_slice %arg4[%dma_wait3A_358, %dma_wait3A_359] : memref<125x80xi32, #tpu.memory_space<vmem>> -> memref<1x80xi32, #tpu.memory_space<vmem>>
        %dma_wait3A_361 = tpu.memref_squeeze %dma_wait3A_360 : memref<1x80xi32, #tpu.memory_space<vmem>> -> memref<80xi32, #tpu.memory_space<vmem>>
        %dma_wait3A_362 = arith.constant 0 : i32
        %dma_wait3A_363 = tpu.memref_slice %arg7[%dma_wait3A_362] : memref<10000xf32, #tpu.memory_space<vmem_shared>> -> memref<10000xf32, #tpu.memory_space<vmem_shared>>
        tpu.wait_indirect_dma semaphore(%arg8 : memref<!tpu.dma_semaphore, #tpu.memory_space<semaphore_mem>>) src(%arg5 : memref<80xf32, #tpu.memory_space<vmem>>) dst(%dma_wait3A_363 : memref<10000xf32, #tpu.memory_space<vmem_shared>>)
        %dma_wait3A_364 = arith.constant 0 : i32
        %dma_wait3A_365 = arith.constant 0 : i32
        %dma_wait3A_366 = tpu.memref_slice %arg4[%dma_wait3A_364, %dma_wait3A_365] : memref<125x80xi32, #tpu.memory_space<vmem>> -> memref<1x80xi32, #tpu.memory_space<vmem>>
        %dma_wait3A_367 = tpu.memref_squeeze %dma_wait3A_366 : memref<1x80xi32, #tpu.memory_space<vmem>> -> memref<80xi32, #tpu.memory_space<vmem>>
        %dma_wait3A_368 = arith.constant 0 : i32
        %dma_wait3A_369 = tpu.memref_slice %arg7[%dma_wait3A_368] : memref<10000xf32, #tpu.memory_space<vmem_shared>> -> memref<10000xf32, #tpu.memory_space<vmem_shared>>
        tpu.wait_indirect_dma semaphore(%arg8 : memref<!tpu.dma_semaphore, #tpu.memory_space<semaphore_mem>>) src(%arg5 : memref<80xf32, #tpu.memory_space<vmem>>) dst(%dma_wait3A_369 : memref<10000xf32, #tpu.memory_space<vmem_shared>>)
        %dma_wait3A_370 = arith.constant 0 : i32
        %dma_wait3A_371 = arith.constant 0 : i32
        %dma_wait3A_372 = tpu.memref_slice %arg4[%dma_wait3A_370, %dma_wait3A_371] : memref<125x80xi32, #tpu.memory_space<vmem>> -> memref<1x80xi32, #tpu.memory_space<vmem>>
        %dma_wait3A_373 = tpu.memref_squeeze %dma_wait3A_372 : memref<1x80xi32, #tpu.memory_space<vmem>> -> memref<80xi32, #tpu.memory_space<vmem>>
        %dma_wait3A_374 = arith.constant 0 : i32
        %dma_wait3A_375 = tpu.memref_slice %arg7[%dma_wait3A_374] : memref<10000xf32, #tpu.memory_space<vmem_shared>> -> memref<10000xf32, #tpu.memory_space<vmem_shared>>
        tpu.wait_indirect_dma semaphore(%arg8 : memref<!tpu.dma_semaphore, #tpu.memory_space<semaphore_mem>>) src(%arg5 : memref<80xf32, #tpu.memory_space<vmem>>) dst(%dma_wait3A_375 : memref<10000xf32, #tpu.memory_space<vmem_shared>>)
        %dma_wait3A_376 = arith.constant 0 : i32
        %dma_wait3A_377 = arith.constant 0 : i32
        %dma_wait3A_378 = tpu.memref_slice %arg4[%dma_wait3A_376, %dma_wait3A_377] : memref<125x80xi32, #tpu.memory_space<vmem>> -> memref<1x80xi32, #tpu.memory_space<vmem>>
        %dma_wait3A_379 = tpu.memref_squeeze %dma_wait3A_378 : memref<1x80xi32, #tpu.memory_space<vmem>> -> memref<80xi32, #tpu.memory_space<vmem>>
        %dma_wait3A_380 = arith.constant 0 : i32
        %dma_wait3A_381 = tpu.memref_slice %arg7[%dma_wait3A_380] : memref<10000xf32, #tpu.memory_space<vmem_shared>> -> memref<10000xf32, #tpu.memory_space<vmem_shared>>
        tpu.wait_indirect_dma semaphore(%arg8 : memref<!tpu.dma_semaphore, #tpu.memory_space<semaphore_mem>>) src(%arg5 : memref<80xf32, #tpu.memory_space<vmem>>) dst(%dma_wait3A_381 : memref<10000xf32, #tpu.memory_space<vmem_shared>>)
        %dma_wait3A_382 = arith.constant 0 : i32
        %dma_wait3A_383 = arith.constant 0 : i32
        %dma_wait3A_384 = tpu.memref_slice %arg4[%dma_wait3A_382, %dma_wait3A_383] : memref<125x80xi32, #tpu.memory_space<vmem>> -> memref<1x80xi32, #tpu.memory_space<vmem>>
        %dma_wait3A_385 = tpu.memref_squeeze %dma_wait3A_384 : memref<1x80xi32, #tpu.memory_space<vmem>> -> memref<80xi32, #tpu.memory_space<vmem>>
        %dma_wait3A_386 = arith.constant 0 : i32
        %dma_wait3A_387 = tpu.memref_slice %arg7[%dma_wait3A_386] : memref<10000xf32, #tpu.memory_space<vmem_shared>> -> memref<10000xf32, #tpu.memory_space<vmem_shared>>
        tpu.wait_indirect_dma semaphore(%arg8 : memref<!tpu.dma_semaphore, #tpu.memory_space<semaphore_mem>>) src(%arg5 : memref<80xf32, #tpu.memory_space<vmem>>) dst(%dma_wait3A_387 : memref<10000xf32, #tpu.memory_space<vmem_shared>>)
      } else {
      }
    }
    %scan3A_281 = arith.constant 25 : i32
    %dma_wait3A = arith.constant 0 : i32
    %dma_wait3A_282 = arith.constant 0 : i32
    %dma_wait3A_283 = tpu.memref_slice %arg4[%dma_wait3A, %dma_wait3A_282] : memref<125x80xi32, #tpu.memory_space<vmem>> -> memref<1x80xi32, #tpu.memory_space<vmem>>
    %dma_wait3A_284 = tpu.memref_squeeze %dma_wait3A_283 : memref<1x80xi32, #tpu.memory_space<vmem>> -> memref<80xi32, #tpu.memory_space<vmem>>
    %dma_wait3A_285 = arith.constant 0 : i32
    %dma_wait3A_286 = tpu.memref_slice %arg7[%dma_wait3A_285] : memref<10000xf32, #tpu.memory_space<vmem_shared>> -> memref<10000xf32, #tpu.memory_space<vmem_shared>>
    tpu.wait_indirect_dma semaphore(%arg8 : memref<!tpu.dma_semaphore, #tpu.memory_space<semaphore_mem>>) src(%arg5 : memref<80xf32, #tpu.memory_space<vmem>>) dst(%dma_wait3A_286 : memref<10000xf32, #tpu.memory_space<vmem_shared>>)
    %dma_wait3A_287 = arith.constant 0 : i32
    %dma_wait3A_288 = arith.constant 0 : i32
    %dma_wait3A_289 = tpu.memref_slice %arg4[%dma_wait3A_287, %dma_wait3A_288] : memref<125x80xi32, #tpu.memory_space<vmem>> -> memref<1x80xi32, #tpu.memory_space<vmem>>
    %dma_wait3A_290 = tpu.memref_squeeze %dma_wait3A_289 : memref<1x80xi32, #tpu.memory_space<vmem>> -> memref<80xi32, #tpu.memory_space<vmem>>
    %dma_wait3A_291 = arith.constant 0 : i32
    %dma_wait3A_292 = tpu.memref_slice %arg7[%dma_wait3A_291] : memref<10000xf32, #tpu.memory_space<vmem_shared>> -> memref<10000xf32, #tpu.memory_space<vmem_shared>>
    tpu.wait_indirect_dma semaphore(%arg8 : memref<!tpu.dma_semaphore, #tpu.memory_space<semaphore_mem>>) src(%arg5 : memref<80xf32, #tpu.memory_space<vmem>>) dst(%dma_wait3A_292 : memref<10000xf32, #tpu.memory_space<vmem_shared>>)
    %dma_wait3A_293 = arith.constant 0 : i32
    %dma_wait3A_294 = arith.constant 0 : i32
    %dma_wait3A_295 = tpu.memref_slice %arg4[%dma_wait3A_293, %dma_wait3A_294] : memref<125x80xi32, #tpu.memory_space<vmem>> -> memref<1x80xi32, #tpu.memory_space<vmem>>
    %dma_wait3A_296 = tpu.memref_squeeze %dma_wait3A_295 : memref<1x80xi32, #tpu.memory_space<vmem>> -> memref<80xi32, #tpu.memory_space<vmem>>
    %dma_wait3A_297 = arith.constant 0 : i32
    %dma_wait3A_298 = tpu.memref_slice %arg7[%dma_wait3A_297] : memref<10000xf32, #tpu.memory_space<vmem_shared>> -> memref<10000xf32, #tpu.memory_space<vmem_shared>>
    tpu.wait_indirect_dma semaphore(%arg8 : memref<!tpu.dma_semaphore, #tpu.memory_space<semaphore_mem>>) src(%arg5 : memref<80xf32, #tpu.memory_space<vmem>>) dst(%dma_wait3A_298 : memref<10000xf32, #tpu.memory_space<vmem_shared>>)
    %dma_wait3A_299 = arith.constant 0 : i32
    %dma_wait3A_300 = arith.constant 0 : i32
    %dma_wait3A_301 = tpu.memref_slice %arg4[%dma_wait3A_299, %dma_wait3A_300] : memref<125x80xi32, #tpu.memory_space<vmem>> -> memref<1x80xi32, #tpu.memory_space<vmem>>
    %dma_wait3A_302 = tpu.memref_squeeze %dma_wait3A_301 : memref<1x80xi32, #tpu.memory_space<vmem>> -> memref<80xi32, #tpu.memory_space<vmem>>
    %dma_wait3A_303 = arith.constant 0 : i32
    %dma_wait3A_304 = tpu.memref_slice %arg7[%dma_wait3A_303] : memref<10000xf32, #tpu.memory_space<vmem_shared>> -> memref<10000xf32, #tpu.memory_space<vmem_shared>>
    tpu.wait_indirect_dma semaphore(%arg8 : memref<!tpu.dma_semaphore, #tpu.memory_space<semaphore_mem>>) src(%arg5 : memref<80xf32, #tpu.memory_space<vmem>>) dst(%dma_wait3A_304 : memref<10000xf32, #tpu.memory_space<vmem_shared>>)
    %dma_wait3A_305 = arith.constant 0 : i32
    %dma_wait3A_306 = arith.constant 0 : i32
    %dma_wait3A_307 = tpu.memref_slice %arg4[%dma_wait3A_305, %dma_wait3A_306] : memref<125x80xi32, #tpu.memory_space<vmem>> -> memref<1x80xi32, #tpu.memory_space<vmem>>
    %dma_wait3A_308 = tpu.memref_squeeze %dma_wait3A_307 : memref<1x80xi32, #tpu.memory_space<vmem>> -> memref<80xi32, #tpu.memory_space<vmem>>
    %dma_wait3A_309 = arith.constant 0 : i32
    %dma_wait3A_310 = tpu.memref_slice %arg7[%dma_wait3A_309] : memref<10000xf32, #tpu.memory_space<vmem_shared>> -> memref<10000xf32, #tpu.memory_space<vmem_shared>>
    tpu.wait_indirect_dma semaphore(%arg8 : memref<!tpu.dma_semaphore, #tpu.memory_space<semaphore_mem>>) src(%arg5 : memref<80xf32, #tpu.memory_space<vmem>>) dst(%dma_wait3A_310 : memref<10000xf32, #tpu.memory_space<vmem_shared>>)
    %barrier3A_311 = arith.constant 0 : index
    tpu.barrier barrier_id(%barrier3A_311)
    %eq3A_312 = arith.constant 0 : i32
    %eq3A_313 = arith.cmpi eq, %arg1, %eq3A_312 : i32
    %convert_element_type3A_314 = arith.extui %eq3A_313 : i1 to i32
    %cond3A_315 = arith.constant 0 : i32
    %cond3A_316 = arith.cmpi ne, %convert_element_type3A_314, %cond3A_315 : i32
    scf.if %cond3A_316 {
      "tpu.region"() ({
        %run_scoped3A = tpu.sem_alloc : memref<!tpu.dma_semaphore, #tpu.memory_space<semaphore_mem>>
        %dma_start3A = arith.constant 0 : i32
        %dma_start3A_317 = tpu.memref_slice %arg3[%arg0, %dma_start3A] : memref<2x10000xf32, #tpu.memory_space<hbm>> -> memref<1x10000xf32, #tpu.memory_space<hbm>>
        %dma_start3A_318 = tpu.memref_squeeze %dma_start3A_317 : memref<1x10000xf32, #tpu.memory_space<hbm>> -> memref<10000xf32, #tpu.memory_space<hbm>>
        tpu.enqueue_dma source(%arg7 : memref<10000xf32, #tpu.memory_space<vmem_shared>>) target(%dma_start3A_318 : memref<10000xf32, #tpu.memory_space<hbm>>) target_semaphore(%run_scoped3A : memref<!tpu.dma_semaphore, #tpu.memory_space<semaphore_mem>>)
        %dma_wait3A_319 = arith.constant 0 : i32
        %dma_wait3A_320 = tpu.memref_slice %arg3[%arg0, %dma_wait3A_319] : memref<2x10000xf32, #tpu.memory_space<hbm>> -> memref<1x10000xf32, #tpu.memory_space<hbm>>
        %dma_wait3A_321 = tpu.memref_squeeze %dma_wait3A_320 : memref<1x10000xf32, #tpu.memory_space<hbm>> -> memref<10000xf32, #tpu.memory_space<hbm>>
        tpu.wait_dma2 semaphore(%run_scoped3A : memref<!tpu.dma_semaphore, #tpu.memory_space<semaphore_mem>>) src(%arg7 : memref<10000xf32, #tpu.memory_space<vmem_shared>>) dst(%dma_wait3A_321 : memref<10000xf32, #tpu.memory_space<hbm>>)
        tpu.yield
      }) : () -> ()
    } else {
    }
    return
  }
}

#map = affine_map<(d0, d1) -> (0, 0, 0)>
#map1 = affine_map<(d0, d1) -> (0, 0)>
module attributes {stable_mosaic.version = 14 : i64} {
  func.func @_edge_pass(%arg0: i32, %arg1: i32, %arg2: memref<32x125x80xi32, #tpu.memory_space<hbm>>, %arg3: memref<32x125x80xi32, #tpu.memory_space<hbm>>, %arg4: memref<10000x128xf32, #tpu.memory_space<hbm>>, %arg5: memref<10000x128xf32, #tpu.memory_space<hbm>>, %arg6: memref<2x10000x128xf32, #tpu.memory_space<hbm>>, %arg7: memref<8x80xi32, #tpu.memory_space<vmem>>, %arg8: memref<8x80xi32, #tpu.memory_space<vmem>>, %arg9: memref<80x128xf32, #tpu.memory_space<vmem>>, %arg10: memref<80x128xf32, #tpu.memory_space<vmem>>, %arg11: memref<80x128xf32, #tpu.memory_space<vmem>>, %arg12: memref<80x128xf32, #tpu.memory_space<vmem>>, %arg13: memref<10000x128xf32, #tpu.memory_space<vmem_shared>>, %arg14: memref<!tpu.dma_semaphore, #tpu.memory_space<semaphore_mem>>, %arg15: memref<!tpu.dma_semaphore, #tpu.memory_space<semaphore_mem>>, %arg16: memref<!tpu.dma_semaphore, #tpu.memory_space<semaphore_mem>>, %arg17: memref<!tpu.dma_semaphore, #tpu.memory_space<semaphore_mem>>, %arg18: memref<!tpu.dma_semaphore, #tpu.memory_space<semaphore_mem>>, %arg19: memref<!tpu.dma_semaphore, #tpu.memory_space<semaphore_mem>>, %arg20: memref<!tpu.dma_semaphore, #tpu.memory_space<semaphore_mem>>, %arg21: memref<!tpu.dma_semaphore, #tpu.memory_space<semaphore_mem>>, %arg22: memref<!tpu.dma_semaphore, #tpu.memory_space<semaphore_mem>>, %arg23: memref<!tpu.dma_semaphore, #tpu.memory_space<semaphore_mem>>, %arg24: memref<!tpu.dma_semaphore, #tpu.memory_space<semaphore_mem>>, %arg25: memref<!tpu.dma_semaphore, #tpu.memory_space<semaphore_mem>>) attributes {dimension_semantics = [#tpu.dimension_semantics<core_parallel>, #tpu.dimension_semantics<subcore_parallel>], iteration_bounds = array<i64: 2, 16>, scalar_prefetch = 0 : i64, scratch_operands = 19 : i64, tpu.core_type = #tpu.core_type<sc_vector_subcore>, window_params = [{transform_indices = #map}, {transform_indices = #map}, {transform_indices = #map1}, {transform_indices = #map1}, {transform_indices = #map}]} {
    %mul3A = arith.constant 16 : i32
    %mul3A_0 = arith.muli %arg0, %mul3A : i32
    %add3A = arith.addi %mul3A_0, %arg1 : i32
    %mul3A_1 = arith.constant 640 : i32
    %mul3A_2 = arith.muli %arg1, %mul3A_1 : i32
    %lt3A = arith.constant 15 : i32
    %lt3A_3 = arith.cmpi slt, %arg1, %lt3A : i32
    %convert_element_type3A = arith.extui %lt3A_3 : i1 to i32
    %cond3A = arith.constant 0 : i32
    %cond3A_4 = arith.cmpi ne, %convert_element_type3A, %cond3A : i32
    scf.if %cond3A_4 {
      "tpu.region"() ({
        %run_scoped3A = tpu.sem_alloc : memref<!tpu.dma_semaphore, #tpu.memory_space<semaphore_mem>>
        %dma_start3A_219 = arith.constant 0 : i32
        %dma_start3A_220 = tpu.memref_slice %arg13[%mul3A_2, %dma_start3A_219] : memref<10000x128xf32, #tpu.memory_space<vmem_shared>> -> memref<640x128xf32, #tpu.memory_space<vmem_shared>>
        %dma_start3A_221 = arith.constant 0 : i32
        %dma_start3A_222 = tpu.memref_slice %arg5[%mul3A_2, %dma_start3A_221] : memref<10000x128xf32, #tpu.memory_space<hbm>> -> memref<640x128xf32, #tpu.memory_space<hbm>>
        tpu.enqueue_dma source(%dma_start3A_222 : memref<640x128xf32, #tpu.memory_space<hbm>>) target(%dma_start3A_220 : memref<640x128xf32, #tpu.memory_space<vmem_shared>>) target_semaphore(%run_scoped3A : memref<!tpu.dma_semaphore, #tpu.memory_space<semaphore_mem>>)
        %dma_wait3A_223 = arith.constant 0 : i32
        %dma_wait3A_224 = tpu.memref_slice %arg13[%mul3A_2, %dma_wait3A_223] : memref<10000x128xf32, #tpu.memory_space<vmem_shared>> -> memref<640x128xf32, #tpu.memory_space<vmem_shared>>
        %dma_wait3A_225 = arith.constant 0 : i32
        %dma_wait3A_226 = tpu.memref_slice %arg5[%mul3A_2, %dma_wait3A_225] : memref<10000x128xf32, #tpu.memory_space<hbm>> -> memref<640x128xf32, #tpu.memory_space<hbm>>
        tpu.wait_dma2 semaphore(%run_scoped3A : memref<!tpu.dma_semaphore, #tpu.memory_space<semaphore_mem>>) src(%dma_wait3A_226 : memref<640x128xf32, #tpu.memory_space<hbm>>) dst(%dma_wait3A_224 : memref<640x128xf32, #tpu.memory_space<vmem_shared>>)
        tpu.yield
      }) : () -> ()
    } else {
    }
    %eq3A = arith.constant 15 : i32
    %eq3A_5 = arith.cmpi eq, %arg1, %eq3A : i32
    %convert_element_type3A_6 = arith.extui %eq3A_5 : i1 to i32
    %cond3A_7 = arith.constant 0 : i32
    %cond3A_8 = arith.cmpi ne, %convert_element_type3A_6, %cond3A_7 : i32
    scf.if %cond3A_8 {
      "tpu.region"() ({
        %run_scoped3A = tpu.sem_alloc : memref<!tpu.dma_semaphore, #tpu.memory_space<semaphore_mem>>
        %dma_start3A_219 = arith.constant 9600 : i32
        %dma_start3A_220 = arith.constant 0 : i32
        %dma_start3A_221 = tpu.memref_slice %arg13[%dma_start3A_219, %dma_start3A_220] : memref<10000x128xf32, #tpu.memory_space<vmem_shared>> -> memref<400x128xf32, #tpu.memory_space<vmem_shared>>
        %dma_start3A_222 = arith.constant 9600 : i32
        %dma_start3A_223 = arith.constant 0 : i32
        %dma_start3A_224 = tpu.memref_slice %arg5[%dma_start3A_222, %dma_start3A_223] : memref<10000x128xf32, #tpu.memory_space<hbm>> -> memref<400x128xf32, #tpu.memory_space<hbm>>
        tpu.enqueue_dma source(%dma_start3A_224 : memref<400x128xf32, #tpu.memory_space<hbm>>) target(%dma_start3A_221 : memref<400x128xf32, #tpu.memory_space<vmem_shared>>) target_semaphore(%run_scoped3A : memref<!tpu.dma_semaphore, #tpu.memory_space<semaphore_mem>>)
        %dma_wait3A_225 = arith.constant 9600 : i32
        %dma_wait3A_226 = arith.constant 0 : i32
        %dma_wait3A_227 = tpu.memref_slice %arg13[%dma_wait3A_225, %dma_wait3A_226] : memref<10000x128xf32, #tpu.memory_space<vmem_shared>> -> memref<400x128xf32, #tpu.memory_space<vmem_shared>>
        %dma_wait3A_228 = arith.constant 9600 : i32
        %dma_wait3A_229 = arith.constant 0 : i32
        %dma_wait3A_230 = tpu.memref_slice %arg5[%dma_wait3A_228, %dma_wait3A_229] : memref<10000x128xf32, #tpu.memory_space<hbm>> -> memref<400x128xf32, #tpu.memory_space<hbm>>
        tpu.wait_dma2 semaphore(%run_scoped3A : memref<!tpu.dma_semaphore, #tpu.memory_space<semaphore_mem>>) src(%dma_wait3A_230 : memref<400x128xf32, #tpu.memory_space<hbm>>) dst(%dma_wait3A_227 : memref<400x128xf32, #tpu.memory_space<vmem_shared>>)
        tpu.yield
      }) : () -> ()
    } else {
    }
    %barrier3A = arith.constant 0 : index
    tpu.barrier barrier_id(%barrier3A)
    %dma_start3A = arith.constant 0 : i32
    %dma_start3A_9 = arith.constant 0 : i32
    %dma_start3A_10 = arith.constant 0 : i32
    %dma_start3A_11 = tpu.memref_slice %arg7[%dma_start3A_9, %dma_start3A_10] : memref<8x80xi32, #tpu.memory_space<vmem>> -> memref<1x80xi32, #tpu.memory_space<vmem>>
    %dma_start3A_12 = tpu.memref_squeeze %dma_start3A_11 : memref<1x80xi32, #tpu.memory_space<vmem>> -> memref<80xi32, #tpu.memory_space<vmem>>
    %dma_start3A_13 = arith.constant 0 : i32
    %dma_start3A_14 = tpu.memref_slice %arg2[%add3A, %dma_start3A, %dma_start3A_13] : memref<32x125x80xi32, #tpu.memory_space<hbm>> -> memref<1x1x80xi32, #tpu.memory_space<hbm>>
    %dma_start3A_15 = tpu.memref_squeeze %dma_start3A_14 : memref<1x1x80xi32, #tpu.memory_space<hbm>> -> memref<80xi32, #tpu.memory_space<hbm>>
    %dma_start3A_16 = arith.constant 0 : i32
    %dma_start3A_17 = tpu.memref_slice %arg7[%dma_start3A_9, %dma_start3A_16] : memref<8x80xi32, #tpu.memory_space<vmem>> -> memref<1x80xi32, #tpu.memory_space<vmem>>
    %dma_start3A_18 = tpu.memref_squeeze %dma_start3A_17 : memref<1x80xi32, #tpu.memory_space<vmem>> -> memref<80xi32, #tpu.memory_space<vmem>>
    %dma_start3A_19 = arith.constant 0 : i32
    %dma_start3A_20 = tpu.memref_slice %arg2[%add3A, %dma_start3A, %dma_start3A_19] : memref<32x125x80xi32, #tpu.memory_space<hbm>> -> memref<1x1x80xi32, #tpu.memory_space<hbm>>
    %dma_start3A_21 = tpu.memref_squeeze %dma_start3A_20 : memref<1x1x80xi32, #tpu.memory_space<hbm>> -> memref<80xi32, #tpu.memory_space<hbm>>
    tpu.enqueue_dma source(%dma_start3A_21 : memref<80xi32, #tpu.memory_space<hbm>>) target(%dma_start3A_18 : memref<80xi32, #tpu.memory_space<vmem>>) target_semaphore(%arg14 : memref<!tpu.dma_semaphore, #tpu.memory_space<semaphore_mem>>)
    %dma_start3A_22 = arith.constant 0 : i32
    %dma_start3A_23 = arith.constant 0 : i32
    %dma_start3A_24 = arith.constant 0 : i32
    %dma_start3A_25 = tpu.memref_slice %arg8[%dma_start3A_23, %dma_start3A_24] : memref<8x80xi32, #tpu.memory_space<vmem>> -> memref<1x80xi32, #tpu.memory_space<vmem>>
    %dma_start3A_26 = tpu.memref_squeeze %dma_start3A_25 : memref<1x80xi32, #tpu.memory_space<vmem>> -> memref<80xi32, #tpu.memory_space<vmem>>
    %dma_start3A_27 = arith.constant 0 : i32
    %dma_start3A_28 = tpu.memref_slice %arg3[%add3A, %dma_start3A_22, %dma_start3A_27] : memref<32x125x80xi32, #tpu.memory_space<hbm>> -> memref<1x1x80xi32, #tpu.memory_space<hbm>>
    %dma_start3A_29 = tpu.memref_squeeze %dma_start3A_28 : memref<1x1x80xi32, #tpu.memory_space<hbm>> -> memref<80xi32, #tpu.memory_space<hbm>>
    %dma_start3A_30 = arith.constant 0 : i32
    %dma_start3A_31 = tpu.memref_slice %arg8[%dma_start3A_23, %dma_start3A_30] : memref<8x80xi32, #tpu.memory_space<vmem>> -> memref<1x80xi32, #tpu.memory_space<vmem>>
    %dma_start3A_32 = tpu.memref_squeeze %dma_start3A_31 : memref<1x80xi32, #tpu.memory_space<vmem>> -> memref<80xi32, #tpu.memory_space<vmem>>
    %dma_start3A_33 = arith.constant 0 : i32
    %dma_start3A_34 = tpu.memref_slice %arg3[%add3A, %dma_start3A_22, %dma_start3A_33] : memref<32x125x80xi32, #tpu.memory_space<hbm>> -> memref<1x1x80xi32, #tpu.memory_space<hbm>>
    %dma_start3A_35 = tpu.memref_squeeze %dma_start3A_34 : memref<1x1x80xi32, #tpu.memory_space<hbm>> -> memref<80xi32, #tpu.memory_space<hbm>>
    tpu.enqueue_dma source(%dma_start3A_35 : memref<80xi32, #tpu.memory_space<hbm>>) target(%dma_start3A_32 : memref<80xi32, #tpu.memory_space<vmem>>) target_semaphore(%arg14 : memref<!tpu.dma_semaphore, #tpu.memory_space<semaphore_mem>>)
    %dma_start3A_36 = arith.constant 1 : i32
    %dma_start3A_37 = arith.constant 1 : i32
    %dma_start3A_38 = arith.constant 0 : i32
    %dma_start3A_39 = tpu.memref_slice %arg7[%dma_start3A_37, %dma_start3A_38] : memref<8x80xi32, #tpu.memory_space<vmem>> -> memref<1x80xi32, #tpu.memory_space<vmem>>
    %dma_start3A_40 = tpu.memref_squeeze %dma_start3A_39 : memref<1x80xi32, #tpu.memory_space<vmem>> -> memref<80xi32, #tpu.memory_space<vmem>>
    %dma_start3A_41 = arith.constant 0 : i32
    %dma_start3A_42 = tpu.memref_slice %arg2[%add3A, %dma_start3A_36, %dma_start3A_41] : memref<32x125x80xi32, #tpu.memory_space<hbm>> -> memref<1x1x80xi32, #tpu.memory_space<hbm>>
    %dma_start3A_43 = tpu.memref_squeeze %dma_start3A_42 : memref<1x1x80xi32, #tpu.memory_space<hbm>> -> memref<80xi32, #tpu.memory_space<hbm>>
    %dma_start3A_44 = arith.constant 0 : i32
    %dma_start3A_45 = tpu.memref_slice %arg7[%dma_start3A_37, %dma_start3A_44] : memref<8x80xi32, #tpu.memory_space<vmem>> -> memref<1x80xi32, #tpu.memory_space<vmem>>
    %dma_start3A_46 = tpu.memref_squeeze %dma_start3A_45 : memref<1x80xi32, #tpu.memory_space<vmem>> -> memref<80xi32, #tpu.memory_space<vmem>>
    %dma_start3A_47 = arith.constant 0 : i32
    %dma_start3A_48 = tpu.memref_slice %arg2[%add3A, %dma_start3A_36, %dma_start3A_47] : memref<32x125x80xi32, #tpu.memory_space<hbm>> -> memref<1x1x80xi32, #tpu.memory_space<hbm>>
    %dma_start3A_49 = tpu.memref_squeeze %dma_start3A_48 : memref<1x1x80xi32, #tpu.memory_space<hbm>> -> memref<80xi32, #tpu.memory_space<hbm>>
    tpu.enqueue_dma source(%dma_start3A_49 : memref<80xi32, #tpu.memory_space<hbm>>) target(%dma_start3A_46 : memref<80xi32, #tpu.memory_space<vmem>>) target_semaphore(%arg15 : memref<!tpu.dma_semaphore, #tpu.memory_space<semaphore_mem>>)
    %dma_start3A_50 = arith.constant 1 : i32
    %dma_start3A_51 = arith.constant 1 : i32
    %dma_start3A_52 = arith.constant 0 : i32
    %dma_start3A_53 = tpu.memref_slice %arg8[%dma_start3A_51, %dma_start3A_52] : memref<8x80xi32, #tpu.memory_space<vmem>> -> memref<1x80xi32, #tpu.memory_space<vmem>>
    %dma_start3A_54 = tpu.memref_squeeze %dma_start3A_53 : memref<1x80xi32, #tpu.memory_space<vmem>> -> memref<80xi32, #tpu.memory_space<vmem>>
    %dma_start3A_55 = arith.constant 0 : i32
    %dma_start3A_56 = tpu.memref_slice %arg3[%add3A, %dma_start3A_50, %dma_start3A_55] : memref<32x125x80xi32, #tpu.memory_space<hbm>> -> memref<1x1x80xi32, #tpu.memory_space<hbm>>
    %dma_start3A_57 = tpu.memref_squeeze %dma_start3A_56 : memref<1x1x80xi32, #tpu.memory_space<hbm>> -> memref<80xi32, #tpu.memory_space<hbm>>
    %dma_start3A_58 = arith.constant 0 : i32
    %dma_start3A_59 = tpu.memref_slice %arg8[%dma_start3A_51, %dma_start3A_58] : memref<8x80xi32, #tpu.memory_space<vmem>> -> memref<1x80xi32, #tpu.memory_space<vmem>>
    %dma_start3A_60 = tpu.memref_squeeze %dma_start3A_59 : memref<1x80xi32, #tpu.memory_space<vmem>> -> memref<80xi32, #tpu.memory_space<vmem>>
    %dma_start3A_61 = arith.constant 0 : i32
    %dma_start3A_62 = tpu.memref_slice %arg3[%add3A, %dma_start3A_50, %dma_start3A_61] : memref<32x125x80xi32, #tpu.memory_space<hbm>> -> memref<1x1x80xi32, #tpu.memory_space<hbm>>
    %dma_start3A_63 = tpu.memref_squeeze %dma_start3A_62 : memref<1x1x80xi32, #tpu.memory_space<hbm>> -> memref<80xi32, #tpu.memory_space<hbm>>
    tpu.enqueue_dma source(%dma_start3A_63 : memref<80xi32, #tpu.memory_space<hbm>>) target(%dma_start3A_60 : memref<80xi32, #tpu.memory_space<vmem>>) target_semaphore(%arg15 : memref<!tpu.dma_semaphore, #tpu.memory_space<semaphore_mem>>)
    %dma_start3A_64 = arith.constant 2 : i32
    %dma_start3A_65 = arith.constant 2 : i32
    %dma_start3A_66 = arith.constant 0 : i32
    %dma_start3A_67 = tpu.memref_slice %arg7[%dma_start3A_65, %dma_start3A_66] : memref<8x80xi32, #tpu.memory_space<vmem>> -> memref<1x80xi32, #tpu.memory_space<vmem>>
    %dma_start3A_68 = tpu.memref_squeeze %dma_start3A_67 : memref<1x80xi32, #tpu.memory_space<vmem>> -> memref<80xi32, #tpu.memory_space<vmem>>
    %dma_start3A_69 = arith.constant 0 : i32
    %dma_start3A_70 = tpu.memref_slice %arg2[%add3A, %dma_start3A_64, %dma_start3A_69] : memref<32x125x80xi32, #tpu.memory_space<hbm>> -> memref<1x1x80xi32, #tpu.memory_space<hbm>>
    %dma_start3A_71 = tpu.memref_squeeze %dma_start3A_70 : memref<1x1x80xi32, #tpu.memory_space<hbm>> -> memref<80xi32, #tpu.memory_space<hbm>>
    %dma_start3A_72 = arith.constant 0 : i32
    %dma_start3A_73 = tpu.memref_slice %arg7[%dma_start3A_65, %dma_start3A_72] : memref<8x80xi32, #tpu.memory_space<vmem>> -> memref<1x80xi32, #tpu.memory_space<vmem>>
    %dma_start3A_74 = tpu.memref_squeeze %dma_start3A_73 : memref<1x80xi32, #tpu.memory_space<vmem>> -> memref<80xi32, #tpu.memory_space<vmem>>
    %dma_start3A_75 = arith.constant 0 : i32
    %dma_start3A_76 = tpu.memref_slice %arg2[%add3A, %dma_start3A_64, %dma_start3A_75] : memref<32x125x80xi32, #tpu.memory_space<hbm>> -> memref<1x1x80xi32, #tpu.memory_space<hbm>>
    %dma_start3A_77 = tpu.memref_squeeze %dma_start3A_76 : memref<1x1x80xi32, #tpu.memory_space<hbm>> -> memref<80xi32, #tpu.memory_space<hbm>>
    tpu.enqueue_dma source(%dma_start3A_77 : memref<80xi32, #tpu.memory_space<hbm>>) target(%dma_start3A_74 : memref<80xi32, #tpu.memory_space<vmem>>) target_semaphore(%arg16 : memref<!tpu.dma_semaphore, #tpu.memory_space<semaphore_mem>>)
    %dma_start3A_78 = arith.constant 2 : i32
    %dma_start3A_79 = arith.constant 2 : i32
    %dma_start3A_80 = arith.constant 0 : i32
    %dma_start3A_81 = tpu.memref_slice %arg8[%dma_start3A_79, %dma_start3A_80] : memref<8x80xi32, #tpu.memory_space<vmem>> -> memref<1x80xi32, #tpu.memory_space<vmem>>
    %dma_start3A_82 = tpu.memref_squeeze %dma_start3A_81 : memref<1x80xi32, #tpu.memory_space<vmem>> -> memref<80xi32, #tpu.memory_space<vmem>>
    %dma_start3A_83 = arith.constant 0 : i32
    %dma_start3A_84 = tpu.memref_slice %arg3[%add3A, %dma_start3A_78, %dma_start3A_83] : memref<32x125x80xi32, #tpu.memory_space<hbm>> -> memref<1x1x80xi32, #tpu.memory_space<hbm>>
    %dma_start3A_85 = tpu.memref_squeeze %dma_start3A_84 : memref<1x1x80xi32, #tpu.memory_space<hbm>> -> memref<80xi32, #tpu.memory_space<hbm>>
    %dma_start3A_86 = arith.constant 0 : i32
    %dma_start3A_87 = tpu.memref_slice %arg8[%dma_start3A_79, %dma_start3A_86] : memref<8x80xi32, #tpu.memory_space<vmem>> -> memref<1x80xi32, #tpu.memory_space<vmem>>
    %dma_start3A_88 = tpu.memref_squeeze %dma_start3A_87 : memref<1x80xi32, #tpu.memory_space<vmem>> -> memref<80xi32, #tpu.memory_space<vmem>>
    %dma_start3A_89 = arith.constant 0 : i32
    %dma_start3A_90 = tpu.memref_slice %arg3[%add3A, %dma_start3A_78, %dma_start3A_89] : memref<32x125x80xi32, #tpu.memory_space<hbm>> -> memref<1x1x80xi32, #tpu.memory_space<hbm>>
    %dma_start3A_91 = tpu.memref_squeeze %dma_start3A_90 : memref<1x1x80xi32, #tpu.memory_space<hbm>> -> memref<80xi32, #tpu.memory_space<hbm>>
    tpu.enqueue_dma source(%dma_start3A_91 : memref<80xi32, #tpu.memory_space<hbm>>) target(%dma_start3A_88 : memref<80xi32, #tpu.memory_space<vmem>>) target_semaphore(%arg16 : memref<!tpu.dma_semaphore, #tpu.memory_space<semaphore_mem>>)
    %dma_start3A_92 = arith.constant 3 : i32
    %dma_start3A_93 = arith.constant 3 : i32
    %dma_start3A_94 = arith.constant 0 : i32
    %dma_start3A_95 = tpu.memref_slice %arg7[%dma_start3A_93, %dma_start3A_94] : memref<8x80xi32, #tpu.memory_space<vmem>> -> memref<1x80xi32, #tpu.memory_space<vmem>>
    %dma_start3A_96 = tpu.memref_squeeze %dma_start3A_95 : memref<1x80xi32, #tpu.memory_space<vmem>> -> memref<80xi32, #tpu.memory_space<vmem>>
    %dma_start3A_97 = arith.constant 0 : i32
    %dma_start3A_98 = tpu.memref_slice %arg2[%add3A, %dma_start3A_92, %dma_start3A_97] : memref<32x125x80xi32, #tpu.memory_space<hbm>> -> memref<1x1x80xi32, #tpu.memory_space<hbm>>
    %dma_start3A_99 = tpu.memref_squeeze %dma_start3A_98 : memref<1x1x80xi32, #tpu.memory_space<hbm>> -> memref<80xi32, #tpu.memory_space<hbm>>
    %dma_start3A_100 = arith.constant 0 : i32
    %dma_start3A_101 = tpu.memref_slice %arg7[%dma_start3A_93, %dma_start3A_100] : memref<8x80xi32, #tpu.memory_space<vmem>> -> memref<1x80xi32, #tpu.memory_space<vmem>>
    %dma_start3A_102 = tpu.memref_squeeze %dma_start3A_101 : memref<1x80xi32, #tpu.memory_space<vmem>> -> memref<80xi32, #tpu.memory_space<vmem>>
    %dma_start3A_103 = arith.constant 0 : i32
    %dma_start3A_104 = tpu.memref_slice %arg2[%add3A, %dma_start3A_92, %dma_start3A_103] : memref<32x125x80xi32, #tpu.memory_space<hbm>> -> memref<1x1x80xi32, #tpu.memory_space<hbm>>
    %dma_start3A_105 = tpu.memref_squeeze %dma_start3A_104 : memref<1x1x80xi32, #tpu.memory_space<hbm>> -> memref<80xi32, #tpu.memory_space<hbm>>
    tpu.enqueue_dma source(%dma_start3A_105 : memref<80xi32, #tpu.memory_space<hbm>>) target(%dma_start3A_102 : memref<80xi32, #tpu.memory_space<vmem>>) target_semaphore(%arg17 : memref<!tpu.dma_semaphore, #tpu.memory_space<semaphore_mem>>)
    %dma_start3A_106 = arith.constant 3 : i32
    %dma_start3A_107 = arith.constant 3 : i32
    %dma_start3A_108 = arith.constant 0 : i32
    %dma_start3A_109 = tpu.memref_slice %arg8[%dma_start3A_107, %dma_start3A_108] : memref<8x80xi32, #tpu.memory_space<vmem>> -> memref<1x80xi32, #tpu.memory_space<vmem>>
    %dma_start3A_110 = tpu.memref_squeeze %dma_start3A_109 : memref<1x80xi32, #tpu.memory_space<vmem>> -> memref<80xi32, #tpu.memory_space<vmem>>
    %dma_start3A_111 = arith.constant 0 : i32
    %dma_start3A_112 = tpu.memref_slice %arg3[%add3A, %dma_start3A_106, %dma_start3A_111] : memref<32x125x80xi32, #tpu.memory_space<hbm>> -> memref<1x1x80xi32, #tpu.memory_space<hbm>>
    %dma_start3A_113 = tpu.memref_squeeze %dma_start3A_112 : memref<1x1x80xi32, #tpu.memory_space<hbm>> -> memref<80xi32, #tpu.memory_space<hbm>>
    %dma_start3A_114 = arith.constant 0 : i32
    %dma_start3A_115 = tpu.memref_slice %arg8[%dma_start3A_107, %dma_start3A_114] : memref<8x80xi32, #tpu.memory_space<vmem>> -> memref<1x80xi32, #tpu.memory_space<vmem>>
    %dma_start3A_116 = tpu.memref_squeeze %dma_start3A_115 : memref<1x80xi32, #tpu.memory_space<vmem>> -> memref<80xi32, #tpu.memory_space<vmem>>
    %dma_start3A_117 = arith.constant 0 : i32
    %dma_start3A_118 = tpu.memref_slice %arg3[%add3A, %dma_start3A_106, %dma_start3A_117] : memref<32x125x80xi32, #tpu.memory_space<hbm>> -> memref<1x1x80xi32, #tpu.memory_space<hbm>>
    %dma_start3A_119 = tpu.memref_squeeze %dma_start3A_118 : memref<1x1x80xi32, #tpu.memory_space<hbm>> -> memref<80xi32, #tpu.memory_space<hbm>>
    tpu.enqueue_dma source(%dma_start3A_119 : memref<80xi32, #tpu.memory_space<hbm>>) target(%dma_start3A_116 : memref<80xi32, #tpu.memory_space<vmem>>) target_semaphore(%arg17 : memref<!tpu.dma_semaphore, #tpu.memory_space<semaphore_mem>>)
    %scan3A = arith.constant 0 : i32
    %scan3A_120 = arith.constant 0 : i32
    %scan3A_121 = arith.constant 31 : i32
    %scan3A_122 = arith.addi %scan3A_120, %scan3A_121 : i32
    %scan3A_123 = arith.constant 1 : i32
    scf.for %scan3A_219 = %scan3A_120 to %scan3A_122 step %scan3A_123  : i32 {
      %mul3A_220 = arith.constant 4 : i32
      %mul3A_221 = arith.muli %scan3A_219, %mul3A_220 : i32
      %jit3A = arith.constant 2 : i32
      %eq3A_222 = arith.constant 0 : i32
      %eq3A_223 = arith.cmpi eq, %jit3A, %eq3A_222 : i32
      %jit3A_224 = arith.constant 1 : i32
      %select_n3A = arith.select %eq3A_223, %jit3A_224, %jit3A : i32
      %rem3A = arith.remsi %scan3A_219, %select_n3A : i32
      %ne3A = arith.constant 0 : i32
      %ne3A_225 = arith.cmpi ne, %rem3A, %ne3A : i32
      %lt3A_226 = arith.constant 0 : i32
      %lt3A_227 = arith.cmpi slt, %rem3A, %lt3A_226 : i32
      %lt3A_228 = arith.constant 0 : i32
      %lt3A_229 = arith.cmpi slt, %select_n3A, %lt3A_228 : i32
      %ne3A_230 = arith.xori %lt3A_227, %lt3A_229 : i1
      %and3A = arith.andi %ne3A_230, %ne3A_225 : i1
      %add3A_231 = arith.addi %rem3A, %select_n3A : i32
      %select_n3A_232 = arith.select %and3A, %add3A_231, %rem3A : i32
      %mul3A_233 = arith.constant 4 : i32
      %mul3A_234 = arith.muli %select_n3A_232, %mul3A_233 : i32
      %add3A_235 = arith.constant 1 : i32
      %add3A_236 = arith.addi %scan3A_219, %add3A_235 : i32
      %jit3A_237 = arith.constant 2 : i32
      %eq3A_238 = arith.constant 0 : i32
      %eq3A_239 = arith.cmpi eq, %jit3A_237, %eq3A_238 : i32
      %jit3A_240 = arith.constant 1 : i32
      %select_n3A_241 = arith.select %eq3A_239, %jit3A_240, %jit3A_237 : i32
      %rem3A_242 = arith.remsi %add3A_236, %select_n3A_241 : i32
      %ne3A_243 = arith.constant 0 : i32
      %ne3A_244 = arith.cmpi ne, %rem3A_242, %ne3A_243 : i32
      %lt3A_245 = arith.constant 0 : i32
      %lt3A_246 = arith.cmpi slt, %rem3A_242, %lt3A_245 : i32
      %lt3A_247 = arith.constant 0 : i32
      %lt3A_248 = arith.cmpi slt, %select_n3A_241, %lt3A_247 : i32
      %ne3A_249 = arith.xori %lt3A_246, %lt3A_248 : i1
      %and3A_250 = arith.andi %ne3A_249, %ne3A_244 : i1
      %add3A_251 = arith.addi %rem3A_242, %select_n3A_241 : i32
      %select_n3A_252 = arith.select %and3A_250, %add3A_251, %rem3A_242 : i32
      %mul3A_253 = arith.constant 4 : i32
      %mul3A_254 = arith.muli %select_n3A_252, %mul3A_253 : i32
      %add3A_255 = arith.constant 0 : i32
      %add3A_256 = arith.addi %mul3A_234, %add3A_255 : i32
      %dma_wait3A_257 = arith.constant 0 : i32
      %dma_wait3A_258 = arith.constant 0 : i32
      %dma_wait3A_259 = tpu.memref_slice %arg7[%add3A_256, %dma_wait3A_258] : memref<8x80xi32, #tpu.memory_space<vmem>> -> memref<1x80xi32, #tpu.memory_space<vmem>>
      %dma_wait3A_260 = tpu.memref_squeeze %dma_wait3A_259 : memref<1x80xi32, #tpu.memory_space<vmem>> -> memref<80xi32, #tpu.memory_space<vmem>>
      %dma_wait3A_261 = arith.constant 0 : i32
      %dma_wait3A_262 = tpu.memref_slice %arg2[%add3A, %dma_wait3A_257, %dma_wait3A_261] : memref<32x125x80xi32, #tpu.memory_space<hbm>> -> memref<1x1x80xi32, #tpu.memory_space<hbm>>
      %dma_wait3A_263 = tpu.memref_squeeze %dma_wait3A_262 : memref<1x1x80xi32, #tpu.memory_space<hbm>> -> memref<80xi32, #tpu.memory_space<hbm>>
      %dma_wait3A_264 = arith.constant 0 : i32
      %dma_wait3A_265 = tpu.memref_slice %arg7[%add3A_256, %dma_wait3A_264] : memref<8x80xi32, #tpu.memory_space<vmem>> -> memref<1x80xi32, #tpu.memory_space<vmem>>
      %dma_wait3A_266 = tpu.memref_squeeze %dma_wait3A_265 : memref<1x80xi32, #tpu.memory_space<vmem>> -> memref<80xi32, #tpu.memory_space<vmem>>
      %dma_wait3A_267 = arith.constant 0 : i32
      %dma_wait3A_268 = tpu.memref_slice %arg2[%add3A, %dma_wait3A_257, %dma_wait3A_267] : memref<32x125x80xi32, #tpu.memory_space<hbm>> -> memref<1x1x80xi32, #tpu.memory_space<hbm>>
      %dma_wait3A_269 = tpu.memref_squeeze %dma_wait3A_268 : memref<1x1x80xi32, #tpu.memory_space<hbm>> -> memref<80xi32, #tpu.memory_space<hbm>>
      tpu.wait_dma2 semaphore(%arg14 : memref<!tpu.dma_semaphore, #tpu.memory_space<semaphore_mem>>) src(%dma_wait3A_269 : memref<80xi32, #tpu.memory_space<hbm>>) dst(%dma_wait3A_266 : memref<80xi32, #tpu.memory_space<vmem>>)
      %dma_wait3A_270 = arith.constant 0 : i32
      %dma_wait3A_271 = arith.constant 0 : i32
      %dma_wait3A_272 = tpu.memref_slice %arg8[%add3A_256, %dma_wait3A_271] : memref<8x80xi32, #tpu.memory_space<vmem>> -> memref<1x80xi32, #tpu.memory_space<vmem>>
      %dma_wait3A_273 = tpu.memref_squeeze %dma_wait3A_272 : memref<1x80xi32, #tpu.memory_space<vmem>> -> memref<80xi32, #tpu.memory_space<vmem>>
      %dma_wait3A_274 = arith.constant 0 : i32
      %dma_wait3A_275 = tpu.memref_slice %arg3[%add3A, %dma_wait3A_270, %dma_wait3A_274] : memref<32x125x80xi32, #tpu.memory_space<hbm>> -> memref<1x1x80xi32, #tpu.memory_space<hbm>>
      %dma_wait3A_276 = tpu.memref_squeeze %dma_wait3A_275 : memref<1x1x80xi32, #tpu.memory_space<hbm>> -> memref<80xi32, #tpu.memory_space<hbm>>
      %dma_wait3A_277 = arith.constant 0 : i32
      %dma_wait3A_278 = tpu.memref_slice %arg8[%add3A_256, %dma_wait3A_277] : memref<8x80xi32, #tpu.memory_space<vmem>> -> memref<1x80xi32, #tpu.memory_space<vmem>>
      %dma_wait3A_279 = tpu.memref_squeeze %dma_wait3A_278 : memref<1x80xi32, #tpu.memory_space<vmem>> -> memref<80xi32, #tpu.memory_space<vmem>>
      %dma_wait3A_280 = arith.constant 0 : i32
      %dma_wait3A_281 = tpu.memref_slice %arg3[%add3A, %dma_wait3A_270, %dma_wait3A_280] : memref<32x125x80xi32, #tpu.memory_space<hbm>> -> memref<1x1x80xi32, #tpu.memory_space<hbm>>
      %dma_wait3A_282 = tpu.memref_squeeze %dma_wait3A_281 : memref<1x1x80xi32, #tpu.memory_space<hbm>> -> memref<80xi32, #tpu.memory_space<hbm>>
      tpu.wait_dma2 semaphore(%arg14 : memref<!tpu.dma_semaphore, #tpu.memory_space<semaphore_mem>>) src(%dma_wait3A_282 : memref<80xi32, #tpu.memory_space<hbm>>) dst(%dma_wait3A_279 : memref<80xi32, #tpu.memory_space<vmem>>)
      %gt3A = arith.constant 0 : i32
      %gt3A_283 = arith.cmpi sgt, %scan3A_219, %gt3A : i32
      %convert_element_type3A_284 = arith.extui %gt3A_283 : i1 to i32
      %cond3A_285 = arith.constant 0 : i32
      %cond3A_286 = arith.cmpi ne, %convert_element_type3A_284, %cond3A_285 : i32
      scf.if %cond3A_286 {
        %dma_wait3A_514 = arith.constant 0 : i32
        %dma_wait3A_515 = arith.constant 0 : i32
        %dma_wait3A_516 = tpu.memref_slice %arg8[%dma_wait3A_514, %dma_wait3A_515] : memref<8x80xi32, #tpu.memory_space<vmem>> -> memref<1x80xi32, #tpu.memory_space<vmem>>
        %dma_wait3A_517 = tpu.memref_squeeze %dma_wait3A_516 : memref<1x80xi32, #tpu.memory_space<vmem>> -> memref<80xi32, #tpu.memory_space<vmem>>
        %dma_wait3A_518 = arith.constant 0 : i32
        %dma_wait3A_519 = arith.constant 0 : i32
        %dma_wait3A_520 = tpu.memref_slice %arg13[%dma_wait3A_518, %dma_wait3A_519] : memref<10000x128xf32, #tpu.memory_space<vmem_shared>> -> memref<10000x128xf32, #tpu.memory_space<vmem_shared>>
        tpu.wait_indirect_dma semaphore(%arg22 : memref<!tpu.dma_semaphore, #tpu.memory_space<semaphore_mem>>) src(%arg9 : memref<80x128xf32, #tpu.memory_space<vmem>>) dst(%dma_wait3A_520 : memref<10000x128xf32, #tpu.memory_space<vmem_shared>>)
      } else {
      }
      %add3A_287 = arith.constant 0 : i32
      %add3A_288 = arith.addi %mul3A_234, %add3A_287 : i32
      %dma_start3A_289 = arith.constant 0 : i32
      %dma_start3A_290 = tpu.memref_slice %arg7[%add3A_288, %dma_start3A_289] : memref<8x80xi32, #tpu.memory_space<vmem>> -> memref<1x80xi32, #tpu.memory_space<vmem>>
      %dma_start3A_291 = tpu.memref_squeeze %dma_start3A_290 : memref<1x80xi32, #tpu.memory_space<vmem>> -> memref<80xi32, #tpu.memory_space<vmem>>
      %dma_start3A_292 = arith.constant 0 : i32
      %dma_start3A_293 = arith.constant 0 : i32
      %dma_start3A_294 = tpu.memref_slice %arg4[%dma_start3A_292, %dma_start3A_293] : memref<10000x128xf32, #tpu.memory_space<hbm>> -> memref<10000x128xf32, #tpu.memory_space<hbm>>
      tpu.enqueue_indirect_dma source(%dma_start3A_294 : memref<10000x128xf32, #tpu.memory_space<hbm>>) target(%arg9 : memref<80x128xf32, #tpu.memory_space<vmem>>) offsets(%dma_start3A_291 : memref<80xi32, #tpu.memory_space<vmem>>) semaphore(%arg18 : memref<!tpu.dma_semaphore, #tpu.memory_space<semaphore_mem>>)
      %add3A_295 = arith.constant 1 : i32
      %add3A_296 = arith.addi %mul3A_234, %add3A_295 : i32
      %dma_wait3A_297 = arith.constant 0 : i32
      %dma_wait3A_298 = arith.constant 0 : i32
      %dma_wait3A_299 = tpu.memref_slice %arg7[%add3A_296, %dma_wait3A_298] : memref<8x80xi32, #tpu.memory_space<vmem>> -> memref<1x80xi32, #tpu.memory_space<vmem>>
      %dma_wait3A_300 = tpu.memref_squeeze %dma_wait3A_299 : memref<1x80xi32, #tpu.memory_space<vmem>> -> memref<80xi32, #tpu.memory_space<vmem>>
      %dma_wait3A_301 = arith.constant 0 : i32
      %dma_wait3A_302 = tpu.memref_slice %arg2[%add3A, %dma_wait3A_297, %dma_wait3A_301] : memref<32x125x80xi32, #tpu.memory_space<hbm>> -> memref<1x1x80xi32, #tpu.memory_space<hbm>>
      %dma_wait3A_303 = tpu.memref_squeeze %dma_wait3A_302 : memref<1x1x80xi32, #tpu.memory_space<hbm>> -> memref<80xi32, #tpu.memory_space<hbm>>
      %dma_wait3A_304 = arith.constant 0 : i32
      %dma_wait3A_305 = tpu.memref_slice %arg7[%add3A_296, %dma_wait3A_304] : memref<8x80xi32, #tpu.memory_space<vmem>> -> memref<1x80xi32, #tpu.memory_space<vmem>>
      %dma_wait3A_306 = tpu.memref_squeeze %dma_wait3A_305 : memref<1x80xi32, #tpu.memory_space<vmem>> -> memref<80xi32, #tpu.memory_space<vmem>>
      %dma_wait3A_307 = arith.constant 0 : i32
      %dma_wait3A_308 = tpu.memref_slice %arg2[%add3A, %dma_wait3A_297, %dma_wait3A_307] : memref<32x125x80xi32, #tpu.memory_space<hbm>> -> memref<1x1x80xi32, #tpu.memory_space<hbm>>
      %dma_wait3A_309 = tpu.memref_squeeze %dma_wait3A_308 : memref<1x1x80xi32, #tpu.memory_space<hbm>> -> memref<80xi32, #tpu.memory_space<hbm>>
      tpu.wait_dma2 semaphore(%arg15 : memref<!tpu.dma_semaphore, #tpu.memory_space<semaphore_mem>>) src(%dma_wait3A_309 : memref<80xi32, #tpu.memory_space<hbm>>) dst(%dma_wait3A_306 : memref<80xi32, #tpu.memory_space<vmem>>)
      %dma_wait3A_310 = arith.constant 0 : i32
      %dma_wait3A_311 = arith.constant 0 : i32
      %dma_wait3A_312 = tpu.memref_slice %arg8[%add3A_296, %dma_wait3A_311] : memref<8x80xi32, #tpu.memory_space<vmem>> -> memref<1x80xi32, #tpu.memory_space<vmem>>
      %dma_wait3A_313 = tpu.memref_squeeze %dma_wait3A_312 : memref<1x80xi32, #tpu.memory_space<vmem>> -> memref<80xi32, #tpu.memory_space<vmem>>
      %dma_wait3A_314 = arith.constant 0 : i32
      %dma_wait3A_315 = tpu.memref_slice %arg3[%add3A, %dma_wait3A_310, %dma_wait3A_314] : memref<32x125x80xi32, #tpu.memory_space<hbm>> -> memref<1x1x80xi32, #tpu.memory_space<hbm>>
      %dma_wait3A_316 = tpu.memref_squeeze %dma_wait3A_315 : memref<1x1x80xi32, #tpu.memory_space<hbm>> -> memref<80xi32, #tpu.memory_space<hbm>>
      %dma_wait3A_317 = arith.constant 0 : i32
      %dma_wait3A_318 = tpu.memref_slice %arg8[%add3A_296, %dma_wait3A_317] : memref<8x80xi32, #tpu.memory_space<vmem>> -> memref<1x80xi32, #tpu.memory_space<vmem>>
      %dma_wait3A_319 = tpu.memref_squeeze %dma_wait3A_318 : memref<1x80xi32, #tpu.memory_space<vmem>> -> memref<80xi32, #tpu.memory_space<vmem>>
      %dma_wait3A_320 = arith.constant 0 : i32
      %dma_wait3A_321 = tpu.memref_slice %arg3[%add3A, %dma_wait3A_310, %dma_wait3A_320] : memref<32x125x80xi32, #tpu.memory_space<hbm>> -> memref<1x1x80xi32, #tpu.memory_space<hbm>>
      %dma_wait3A_322 = tpu.memref_squeeze %dma_wait3A_321 : memref<1x1x80xi32, #tpu.memory_space<hbm>> -> memref<80xi32, #tpu.memory_space<hbm>>
      tpu.wait_dma2 semaphore(%arg15 : memref<!tpu.dma_semaphore, #tpu.memory_space<semaphore_mem>>) src(%dma_wait3A_322 : memref<80xi32, #tpu.memory_space<hbm>>) dst(%dma_wait3A_319 : memref<80xi32, #tpu.memory_space<vmem>>)
      %gt3A_323 = arith.constant 0 : i32
      %gt3A_324 = arith.cmpi sgt, %scan3A_219, %gt3A_323 : i32
      %convert_element_type3A_325 = arith.extui %gt3A_324 : i1 to i32
      %cond3A_326 = arith.constant 0 : i32
      %cond3A_327 = arith.cmpi ne, %convert_element_type3A_325, %cond3A_326 : i32
      scf.if %cond3A_327 {
        %dma_wait3A_514 = arith.constant 1 : i32
        %dma_wait3A_515 = arith.constant 0 : i32
        %dma_wait3A_516 = tpu.memref_slice %arg8[%dma_wait3A_514, %dma_wait3A_515] : memref<8x80xi32, #tpu.memory_space<vmem>> -> memref<1x80xi32, #tpu.memory_space<vmem>>
        %dma_wait3A_517 = tpu.memref_squeeze %dma_wait3A_516 : memref<1x80xi32, #tpu.memory_space<vmem>> -> memref<80xi32, #tpu.memory_space<vmem>>
        %dma_wait3A_518 = arith.constant 0 : i32
        %dma_wait3A_519 = arith.constant 0 : i32
        %dma_wait3A_520 = tpu.memref_slice %arg13[%dma_wait3A_518, %dma_wait3A_519] : memref<10000x128xf32, #tpu.memory_space<vmem_shared>> -> memref<10000x128xf32, #tpu.memory_space<vmem_shared>>
        tpu.wait_indirect_dma semaphore(%arg23 : memref<!tpu.dma_semaphore, #tpu.memory_space<semaphore_mem>>) src(%arg10 : memref<80x128xf32, #tpu.memory_space<vmem>>) dst(%dma_wait3A_520 : memref<10000x128xf32, #tpu.memory_space<vmem_shared>>)
      } else {
      }
      %add3A_328 = arith.constant 1 : i32
      %add3A_329 = arith.addi %mul3A_234, %add3A_328 : i32
      %dma_start3A_330 = arith.constant 0 : i32
      %dma_start3A_331 = tpu.memref_slice %arg7[%add3A_329, %dma_start3A_330] : memref<8x80xi32, #tpu.memory_space<vmem>> -> memref<1x80xi32, #tpu.memory_space<vmem>>
      %dma_start3A_332 = tpu.memref_squeeze %dma_start3A_331 : memref<1x80xi32, #tpu.memory_space<vmem>> -> memref<80xi32, #tpu.memory_space<vmem>>
      %dma_start3A_333 = arith.constant 0 : i32
      %dma_start3A_334 = arith.constant 0 : i32
      %dma_start3A_335 = tpu.memref_slice %arg4[%dma_start3A_333, %dma_start3A_334] : memref<10000x128xf32, #tpu.memory_space<hbm>> -> memref<10000x128xf32, #tpu.memory_space<hbm>>
      tpu.enqueue_indirect_dma source(%dma_start3A_335 : memref<10000x128xf32, #tpu.memory_space<hbm>>) target(%arg10 : memref<80x128xf32, #tpu.memory_space<vmem>>) offsets(%dma_start3A_332 : memref<80xi32, #tpu.memory_space<vmem>>) semaphore(%arg19 : memref<!tpu.dma_semaphore, #tpu.memory_space<semaphore_mem>>)
      %add3A_336 = arith.constant 2 : i32
      %add3A_337 = arith.addi %mul3A_234, %add3A_336 : i32
      %dma_wait3A_338 = arith.constant 0 : i32
      %dma_wait3A_339 = arith.constant 0 : i32
      %dma_wait3A_340 = tpu.memref_slice %arg7[%add3A_337, %dma_wait3A_339] : memref<8x80xi32, #tpu.memory_space<vmem>> -> memref<1x80xi32, #tpu.memory_space<vmem>>
      %dma_wait3A_341 = tpu.memref_squeeze %dma_wait3A_340 : memref<1x80xi32, #tpu.memory_space<vmem>> -> memref<80xi32, #tpu.memory_space<vmem>>
      %dma_wait3A_342 = arith.constant 0 : i32
      %dma_wait3A_343 = tpu.memref_slice %arg2[%add3A, %dma_wait3A_338, %dma_wait3A_342] : memref<32x125x80xi32, #tpu.memory_space<hbm>> -> memref<1x1x80xi32, #tpu.memory_space<hbm>>
      %dma_wait3A_344 = tpu.memref_squeeze %dma_wait3A_343 : memref<1x1x80xi32, #tpu.memory_space<hbm>> -> memref<80xi32, #tpu.memory_space<hbm>>
      %dma_wait3A_345 = arith.constant 0 : i32
      %dma_wait3A_346 = tpu.memref_slice %arg7[%add3A_337, %dma_wait3A_345] : memref<8x80xi32, #tpu.memory_space<vmem>> -> memref<1x80xi32, #tpu.memory_space<vmem>>
      %dma_wait3A_347 = tpu.memref_squeeze %dma_wait3A_346 : memref<1x80xi32, #tpu.memory_space<vmem>> -> memref<80xi32, #tpu.memory_space<vmem>>
      %dma_wait3A_348 = arith.constant 0 : i32
      %dma_wait3A_349 = tpu.memref_slice %arg2[%add3A, %dma_wait3A_338, %dma_wait3A_348] : memref<32x125x80xi32, #tpu.memory_space<hbm>> -> memref<1x1x80xi32, #tpu.memory_space<hbm>>
      %dma_wait3A_350 = tpu.memref_squeeze %dma_wait3A_349 : memref<1x1x80xi32, #tpu.memory_space<hbm>> -> memref<80xi32, #tpu.memory_space<hbm>>
      tpu.wait_dma2 semaphore(%arg16 : memref<!tpu.dma_semaphore, #tpu.memory_space<semaphore_mem>>) src(%dma_wait3A_350 : memref<80xi32, #tpu.memory_space<hbm>>) dst(%dma_wait3A_347 : memref<80xi32, #tpu.memory_space<vmem>>)
      %dma_wait3A_351 = arith.constant 0 : i32
      %dma_wait3A_352 = arith.constant 0 : i32
      %dma_wait3A_353 = tpu.memref_slice %arg8[%add3A_337, %dma_wait3A_352] : memref<8x80xi32, #tpu.memory_space<vmem>> -> memref<1x80xi32, #tpu.memory_space<vmem>>
      %dma_wait3A_354 = tpu.memref_squeeze %dma_wait3A_353 : memref<1x80xi32, #tpu.memory_space<vmem>> -> memref<80xi32, #tpu.memory_space<vmem>>
      %dma_wait3A_355 = arith.constant 0 : i32
      %dma_wait3A_356 = tpu.memref_slice %arg3[%add3A, %dma_wait3A_351, %dma_wait3A_355] : memref<32x125x80xi32, #tpu.memory_space<hbm>> -> memref<1x1x80xi32, #tpu.memory_space<hbm>>
      %dma_wait3A_357 = tpu.memref_squeeze %dma_wait3A_356 : memref<1x1x80xi32, #tpu.memory_space<hbm>> -> memref<80xi32, #tpu.memory_space<hbm>>
      %dma_wait3A_358 = arith.constant 0 : i32
      %dma_wait3A_359 = tpu.memref_slice %arg8[%add3A_337, %dma_wait3A_358] : memref<8x80xi32, #tpu.memory_space<vmem>> -> memref<1x80xi32, #tpu.memory_space<vmem>>
      %dma_wait3A_360 = tpu.memref_squeeze %dma_wait3A_359 : memref<1x80xi32, #tpu.memory_space<vmem>> -> memref<80xi32, #tpu.memory_space<vmem>>
      %dma_wait3A_361 = arith.constant 0 : i32
      %dma_wait3A_362 = tpu.memref_slice %arg3[%add3A, %dma_wait3A_351, %dma_wait3A_361] : memref<32x125x80xi32, #tpu.memory_space<hbm>> -> memref<1x1x80xi32, #tpu.memory_space<hbm>>
      %dma_wait3A_363 = tpu.memref_squeeze %dma_wait3A_362 : memref<1x1x80xi32, #tpu.memory_space<hbm>> -> memref<80xi32, #tpu.memory_space<hbm>>
      tpu.wait_dma2 semaphore(%arg16 : memref<!tpu.dma_semaphore, #tpu.memory_space<semaphore_mem>>) src(%dma_wait3A_363 : memref<80xi32, #tpu.memory_space<hbm>>) dst(%dma_wait3A_360 : memref<80xi32, #tpu.memory_space<vmem>>)
      %gt3A_364 = arith.constant 0 : i32
      %gt3A_365 = arith.cmpi sgt, %scan3A_219, %gt3A_364 : i32
      %convert_element_type3A_366 = arith.extui %gt3A_365 : i1 to i32
      %cond3A_367 = arith.constant 0 : i32
      %cond3A_368 = arith.cmpi ne, %convert_element_type3A_366, %cond3A_367 : i32
      scf.if %cond3A_368 {
        %dma_wait3A_514 = arith.constant 2 : i32
        %dma_wait3A_515 = arith.constant 0 : i32
        %dma_wait3A_516 = tpu.memref_slice %arg8[%dma_wait3A_514, %dma_wait3A_515] : memref<8x80xi32, #tpu.memory_space<vmem>> -> memref<1x80xi32, #tpu.memory_space<vmem>>
        %dma_wait3A_517 = tpu.memref_squeeze %dma_wait3A_516 : memref<1x80xi32, #tpu.memory_space<vmem>> -> memref<80xi32, #tpu.memory_space<vmem>>
        %dma_wait3A_518 = arith.constant 0 : i32
        %dma_wait3A_519 = arith.constant 0 : i32
        %dma_wait3A_520 = tpu.memref_slice %arg13[%dma_wait3A_518, %dma_wait3A_519] : memref<10000x128xf32, #tpu.memory_space<vmem_shared>> -> memref<10000x128xf32, #tpu.memory_space<vmem_shared>>
        tpu.wait_indirect_dma semaphore(%arg24 : memref<!tpu.dma_semaphore, #tpu.memory_space<semaphore_mem>>) src(%arg11 : memref<80x128xf32, #tpu.memory_space<vmem>>) dst(%dma_wait3A_520 : memref<10000x128xf32, #tpu.memory_space<vmem_shared>>)
      } else {
      }
      %add3A_369 = arith.constant 2 : i32
      %add3A_370 = arith.addi %mul3A_234, %add3A_369 : i32
      %dma_start3A_371 = arith.constant 0 : i32
      %dma_start3A_372 = tpu.memref_slice %arg7[%add3A_370, %dma_start3A_371] : memref<8x80xi32, #tpu.memory_space<vmem>> -> memref<1x80xi32, #tpu.memory_space<vmem>>
      %dma_start3A_373 = tpu.memref_squeeze %dma_start3A_372 : memref<1x80xi32, #tpu.memory_space<vmem>> -> memref<80xi32, #tpu.memory_space<vmem>>
      %dma_start3A_374 = arith.constant 0 : i32
      %dma_start3A_375 = arith.constant 0 : i32
      %dma_start3A_376 = tpu.memref_slice %arg4[%dma_start3A_374, %dma_start3A_375] : memref<10000x128xf32, #tpu.memory_space<hbm>> -> memref<10000x128xf32, #tpu.memory_space<hbm>>
      tpu.enqueue_indirect_dma source(%dma_start3A_376 : memref<10000x128xf32, #tpu.memory_space<hbm>>) target(%arg11 : memref<80x128xf32, #tpu.memory_space<vmem>>) offsets(%dma_start3A_373 : memref<80xi32, #tpu.memory_space<vmem>>) semaphore(%arg20 : memref<!tpu.dma_semaphore, #tpu.memory_space<semaphore_mem>>)
      %add3A_377 = arith.constant 3 : i32
      %add3A_378 = arith.addi %mul3A_234, %add3A_377 : i32
      %dma_wait3A_379 = arith.constant 0 : i32
      %dma_wait3A_380 = arith.constant 0 : i32
      %dma_wait3A_381 = tpu.memref_slice %arg7[%add3A_378, %dma_wait3A_380] : memref<8x80xi32, #tpu.memory_space<vmem>> -> memref<1x80xi32, #tpu.memory_space<vmem>>
      %dma_wait3A_382 = tpu.memref_squeeze %dma_wait3A_381 : memref<1x80xi32, #tpu.memory_space<vmem>> -> memref<80xi32, #tpu.memory_space<vmem>>
      %dma_wait3A_383 = arith.constant 0 : i32
      %dma_wait3A_384 = tpu.memref_slice %arg2[%add3A, %dma_wait3A_379, %dma_wait3A_383] : memref<32x125x80xi32, #tpu.memory_space<hbm>> -> memref<1x1x80xi32, #tpu.memory_space<hbm>>
      %dma_wait3A_385 = tpu.memref_squeeze %dma_wait3A_384 : memref<1x1x80xi32, #tpu.memory_space<hbm>> -> memref<80xi32, #tpu.memory_space<hbm>>
      %dma_wait3A_386 = arith.constant 0 : i32
      %dma_wait3A_387 = tpu.memref_slice %arg7[%add3A_378, %dma_wait3A_386] : memref<8x80xi32, #tpu.memory_space<vmem>> -> memref<1x80xi32, #tpu.memory_space<vmem>>
      %dma_wait3A_388 = tpu.memref_squeeze %dma_wait3A_387 : memref<1x80xi32, #tpu.memory_space<vmem>> -> memref<80xi32, #tpu.memory_space<vmem>>
      %dma_wait3A_389 = arith.constant 0 : i32
      %dma_wait3A_390 = tpu.memref_slice %arg2[%add3A, %dma_wait3A_379, %dma_wait3A_389] : memref<32x125x80xi32, #tpu.memory_space<hbm>> -> memref<1x1x80xi32, #tpu.memory_space<hbm>>
      %dma_wait3A_391 = tpu.memref_squeeze %dma_wait3A_390 : memref<1x1x80xi32, #tpu.memory_space<hbm>> -> memref<80xi32, #tpu.memory_space<hbm>>
      tpu.wait_dma2 semaphore(%arg17 : memref<!tpu.dma_semaphore, #tpu.memory_space<semaphore_mem>>) src(%dma_wait3A_391 : memref<80xi32, #tpu.memory_space<hbm>>) dst(%dma_wait3A_388 : memref<80xi32, #tpu.memory_space<vmem>>)
      %dma_wait3A_392 = arith.constant 0 : i32
      %dma_wait3A_393 = arith.constant 0 : i32
      %dma_wait3A_394 = tpu.memref_slice %arg8[%add3A_378, %dma_wait3A_393] : memref<8x80xi32, #tpu.memory_space<vmem>> -> memref<1x80xi32, #tpu.memory_space<vmem>>
      %dma_wait3A_395 = tpu.memref_squeeze %dma_wait3A_394 : memref<1x80xi32, #tpu.memory_space<vmem>> -> memref<80xi32, #tpu.memory_space<vmem>>
      %dma_wait3A_396 = arith.constant 0 : i32
      %dma_wait3A_397 = tpu.memref_slice %arg3[%add3A, %dma_wait3A_392, %dma_wait3A_396] : memref<32x125x80xi32, #tpu.memory_space<hbm>> -> memref<1x1x80xi32, #tpu.memory_space<hbm>>
      %dma_wait3A_398 = tpu.memref_squeeze %dma_wait3A_397 : memref<1x1x80xi32, #tpu.memory_space<hbm>> -> memref<80xi32, #tpu.memory_space<hbm>>
      %dma_wait3A_399 = arith.constant 0 : i32
      %dma_wait3A_400 = tpu.memref_slice %arg8[%add3A_378, %dma_wait3A_399] : memref<8x80xi32, #tpu.memory_space<vmem>> -> memref<1x80xi32, #tpu.memory_space<vmem>>
      %dma_wait3A_401 = tpu.memref_squeeze %dma_wait3A_400 : memref<1x80xi32, #tpu.memory_space<vmem>> -> memref<80xi32, #tpu.memory_space<vmem>>
      %dma_wait3A_402 = arith.constant 0 : i32
      %dma_wait3A_403 = tpu.memref_slice %arg3[%add3A, %dma_wait3A_392, %dma_wait3A_402] : memref<32x125x80xi32, #tpu.memory_space<hbm>> -> memref<1x1x80xi32, #tpu.memory_space<hbm>>
      %dma_wait3A_404 = tpu.memref_squeeze %dma_wait3A_403 : memref<1x1x80xi32, #tpu.memory_space<hbm>> -> memref<80xi32, #tpu.memory_space<hbm>>
      tpu.wait_dma2 semaphore(%arg17 : memref<!tpu.dma_semaphore, #tpu.memory_space<semaphore_mem>>) src(%dma_wait3A_404 : memref<80xi32, #tpu.memory_space<hbm>>) dst(%dma_wait3A_401 : memref<80xi32, #tpu.memory_space<vmem>>)
      %gt3A_405 = arith.constant 0 : i32
      %gt3A_406 = arith.cmpi sgt, %scan3A_219, %gt3A_405 : i32
      %convert_element_type3A_407 = arith.extui %gt3A_406 : i1 to i32
      %cond3A_408 = arith.constant 0 : i32
      %cond3A_409 = arith.cmpi ne, %convert_element_type3A_407, %cond3A_408 : i32
      scf.if %cond3A_409 {
        %dma_wait3A_514 = arith.constant 3 : i32
        %dma_wait3A_515 = arith.constant 0 : i32
        %dma_wait3A_516 = tpu.memref_slice %arg8[%dma_wait3A_514, %dma_wait3A_515] : memref<8x80xi32, #tpu.memory_space<vmem>> -> memref<1x80xi32, #tpu.memory_space<vmem>>
        %dma_wait3A_517 = tpu.memref_squeeze %dma_wait3A_516 : memref<1x80xi32, #tpu.memory_space<vmem>> -> memref<80xi32, #tpu.memory_space<vmem>>
        %dma_wait3A_518 = arith.constant 0 : i32
        %dma_wait3A_519 = arith.constant 0 : i32
        %dma_wait3A_520 = tpu.memref_slice %arg13[%dma_wait3A_518, %dma_wait3A_519] : memref<10000x128xf32, #tpu.memory_space<vmem_shared>> -> memref<10000x128xf32, #tpu.memory_space<vmem_shared>>
        tpu.wait_indirect_dma semaphore(%arg25 : memref<!tpu.dma_semaphore, #tpu.memory_space<semaphore_mem>>) src(%arg12 : memref<80x128xf32, #tpu.memory_space<vmem>>) dst(%dma_wait3A_520 : memref<10000x128xf32, #tpu.memory_space<vmem_shared>>)
      } else {
      }
      %add3A_410 = arith.constant 3 : i32
      %add3A_411 = arith.addi %mul3A_234, %add3A_410 : i32
      %dma_start3A_412 = arith.constant 0 : i32
      %dma_start3A_413 = tpu.memref_slice %arg7[%add3A_411, %dma_start3A_412] : memref<8x80xi32, #tpu.memory_space<vmem>> -> memref<1x80xi32, #tpu.memory_space<vmem>>
      %dma_start3A_414 = tpu.memref_squeeze %dma_start3A_413 : memref<1x80xi32, #tpu.memory_space<vmem>> -> memref<80xi32, #tpu.memory_space<vmem>>
      %dma_start3A_415 = arith.constant 0 : i32
      %dma_start3A_416 = arith.constant 0 : i32
      %dma_start3A_417 = tpu.memref_slice %arg4[%dma_start3A_415, %dma_start3A_416] : memref<10000x128xf32, #tpu.memory_space<hbm>> -> memref<10000x128xf32, #tpu.memory_space<hbm>>
      tpu.enqueue_indirect_dma source(%dma_start3A_417 : memref<10000x128xf32, #tpu.memory_space<hbm>>) target(%arg12 : memref<80x128xf32, #tpu.memory_space<vmem>>) offsets(%dma_start3A_414 : memref<80xi32, #tpu.memory_space<vmem>>) semaphore(%arg21 : memref<!tpu.dma_semaphore, #tpu.memory_space<semaphore_mem>>)
      %dma_wait3A_418 = arith.constant 0 : i32
      %dma_wait3A_419 = arith.constant 0 : i32
      %dma_wait3A_420 = tpu.memref_slice %arg7[%dma_wait3A_418, %dma_wait3A_419] : memref<8x80xi32, #tpu.memory_space<vmem>> -> memref<1x80xi32, #tpu.memory_space<vmem>>
      %dma_wait3A_421 = tpu.memref_squeeze %dma_wait3A_420 : memref<1x80xi32, #tpu.memory_space<vmem>> -> memref<80xi32, #tpu.memory_space<vmem>>
      %dma_wait3A_422 = arith.constant 0 : i32
      %dma_wait3A_423 = arith.constant 0 : i32
      %dma_wait3A_424 = tpu.memref_slice %arg4[%dma_wait3A_422, %dma_wait3A_423] : memref<10000x128xf32, #tpu.memory_space<hbm>> -> memref<10000x128xf32, #tpu.memory_space<hbm>>
      tpu.wait_indirect_dma semaphore(%arg18 : memref<!tpu.dma_semaphore, #tpu.memory_space<semaphore_mem>>) src(%dma_wait3A_424 : memref<10000x128xf32, #tpu.memory_space<hbm>>) dst(%arg9 : memref<80x128xf32, #tpu.memory_space<vmem>>)
      %add3A_425 = arith.constant 0 : i32
      %add3A_426 = arith.addi %mul3A_234, %add3A_425 : i32
      %dma_start3A_427 = arith.constant 0 : i32
      %dma_start3A_428 = tpu.memref_slice %arg8[%add3A_426, %dma_start3A_427] : memref<8x80xi32, #tpu.memory_space<vmem>> -> memref<1x80xi32, #tpu.memory_space<vmem>>
      %dma_start3A_429 = tpu.memref_squeeze %dma_start3A_428 : memref<1x80xi32, #tpu.memory_space<vmem>> -> memref<80xi32, #tpu.memory_space<vmem>>
      %dma_start3A_430 = arith.constant 0 : i32
      %dma_start3A_431 = arith.constant 0 : i32
      %dma_start3A_432 = tpu.memref_slice %arg13[%dma_start3A_430, %dma_start3A_431] : memref<10000x128xf32, #tpu.memory_space<vmem_shared>> -> memref<10000x128xf32, #tpu.memory_space<vmem_shared>>
      tpu.enqueue_indirect_dma source(%arg9 : memref<80x128xf32, #tpu.memory_space<vmem>>) target(%dma_start3A_432 : memref<10000x128xf32, #tpu.memory_space<vmem_shared>>) offsets(%dma_start3A_429 : memref<80xi32, #tpu.memory_space<vmem>>) semaphore(%arg22 : memref<!tpu.dma_semaphore, #tpu.memory_space<semaphore_mem>>) {add = true}
      %dma_wait3A_433 = arith.constant 1 : i32
      %dma_wait3A_434 = arith.constant 0 : i32
      %dma_wait3A_435 = tpu.memref_slice %arg7[%dma_wait3A_433, %dma_wait3A_434] : memref<8x80xi32, #tpu.memory_space<vmem>> -> memref<1x80xi32, #tpu.memory_space<vmem>>
      %dma_wait3A_436 = tpu.memref_squeeze %dma_wait3A_435 : memref<1x80xi32, #tpu.memory_space<vmem>> -> memref<80xi32, #tpu.memory_space<vmem>>
      %dma_wait3A_437 = arith.constant 0 : i32
      %dma_wait3A_438 = arith.constant 0 : i32
      %dma_wait3A_439 = tpu.memref_slice %arg4[%dma_wait3A_437, %dma_wait3A_438] : memref<10000x128xf32, #tpu.memory_space<hbm>> -> memref<10000x128xf32, #tpu.memory_space<hbm>>
      tpu.wait_indirect_dma semaphore(%arg19 : memref<!tpu.dma_semaphore, #tpu.memory_space<semaphore_mem>>) src(%dma_wait3A_439 : memref<10000x128xf32, #tpu.memory_space<hbm>>) dst(%arg10 : memref<80x128xf32, #tpu.memory_space<vmem>>)
      %add3A_440 = arith.constant 1 : i32
      %add3A_441 = arith.addi %mul3A_234, %add3A_440 : i32
      %dma_start3A_442 = arith.constant 0 : i32
      %dma_start3A_443 = tpu.memref_slice %arg8[%add3A_441, %dma_start3A_442] : memref<8x80xi32, #tpu.memory_space<vmem>> -> memref<1x80xi32, #tpu.memory_space<vmem>>
      %dma_start3A_444 = tpu.memref_squeeze %dma_start3A_443 : memref<1x80xi32, #tpu.memory_space<vmem>> -> memref<80xi32, #tpu.memory_space<vmem>>
      %dma_start3A_445 = arith.constant 0 : i32
      %dma_start3A_446 = arith.constant 0 : i32
      %dma_start3A_447 = tpu.memref_slice %arg13[%dma_start3A_445, %dma_start3A_446] : memref<10000x128xf32, #tpu.memory_space<vmem_shared>> -> memref<10000x128xf32, #tpu.memory_space<vmem_shared>>
      tpu.enqueue_indirect_dma source(%arg10 : memref<80x128xf32, #tpu.memory_space<vmem>>) target(%dma_start3A_447 : memref<10000x128xf32, #tpu.memory_space<vmem_shared>>) offsets(%dma_start3A_444 : memref<80xi32, #tpu.memory_space<vmem>>) semaphore(%arg23 : memref<!tpu.dma_semaphore, #tpu.memory_space<semaphore_mem>>) {add = true}
      %dma_wait3A_448 = arith.constant 2 : i32
      %dma_wait3A_449 = arith.constant 0 : i32
      %dma_wait3A_450 = tpu.memref_slice %arg7[%dma_wait3A_448, %dma_wait3A_449] : memref<8x80xi32, #tpu.memory_space<vmem>> -> memref<1x80xi32, #tpu.memory_space<vmem>>
      %dma_wait3A_451 = tpu.memref_squeeze %dma_wait3A_450 : memref<1x80xi32, #tpu.memory_space<vmem>> -> memref<80xi32, #tpu.memory_space<vmem>>
      %dma_wait3A_452 = arith.constant 0 : i32
      %dma_wait3A_453 = arith.constant 0 : i32
      %dma_wait3A_454 = tpu.memref_slice %arg4[%dma_wait3A_452, %dma_wait3A_453] : memref<10000x128xf32, #tpu.memory_space<hbm>> -> memref<10000x128xf32, #tpu.memory_space<hbm>>
      tpu.wait_indirect_dma semaphore(%arg20 : memref<!tpu.dma_semaphore, #tpu.memory_space<semaphore_mem>>) src(%dma_wait3A_454 : memref<10000x128xf32, #tpu.memory_space<hbm>>) dst(%arg11 : memref<80x128xf32, #tpu.memory_space<vmem>>)
      %add3A_455 = arith.constant 2 : i32
      %add3A_456 = arith.addi %mul3A_234, %add3A_455 : i32
      %dma_start3A_457 = arith.constant 0 : i32
      %dma_start3A_458 = tpu.memref_slice %arg8[%add3A_456, %dma_start3A_457] : memref<8x80xi32, #tpu.memory_space<vmem>> -> memref<1x80xi32, #tpu.memory_space<vmem>>
      %dma_start3A_459 = tpu.memref_squeeze %dma_start3A_458 : memref<1x80xi32, #tpu.memory_space<vmem>> -> memref<80xi32, #tpu.memory_space<vmem>>
      %dma_start3A_460 = arith.constant 0 : i32
      %dma_start3A_461 = arith.constant 0 : i32
      %dma_start3A_462 = tpu.memref_slice %arg13[%dma_start3A_460, %dma_start3A_461] : memref<10000x128xf32, #tpu.memory_space<vmem_shared>> -> memref<10000x128xf32, #tpu.memory_space<vmem_shared>>
      tpu.enqueue_indirect_dma source(%arg11 : memref<80x128xf32, #tpu.memory_space<vmem>>) target(%dma_start3A_462 : memref<10000x128xf32, #tpu.memory_space<vmem_shared>>) offsets(%dma_start3A_459 : memref<80xi32, #tpu.memory_space<vmem>>) semaphore(%arg24 : memref<!tpu.dma_semaphore, #tpu.memory_space<semaphore_mem>>) {add = true}
      %dma_wait3A_463 = arith.constant 3 : i32
      %dma_wait3A_464 = arith.constant 0 : i32
      %dma_wait3A_465 = tpu.memref_slice %arg7[%dma_wait3A_463, %dma_wait3A_464] : memref<8x80xi32, #tpu.memory_space<vmem>> -> memref<1x80xi32, #tpu.memory_space<vmem>>
      %dma_wait3A_466 = tpu.memref_squeeze %dma_wait3A_465 : memref<1x80xi32, #tpu.memory_space<vmem>> -> memref<80xi32, #tpu.memory_space<vmem>>
      %dma_wait3A_467 = arith.constant 0 : i32
      %dma_wait3A_468 = arith.constant 0 : i32
      %dma_wait3A_469 = tpu.memref_slice %arg4[%dma_wait3A_467, %dma_wait3A_468] : memref<10000x128xf32, #tpu.memory_space<hbm>> -> memref<10000x128xf32, #tpu.memory_space<hbm>>
      tpu.wait_indirect_dma semaphore(%arg21 : memref<!tpu.dma_semaphore, #tpu.memory_space<semaphore_mem>>) src(%dma_wait3A_469 : memref<10000x128xf32, #tpu.memory_space<hbm>>) dst(%arg12 : memref<80x128xf32, #tpu.memory_space<vmem>>)
      %add3A_470 = arith.constant 3 : i32
      %add3A_471 = arith.addi %mul3A_234, %add3A_470 : i32
      %dma_start3A_472 = arith.constant 0 : i32
      %dma_start3A_473 = tpu.memref_slice %arg8[%add3A_471, %dma_start3A_472] : memref<8x80xi32, #tpu.memory_space<vmem>> -> memref<1x80xi32, #tpu.memory_space<vmem>>
      %dma_start3A_474 = tpu.memref_squeeze %dma_start3A_473 : memref<1x80xi32, #tpu.memory_space<vmem>> -> memref<80xi32, #tpu.memory_space<vmem>>
      %dma_start3A_475 = arith.constant 0 : i32
      %dma_start3A_476 = arith.constant 0 : i32
      %dma_start3A_477 = tpu.memref_slice %arg13[%dma_start3A_475, %dma_start3A_476] : memref<10000x128xf32, #tpu.memory_space<vmem_shared>> -> memref<10000x128xf32, #tpu.memory_space<vmem_shared>>
      tpu.enqueue_indirect_dma source(%arg12 : memref<80x128xf32, #tpu.memory_space<vmem>>) target(%dma_start3A_477 : memref<10000x128xf32, #tpu.memory_space<vmem_shared>>) offsets(%dma_start3A_474 : memref<80xi32, #tpu.memory_space<vmem>>) semaphore(%arg25 : memref<!tpu.dma_semaphore, #tpu.memory_space<semaphore_mem>>) {add = true}
      %add3A_478 = arith.constant 0 : i32
      %add3A_479 = arith.addi %mul3A_221, %add3A_478 : i32
      %add3A_480 = arith.constant 4 : i32
      %add3A_481 = arith.addi %add3A_479, %add3A_480 : i32
      %lt3A_482 = arith.constant 125 : i32
      %lt3A_483 = arith.cmpi slt, %add3A_481, %lt3A_482 : i32
      %convert_element_type3A_484 = arith.extui %lt3A_483 : i1 to i32
      %cond3A_485 = arith.constant 0 : i32
      %cond3A_486 = arith.cmpi ne, %convert_element_type3A_484, %cond3A_485 : i32
      scf.if %cond3A_486 {
        %add3A_514 = arith.constant 0 : i32
        %add3A_515 = arith.addi %mul3A_254, %add3A_514 : i32
        %dma_start3A_516 = arith.constant 0 : i32
        %dma_start3A_517 = tpu.memref_slice %arg7[%add3A_515, %dma_start3A_516] : memref<8x80xi32, #tpu.memory_space<vmem>> -> memref<1x80xi32, #tpu.memory_space<vmem>>
        %dma_start3A_518 = tpu.memref_squeeze %dma_start3A_517 : memref<1x80xi32, #tpu.memory_space<vmem>> -> memref<80xi32, #tpu.memory_space<vmem>>
        %dma_start3A_519 = arith.constant 0 : i32
        %dma_start3A_520 = tpu.memref_slice %arg2[%add3A, %add3A_481, %dma_start3A_519] : memref<32x125x80xi32, #tpu.memory_space<hbm>> -> memref<1x1x80xi32, #tpu.memory_space<hbm>>
        %dma_start3A_521 = tpu.memref_squeeze %dma_start3A_520 : memref<1x1x80xi32, #tpu.memory_space<hbm>> -> memref<80xi32, #tpu.memory_space<hbm>>
        %dma_start3A_522 = arith.constant 0 : i32
        %dma_start3A_523 = tpu.memref_slice %arg7[%add3A_515, %dma_start3A_522] : memref<8x80xi32, #tpu.memory_space<vmem>> -> memref<1x80xi32, #tpu.memory_space<vmem>>
        %dma_start3A_524 = tpu.memref_squeeze %dma_start3A_523 : memref<1x80xi32, #tpu.memory_space<vmem>> -> memref<80xi32, #tpu.memory_space<vmem>>
        %dma_start3A_525 = arith.constant 0 : i32
        %dma_start3A_526 = tpu.memref_slice %arg2[%add3A, %add3A_481, %dma_start3A_525] : memref<32x125x80xi32, #tpu.memory_space<hbm>> -> memref<1x1x80xi32, #tpu.memory_space<hbm>>
        %dma_start3A_527 = tpu.memref_squeeze %dma_start3A_526 : memref<1x1x80xi32, #tpu.memory_space<hbm>> -> memref<80xi32, #tpu.memory_space<hbm>>
        tpu.enqueue_dma source(%dma_start3A_527 : memref<80xi32, #tpu.memory_space<hbm>>) target(%dma_start3A_524 : memref<80xi32, #tpu.memory_space<vmem>>) target_semaphore(%arg14 : memref<!tpu.dma_semaphore, #tpu.memory_space<semaphore_mem>>)
        %dma_start3A_528 = arith.constant 0 : i32
        %dma_start3A_529 = tpu.memref_slice %arg8[%add3A_515, %dma_start3A_528] : memref<8x80xi32, #tpu.memory_space<vmem>> -> memref<1x80xi32, #tpu.memory_space<vmem>>
        %dma_start3A_530 = tpu.memref_squeeze %dma_start3A_529 : memref<1x80xi32, #tpu.memory_space<vmem>> -> memref<80xi32, #tpu.memory_space<vmem>>
        %dma_start3A_531 = arith.constant 0 : i32
        %dma_start3A_532 = tpu.memref_slice %arg3[%add3A, %add3A_481, %dma_start3A_531] : memref<32x125x80xi32, #tpu.memory_space<hbm>> -> memref<1x1x80xi32, #tpu.memory_space<hbm>>
        %dma_start3A_533 = tpu.memref_squeeze %dma_start3A_532 : memref<1x1x80xi32, #tpu.memory_space<hbm>> -> memref<80xi32, #tpu.memory_space<hbm>>
        %dma_start3A_534 = arith.constant 0 : i32
        %dma_start3A_535 = tpu.memref_slice %arg8[%add3A_515, %dma_start3A_534] : memref<8x80xi32, #tpu.memory_space<vmem>> -> memref<1x80xi32, #tpu.memory_space<vmem>>
        %dma_start3A_536 = tpu.memref_squeeze %dma_start3A_535 : memref<1x80xi32, #tpu.memory_space<vmem>> -> memref<80xi32, #tpu.memory_space<vmem>>
        %dma_start3A_537 = arith.constant 0 : i32
        %dma_start3A_538 = tpu.memref_slice %arg3[%add3A, %add3A_481, %dma_start3A_537] : memref<32x125x80xi32, #tpu.memory_space<hbm>> -> memref<1x1x80xi32, #tpu.memory_space<hbm>>
        %dma_start3A_539 = tpu.memref_squeeze %dma_start3A_538 : memref<1x1x80xi32, #tpu.memory_space<hbm>> -> memref<80xi32, #tpu.memory_space<hbm>>
        tpu.enqueue_dma source(%dma_start3A_539 : memref<80xi32, #tpu.memory_space<hbm>>) target(%dma_start3A_536 : memref<80xi32, #tpu.memory_space<vmem>>) target_semaphore(%arg14 : memref<!tpu.dma_semaphore, #tpu.memory_space<semaphore_mem>>)
      } else {
      }
      %add3A_487 = arith.constant 1 : i32
      %add3A_488 = arith.addi %mul3A_221, %add3A_487 : i32
      %add3A_489 = arith.constant 4 : i32
      %add3A_490 = arith.addi %add3A_488, %add3A_489 : i32
      %lt3A_491 = arith.constant 125 : i32
      %lt3A_492 = arith.cmpi slt, %add3A_490, %lt3A_491 : i32
      %convert_element_type3A_493 = arith.extui %lt3A_492 : i1 to i32
      %cond3A_494 = arith.constant 0 : i32
      %cond3A_495 = arith.cmpi ne, %convert_element_type3A_493, %cond3A_494 : i32
      scf.if %cond3A_495 {
        %add3A_514 = arith.constant 1 : i32
        %add3A_515 = arith.addi %mul3A_254, %add3A_514 : i32
        %dma_start3A_516 = arith.constant 0 : i32
        %dma_start3A_517 = tpu.memref_slice %arg7[%add3A_515, %dma_start3A_516] : memref<8x80xi32, #tpu.memory_space<vmem>> -> memref<1x80xi32, #tpu.memory_space<vmem>>
        %dma_start3A_518 = tpu.memref_squeeze %dma_start3A_517 : memref<1x80xi32, #tpu.memory_space<vmem>> -> memref<80xi32, #tpu.memory_space<vmem>>
        %dma_start3A_519 = arith.constant 0 : i32
        %dma_start3A_520 = tpu.memref_slice %arg2[%add3A, %add3A_490, %dma_start3A_519] : memref<32x125x80xi32, #tpu.memory_space<hbm>> -> memref<1x1x80xi32, #tpu.memory_space<hbm>>
        %dma_start3A_521 = tpu.memref_squeeze %dma_start3A_520 : memref<1x1x80xi32, #tpu.memory_space<hbm>> -> memref<80xi32, #tpu.memory_space<hbm>>
        %dma_start3A_522 = arith.constant 0 : i32
        %dma_start3A_523 = tpu.memref_slice %arg7[%add3A_515, %dma_start3A_522] : memref<8x80xi32, #tpu.memory_space<vmem>> -> memref<1x80xi32, #tpu.memory_space<vmem>>
        %dma_start3A_524 = tpu.memref_squeeze %dma_start3A_523 : memref<1x80xi32, #tpu.memory_space<vmem>> -> memref<80xi32, #tpu.memory_space<vmem>>
        %dma_start3A_525 = arith.constant 0 : i32
        %dma_start3A_526 = tpu.memref_slice %arg2[%add3A, %add3A_490, %dma_start3A_525] : memref<32x125x80xi32, #tpu.memory_space<hbm>> -> memref<1x1x80xi32, #tpu.memory_space<hbm>>
        %dma_start3A_527 = tpu.memref_squeeze %dma_start3A_526 : memref<1x1x80xi32, #tpu.memory_space<hbm>> -> memref<80xi32, #tpu.memory_space<hbm>>
        tpu.enqueue_dma source(%dma_start3A_527 : memref<80xi32, #tpu.memory_space<hbm>>) target(%dma_start3A_524 : memref<80xi32, #tpu.memory_space<vmem>>) target_semaphore(%arg15 : memref<!tpu.dma_semaphore, #tpu.memory_space<semaphore_mem>>)
        %dma_start3A_528 = arith.constant 0 : i32
        %dma_start3A_529 = tpu.memref_slice %arg8[%add3A_515, %dma_start3A_528] : memref<8x80xi32, #tpu.memory_space<vmem>> -> memref<1x80xi32, #tpu.memory_space<vmem>>
        %dma_start3A_530 = tpu.memref_squeeze %dma_start3A_529 : memref<1x80xi32, #tpu.memory_space<vmem>> -> memref<80xi32, #tpu.memory_space<vmem>>
        %dma_start3A_531 = arith.constant 0 : i32
        %dma_start3A_532 = tpu.memref_slice %arg3[%add3A, %add3A_490, %dma_start3A_531] : memref<32x125x80xi32, #tpu.memory_space<hbm>> -> memref<1x1x80xi32, #tpu.memory_space<hbm>>
        %dma_start3A_533 = tpu.memref_squeeze %dma_start3A_532 : memref<1x1x80xi32, #tpu.memory_space<hbm>> -> memref<80xi32, #tpu.memory_space<hbm>>
        %dma_start3A_534 = arith.constant 0 : i32
        %dma_start3A_535 = tpu.memref_slice %arg8[%add3A_515, %dma_start3A_534] : memref<8x80xi32, #tpu.memory_space<vmem>> -> memref<1x80xi32, #tpu.memory_space<vmem>>
        %dma_start3A_536 = tpu.memref_squeeze %dma_start3A_535 : memref<1x80xi32, #tpu.memory_space<vmem>> -> memref<80xi32, #tpu.memory_space<vmem>>
        %dma_start3A_537 = arith.constant 0 : i32
        %dma_start3A_538 = tpu.memref_slice %arg3[%add3A, %add3A_490, %dma_start3A_537] : memref<32x125x80xi32, #tpu.memory_space<hbm>> -> memref<1x1x80xi32, #tpu.memory_space<hbm>>
        %dma_start3A_539 = tpu.memref_squeeze %dma_start3A_538 : memref<1x1x80xi32, #tpu.memory_space<hbm>> -> memref<80xi32, #tpu.memory_space<hbm>>
        tpu.enqueue_dma source(%dma_start3A_539 : memref<80xi32, #tpu.memory_space<hbm>>) target(%dma_start3A_536 : memref<80xi32, #tpu.memory_space<vmem>>) target_semaphore(%arg15 : memref<!tpu.dma_semaphore, #tpu.memory_space<semaphore_mem>>)
      } else {
      }
      %add3A_496 = arith.constant 2 : i32
      %add3A_497 = arith.addi %mul3A_221, %add3A_496 : i32
      %add3A_498 = arith.constant 4 : i32
      %add3A_499 = arith.addi %add3A_497, %add3A_498 : i32
      %lt3A_500 = arith.constant 125 : i32
      %lt3A_501 = arith.cmpi slt, %add3A_499, %lt3A_500 : i32
      %convert_element_type3A_502 = arith.extui %lt3A_501 : i1 to i32
      %cond3A_503 = arith.constant 0 : i32
      %cond3A_504 = arith.cmpi ne, %convert_element_type3A_502, %cond3A_503 : i32
      scf.if %cond3A_504 {
        %add3A_514 = arith.constant 2 : i32
        %add3A_515 = arith.addi %mul3A_254, %add3A_514 : i32
        %dma_start3A_516 = arith.constant 0 : i32
        %dma_start3A_517 = tpu.memref_slice %arg7[%add3A_515, %dma_start3A_516] : memref<8x80xi32, #tpu.memory_space<vmem>> -> memref<1x80xi32, #tpu.memory_space<vmem>>
        %dma_start3A_518 = tpu.memref_squeeze %dma_start3A_517 : memref<1x80xi32, #tpu.memory_space<vmem>> -> memref<80xi32, #tpu.memory_space<vmem>>
        %dma_start3A_519 = arith.constant 0 : i32
        %dma_start3A_520 = tpu.memref_slice %arg2[%add3A, %add3A_499, %dma_start3A_519] : memref<32x125x80xi32, #tpu.memory_space<hbm>> -> memref<1x1x80xi32, #tpu.memory_space<hbm>>
        %dma_start3A_521 = tpu.memref_squeeze %dma_start3A_520 : memref<1x1x80xi32, #tpu.memory_space<hbm>> -> memref<80xi32, #tpu.memory_space<hbm>>
        %dma_start3A_522 = arith.constant 0 : i32
        %dma_start3A_523 = tpu.memref_slice %arg7[%add3A_515, %dma_start3A_522] : memref<8x80xi32, #tpu.memory_space<vmem>> -> memref<1x80xi32, #tpu.memory_space<vmem>>
        %dma_start3A_524 = tpu.memref_squeeze %dma_start3A_523 : memref<1x80xi32, #tpu.memory_space<vmem>> -> memref<80xi32, #tpu.memory_space<vmem>>
        %dma_start3A_525 = arith.constant 0 : i32
        %dma_start3A_526 = tpu.memref_slice %arg2[%add3A, %add3A_499, %dma_start3A_525] : memref<32x125x80xi32, #tpu.memory_space<hbm>> -> memref<1x1x80xi32, #tpu.memory_space<hbm>>
        %dma_start3A_527 = tpu.memref_squeeze %dma_start3A_526 : memref<1x1x80xi32, #tpu.memory_space<hbm>> -> memref<80xi32, #tpu.memory_space<hbm>>
        tpu.enqueue_dma source(%dma_start3A_527 : memref<80xi32, #tpu.memory_space<hbm>>) target(%dma_start3A_524 : memref<80xi32, #tpu.memory_space<vmem>>) target_semaphore(%arg16 : memref<!tpu.dma_semaphore, #tpu.memory_space<semaphore_mem>>)
        %dma_start3A_528 = arith.constant 0 : i32
        %dma_start3A_529 = tpu.memref_slice %arg8[%add3A_515, %dma_start3A_528] : memref<8x80xi32, #tpu.memory_space<vmem>> -> memref<1x80xi32, #tpu.memory_space<vmem>>
        %dma_start3A_530 = tpu.memref_squeeze %dma_start3A_529 : memref<1x80xi32, #tpu.memory_space<vmem>> -> memref<80xi32, #tpu.memory_space<vmem>>
        %dma_start3A_531 = arith.constant 0 : i32
        %dma_start3A_532 = tpu.memref_slice %arg3[%add3A, %add3A_499, %dma_start3A_531] : memref<32x125x80xi32, #tpu.memory_space<hbm>> -> memref<1x1x80xi32, #tpu.memory_space<hbm>>
        %dma_start3A_533 = tpu.memref_squeeze %dma_start3A_532 : memref<1x1x80xi32, #tpu.memory_space<hbm>> -> memref<80xi32, #tpu.memory_space<hbm>>
        %dma_start3A_534 = arith.constant 0 : i32
        %dma_start3A_535 = tpu.memref_slice %arg8[%add3A_515, %dma_start3A_534] : memref<8x80xi32, #tpu.memory_space<vmem>> -> memref<1x80xi32, #tpu.memory_space<vmem>>
        %dma_start3A_536 = tpu.memref_squeeze %dma_start3A_535 : memref<1x80xi32, #tpu.memory_space<vmem>> -> memref<80xi32, #tpu.memory_space<vmem>>
        %dma_start3A_537 = arith.constant 0 : i32
        %dma_start3A_538 = tpu.memref_slice %arg3[%add3A, %add3A_499, %dma_start3A_537] : memref<32x125x80xi32, #tpu.memory_space<hbm>> -> memref<1x1x80xi32, #tpu.memory_space<hbm>>
        %dma_start3A_539 = tpu.memref_squeeze %dma_start3A_538 : memref<1x1x80xi32, #tpu.memory_space<hbm>> -> memref<80xi32, #tpu.memory_space<hbm>>
        tpu.enqueue_dma source(%dma_start3A_539 : memref<80xi32, #tpu.memory_space<hbm>>) target(%dma_start3A_536 : memref<80xi32, #tpu.memory_space<vmem>>) target_semaphore(%arg16 : memref<!tpu.dma_semaphore, #tpu.memory_space<semaphore_mem>>)
      } else {
      }
      %add3A_505 = arith.constant 3 : i32
      %add3A_506 = arith.addi %mul3A_221, %add3A_505 : i32
      %add3A_507 = arith.constant 4 : i32
      %add3A_508 = arith.addi %add3A_506, %add3A_507 : i32
      %lt3A_509 = arith.constant 125 : i32
      %lt3A_510 = arith.cmpi slt, %add3A_508, %lt3A_509 : i32
      %convert_element_type3A_511 = arith.extui %lt3A_510 : i1 to i32
      %cond3A_512 = arith.constant 0 : i32
      %cond3A_513 = arith.cmpi ne, %convert_element_type3A_511, %cond3A_512 : i32
      scf.if %cond3A_513 {
        %add3A_514 = arith.constant 3 : i32
        %add3A_515 = arith.addi %mul3A_254, %add3A_514 : i32
        %dma_start3A_516 = arith.constant 0 : i32
        %dma_start3A_517 = tpu.memref_slice %arg7[%add3A_515, %dma_start3A_516] : memref<8x80xi32, #tpu.memory_space<vmem>> -> memref<1x80xi32, #tpu.memory_space<vmem>>
        %dma_start3A_518 = tpu.memref_squeeze %dma_start3A_517 : memref<1x80xi32, #tpu.memory_space<vmem>> -> memref<80xi32, #tpu.memory_space<vmem>>
        %dma_start3A_519 = arith.constant 0 : i32
        %dma_start3A_520 = tpu.memref_slice %arg2[%add3A, %add3A_508, %dma_start3A_519] : memref<32x125x80xi32, #tpu.memory_space<hbm>> -> memref<1x1x80xi32, #tpu.memory_space<hbm>>
        %dma_start3A_521 = tpu.memref_squeeze %dma_start3A_520 : memref<1x1x80xi32, #tpu.memory_space<hbm>> -> memref<80xi32, #tpu.memory_space<hbm>>
        %dma_start3A_522 = arith.constant 0 : i32
        %dma_start3A_523 = tpu.memref_slice %arg7[%add3A_515, %dma_start3A_522] : memref<8x80xi32, #tpu.memory_space<vmem>> -> memref<1x80xi32, #tpu.memory_space<vmem>>
        %dma_start3A_524 = tpu.memref_squeeze %dma_start3A_523 : memref<1x80xi32, #tpu.memory_space<vmem>> -> memref<80xi32, #tpu.memory_space<vmem>>
        %dma_start3A_525 = arith.constant 0 : i32
        %dma_start3A_526 = tpu.memref_slice %arg2[%add3A, %add3A_508, %dma_start3A_525] : memref<32x125x80xi32, #tpu.memory_space<hbm>> -> memref<1x1x80xi32, #tpu.memory_space<hbm>>
        %dma_start3A_527 = tpu.memref_squeeze %dma_start3A_526 : memref<1x1x80xi32, #tpu.memory_space<hbm>> -> memref<80xi32, #tpu.memory_space<hbm>>
        tpu.enqueue_dma source(%dma_start3A_527 : memref<80xi32, #tpu.memory_space<hbm>>) target(%dma_start3A_524 : memref<80xi32, #tpu.memory_space<vmem>>) target_semaphore(%arg17 : memref<!tpu.dma_semaphore, #tpu.memory_space<semaphore_mem>>)
        %dma_start3A_528 = arith.constant 0 : i32
        %dma_start3A_529 = tpu.memref_slice %arg8[%add3A_515, %dma_start3A_528] : memref<8x80xi32, #tpu.memory_space<vmem>> -> memref<1x80xi32, #tpu.memory_space<vmem>>
        %dma_start3A_530 = tpu.memref_squeeze %dma_start3A_529 : memref<1x80xi32, #tpu.memory_space<vmem>> -> memref<80xi32, #tpu.memory_space<vmem>>
        %dma_start3A_531 = arith.constant 0 : i32
        %dma_start3A_532 = tpu.memref_slice %arg3[%add3A, %add3A_508, %dma_start3A_531] : memref<32x125x80xi32, #tpu.memory_space<hbm>> -> memref<1x1x80xi32, #tpu.memory_space<hbm>>
        %dma_start3A_533 = tpu.memref_squeeze %dma_start3A_532 : memref<1x1x80xi32, #tpu.memory_space<hbm>> -> memref<80xi32, #tpu.memory_space<hbm>>
        %dma_start3A_534 = arith.constant 0 : i32
        %dma_start3A_535 = tpu.memref_slice %arg8[%add3A_515, %dma_start3A_534] : memref<8x80xi32, #tpu.memory_space<vmem>> -> memref<1x80xi32, #tpu.memory_space<vmem>>
        %dma_start3A_536 = tpu.memref_squeeze %dma_start3A_535 : memref<1x80xi32, #tpu.memory_space<vmem>> -> memref<80xi32, #tpu.memory_space<vmem>>
        %dma_start3A_537 = arith.constant 0 : i32
        %dma_start3A_538 = tpu.memref_slice %arg3[%add3A, %add3A_508, %dma_start3A_537] : memref<32x125x80xi32, #tpu.memory_space<hbm>> -> memref<1x1x80xi32, #tpu.memory_space<hbm>>
        %dma_start3A_539 = tpu.memref_squeeze %dma_start3A_538 : memref<1x1x80xi32, #tpu.memory_space<hbm>> -> memref<80xi32, #tpu.memory_space<hbm>>
        tpu.enqueue_dma source(%dma_start3A_539 : memref<80xi32, #tpu.memory_space<hbm>>) target(%dma_start3A_536 : memref<80xi32, #tpu.memory_space<vmem>>) target_semaphore(%arg17 : memref<!tpu.dma_semaphore, #tpu.memory_space<semaphore_mem>>)
      } else {
      }
    }
    %scan3A_124 = arith.constant 31 : i32
    %dma_wait3A = arith.constant 0 : i32
    %dma_wait3A_125 = arith.constant 4 : i32
    %dma_wait3A_126 = arith.constant 0 : i32
    %dma_wait3A_127 = tpu.memref_slice %arg7[%dma_wait3A_125, %dma_wait3A_126] : memref<8x80xi32, #tpu.memory_space<vmem>> -> memref<1x80xi32, #tpu.memory_space<vmem>>
    %dma_wait3A_128 = tpu.memref_squeeze %dma_wait3A_127 : memref<1x80xi32, #tpu.memory_space<vmem>> -> memref<80xi32, #tpu.memory_space<vmem>>
    %dma_wait3A_129 = arith.constant 0 : i32
    %dma_wait3A_130 = tpu.memref_slice %arg2[%add3A, %dma_wait3A, %dma_wait3A_129] : memref<32x125x80xi32, #tpu.memory_space<hbm>> -> memref<1x1x80xi32, #tpu.memory_space<hbm>>
    %dma_wait3A_131 = tpu.memref_squeeze %dma_wait3A_130 : memref<1x1x80xi32, #tpu.memory_space<hbm>> -> memref<80xi32, #tpu.memory_space<hbm>>
    %dma_wait3A_132 = arith.constant 0 : i32
    %dma_wait3A_133 = tpu.memref_slice %arg7[%dma_wait3A_125, %dma_wait3A_132] : memref<8x80xi32, #tpu.memory_space<vmem>> -> memref<1x80xi32, #tpu.memory_space<vmem>>
    %dma_wait3A_134 = tpu.memref_squeeze %dma_wait3A_133 : memref<1x80xi32, #tpu.memory_space<vmem>> -> memref<80xi32, #tpu.memory_space<vmem>>
    %dma_wait3A_135 = arith.constant 0 : i32
    %dma_wait3A_136 = tpu.memref_slice %arg2[%add3A, %dma_wait3A, %dma_wait3A_135] : memref<32x125x80xi32, #tpu.memory_space<hbm>> -> memref<1x1x80xi32, #tpu.memory_space<hbm>>
    %dma_wait3A_137 = tpu.memref_squeeze %dma_wait3A_136 : memref<1x1x80xi32, #tpu.memory_space<hbm>> -> memref<80xi32, #tpu.memory_space<hbm>>
    tpu.wait_dma2 semaphore(%arg14 : memref<!tpu.dma_semaphore, #tpu.memory_space<semaphore_mem>>) src(%dma_wait3A_137 : memref<80xi32, #tpu.memory_space<hbm>>) dst(%dma_wait3A_134 : memref<80xi32, #tpu.memory_space<vmem>>)
    %dma_wait3A_138 = arith.constant 0 : i32
    %dma_wait3A_139 = arith.constant 4 : i32
    %dma_wait3A_140 = arith.constant 0 : i32
    %dma_wait3A_141 = tpu.memref_slice %arg8[%dma_wait3A_139, %dma_wait3A_140] : memref<8x80xi32, #tpu.memory_space<vmem>> -> memref<1x80xi32, #tpu.memory_space<vmem>>
    %dma_wait3A_142 = tpu.memref_squeeze %dma_wait3A_141 : memref<1x80xi32, #tpu.memory_space<vmem>> -> memref<80xi32, #tpu.memory_space<vmem>>
    %dma_wait3A_143 = arith.constant 0 : i32
    %dma_wait3A_144 = tpu.memref_slice %arg3[%add3A, %dma_wait3A_138, %dma_wait3A_143] : memref<32x125x80xi32, #tpu.memory_space<hbm>> -> memref<1x1x80xi32, #tpu.memory_space<hbm>>
    %dma_wait3A_145 = tpu.memref_squeeze %dma_wait3A_144 : memref<1x1x80xi32, #tpu.memory_space<hbm>> -> memref<80xi32, #tpu.memory_space<hbm>>
    %dma_wait3A_146 = arith.constant 0 : i32
    %dma_wait3A_147 = tpu.memref_slice %arg8[%dma_wait3A_139, %dma_wait3A_146] : memref<8x80xi32, #tpu.memory_space<vmem>> -> memref<1x80xi32, #tpu.memory_space<vmem>>
    %dma_wait3A_148 = tpu.memref_squeeze %dma_wait3A_147 : memref<1x80xi32, #tpu.memory_space<vmem>> -> memref<80xi32, #tpu.memory_space<vmem>>
    %dma_wait3A_149 = arith.constant 0 : i32
    %dma_wait3A_150 = tpu.memref_slice %arg3[%add3A, %dma_wait3A_138, %dma_wait3A_149] : memref<32x125x80xi32, #tpu.memory_space<hbm>> -> memref<1x1x80xi32, #tpu.memory_space<hbm>>
    %dma_wait3A_151 = tpu.memref_squeeze %dma_wait3A_150 : memref<1x1x80xi32, #tpu.memory_space<hbm>> -> memref<80xi32, #tpu.memory_space<hbm>>
    tpu.wait_dma2 semaphore(%arg14 : memref<!tpu.dma_semaphore, #tpu.memory_space<semaphore_mem>>) src(%dma_wait3A_151 : memref<80xi32, #tpu.memory_space<hbm>>) dst(%dma_wait3A_148 : memref<80xi32, #tpu.memory_space<vmem>>)
    %dma_wait3A_152 = arith.constant 0 : i32
    %dma_wait3A_153 = arith.constant 0 : i32
    %dma_wait3A_154 = tpu.memref_slice %arg8[%dma_wait3A_152, %dma_wait3A_153] : memref<8x80xi32, #tpu.memory_space<vmem>> -> memref<1x80xi32, #tpu.memory_space<vmem>>
    %dma_wait3A_155 = tpu.memref_squeeze %dma_wait3A_154 : memref<1x80xi32, #tpu.memory_space<vmem>> -> memref<80xi32, #tpu.memory_space<vmem>>
    %dma_wait3A_156 = arith.constant 0 : i32
    %dma_wait3A_157 = arith.constant 0 : i32
    %dma_wait3A_158 = tpu.memref_slice %arg13[%dma_wait3A_156, %dma_wait3A_157] : memref<10000x128xf32, #tpu.memory_space<vmem_shared>> -> memref<10000x128xf32, #tpu.memory_space<vmem_shared>>
    tpu.wait_indirect_dma semaphore(%arg22 : memref<!tpu.dma_semaphore, #tpu.memory_space<semaphore_mem>>) src(%arg9 : memref<80x128xf32, #tpu.memory_space<vmem>>) dst(%dma_wait3A_158 : memref<10000x128xf32, #tpu.memory_space<vmem_shared>>)
    %dma_start3A_159 = arith.constant 4 : i32
    %dma_start3A_160 = arith.constant 0 : i32
    %dma_start3A_161 = tpu.memref_slice %arg7[%dma_start3A_159, %dma_start3A_160] : memref<8x80xi32, #tpu.memory_space<vmem>> -> memref<1x80xi32, #tpu.memory_space<vmem>>
    %dma_start3A_162 = tpu.memref_squeeze %dma_start3A_161 : memref<1x80xi32, #tpu.memory_space<vmem>> -> memref<80xi32, #tpu.memory_space<vmem>>
    %dma_start3A_163 = arith.constant 0 : i32
    %dma_start3A_164 = arith.constant 0 : i32
    %dma_start3A_165 = tpu.memref_slice %arg4[%dma_start3A_163, %dma_start3A_164] : memref<10000x128xf32, #tpu.memory_space<hbm>> -> memref<10000x128xf32, #tpu.memory_space<hbm>>
    tpu.enqueue_indirect_dma source(%dma_start3A_165 : memref<10000x128xf32, #tpu.memory_space<hbm>>) target(%arg9 : memref<80x128xf32, #tpu.memory_space<vmem>>) offsets(%dma_start3A_162 : memref<80xi32, #tpu.memory_space<vmem>>) semaphore(%arg18 : memref<!tpu.dma_semaphore, #tpu.memory_space<semaphore_mem>>)
    %dma_wait3A_166 = arith.constant 0 : i32
    %dma_wait3A_167 = arith.constant 0 : i32
    %dma_wait3A_168 = tpu.memref_slice %arg7[%dma_wait3A_166, %dma_wait3A_167] : memref<8x80xi32, #tpu.memory_space<vmem>> -> memref<1x80xi32, #tpu.memory_space<vmem>>
    %dma_wait3A_169 = tpu.memref_squeeze %dma_wait3A_168 : memref<1x80xi32, #tpu.memory_space<vmem>> -> memref<80xi32, #tpu.memory_space<vmem>>
    %dma_wait3A_170 = arith.constant 0 : i32
    %dma_wait3A_171 = arith.constant 0 : i32
    %dma_wait3A_172 = tpu.memref_slice %arg4[%dma_wait3A_170, %dma_wait3A_171] : memref<10000x128xf32, #tpu.memory_space<hbm>> -> memref<10000x128xf32, #tpu.memory_space<hbm>>
    tpu.wait_indirect_dma semaphore(%arg18 : memref<!tpu.dma_semaphore, #tpu.memory_space<semaphore_mem>>) src(%dma_wait3A_172 : memref<10000x128xf32, #tpu.memory_space<hbm>>) dst(%arg9 : memref<80x128xf32, #tpu.memory_space<vmem>>)
    %dma_start3A_173 = arith.constant 4 : i32
    %dma_start3A_174 = arith.constant 0 : i32
    %dma_start3A_175 = tpu.memref_slice %arg8[%dma_start3A_173, %dma_start3A_174] : memref<8x80xi32, #tpu.memory_space<vmem>> -> memref<1x80xi32, #tpu.memory_space<vmem>>
    %dma_start3A_176 = tpu.memref_squeeze %dma_start3A_175 : memref<1x80xi32, #tpu.memory_space<vmem>> -> memref<80xi32, #tpu.memory_space<vmem>>
    %dma_start3A_177 = arith.constant 0 : i32
    %dma_start3A_178 = arith.constant 0 : i32
    %dma_start3A_179 = tpu.memref_slice %arg13[%dma_start3A_177, %dma_start3A_178] : memref<10000x128xf32, #tpu.memory_space<vmem_shared>> -> memref<10000x128xf32, #tpu.memory_space<vmem_shared>>
    tpu.enqueue_indirect_dma source(%arg9 : memref<80x128xf32, #tpu.memory_space<vmem>>) target(%dma_start3A_179 : memref<10000x128xf32, #tpu.memory_space<vmem_shared>>) offsets(%dma_start3A_176 : memref<80xi32, #tpu.memory_space<vmem>>) semaphore(%arg22 : memref<!tpu.dma_semaphore, #tpu.memory_space<semaphore_mem>>) {add = true}
    %dma_wait3A_180 = arith.constant 0 : i32
    %dma_wait3A_181 = arith.constant 0 : i32
    %dma_wait3A_182 = tpu.memref_slice %arg8[%dma_wait3A_180, %dma_wait3A_181] : memref<8x80xi32, #tpu.memory_space<vmem>> -> memref<1x80xi32, #tpu.memory_space<vmem>>
    %dma_wait3A_183 = tpu.memref_squeeze %dma_wait3A_182 : memref<1x80xi32, #tpu.memory_space<vmem>> -> memref<80xi32, #tpu.memory_space<vmem>>
    %dma_wait3A_184 = arith.constant 0 : i32
    %dma_wait3A_185 = arith.constant 0 : i32
    %dma_wait3A_186 = tpu.memref_slice %arg13[%dma_wait3A_184, %dma_wait3A_185] : memref<10000x128xf32, #tpu.memory_space<vmem_shared>> -> memref<10000x128xf32, #tpu.memory_space<vmem_shared>>
    tpu.wait_indirect_dma semaphore(%arg22 : memref<!tpu.dma_semaphore, #tpu.memory_space<semaphore_mem>>) src(%arg9 : memref<80x128xf32, #tpu.memory_space<vmem>>) dst(%dma_wait3A_186 : memref<10000x128xf32, #tpu.memory_space<vmem_shared>>)
    %dma_wait3A_187 = arith.constant 1 : i32
    %dma_wait3A_188 = arith.constant 0 : i32
    %dma_wait3A_189 = tpu.memref_slice %arg8[%dma_wait3A_187, %dma_wait3A_188] : memref<8x80xi32, #tpu.memory_space<vmem>> -> memref<1x80xi32, #tpu.memory_space<vmem>>
    %dma_wait3A_190 = tpu.memref_squeeze %dma_wait3A_189 : memref<1x80xi32, #tpu.memory_space<vmem>> -> memref<80xi32, #tpu.memory_space<vmem>>
    %dma_wait3A_191 = arith.constant 0 : i32
    %dma_wait3A_192 = arith.constant 0 : i32
    %dma_wait3A_193 = tpu.memref_slice %arg13[%dma_wait3A_191, %dma_wait3A_192] : memref<10000x128xf32, #tpu.memory_space<vmem_shared>> -> memref<10000x128xf32, #tpu.memory_space<vmem_shared>>
    tpu.wait_indirect_dma semaphore(%arg23 : memref<!tpu.dma_semaphore, #tpu.memory_space<semaphore_mem>>) src(%arg10 : memref<80x128xf32, #tpu.memory_space<vmem>>) dst(%dma_wait3A_193 : memref<10000x128xf32, #tpu.memory_space<vmem_shared>>)
    %dma_wait3A_194 = arith.constant 2 : i32
    %dma_wait3A_195 = arith.constant 0 : i32
    %dma_wait3A_196 = tpu.memref_slice %arg8[%dma_wait3A_194, %dma_wait3A_195] : memref<8x80xi32, #tpu.memory_space<vmem>> -> memref<1x80xi32, #tpu.memory_space<vmem>>
    %dma_wait3A_197 = tpu.memref_squeeze %dma_wait3A_196 : memref<1x80xi32, #tpu.memory_space<vmem>> -> memref<80xi32, #tpu.memory_space<vmem>>
    %dma_wait3A_198 = arith.constant 0 : i32
    %dma_wait3A_199 = arith.constant 0 : i32
    %dma_wait3A_200 = tpu.memref_slice %arg13[%dma_wait3A_198, %dma_wait3A_199] : memref<10000x128xf32, #tpu.memory_space<vmem_shared>> -> memref<10000x128xf32, #tpu.memory_space<vmem_shared>>
    tpu.wait_indirect_dma semaphore(%arg24 : memref<!tpu.dma_semaphore, #tpu.memory_space<semaphore_mem>>) src(%arg11 : memref<80x128xf32, #tpu.memory_space<vmem>>) dst(%dma_wait3A_200 : memref<10000x128xf32, #tpu.memory_space<vmem_shared>>)
    %dma_wait3A_201 = arith.constant 3 : i32
    %dma_wait3A_202 = arith.constant 0 : i32
    %dma_wait3A_203 = tpu.memref_slice %arg8[%dma_wait3A_201, %dma_wait3A_202] : memref<8x80xi32, #tpu.memory_space<vmem>> -> memref<1x80xi32, #tpu.memory_space<vmem>>
    %dma_wait3A_204 = tpu.memref_squeeze %dma_wait3A_203 : memref<1x80xi32, #tpu.memory_space<vmem>> -> memref<80xi32, #tpu.memory_space<vmem>>
    %dma_wait3A_205 = arith.constant 0 : i32
    %dma_wait3A_206 = arith.constant 0 : i32
    %dma_wait3A_207 = tpu.memref_slice %arg13[%dma_wait3A_205, %dma_wait3A_206] : memref<10000x128xf32, #tpu.memory_space<vmem_shared>> -> memref<10000x128xf32, #tpu.memory_space<vmem_shared>>
    tpu.wait_indirect_dma semaphore(%arg25 : memref<!tpu.dma_semaphore, #tpu.memory_space<semaphore_mem>>) src(%arg12 : memref<80x128xf32, #tpu.memory_space<vmem>>) dst(%dma_wait3A_207 : memref<10000x128xf32, #tpu.memory_space<vmem_shared>>)
    %barrier3A_208 = arith.constant 0 : index
    tpu.barrier barrier_id(%barrier3A_208)
    %lt3A_209 = arith.constant 15 : i32
    %lt3A_210 = arith.cmpi slt, %arg1, %lt3A_209 : i32
    %convert_element_type3A_211 = arith.extui %lt3A_210 : i1 to i32
    %cond3A_212 = arith.constant 0 : i32
    %cond3A_213 = arith.cmpi ne, %convert_element_type3A_211, %cond3A_212 : i32
    scf.if %cond3A_213 {
      "tpu.region"() ({
        %run_scoped3A = tpu.sem_alloc : memref<!tpu.dma_semaphore, #tpu.memory_space<semaphore_mem>>
        %dma_start3A_219 = arith.constant 0 : i32
        %dma_start3A_220 = tpu.memref_slice %arg6[%arg0, %mul3A_2, %dma_start3A_219] : memref<2x10000x128xf32, #tpu.memory_space<hbm>> -> memref<1x640x128xf32, #tpu.memory_space<hbm>>
        %dma_start3A_221 = tpu.memref_squeeze %dma_start3A_220 : memref<1x640x128xf32, #tpu.memory_space<hbm>> -> memref<640x128xf32, #tpu.memory_space<hbm>>
        %dma_start3A_222 = arith.constant 0 : i32
        %dma_start3A_223 = tpu.memref_slice %arg13[%mul3A_2, %dma_start3A_222] : memref<10000x128xf32, #tpu.memory_space<vmem_shared>> -> memref<640x128xf32, #tpu.memory_space<vmem_shared>>
        tpu.enqueue_dma source(%dma_start3A_223 : memref<640x128xf32, #tpu.memory_space<vmem_shared>>) target(%dma_start3A_221 : memref<640x128xf32, #tpu.memory_space<hbm>>) target_semaphore(%run_scoped3A : memref<!tpu.dma_semaphore, #tpu.memory_space<semaphore_mem>>)
        %dma_wait3A_224 = arith.constant 0 : i32
        %dma_wait3A_225 = tpu.memref_slice %arg6[%arg0, %mul3A_2, %dma_wait3A_224] : memref<2x10000x128xf32, #tpu.memory_space<hbm>> -> memref<1x640x128xf32, #tpu.memory_space<hbm>>
        %dma_wait3A_226 = tpu.memref_squeeze %dma_wait3A_225 : memref<1x640x128xf32, #tpu.memory_space<hbm>> -> memref<640x128xf32, #tpu.memory_space<hbm>>
        %dma_wait3A_227 = arith.constant 0 : i32
        %dma_wait3A_228 = tpu.memref_slice %arg13[%mul3A_2, %dma_wait3A_227] : memref<10000x128xf32, #tpu.memory_space<vmem_shared>> -> memref<640x128xf32, #tpu.memory_space<vmem_shared>>
        tpu.wait_dma2 semaphore(%run_scoped3A : memref<!tpu.dma_semaphore, #tpu.memory_space<semaphore_mem>>) src(%dma_wait3A_228 : memref<640x128xf32, #tpu.memory_space<vmem_shared>>) dst(%dma_wait3A_226 : memref<640x128xf32, #tpu.memory_space<hbm>>)
        tpu.yield
      }) : () -> ()
    } else {
    }
    %eq3A_214 = arith.constant 15 : i32
    %eq3A_215 = arith.cmpi eq, %arg1, %eq3A_214 : i32
    %convert_element_type3A_216 = arith.extui %eq3A_215 : i1 to i32
    %cond3A_217 = arith.constant 0 : i32
    %cond3A_218 = arith.cmpi ne, %convert_element_type3A_216, %cond3A_217 : i32
    scf.if %cond3A_218 {
      "tpu.region"() ({
        %run_scoped3A = tpu.sem_alloc : memref<!tpu.dma_semaphore, #tpu.memory_space<semaphore_mem>>
        %dma_start3A_219 = arith.constant 9600 : i32
        %dma_start3A_220 = arith.constant 0 : i32
        %dma_start3A_221 = tpu.memref_slice %arg6[%arg0, %dma_start3A_219, %dma_start3A_220] : memref<2x10000x128xf32, #tpu.memory_space<hbm>> -> memref<1x400x128xf32, #tpu.memory_space<hbm>>
        %dma_start3A_222 = tpu.memref_squeeze %dma_start3A_221 : memref<1x400x128xf32, #tpu.memory_space<hbm>> -> memref<400x128xf32, #tpu.memory_space<hbm>>
        %dma_start3A_223 = arith.constant 9600 : i32
        %dma_start3A_224 = arith.constant 0 : i32
        %dma_start3A_225 = tpu.memref_slice %arg13[%dma_start3A_223, %dma_start3A_224] : memref<10000x128xf32, #tpu.memory_space<vmem_shared>> -> memref<400x128xf32, #tpu.memory_space<vmem_shared>>
        tpu.enqueue_dma source(%dma_start3A_225 : memref<400x128xf32, #tpu.memory_space<vmem_shared>>) target(%dma_start3A_222 : memref<400x128xf32, #tpu.memory_space<hbm>>) target_semaphore(%run_scoped3A : memref<!tpu.dma_semaphore, #tpu.memory_space<semaphore_mem>>)
        %dma_wait3A_226 = arith.constant 9600 : i32
        %dma_wait3A_227 = arith.constant 0 : i32
        %dma_wait3A_228 = tpu.memref_slice %arg6[%arg0, %dma_wait3A_226, %dma_wait3A_227] : memref<2x10000x128xf32, #tpu.memory_space<hbm>> -> memref<1x400x128xf32, #tpu.memory_space<hbm>>
        %dma_wait3A_229 = tpu.memref_squeeze %dma_wait3A_228 : memref<1x400x128xf32, #tpu.memory_space<hbm>> -> memref<400x128xf32, #tpu.memory_space<hbm>>
        %dma_wait3A_230 = arith.constant 9600 : i32
        %dma_wait3A_231 = arith.constant 0 : i32
        %dma_wait3A_232 = tpu.memref_slice %arg13[%dma_wait3A_230, %dma_wait3A_231] : memref<10000x128xf32, #tpu.memory_space<vmem_shared>> -> memref<400x128xf32, #tpu.memory_space<vmem_shared>>
        tpu.wait_dma2 semaphore(%run_scoped3A : memref<!tpu.dma_semaphore, #tpu.memory_space<semaphore_mem>>) src(%dma_wait3A_232 : memref<400x128xf32, #tpu.memory_space<vmem_shared>>) dst(%dma_wait3A_229 : memref<400x128xf32, #tpu.memory_space<hbm>>)
        tpu.yield
      }) : () -> ()
    } else {
    }
    return
  }
}

module attributes {stable_mosaic.version = 14 : i64} {
  func.func @_tca_body(%arg0: i32, %arg1: memref<1000x128xf32, #tpu.memory_space<vmem>>, %arg2: memref<128x128xf32, #tpu.memory_space<vmem>>, %arg3: memref<2x1x1x1000xf32, #tpu.memory_space<vmem>>, %arg4: memref<1000x128xf32, #tpu.memory_space<vmem>>) attributes {dimension_semantics = [#tpu.dimension_semantics<arbitrary>], iteration_bounds = array<i64: 10>, scalar_prefetch = 0 : i64, scratch_operands = 0 : i64, tpu.core_type = #tpu.core_type<tc>, window_params = [{transform_indices = @transform_0, window_bounds = array<i64: 1000, 128>}, {pipeline_mode = #tpu.pipeline_mode<synchronous>, transform_indices = @transform_1, window_bounds = array<i64: 128, 128>}, {transform_indices = @transform_2, window_bounds = array<i64: 2, 1, 1, 1000>}, {transform_indices = @transform_3, window_bounds = array<i64: 1000, 128>}]} {
    %get3A = arith.constant 0 : index
    %get3A_0 = arith.constant 0 : index
    %get3A_1 = arith.constant 0 : index
    %get3A_2 = arith.constant 0 : index
    %get3A_3 = vector.load %arg3[%get3A, %get3A_0, %get3A_1, %get3A_2] : memref<2x1x1x1000xf32, #tpu.memory_space<vmem>>, vector<2x1x1x1000xf32>
    %slice3A = vector.extract_strided_slice %get3A_3 {offsets = [0, 0, 0, 0], sizes = [1, 1, 1, 1000], strides = [1, 1, 1, 1]} : vector<2x1x1x1000xf32> to vector<1x1x1x1000xf32>
    %squeeze3A = vector.shape_cast %slice3A : vector<1x1x1x1000xf32> to vector<1000xf32>
    %slice3A_4 = vector.extract_strided_slice %get3A_3 {offsets = [1, 0, 0, 0], sizes = [1, 1, 1, 1000], strides = [1, 1, 1, 1]} : vector<2x1x1x1000xf32> to vector<1x1x1x1000xf32>
    %squeeze3A_5 = vector.shape_cast %slice3A_4 : vector<1x1x1x1000xf32> to vector<1000xf32>
    %add3A = arith.addf %squeeze3A, %squeeze3A_5 : vector<1000xf32>
    %add3A_6 = arith.constant 1.000000e+00 : f32
    %add3A_7 = vector.broadcast %add3A_6 : f32 to vector<1000xf32>
    %add3A_8 = arith.addf %add3A, %add3A_7 : vector<1000xf32>
    %rsqrt3A = math.rsqrt %add3A_8 : vector<1000xf32>
    %get3A_9 = arith.constant 0 : index
    %get3A_10 = arith.constant 0 : index
    %get3A_11 = vector.load %arg1[%get3A_9, %get3A_10] : memref<1000x128xf32, #tpu.memory_space<vmem>>, vector<1000x128xf32>
    %get3A_12 = arith.constant 0 : index
    %get3A_13 = arith.constant 0 : index
    %get3A_14 = vector.load %arg2[%get3A_12, %get3A_13] : memref<128x128xf32, #tpu.memory_space<vmem>>, vector<128x128xf32>
    %dot_general3A = arith.constant dense<0.000000e+00> : vector<1000x128xf32>
    %dot_general3A_15 = tpu.matmul %get3A_11, %get3A_14, %dot_general3A {dimension_numbers = #tpu.dot_dimension_numbers<[1], [0], [0], [1], [0, 0, 1, 1], [], []>, transpose_lhs_hint = false} : vector<1000x128xf32>, vector<128x128xf32>, vector<1000x128xf32> -> vector<1000x128xf32>
    %broadcast_in_dim3A = vector.shape_cast %rsqrt3A : vector<1000xf32> to vector<1000x1xf32>
    %mul3A = vector.broadcast %broadcast_in_dim3A : vector<1000x1xf32> to vector<1000x128xf32>
    %mul3A_16 = arith.mulf %dot_general3A_15, %mul3A : vector<1000x128xf32>
    %swap3A = arith.constant 0 : index
    %swap3A_17 = arith.constant 0 : index
    %swap3A_18 = vector.load %arg4[%swap3A, %swap3A_17] : memref<1000x128xf32, #tpu.memory_space<vmem>>, vector<1000x128xf32>
    tpu.vector_store %arg4[%swap3A, %swap3A_17], %mul3A_16 {strides = array<i32>} : memref<1000x128xf32, #tpu.memory_space<vmem>>, vector<1000x128xf32>,
    return
  }
  func.func @transform_0(%arg0: i32) -> (i32, i32) {
    %c0_i32 = arith.constant 0 : i32
    %c0_i32_0 = arith.constant 0 : i32
    return %arg0, %c0_i32 : i32, i32
  }
  func.func @transform_1(%arg0: i32) -> (i32, i32) {
    %c0_i32 = arith.constant 0 : i32
    %c0_i32_0 = arith.constant 0 : i32
    %c0_i32_1 = arith.constant 0 : i32
    return %c0_i32, %c0_i32_0 : i32, i32
  }
  func.func @transform_2(%arg0: i32) -> (i32, i32, i32, i32) {
    %c0_i32 = arith.constant 0 : i32
    %c0_i32_0 = arith.constant 0 : i32
    %c0_i32_1 = arith.constant 0 : i32
    %c0_i32_2 = arith.constant 0 : i32
    return %c0_i32, %arg0, %c0_i32_0, %c0_i32_1 : i32, i32, i32, i32
  }
  func.func @transform_3(%arg0: i32) -> (i32, i32) {
    %c0_i32 = arith.constant 0 : i32
    %c0_i32_0 = arith.constant 0 : i32
    return %arg0, %c0_i32 : i32, i32
  }
}

module attributes {stable_mosaic.version = 14 : i64} {
  func.func @_tcb_body(%arg0: i32, %arg1: memref<2x1000x128xf32, #tpu.memory_space<vmem>>, %arg2: memref<1000x128xf32, #tpu.memory_space<vmem>>, %arg3: memref<2x1x1x1000xf32, #tpu.memory_space<vmem>>, %arg4: memref<128xf32, #tpu.memory_space<vmem>>, %arg5: memref<128x128xf32, #tpu.memory_space<vmem>>, %arg6: memref<1000x128xf32, #tpu.memory_space<vmem>>) attributes {dimension_semantics = [#tpu.dimension_semantics<arbitrary>], iteration_bounds = array<i64: 10>, scalar_prefetch = 0 : i64, scratch_operands = 0 : i64, tpu.core_type = #tpu.core_type<tc>, window_params = [{transform_indices = @transform_0, window_bounds = array<i64: 2, 1000, 128>}, {transform_indices = @transform_1, window_bounds = array<i64: 1000, 128>}, {transform_indices = @transform_2, window_bounds = array<i64: 2, 1, 1, 1000>}, {pipeline_mode = #tpu.pipeline_mode<synchronous>, transform_indices = @transform_3, window_bounds = array<i64: 128>}, {pipeline_mode = #tpu.pipeline_mode<synchronous>, transform_indices = @transform_4, window_bounds = array<i64: 128, 128>}, {transform_indices = @transform_5, window_bounds = array<i64: 1000, 128>}]} {
    %get3A = arith.constant 0 : index
    %get3A_0 = arith.constant 0 : index
    %get3A_1 = arith.constant 0 : index
    %get3A_2 = arith.constant 0 : index
    %get3A_3 = vector.load %arg3[%get3A, %get3A_0, %get3A_1, %get3A_2] : memref<2x1x1x1000xf32, #tpu.memory_space<vmem>>, vector<2x1x1x1000xf32>
    %slice3A = vector.extract_strided_slice %get3A_3 {offsets = [0, 0, 0, 0], sizes = [1, 1, 1, 1000], strides = [1, 1, 1, 1]} : vector<2x1x1x1000xf32> to vector<1x1x1x1000xf32>
    %squeeze3A = vector.shape_cast %slice3A : vector<1x1x1x1000xf32> to vector<1000xf32>
    %slice3A_4 = vector.extract_strided_slice %get3A_3 {offsets = [1, 0, 0, 0], sizes = [1, 1, 1, 1000], strides = [1, 1, 1, 1]} : vector<2x1x1x1000xf32> to vector<1x1x1x1000xf32>
    %squeeze3A_5 = vector.shape_cast %slice3A_4 : vector<1x1x1x1000xf32> to vector<1000xf32>
    %add3A = arith.addf %squeeze3A, %squeeze3A_5 : vector<1000xf32>
    %add3A_6 = arith.constant 1.000000e+00 : f32
    %add3A_7 = vector.broadcast %add3A_6 : f32 to vector<1000xf32>
    %add3A_8 = arith.addf %add3A, %add3A_7 : vector<1000xf32>
    %rsqrt3A = math.rsqrt %add3A_8 : vector<1000xf32>
    %get3A_9 = arith.constant 0 : index
    %get3A_10 = arith.constant 0 : index
    %get3A_11 = arith.constant 0 : index
    %get3A_12 = vector.load %arg1[%get3A_9, %get3A_10, %get3A_11] : memref<2x1000x128xf32, #tpu.memory_space<vmem>>, vector<1x1000x128xf32>
    %get3A_13 = vector.shape_cast %get3A_12 : vector<1x1000x128xf32> to vector<1000x128xf32>
    %get3A_14 = arith.constant 1 : index
    %get3A_15 = arith.constant 0 : index
    %get3A_16 = arith.constant 0 : index
    %get3A_17 = vector.load %arg1[%get3A_14, %get3A_15, %get3A_16] : memref<2x1000x128xf32, #tpu.memory_space<vmem>>, vector<1x1000x128xf32>
    %get3A_18 = vector.shape_cast %get3A_17 : vector<1x1000x128xf32> to vector<1000x128xf32>
    %add3A_19 = arith.addf %get3A_13, %get3A_18 : vector<1000x128xf32>
    %get3A_20 = arith.constant 0 : index
    %get3A_21 = arith.constant 0 : index
    %get3A_22 = vector.load %arg2[%get3A_20, %get3A_21] : memref<1000x128xf32, #tpu.memory_space<vmem>>, vector<1000x128xf32>
    %add3A_23 = arith.addf %add3A_19, %get3A_22 : vector<1000x128xf32>
    %broadcast_in_dim3A = vector.shape_cast %rsqrt3A : vector<1000xf32> to vector<1000x1xf32>
    %mul3A = vector.broadcast %broadcast_in_dim3A : vector<1000x1xf32> to vector<1000x128xf32>
    %mul3A_24 = arith.mulf %add3A_23, %mul3A : vector<1000x128xf32>
    %get3A_25 = arith.constant 0 : index
    %get3A_26 = vector.load %arg4[%get3A_25] : memref<128xf32, #tpu.memory_space<vmem>>, vector<128xf32>
    %broadcast_in_dim3A_27 = vector.shape_cast %get3A_26 : vector<128xf32> to vector<1x128xf32>
    %add3A_28 = vector.broadcast %broadcast_in_dim3A_27 : vector<1x128xf32> to vector<1000x128xf32>
    %add3A_29 = arith.addf %mul3A_24, %add3A_28 : vector<1000x128xf32>
    %max3A = arith.constant 0.000000e+00 : f32
    %max3A_30 = vector.broadcast %max3A : f32 to vector<1000x128xf32>
    %max3A_31 = arith.maximumf %add3A_29, %max3A_30 : vector<1000x128xf32>
    %get3A_32 = arith.constant 0 : index
    %get3A_33 = arith.constant 0 : index
    %get3A_34 = vector.load %arg5[%get3A_32, %get3A_33] : memref<128x128xf32, #tpu.memory_space<vmem>>, vector<128x128xf32>
    %dot_general3A = arith.constant dense<0.000000e+00> : vector<1000x128xf32>
    %dot_general3A_35 = tpu.matmul %max3A_31, %get3A_34, %dot_general3A {dimension_numbers = #tpu.dot_dimension_numbers<[1], [0], [0], [1], [0, 0, 1, 1], [], []>, transpose_lhs_hint = false} : vector<1000x128xf32>, vector<128x128xf32>, vector<1000x128xf32> -> vector<1000x128xf32>
    %broadcast_in_dim3A_36 = vector.shape_cast %rsqrt3A : vector<1000xf32> to vector<1000x1xf32>
    %mul3A_37 = vector.broadcast %broadcast_in_dim3A_36 : vector<1000x1xf32> to vector<1000x128xf32>
    %mul3A_38 = arith.mulf %dot_general3A_35, %mul3A_37 : vector<1000x128xf32>
    %swap3A = arith.constant 0 : index
    %swap3A_39 = arith.constant 0 : index
    %swap3A_40 = vector.load %arg6[%swap3A, %swap3A_39] : memref<1000x128xf32, #tpu.memory_space<vmem>>, vector<1000x128xf32>
    tpu.vector_store %arg6[%swap3A, %swap3A_39], %mul3A_38 {strides = array<i32>} : memref<1000x128xf32, #tpu.memory_space<vmem>>, vector<1000x128xf32>,
    return
  }
  func.func @transform_0(%arg0: i32) -> (i32, i32, i32) {
    %c0_i32 = arith.constant 0 : i32
    %c0_i32_0 = arith.constant 0 : i32
    %c0_i32_1 = arith.constant 0 : i32
    return %c0_i32, %arg0, %c0_i32_0 : i32, i32, i32
  }
  func.func @transform_1(%arg0: i32) -> (i32, i32) {
    %c0_i32 = arith.constant 0 : i32
    %c0_i32_0 = arith.constant 0 : i32
    return %arg0, %c0_i32 : i32, i32
  }
  func.func @transform_2(%arg0: i32) -> (i32, i32, i32, i32) {
    %c0_i32 = arith.constant 0 : i32
    %c0_i32_0 = arith.constant 0 : i32
    %c0_i32_1 = arith.constant 0 : i32
    %c0_i32_2 = arith.constant 0 : i32
    return %c0_i32, %arg0, %c0_i32_0, %c0_i32_1 : i32, i32, i32, i32
  }
  func.func @transform_3(%arg0: i32) -> i32 {
    %c0_i32 = arith.constant 0 : i32
    %c0_i32_0 = arith.constant 0 : i32
    return %c0_i32 : i32
  }
  func.func @transform_4(%arg0: i32) -> (i32, i32) {
    %c0_i32 = arith.constant 0 : i32
    %c0_i32_0 = arith.constant 0 : i32
    %c0_i32_1 = arith.constant 0 : i32
    return %c0_i32, %c0_i32_0 : i32, i32
  }
  func.func @transform_5(%arg0: i32) -> (i32, i32) {
    %c0_i32 = arith.constant 0 : i32
    %c0_i32_0 = arith.constant 0 : i32
    return %arg0, %c0_i32 : i32, i32
  }
}

module attributes {stable_mosaic.version = 14 : i64} {
  func.func @_tcc_body(%arg0: i32, %arg1: memref<2x1000x128xf32, #tpu.memory_space<vmem>>, %arg2: memref<1000x128xf32, #tpu.memory_space<vmem>>, %arg3: memref<2x1x1x1000xf32, #tpu.memory_space<vmem>>, %arg4: memref<128xf32, #tpu.memory_space<vmem>>, %arg5: memref<1x1x1000xi32, #tpu.memory_space<vmem>>, %arg6: memref<128x128xf32, #tpu.memory_space<vmem>>, %arg7: memref<128xf32, #tpu.memory_space<vmem>>, %arg8: memref<256x128xf32, #tpu.memory_space<vmem>>, %arg9: memref<256x128xf32, #tpu.memory_space<vmem>>, %arg10: memref<256x128xf32, #tpu.memory_space<vmem>>) attributes {dimension_semantics = [#tpu.dimension_semantics<arbitrary>], iteration_bounds = array<i64: 10>, scalar_prefetch = 0 : i64, scratch_operands = 0 : i64, tpu.core_type = #tpu.core_type<tc>, window_params = [{transform_indices = @transform_0, window_bounds = array<i64: 2, 1000, 128>}, {transform_indices = @transform_1, window_bounds = array<i64: 1000, 128>}, {transform_indices = @transform_2, window_bounds = array<i64: 2, 1, 1, 1000>}, {pipeline_mode = #tpu.pipeline_mode<synchronous>, transform_indices = @transform_3, window_bounds = array<i64: 128>}, {transform_indices = @transform_4, window_bounds = array<i64: 1, 1, 1000>}, {pipeline_mode = #tpu.pipeline_mode<synchronous>, transform_indices = @transform_5, window_bounds = array<i64: 128, 128>}, {pipeline_mode = #tpu.pipeline_mode<synchronous>, transform_indices = @transform_6, window_bounds = array<i64: 128>}, {pipeline_mode = #tpu.pipeline_mode<synchronous>, transform_indices = @transform_7, window_bounds = array<i64: 256, 128>}, {pipeline_mode = #tpu.pipeline_mode<synchronous>, transform_indices = @transform_8, window_bounds = array<i64: 256, 128>}, {pipeline_mode = #tpu.pipeline_mode<synchronous>, transform_indices = @transform_9, window_bounds = array<i64: 256, 128>}]} {
    %get3A = arith.constant 0 : index
    %get3A_0 = arith.constant 0 : index
    %get3A_1 = arith.constant 0 : index
    %get3A_2 = arith.constant 0 : index
    %get3A_3 = vector.load %arg3[%get3A, %get3A_0, %get3A_1, %get3A_2] : memref<2x1x1x1000xf32, #tpu.memory_space<vmem>>, vector<2x1x1x1000xf32>
    %slice3A = vector.extract_strided_slice %get3A_3 {offsets = [0, 0, 0, 0], sizes = [1, 1, 1, 1000], strides = [1, 1, 1, 1]} : vector<2x1x1x1000xf32> to vector<1x1x1x1000xf32>
    %squeeze3A = vector.shape_cast %slice3A : vector<1x1x1x1000xf32> to vector<1000xf32>
    %slice3A_4 = vector.extract_strided_slice %get3A_3 {offsets = [1, 0, 0, 0], sizes = [1, 1, 1, 1000], strides = [1, 1, 1, 1]} : vector<2x1x1x1000xf32> to vector<1x1x1x1000xf32>
    %squeeze3A_5 = vector.shape_cast %slice3A_4 : vector<1x1x1x1000xf32> to vector<1000xf32>
    %add3A = arith.addf %squeeze3A, %squeeze3A_5 : vector<1000xf32>
    %add3A_6 = arith.constant 1.000000e+00 : f32
    %add3A_7 = vector.broadcast %add3A_6 : f32 to vector<1000xf32>
    %add3A_8 = arith.addf %add3A, %add3A_7 : vector<1000xf32>
    %rsqrt3A = math.rsqrt %add3A_8 : vector<1000xf32>
    %get3A_9 = arith.constant 0 : index
    %get3A_10 = arith.constant 0 : index
    %get3A_11 = arith.constant 0 : index
    %get3A_12 = vector.load %arg1[%get3A_9, %get3A_10, %get3A_11] : memref<2x1000x128xf32, #tpu.memory_space<vmem>>, vector<1x1000x128xf32>
    %get3A_13 = vector.shape_cast %get3A_12 : vector<1x1000x128xf32> to vector<1000x128xf32>
    %get3A_14 = arith.constant 1 : index
    %get3A_15 = arith.constant 0 : index
    %get3A_16 = arith.constant 0 : index
    %get3A_17 = vector.load %arg1[%get3A_14, %get3A_15, %get3A_16] : memref<2x1000x128xf32, #tpu.memory_space<vmem>>, vector<1x1000x128xf32>
    %get3A_18 = vector.shape_cast %get3A_17 : vector<1x1000x128xf32> to vector<1000x128xf32>
    %add3A_19 = arith.addf %get3A_13, %get3A_18 : vector<1000x128xf32>
    %get3A_20 = arith.constant 0 : index
    %get3A_21 = arith.constant 0 : index
    %get3A_22 = vector.load %arg2[%get3A_20, %get3A_21] : memref<1000x128xf32, #tpu.memory_space<vmem>>, vector<1000x128xf32>
    %add3A_23 = arith.addf %add3A_19, %get3A_22 : vector<1000x128xf32>
    %broadcast_in_dim3A = vector.shape_cast %rsqrt3A : vector<1000xf32> to vector<1000x1xf32>
    %mul3A = vector.broadcast %broadcast_in_dim3A : vector<1000x1xf32> to vector<1000x128xf32>
    %mul3A_24 = arith.mulf %add3A_23, %mul3A : vector<1000x128xf32>
    %get3A_25 = arith.constant 0 : index
    %get3A_26 = vector.load %arg4[%get3A_25] : memref<128xf32, #tpu.memory_space<vmem>>, vector<128xf32>
    %broadcast_in_dim3A_27 = vector.shape_cast %get3A_26 : vector<128xf32> to vector<1x128xf32>
    %add3A_28 = vector.broadcast %broadcast_in_dim3A_27 : vector<1x128xf32> to vector<1000x128xf32>
    %add3A_29 = arith.addf %mul3A_24, %add3A_28 : vector<1000x128xf32>
    %max3A = arith.constant 0.000000e+00 : f32
    %max3A_30 = vector.broadcast %max3A : f32 to vector<1000x128xf32>
    %max3A_31 = arith.maximumf %add3A_29, %max3A_30 : vector<1000x128xf32>
    %get3A_32 = arith.constant 0 : index
    %get3A_33 = arith.constant 0 : index
    %get3A_34 = arith.constant 0 : index
    %get3A_35 = vector.load %arg5[%get3A_32, %get3A_33, %get3A_34] : memref<1x1x1000xi32, #tpu.memory_space<vmem>>, vector<1x1x1000xi32>
    %get3A_36 = vector.shape_cast %get3A_35 : vector<1x1x1000xi32> to vector<1000xi32>
    %iota3A = tpu.iota {dimensions = array<i32: 1>} : vector<1000x256xi32>
    %broadcast_in_dim3A_37 = vector.shape_cast %get3A_36 : vector<1000xi32> to vector<1000x1xi32>
    %eq3A = vector.broadcast %broadcast_in_dim3A_37 : vector<1000x1xi32> to vector<1000x256xi32>
    %eq3A_38 = arith.cmpi eq, %eq3A, %iota3A : vector<1000x256xi32>
    %convert_element_type3A = arith.extui %eq3A_38 : vector<1000x256xi1> to vector<1000x256xi32>
    %convert_element_type3A_39 = arith.sitofp %convert_element_type3A : vector<1000x256xi32> to vector<1000x256xf32>
    %dot_general3A = arith.constant dense<0.000000e+00> : vector<256x128xf32>
    %dot_general3A_40 = tpu.matmul %convert_element_type3A_39, %max3A_31, %dot_general3A {dimension_numbers = #tpu.dot_dimension_numbers<[0], [0], [1], [1], [0, 1, 1, 1], [], []>, transpose_lhs_hint = false} : vector<1000x256xf32>, vector<1000x128xf32>, vector<256x128xf32> -> vector<256x128xf32>
    %broadcast_in_dim3A_41 = arith.constant 1.000000e+00 : f32
    %broadcast_in_dim3A_42 = vector.broadcast %broadcast_in_dim3A_41 : f32 to vector<1000x128xf32>
    %dot_general3A_43 = arith.constant dense<0.000000e+00> : vector<256x128xf32>
    %dot_general3A_44 = tpu.matmul %convert_element_type3A_39, %broadcast_in_dim3A_42, %dot_general3A_43 {dimension_numbers = #tpu.dot_dimension_numbers<[0], [0], [1], [1], [0, 1, 1, 1], [], []>, transpose_lhs_hint = false} : vector<1000x256xf32>, vector<1000x128xf32>, vector<256x128xf32> -> vector<256x128xf32>
    %eq3A_45 = arith.constant 0 : i32
    %eq3A_46 = arith.cmpi eq, %arg0, %eq3A_45 : i32
    %convert_element_type3A_47 = arith.extui %eq3A_46 : i1 to i32
    %cond3A = arith.constant 0 : i32
    %cond3A_48 = arith.cmpi ne, %convert_element_type3A_47, %cond3A : i32
    scf.if %cond3A_48 {
      %broadcast_in_dim3A_67 = arith.constant 0.000000e+00 : f32
      %broadcast_in_dim3A_68 = vector.broadcast %broadcast_in_dim3A_67 : f32 to vector<256x128xf32>
      %swap3A_69 = arith.constant 0 : index
      %swap3A_70 = arith.constant 0 : index
      %swap3A_71 = vector.load %arg8[%swap3A_69, %swap3A_70] : memref<256x128xf32, #tpu.memory_space<vmem>>, vector<256x128xf32>
      tpu.vector_store %arg8[%swap3A_69, %swap3A_70], %broadcast_in_dim3A_68 {strides = array<i32>} : memref<256x128xf32, #tpu.memory_space<vmem>>, vector<256x128xf32>,
      %broadcast_in_dim3A_72 = arith.constant 0.000000e+00 : f32
      %broadcast_in_dim3A_73 = vector.broadcast %broadcast_in_dim3A_72 : f32 to vector<256x128xf32>
      %swap3A_74 = arith.constant 0 : index
      %swap3A_75 = arith.constant 0 : index
      %swap3A_76 = vector.load %arg9[%swap3A_74, %swap3A_75] : memref<256x128xf32, #tpu.memory_space<vmem>>, vector<256x128xf32>
      tpu.vector_store %arg9[%swap3A_74, %swap3A_75], %broadcast_in_dim3A_73 {strides = array<i32>} : memref<256x128xf32, #tpu.memory_space<vmem>>, vector<256x128xf32>,
    } else {
    }
    %get3A_49 = arith.constant 0 : index
    %get3A_50 = arith.constant 0 : index
    %get3A_51 = vector.load %arg8[%get3A_49, %get3A_50] : memref<256x128xf32, #tpu.memory_space<vmem>>, vector<256x128xf32>
    %add3A_52 = arith.addf %get3A_51, %dot_general3A_40 : vector<256x128xf32>
    %swap3A = arith.constant 0 : index
    %swap3A_53 = arith.constant 0 : index
    %swap3A_54 = vector.load %arg8[%swap3A, %swap3A_53] : memref<256x128xf32, #tpu.memory_space<vmem>>, vector<256x128xf32>
    tpu.vector_store %arg8[%swap3A, %swap3A_53], %add3A_52 {strides = array<i32>} : memref<256x128xf32, #tpu.memory_space<vmem>>, vector<256x128xf32>,
    %get3A_55 = arith.constant 0 : index
    %get3A_56 = arith.constant 0 : index
    %get3A_57 = vector.load %arg9[%get3A_55, %get3A_56] : memref<256x128xf32, #tpu.memory_space<vmem>>, vector<256x128xf32>
    %add3A_58 = arith.addf %get3A_57, %dot_general3A_44 : vector<256x128xf32>
    %swap3A_59 = arith.constant 0 : index
    %swap3A_60 = arith.constant 0 : index
    %swap3A_61 = vector.load %arg9[%swap3A_59, %swap3A_60] : memref<256x128xf32, #tpu.memory_space<vmem>>, vector<256x128xf32>
    tpu.vector_store %arg9[%swap3A_59, %swap3A_60], %add3A_58 {strides = array<i32>} : memref<256x128xf32, #tpu.memory_space<vmem>>, vector<256x128xf32>,
    %eq3A_62 = arith.constant 9 : i32
    %eq3A_63 = arith.cmpi eq, %arg0, %eq3A_62 : i32
    %convert_element_type3A_64 = arith.extui %eq3A_63 : i1 to i32
    %cond3A_65 = arith.constant 0 : i32
    %cond3A_66 = arith.cmpi ne, %convert_element_type3A_64, %cond3A_65 : i32
    scf.if %cond3A_66 {
      %get3A_67 = arith.constant 0 : index
      %get3A_68 = arith.constant 0 : index
      %get3A_69 = vector.load %arg8[%get3A_67, %get3A_68] : memref<256x128xf32, #tpu.memory_space<vmem>>, vector<256x128xf32>
      %get3A_70 = arith.constant 0 : index
      %get3A_71 = arith.constant 0 : index
      %get3A_72 = vector.load %arg9[%get3A_70, %get3A_71] : memref<256x128xf32, #tpu.memory_space<vmem>>, vector<256x128xf32>
      %max3A_73 = arith.constant 1.000000e+00 : f32
      %max3A_74 = vector.broadcast %max3A_73 : f32 to vector<256x128xf32>
      %max3A_75 = arith.maximumf %get3A_72, %max3A_74 : vector<256x128xf32>
      %div3A = arith.divf %get3A_69, %max3A_75 : vector<256x128xf32>
      %get3A_76 = arith.constant 0 : index
      %get3A_77 = arith.constant 0 : index
      %get3A_78 = vector.load %arg6[%get3A_76, %get3A_77] : memref<128x128xf32, #tpu.memory_space<vmem>>, vector<128x128xf32>
      %dot_general3A_79 = arith.constant dense<0.000000e+00> : vector<256x128xf32>
      %dot_general3A_80 = tpu.matmul %div3A, %get3A_78, %dot_general3A_79 {dimension_numbers = #tpu.dot_dimension_numbers<[1], [0], [0], [1], [0, 0, 1, 1], [], []>, transpose_lhs_hint = false} : vector<256x128xf32>, vector<128x128xf32>, vector<256x128xf32> -> vector<256x128xf32>
      %get3A_81 = arith.constant 0 : index
      %get3A_82 = vector.load %arg7[%get3A_81] : memref<128xf32, #tpu.memory_space<vmem>>, vector<128xf32>
      %broadcast_in_dim3A_83 = vector.shape_cast %get3A_82 : vector<128xf32> to vector<1x128xf32>
      %add3A_84 = vector.broadcast %broadcast_in_dim3A_83 : vector<1x128xf32> to vector<256x128xf32>
      %add3A_85 = arith.addf %dot_general3A_80, %add3A_84 : vector<256x128xf32>
      %swap3A_86 = arith.constant 0 : index
      %swap3A_87 = arith.constant 0 : index
      %swap3A_88 = vector.load %arg10[%swap3A_86, %swap3A_87] : memref<256x128xf32, #tpu.memory_space<vmem>>, vector<256x128xf32>
      tpu.vector_store %arg10[%swap3A_86, %swap3A_87], %add3A_85 {strides = array<i32>} : memref<256x128xf32, #tpu.memory_space<vmem>>, vector<256x128xf32>,
    } else {
    }
    return
  }
  func.func @transform_0(%arg0: i32) -> (i32, i32, i32) {
    %c0_i32 = arith.constant 0 : i32
    %c0_i32_0 = arith.constant 0 : i32
    %c0_i32_1 = arith.constant 0 : i32
    return %c0_i32, %arg0, %c0_i32_0 : i32, i32, i32
  }
  func.func @transform_1(%arg0: i32) -> (i32, i32) {
    %c0_i32 = arith.constant 0 : i32
    %c0_i32_0 = arith.constant 0 : i32
    return %arg0, %c0_i32 : i32, i32
  }
  func.func @transform_2(%arg0: i32) -> (i32, i32, i32, i32) {
    %c0_i32 = arith.constant 0 : i32
    %c0_i32_0 = arith.constant 0 : i32
    %c0_i32_1 = arith.constant 0 : i32
    %c0_i32_2 = arith.constant 0 : i32
    return %c0_i32, %arg0, %c0_i32_0, %c0_i32_1 : i32, i32, i32, i32
  }
  func.func @transform_3(%arg0: i32) -> i32 {
    %c0_i32 = arith.constant 0 : i32
    %c0_i32_0 = arith.constant 0 : i32
    return %c0_i32 : i32
  }
  func.func @transform_4(%arg0: i32) -> (i32, i32, i32) {
    %c0_i32 = arith.constant 0 : i32
    %c0_i32_0 = arith.constant 0 : i32
    %c0_i32_1 = arith.constant 0 : i32
    return %arg0, %c0_i32, %c0_i32_0 : i32, i32, i32
  }
  func.func @transform_5(%arg0: i32) -> (i32, i32) {
    %c0_i32 = arith.constant 0 : i32
    %c0_i32_0 = arith.constant 0 : i32
    %c0_i32_1 = arith.constant 0 : i32
    return %c0_i32, %c0_i32_0 : i32, i32
  }
  func.func @transform_6(%arg0: i32) -> i32 {
    %c0_i32 = arith.constant 0 : i32
    %c0_i32_0 = arith.constant 0 : i32
    return %c0_i32 : i32
  }
  func.func @transform_7(%arg0: i32) -> (i32, i32) {
    %c0_i32 = arith.constant 0 : i32
    %c0_i32_0 = arith.constant 0 : i32
    %c0_i32_1 = arith.constant 0 : i32
    return %c0_i32, %c0_i32_0 : i32, i32
  }
  func.func @transform_8(%arg0: i32) -> (i32, i32) {
    %c0_i32 = arith.constant 0 : i32
    %c0_i32_0 = arith.constant 0 : i32
    %c0_i32_1 = arith.constant 0 : i32
    return %c0_i32, %c0_i32_0 : i32, i32
  }
  func.func @transform_9(%arg0: i32) -> (i32, i32) {
    %c0_i32 = arith.constant 0 : i32
    %c0_i32_0 = arith.constant 0 : i32
    %c0_i32_1 = arith.constant 0 : i32
    return %c0_i32, %c0_i32_0 : i32, i32
  }
}

</mosaic_0001>

<sc_bundles>
// kernel: kernel.11.cloned.1.call-start
scs
__scs_entry_jumppad:
0x0: {  	(pc) =	sbr.rel $0x88, $3  }
0x1: {  	(tag) =	ssettag $0x0;
	lr =	simm.s32 $0x1  }
0x2: {  	[smem:$0x3F98] =	sst lr;
	_ =	strace $0xD0000000  }
0x3: {  	_ = 	snop  }
0x4: {  	_ = 	snop  }
0x5: {  	_ = 	snop  }
0x6: {  	_ = 	snop  }
0x7: {  	_ = 	snop  }
__scs_overlays_trampoline_lowered:
0x8: {  	[smem:$0x3FA7] =	sst s0  }
0x9: {  	[smem:$0x3FA8] =	sst s1  }
0xa: {  	[smem:$0x3FA9] =	sst s2  }
0xb: {  	[smem:$0x3FAA] =	sst s3  }
0xc: {  	[smem:$0x3FAB] =	sst s4  }
0xd: {  	[smem:$0x3FAC] =	sst s5  }
0xe: {  	[smem:$0x3FAD] =	sst s6  }
0xf: {  	[smem:$0x3FAE] =	sst s7  }
0x10: {  	[smem:$0x3FAF] =	sst s8  }
0x11: {  	[smem:$0x3FB0] =	sst s9;
	s0 =	simm.s32 @!p0 $0x0  }
0x12: {  	s1 =	sld [smem:$0x3F96];
	s0 =	simm.s32 @p0 $0x1  }
0x13: {  	[smem:$0x3FB1] =	sst s0;
	s0 =	simm.s32 @!p1 $0x0  }
0x14: {  	s2 =	sld [smem:$0x3F95];
	s0 =	simm.s32 @p1 $0x1  }
0x15: {  	[smem:$0x3FB2] =	sst s0;
	s0 =	simm.s32 @!p2 $0x0  }
0x16: {  	s3 =	sld [smem:$0x3FDB];
	s0 =	simm.s32 @p2 $0x1  }
0x17: {  	s4 =	simm.s32 $0x1BF5;
	[smem:$0x3FB4] =	sst s0  }
0x18: {  	s0 =	sld [smem:$0x3F97];
	_ =	swait.ge [sflag:s4], $0x0  }
0x19: {  	s7 =	sld [smem:$0x3F98]  }
0x1a: {  	s8 =	sadd.s32 $0xFFFFE003, lr  }
0x1b: {  	s9 =	sadd.s32 $0xFFFFFEF7, lr;
	s5 =	simm.s32 $0xFFFFFFFF;
	p2 =	slt.u32 s8, $0xFFFFF086  }
0x1c: {  	p1 =	slt.u32 s9, $0xF7A;
	s5 =	simm.s32 @!p2 $0x0  }
0x1d: {  	s5 =	simm.s32 @p1 $0x1;
	p0 =	seq.s32 s7, s2  }
0x1e: {  	s7 =	smul.u32 @!p0 $0xF7A, s2;
	p2 =	seq.s32 @!p0 s5, $0x0  }
0x1f: {  	s9 =	smul.u32 $0xF7A, s1;
	s8 =	simm.s32 @!p0 $0x1BF5;
	p2 =	por !p2, p0  }
0x20: {  	[sflag:s8] =	ssyncset.s32 @!p0 $0xFFFFF086;
	s6 =	sadd.s32 @!p0 s3, s7;
	s7 =	simm.s32 @!p0 $0x108  }
0x21: {  	s3 =	sadd.s32 s3, s9;
	s6 =	sadd.s32 @!p0 $0x88, s6;
	s7 =	simm.s32 @p2 $0x1082  }
0x22: {  	[simem:s7], [sflag:s8] =	dma.local @!p0 [hbm:s6], $0xF7A  }
0x23: {  	s9 =	sor.u32 $0xD0000000, s2;
	s6 =	simm.s32 $0x108;
	_ =	swait.ge @!p0 [sflag:s8], $0x0  }
0x24: {  	s3 =	sadd.s32 $0x88, s3;
	s6 =	simm.s32 @!p1 $0x1082;
	[sflag:s4] =	ssyncset.s32 $0xFFFFF086  }
0x25: {  	[simem:s6], [sflag:s4] =	dma.local [hbm:s3], $0xF7A  }
0x26: {  	[smem:$0x3F98] =	sst s1;
	(tag) =	ssettag s2;
	_ =	strace s9  }
0x27: {  	s1 =	sld [smem:$0x3FA8]  }
0x28: {  	s2 =	sld [smem:$0x3FA9]  }
0x29: {  	s4 =	sld [smem:$0x3FAB]  }
0x2a: {  	p0 =	seq.s32 s5, $0x0;
	s5 =	sld [smem:$0x3FAC]  }
0x2b: {  	s6 =	sld [smem:$0x3FAD]  }
0x2c: {  	s7 =	sld [smem:$0x3FAE]  }
0x2d: {  	s3 =	simm.s32 $0x108;
	s8 =	sld [smem:$0x3FAF]  }
0x2e: {  	s3 =	simm.s32 @!p0 $0x1082;
	s9 =	sld [smem:$0x3FB0]  }
0x2f: {  	lr =	sadd.s32 s0, s3;
	s0 =	sld [smem:$0x3FA7]  }
0x30: {  	s3 =	sld [smem:$0x3FAA]  }
0x31: {  	[smem:$0x3FB3] =	sst s10  }
0x32: {  	s10 =	sld [smem:$0x3FB1];
	_ =	sdelay $0x3  }
0x33: {  	p0 =	seq.s32 s10, $0x1;
	s10 =	sld [smem:$0x3FB3];
	_ =	sdelay $0x3  }
0x34: {  	[smem:$0x3FB3] =	sst s10  }
0x35: {  	s10 =	sld [smem:$0x3FB2];
	_ =	sdelay $0x3  }
0x36: {  	p1 =	seq.s32 s10, $0x1;
	s10 =	sld [smem:$0x3FB3];
	_ =	sdelay $0x3  }
0x37: {  	[smem:$0x3FB3] =	sst s10  }
0x38: {  	s10 =	sld [smem:$0x3FB4]  }
0x39: {  	_ = 	snop;
	(pc) =	sbr.ind lr, $3  }
0x3a: {  	_ = 	snop  }
0x3b: {  	_ = 	snop  }
0x3c: {  	p2 =	seq.s32 s10, $0x1;
	s10 =	sld [smem:$0x3FB3]  }
0x3d: {  	_ =	shalt  }
0x3e: {  	_ =	shalt  }
0x3f: {  	_ =	shalt  }
0x40: {  	_ =	shalt  }
0x41: {  	_ =	shalt  }
0x42: {  	_ =	shalt  }
0x43: {  	_ =	shalt  }
0x44: {  	_ =	shalt  }
0x45: {  	_ =	shalt  }
0x46: {  	_ =	shalt  }
0x47: {  	_ =	shalt  }
0x48: {  	_ =	shalt  }
0x49: {  	_ =	shalt  }
0x4a: {  	_ =	shalt  }
0x4b: {  	_ =	shalt  }
0x4c: {  	_ =	shalt  }
0x4d: {  	_ =	shalt  }
0x4e: {  	_ =	shalt  }
0x4f: {  	_ =	shalt  }
0x50: {  	_ =	shalt  }
0x51: {  	_ =	shalt  }
0x52: {  	_ =	shalt  }
0x53: {  	_ =	shalt  }
0x54: {  	_ =	shalt  }
0x55: {  	_ =	shalt  }
0x56: {  	_ =	shalt  }
0x57: {  	_ =	shalt  }
0x58: {  	_ =	shalt  }
0x59: {  	_ =	shalt  }
0x5a: {  	_ =	shalt  }
0x5b: {  	_ =	shalt  }
0x5c: {  	_ =	shalt  }
0x5d: {  	_ =	shalt  }
0x5e: {  	_ =	shalt  }
0x5f: {  	_ =	shalt  }
0x60: {  	_ =	shalt  }
0x61: {  	_ =	shalt  }
0x62: {  	_ =	shalt  }
0x63: {  	_ =	shalt  }
0x64: {  	_ =	shalt  }
0x65: {  	_ =	shalt  }
0x66: {  	_ =	shalt  }
0x67: {  	_ =	shalt  }
0x68: {  	_ =	shalt  }
0x69: {  	_ =	shalt  }
0x6a: {  	_ =	shalt  }
0x6b: {  	_ =	shalt  }
0x6c: {  	_ =	shalt  }
0x6d: {  	_ =	shalt  }
0x6e: {  	_ =	shalt  }
0x6f: {  	_ =	shalt  }
0x70: {  	_ =	shalt  }
0x71: {  	_ =	shalt  }
0x72: {  	_ =	shalt  }
0x73: {  	_ =	shalt  }
0x74: {  	_ =	shalt  }
0x75: {  	_ =	shalt  }
0x76: {  	_ =	shalt  }
0x77: {  	_ =	shalt  }
0x78: {  	_ =	shalt  }
0x79: {  	_ =	shalt  }
0x7a: {  	_ =	shalt  }
0x7b: {  	_ =	shalt  }
0x7c: {  	_ =	shalt  }
0x7d: {  	_ =	shalt  }
0x7e: {  	_ =	shalt  }
0x7f: {  	_ =	shalt  }
0x80: {  	_ =	shalt  }
0x81: {  	_ =	shalt  }
0x82: {  	_ =	shalt  }
0x83: {  	_ =	shalt  }
0x84: {  	_ =	shalt  }
0x85: {  	_ =	shalt  }
0x86: {  	_ =	shalt  }
0x87: {  	_ =	shalt  }
.Lfunc_end0:
.L_simem_size_0:
called_computation.1_lowered:
.L_overlay_start_0:
0x88: {  	s2 =	sld [smem:$0x3FD9]  }
0x89: {  	s3 =	sld [smem:$0x3FFE];
	_ =	sdelay $0x1  }
0x8a: {  	s1 =	srdreg.scid  }
0x8b: {  	s0 =	sand.u32 $0x1, s1  }
0x8c: {  	s16 =	sshll.u32 s0, $0xA;
	s2 =	sadd.s32 s3, s2  }
0x8d: {  	s2 =	sadd.s32 s2, s16  }
0x8e: {  	[smem:$0x3FBF] =	sst s2  }
0x8f: {  	_ = 	snop  }
0x90: {  	(tm) =	ssettm $0x1  }
0x91: {  	s17 =	sld [smem:$0x3FFB];
	_ =	sdelay $0x3  }
0x92: {  	_ =	strace s17  }
0x93: {  	s2 =	sld [smem:$0x3FFC];
	_ =	sdelay $0x3  }
0x94: {  	_ =	strace s2  }
0x95: {  	s2 =	sld [smem:$0x3FFD];
	_ =	sdelay $0x3  }
0x96: {  	_ =	strace s2  }
0x97: {  	_ =	strace $0x8FFFFFFF  }
0x98: {  	s18 =	sld [smem:$0x3FDB];
	_ =	sdelay $0x1  }
0x99: {  	s19 =	simm.s32 $_scs_section_size  }
0x9a: {  	s4 =	simm.s32 $_size__tile_overlayer_lowered;
	s5 =	simm.s32 $_tile_overlayer_lowered  }
0x9b: {  	s22 =	simm.s32 $0x1BFF;
	s21 =	sshll.u32 s5, $0x1;
	s2 =	sadd.s32 s19, s18  }
0x9c: {  	s6 =	simm.s32 $0x0;
	s20 =	sshll.u32 s4, $0x1;
	s4 =	sadd.s32 s21, s2  }
0x9d: {  	[timem:s6], [sflag:s22] =	dma.local [hbm:s4], s20  }
0x9e: {  	_ =	swait.ge [sflag:s22], s20  }
0x9f: {  	s3 =	ssub.s32 $0x0, s20;
	[sflag:s22] =	ssyncset.done $0x0  }
0xa0: {  	[sflag:s22] =	ssyncadd.s32 s3;
	_ =	sdelay $0x1  }
0xa1: {  	s23 =	simm.s32 $0x1B8B  }
0xa2: {  	_ =	swait.ge [sflag:s23], $0x1  }
0xa3: {  	[sflag:s23] =	ssyncset.done $0x0  }
0xa4: {  	s25 =	simm.s32 $0x1B8E;
	s24 =	sld [smem:$0x3FFE];
	[sflag:s23] =	ssyncadd.s32 $0xFFFFFFFF  }
0xa5: {  	s26 =	simm.s32 $execute0_lowered;
	[smem:$0x3FD2] =	sst s25  }
0xa6: {  	s4 =	sshll.u32 s26, $0x1;
	_ =	strace $0x80000049;
	[dreg:$0x1] =	wrdreg $0xFFFFFFFF  }
0xa7: {  	s28 =	simm.s32 $_size_execute0_lowered;
	s2 =	sadd.s32 s2, s4;
	[dreg:$0x0] =	wrdreg $0x0  }
0xa8: {  	s4 =	sshll.u32 s28, $0x1;
	[dreg:$0x2] =	wrdreg s2  }
0xa9: {  	[dreg:$0x3] =	wrdreg s4  }
0xaa: {  	[dreg:$0x4] =	wrdreg $0xC0  }
0xab: {  	_ =	task [dreg:s6], $0x5FFFF  }
0xac: {  	[dreg:$0x1] =	wrdreg $0xFFFFFFFF  }
0xad: {  	[dreg:$0x0] =	wrdreg $0x60  }
0xae: {  	[dreg:$0x2] =	wrdreg s24  }
0xaf: {  	[dreg:$0x3] =	wrdreg $0xA8000  }
0xb0: {  	[dreg:$0x4] =	wrdreg $0x9  }
0xb1: {  	_ =	task.clear_ibuf [dreg:s6], $0x5FFFF;
	_ =	strace $0x90000049  }
0xb2: {  	s29 =	simm.s32 $0x9;
	_ =	strace $0x8000004B  }
0xb3: {  	_ =	swait.ge [sflag:s29], $0x1  }
0xb4: {  	[sflag:s29] =	ssyncadd.s32 $0xFFFFFFFF  }
0xb5: {  	_ =	strace $0x9000004B  }
0xb6: {  	_ =	sfence  }
0xb7: {  	s30 =	sld [smem:$0x0];
	_ =	sdelay $0x2  }
0xb8: {  	s31 =	sshll.u32 s1, $0xD;
	s1 =	sshrl.u32 s1, $0x2  }
0xb9: {  	s3 =	sand.u32 $0x4000, s31;
	s1 =	sadd.s32 s1, s30  }
0xba: {  	s0 =	sor.u32 s3, s0;
	s1 =	sshll.u32 s1, $0x11  }
0xbb: {  	s0 =	sor.u32 s1, s0  }
0xbc: {  	s0 =	sadd.s32 $0x8F2B, s0  }
0xbd: {  	[sflag:s0] =	ssyncadd.remote.s32 $0x1  }
0xbe: {  	_ =	sfence.sel $0xFFFF  }
0xbf: {  	[dreg:$0x0] =	wrdreg $0xFFFFFFFF;
	(pc) =	sbr.abs _section_cstart, $3  }
0xc0: {  	[dreg:$0x1] =	wrdreg $0xFFFFFFFF  }
0xc1: {  	_ =	task.clear_ibuf [dreg:s6], $0x2FFFF;
	_ =	strace $0x9FFFFFFF  }
0xc2: {  	(tm) =	ssettm $0x7FFFFFFF  }
0xc3: {  	_ =	shalt  }
tec
execute0_lowered:
.L_overlay_start_1:
0x0: {  	(tag) =	ssettag $0x1  }
0x1: {  	s0 =	rddreg [dreg:$0x0]  }
0x2: {  	s1 =	rddreg [dreg:$0x1];
	s2 =	simm.s32 $0x0;
	s3 =	srdreg.scid  }
0x3: {  	s13 =	stileid.u32;
	s31 =	simm.s32 $0x1;
	s28 =	simm.s32 $0x4  }
0x4: {  	s29 =	simm.s32 $0x8000;
	s30 =	simm.s32 $0x5;
	[smem:$0x7FF] =	sst s2  }
0x5: {  	s4 =	sadd.s32 $0x12800, s0;
	s3 =	sand.u32 $0x1, s3;
	s7 =	smul.u32 $0x2800, s13  }
0x6: {  	s5 =	sadd.s32 $0x2800, s0;
	s6 =	sadd.s32 $0x22800, s0;
	s10 =	smul.u32 $0x50000, s13  }
0x7: {  	s11 =	sadd.s32 $0x70C00, s0;
	s12 =	sshll.u32 s13, $0xE;
	s19 =	smul.u32 $0x14000, s13  }
0x8: {  	p0 =	seq.s32 s13, $0xF;
	_ =	strace $0x8000004A;
	s8 =	ssub.s32 $0x2, s3  }
0x9: {  	s26 =	sshll.u32 s3, $0x12;
	s3 =	smul.u32 $0x138800, s3;
	s9 =	sshrl.u32 s8, $0x1  }
0xa: {  	s7 =	sadd.s32 s7, s0;
	s25 =	sshrl.u32 s10, $0x2;
	s10 =	sadd.s32 $0x12C000, s1  }
0xb: {  	s0 =	sadd.s32 $0x6F200, s0;
	s8 =	ssub.s32 s8, s9;
	[dreg:$0x5] =	wrdreg s10  }
0xc: {  	s9 =	sadd.s32 s25, s1;
	s7 =	sadd.s32 $0x49A00, s7;
	[dreg:$0x6] =	wrdreg s0  }
0xd: {  	s22 =	sadd.s32 s19, s3;
	s3 =	sshrl.u32 s3, $0x3;
	[dreg:$0x3] =	wrdreg s9  }
0xe: {  	s10 =	simm.s32 $0x8;
	[dreg:$0x4] =	wrdreg s7;
	s9 =	sor.u32 s12, s26  }
0xf: {  	s25 =	sadd.s32 s11, s3;
	s26 =	smax.u32 s8, $0x1;
	s12 =	sshrl.u32 s9, $0x3  }
0x10: {  	s3 =	simm.s32 $0x800;
	[dreg:$0x11] =	wrdreg s26;
	s15 =	sadd.s32 s4, s12  }
0x11: {  	s16 =	sadd.s32 s5, s12;
	s17 =	sor.u32 $0x10, s12;
	[dreg:$0x7] =	wrdreg s15  }
0x12: {  	s8 =	simm.s32 $0x7;
	[dreg:$0x8] =	wrdreg s16;
	s14 =	sadd.s32 s4, s17  }
0x13: {  	s18 =	sor.u32 $0x20, s12;
	s7 =	sadd.s32 s5, s17;
	[dreg:$0x9] =	wrdreg s14  }
0x14: {  	s26 =	simm.s32 $0x5800;
	s20 =	sadd.s32 s4, s18;
	[dreg:$0xa] =	wrdreg s7  }
0x15: {  	s0 =	sor.u32 $0x30, s12;
	s21 =	sadd.s32 s5, s18;
	[dreg:$0xb] =	wrdreg s20  }
0x16: {  	s23 =	sadd.s32 s4, s0;
	s0 =	sadd.s32 s5, s0;
	[dreg:$0xc] =	wrdreg s21  }
0x17: {  	s15 =	simm.s32 $0x0;
	[dreg:$0xd] =	wrdreg s23;
	s7 =	sshrl.u32 s22, $0x3  }
0x18: {  	[dreg:$0xe] =	wrdreg s0;
	s0 =	sadd.s32 $0x25800, s25;
	s23 =	simm.s32 $0x2  }
0x19: {  	s25 =	simm.s32 $0x3;
	s14 =	simm.s32 $0xC;
	s24 =	sadd.s32 s11, s7  }
0x1a: {  	[dreg:$0x10] =	wrdreg s0;
	s0 =	simm.s32 $0x50;
	s7 =	simm.s32 $0x6  }
0x1b: {  	s11 =	simm.s32 $0x9;
	[dreg:$0xf] =	wrdreg s24;
	s24 =	simm.s32 $0x3000  }
.LBB2_1:
0x1c: {  	s12 =	rddreg [dreg:$0x5]  }
0x1d: {  	s17 =	simm.s32 @p0 $0x1FCD;
	s16 =	sshrl.u32 @p0 s12, $0x3;
	s12 =	rddreg [dreg:$0x6]  }
0x1e: {  	[spmem:s16], [sflag:s17] =	dma.local @p0 [hbm:s12], $0x1900  }
0x1f: {  	s17 =	simm.s32 @p0 $0xD  }
0x20: {  	_ =	swait.ge @p0 [sflag:s17], $0x1900  }
0x21: {  	s19 =	simm.s32 @!p0 $0xD;
	s12 =	stileid.u32;
	[sflag:s17] =	ssyncset.done @p0 $0x0  }
0x22: {  	s18 =	sshll.u32 @!p0 s12, $0x6;
	s12 =	rddreg [dreg:$0x3];
	[sflag:s17] =	ssyncadd.s32 @p0 $0xFFFFE700  }
0x23: {  	s17 =	sor.u32 @!p0 $0x1C0D, s18;
	s18 =	sshrl.u32 @!p0 s12, $0x3;
	s12 =	rddreg [dreg:$0x4]  }
0x24: {  	[spmem:s18], [sflag:s17] =	dma.local @!p0 [hbm:s12], $0x2800  }
0x25: {  	_ =	swait.ge @!p0 [sflag:s19], $0x2800  }
0x26: {  	[sflag:s19] =	ssyncset.done @!p0 $0x0  }
0x27: {  	[sflag:s19] =	ssyncadd.s32 @!p0 $0xFFFFD800  }
0x28: {  	[bflag:$0x0] =	sbarrier.arrive $0xFFFF  }
0x29: {  	s21 =	rddreg [dreg:$0x7]  }
0x2a: {  	[tilespmem:s2], [sflag:$0x1] =	stream.linear.gather [hbm4b:s21+s2], $0x80, $0x38;
	[tilespmem:$0x1E080] =	vst v63  }
0x2b: {  	s13 =	simm.s32 $0x400;
	s22 =	rddreg [dreg:$0x8]  }
0x2c: {  	[tilespmem:s13], [sflag:$0x1] =	stream.linear.gather [hbm4b:s22+s2], $0x80, $0x38;
	[tilespmem:$0x1E080] =	vst v63  }
0x2d: {  	s20 =	simm.s32 $0x80;
	s19 =	rddreg [dreg:$0x9]  }
0x2e: {  	[tilespmem:s20], [sflag:$0x2] =	stream.linear.gather [hbm4b:s19+s2], $0x80, $0x38;
	[tilespmem:$0x1E080] =	vst v63  }
0x2f: {  	s21 =	rddreg [dreg:$0xa];
	s22 =	simm.s32 $0x480  }
0x30: {  	[tilespmem:s22], [sflag:$0x2] =	stream.linear.gather [hbm4b:s21+s2], $0x80, $0x38;
	[tilespmem:$0x1E080] =	vst v63  }
0x31: {  	s19 =	rddreg [dreg:$0xb];
	s20 =	simm.s32 $0x100  }
0x32: {  	[tilespmem:s20], [sflag:$0x3] =	stream.linear.gather [hbm4b:s19+s2], $0x80, $0x38;
	[tilespmem:$0x1E080] =	vst v63  }
0x33: {  	s21 =	rddreg [dreg:$0xc];
	s22 =	simm.s32 $0x500  }
0x34: {  	[tilespmem:s22], [sflag:$0x3] =	stream.linear.gather [hbm4b:s21+s2], $0x80, $0x38;
	[tilespmem:$0x1E080] =	vst v63  }
0x35: {  	s19 =	rddreg [dreg:$0xd];
	s20 =	simm.s32 $0x180  }
0x36: {  	[tilespmem:s20], [sflag:$0x4] =	stream.linear.gather [hbm4b:s19+s2], $0x80, $0x38;
	[tilespmem:$0x1E080] =	vst v63  }
0x37: {  	s21 =	rddreg [dreg:$0xe];
	s22 =	simm.s32 $0x580;
	s19 =	simm.s32 $0x0  }
0x38: {  	[tilespmem:s22], [sflag:$0x4] =	stream.linear.gather [hbm4b:s21+s2], $0x80, $0x38;
	[tilespmem:$0x1E080] =	vst v63  }
.LBB2_2:
0x39: {  	_ =	swait.ge [sflag:s31], $0x80  }
0x3a: {  	[sflag:s31] =	ssyncset.done $0x0  }
0x3b: {  	[sflag:s31] =	ssyncadd.s32 $0xFFFFFF80  }
0x3c: {  	_ =	swait.ge [sflag:s31], $0x80  }
0x3d: {  	p1 =	seq.s32 s19, $0x0;
	[sflag:s31] =	ssyncset.done $0x0  }
0x3e: {  	s20 =	simm.s32 @!p1 $0x9;
	[sflag:s31] =	ssyncadd.s32 $0xFFFFFF80  }
0x3f: {  	_ =	swait.ge @!p1 [sflag:s20], $0x2800  }
0x40: {  	[sflag:s20] =	ssyncset.done @!p1 $0x0  }
0x41: {  	s21 =	sand.u32 $0x200, s19;
	[sflag:s20] =	ssyncadd.s32 @!p1 $0xFFFFD800  }
0x42: {  	[tilespmem:s3], [sflag:$0x5] =	stream.indirect.gather [hbm4b:s6+s0], $0x80, s21, s0, $0xb8;
	[tilespmem:$0x1E080] =	vst v63  }
0x43: {  	_ =	swait.ge [sflag:s23], $0x80  }
0x44: {  	[sflag:s23] =	ssyncset.done $0x0  }
0x45: {  	[sflag:s23] =	ssyncadd.s32 $0xFFFFFF80  }
0x46: {  	_ =	swait.ge [sflag:s23], $0x80  }
0x47: {  	[sflag:s23] =	ssyncset.done $0x0  }
0x48: {  	s20 =	simm.s32 @!p1 $0xA;
	[sflag:s23] =	ssyncadd.s32 $0xFFFFFF80  }
0x49: {  	_ =	swait.ge @!p1 [sflag:s20], $0x2800  }
0x4a: {  	[sflag:s20] =	ssyncset.done @!p1 $0x0  }
0x4b: {  	s22 =	sor.u32 $0x80, s21;
	[sflag:s20] =	ssyncadd.s32 @!p1 $0xFFFFD800  }
0x4c: {  	[tilespmem:s24], [sflag:$0x6] =	stream.indirect.gather [hbm4b:s6+s0], $0x80, s22, s0, $0xb8;
	[tilespmem:$0x1E080] =	vst v63  }
0x4d: {  	_ =	swait.ge [sflag:s25], $0x80  }
0x4e: {  	[sflag:s25] =	ssyncset.done $0x0  }
0x4f: {  	[sflag:s25] =	ssyncadd.s32 $0xFFFFFF80  }
0x50: {  	_ =	swait.ge [sflag:s25], $0x80  }
0x51: {  	[sflag:s25] =	ssyncset.done $0x0  }
0x52: {  	s20 =	simm.s32 @!p1 $0xB;
	[sflag:s25] =	ssyncadd.s32 $0xFFFFFF80  }
0x53: {  	_ =	swait.ge @!p1 [sflag:s20], $0x2800  }
0x54: {  	[sflag:s20] =	ssyncset.done @!p1 $0x0  }
0x55: {  	s12 =	sor.u32 $0x100, s21;
	[sflag:s20] =	ssyncadd.s32 @!p1 $0xFFFFD800  }
0x56: {  	[tilespmem:s26], [sflag:$0x7] =	stream.indirect.gather [hbm4b:s6+s0], $0x80, s12, s0, $0xb8;
	[tilespmem:$0x1E080] =	vst v63  }
0x57: {  	_ =	swait.ge [sflag:s28], $0x80  }
0x58: {  	[sflag:s28] =	ssyncset.done $0x0  }
0x59: {  	[sflag:s28] =	ssyncadd.s32 $0xFFFFFF80  }
0x5a: {  	_ =	swait.ge [sflag:s28], $0x80  }
0x5b: {  	[sflag:s28] =	ssyncset.done $0x0  }
0x5c: {  	s20 =	simm.s32 @!p1 $0xC;
	[sflag:s28] =	ssyncadd.s32 $0xFFFFFF80  }
0x5d: {  	_ =	swait.ge @!p1 [sflag:s20], $0x2800  }
0x5e: {  	[sflag:s20] =	ssyncset.done @!p1 $0x0  }
0x5f: {  	s13 =	sor.u32 $0x180, s21;
	[sflag:s20] =	ssyncadd.s32 @!p1 $0xFFFFD800  }
0x60: {  	[tilespmem:s29], [sflag:$0x8] =	stream.indirect.gather [hbm4b:s6+s0], $0x80, s13, s0, $0xb8;
	[tilespmem:$0x1E080] =	vst v63  }
0x61: {  	_ =	swait.ge [sflag:s30], $0x2800  }
0x62: {  	[sflag:s30] =	ssyncset.done $0x0  }
0x63: {  	s22 =	sor.u32 $0x400, s21;
	[sflag:s30] =	ssyncadd.s32 $0xFFFFD800  }
0x64: {  	[spmem:s1] =	stream.indirect.scatter.add.f32 [tilespmem:s3], [sflag:$0x9], $0x80, s22, s0, $0xb8;
	[tilespmem:$0x1E080] =	vst v63  }
0x65: {  	_ =	swait.ge [sflag:s7], $0x2800  }
0x66: {  	[sflag:s7] =	ssyncset.done $0x0  }
0x67: {  	s12 =	sor.u32 $0x480, s21;
	[sflag:s7] =	ssyncadd.s32 $0xFFFFD800  }
0x68: {  	[spmem:s1] =	stream.indirect.scatter.add.f32 [tilespmem:s24], [sflag:$0xA], $0x80, s12, s0, $0xb8;
	[tilespmem:$0x1E080] =	vst v63  }
0x69: {  	_ =	swait.ge [sflag:s8], $0x2800  }
0x6a: {  	[sflag:s8] =	ssyncset.done $0x0  }
0x6b: {  	s13 =	sor.u32 $0x500, s21;
	s12 =	sadd.s32 $0x200, s19;
	[sflag:s8] =	ssyncadd.s32 $0xFFFFD800  }
0x6c: {  	[spmem:s1] =	stream.indirect.scatter.add.f32 [tilespmem:s26], [sflag:$0xB], $0x80, s13, s0, $0xb8;
	[tilespmem:$0x1E080] =	vst v63  }
0x6d: {  	s22 =	sor.u32 $0x580, s21;
	s13 =	sand.u32 $0x7C00, s12;
	_ =	swait.ge [sflag:s10], $0x2800  }
0x6e: {  	s20 =	sand.u32 $0x200, s12;
	s21 =	sadd.s32 s9, s13;
	[sflag:s10] =	ssyncset.done $0x0  }
0x6f: {  	s20 =	sor.u32 s20, s21;
	[sflag:s10] =	ssyncadd.s32 $0xFFFFD800  }
0x70: {  	[spmem:s1] =	stream.indirect.scatter.add.f32 [tilespmem:s29], [sflag:$0xC], $0x80, s22, s0, $0xb8;
	[tilespmem:$0x1E080] =	vst v63  }
0x71: {  	s20 =	sshrl.u32 s20, $0x3;
	s22 =	sxor.u32 $0xFFFFFFFF, s19  }
0x72: {  	s12 =	sadd.s32 s4, s20;
	s21 =	sand.u32 $0x200, s22  }
0x73: {  	[tilespmem:s21], [sflag:$0x1] =	stream.linear.gather [hbm4b:s12+s2], $0x80, $0x38;
	[tilespmem:$0x1E080] =	vst v63  }
0x74: {  	p1 =	seq.s32 s19, $0x3C00;
	s20 =	sadd.s32 s5, s20;
	s13 =	sor.u32 $0x400, s21  }
0x75: {  	[tilespmem:s13], [sflag:$0x1] =	stream.linear.gather [hbm4b:s20+s2], $0x80, $0x38;
	[tilespmem:$0x1E080] =	vst v63  }
0x76: {  	s20 =	sadd.s32 @!p1 $0x280, s19  }
0x77: {  	s22 =	sand.u32 @!p1 $0x7C00, s20  }
0x78: {  	s20 =	sand.u32 @!p1 $0x280, s20;
	s22 =	sadd.s32 @!p1 s9, s22  }
0x79: {  	s20 =	sor.u32 @!p1 s20, s22  }
0x7a: {  	s20 =	sshrl.u32 @!p1 s20, $0x3  }
0x7b: {  	s13 =	simm.s32 @!p1 $0x0;
	s22 =	sor.u32 @!p1 $0x80, s21;
	s12 =	sadd.s32 @!p1 s4, s20  }
0x7c: {  	[tilespmem:s22], [sflag:$0x2] =	stream.linear.gather @!p1 [hbm4b:s12+s13], $0x80, $0x38;
	[tilespmem:$0x1E080] =	vst v63  }
0x7d: {  	s20 =	sadd.s32 @!p1 s5, s20;
	s12 =	sor.u32 @!p1 $0x480, s21  }
0x7e: {  	[tilespmem:s12], [sflag:$0x2] =	stream.linear.gather @!p1 [hbm4b:s20+s13], $0x80, $0x38;
	[tilespmem:$0x1E080] =	vst v63  }
0x7f: {  	s12 =	sadd.s32 @!p1 $0x300, s19  }
0x80: {  	s20 =	sand.u32 @!p1 $0x7C00, s12  }
0x81: {  	s12 =	sand.u32 @!p1 $0x300, s12;
	s20 =	sadd.s32 @!p1 s9, s20  }
0x82: {  	s12 =	sor.u32 @!p1 s12, s20  }
0x83: {  	s12 =	sshrl.u32 @!p1 s12, $0x3  }
0x84: {  	s20 =	sor.u32 @!p1 $0x100, s21;
	s22 =	sadd.s32 @!p1 s4, s12  }
0x85: {  	[tilespmem:s20], [sflag:$0x3] =	stream.linear.gather @!p1 [hbm4b:s22+s13], $0x80, $0x38;
	[tilespmem:$0x1E080] =	vst v63  }
0x86: {  	s12 =	sadd.s32 @!p1 s5, s12;
	s20 =	sor.u32 @!p1 $0x500, s21  }
0x87: {  	[tilespmem:s20], [sflag:$0x3] =	stream.linear.gather @!p1 [hbm4b:s12+s13], $0x80, $0x38;
	[tilespmem:$0x1E080] =	vst v63  }
0x88: {  	s12 =	sadd.s32 @!p1 $0x380, s19  }
0x89: {  	s20 =	sand.u32 @!p1 $0x7C00, s12  }
0x8a: {  	s12 =	sand.u32 @!p1 $0x380, s12;
	s20 =	sadd.s32 @!p1 s9, s20  }
0x8b: {  	s12 =	sor.u32 @!p1 s12, s20  }
0x8c: {  	s12 =	sshrl.u32 @!p1 s12, $0x3  }
0x8d: {  	s19 =	sadd.s32 @!p1 $0x200, s19;
	s20 =	sor.u32 @!p1 $0x180, s21;
	s22 =	sadd.s32 @!p1 s4, s12  }
0x8e: {  	[tilespmem:s20], [sflag:$0x4] =	stream.linear.gather @!p1 [hbm4b:s22+s13], $0x80, $0x38;
	[tilespmem:$0x1E080] =	vst v63  }
0x8f: {  	p2 =	sne.s32 @!p1 s19, $0x3E00;
	s12 =	sadd.s32 @!p1 s5, s12;
	s20 =	sor.u32 @!p1 $0x580, s21  }
0x90: {  	[tilespmem:s20], [sflag:$0x4] =	stream.linear.gather @!p1 [hbm4b:s12+s13], $0x80, $0x38;
	[tilespmem:$0x1E080] =	vst v63  }
0x91: {  	p1 =	por p1, !p2  }
.Ltmp0:
0x92: {  	_ = 	snop;
	(pc) =	sbr.rel @!p1 .LBB2_2-.Ltmp0, $1  }
0x93: {  	_ =	sdelay $0x3  }
0x94: {  	_ =	swait.ge [sflag:s31], $0x80  }
0x95: {  	[sflag:s31] =	ssyncset.done $0x0  }
0x96: {  	[sflag:s31] =	ssyncadd.s32 $0xFFFFFF80  }
0x97: {  	_ =	swait.ge [sflag:s31], $0x80  }
0x98: {  	[sflag:s31] =	ssyncset.done $0x0  }
0x99: {  	[sflag:s31] =	ssyncadd.s32 $0xFFFFFF80  }
0x9a: {  	_ =	swait.ge [sflag:s11], $0x2800  }
0x9b: {  	[sflag:s11] =	ssyncset.done $0x0  }
0x9c: {  	s12 =	simm.s32 $0x200;
	[sflag:s11] =	ssyncadd.s32 $0xFFFFD800  }
0x9d: {  	[tilespmem:s3], [sflag:$0x5] =	stream.indirect.gather [hbm4b:s6+s0], $0x80, s12, s0, $0xb8;
	[tilespmem:$0x1E080] =	vst v63  }
0x9e: {  	_ =	swait.ge [sflag:s30], $0x2800  }
0x9f: {  	[sflag:s30] =	ssyncset.done $0x0  }
0xa0: {  	s19 =	simm.s32 $0x600;
	[sflag:s30] =	ssyncadd.s32 $0xFFFFD800  }
0xa1: {  	[spmem:s1] =	stream.indirect.scatter.add.f32 [tilespmem:s3], [sflag:$0x9], $0x80, s19, s0, $0xb8;
	[tilespmem:$0x1E080] =	vst v63  }
0xa2: {  	_ =	swait.ge [sflag:s11], $0x2800  }
0xa3: {  	[sflag:s11] =	ssyncset.done $0x0  }
0xa4: {  	s20 =	simm.s32 $0xA;
	[sflag:s11] =	ssyncadd.s32 $0xFFFFD800  }
0xa5: {  	_ =	swait.ge [sflag:s20], $0x2800  }
0xa6: {  	[sflag:s20] =	ssyncset.done $0x0  }
0xa7: {  	s21 =	simm.s32 $0xB;
	[sflag:s20] =	ssyncadd.s32 $0xFFFFD800  }
0xa8: {  	_ =	swait.ge [sflag:s21], $0x2800  }
0xa9: {  	[sflag:s21] =	ssyncset.done $0x0  }
0xaa: {  	[sflag:s21] =	ssyncadd.s32 $0xFFFFD800  }
0xab: {  	_ =	swait.ge [sflag:s14], $0x2800  }
0xac: {  	[sflag:s14] =	ssyncset.done $0x0  }
0xad: {  	[sflag:s14] =	ssyncadd.s32 $0xFFFFD800  }
0xae: {  	[bflag:$0x0] =	sbarrier.arrive $0xFFFF  }
0xaf: {  	s12 =	simm.s32 @p0 $0x1FCD;
	s13 =	rddreg [dreg:$0x10]  }
0xb0: {  	[hbm:s13], [sflag:s12] =	dma.local @p0 [spmem:s16], $0x1900  }
0xb1: {  	s12 =	simm.s32 @p0 $0xD  }
0xb2: {  	_ =	swait.ge @p0 [sflag:s12], $0x1900  }
0xb3: {  	[sflag:s12] =	ssyncset.done @p0 $0x0  }
0xb4: {  	[sflag:s12] =	ssyncadd.s32 @p0 $0xFFFFE700;
	s12 =	rddreg [dreg:$0xf]  }
0xb5: {  	[hbm:s12], [sflag:s17] =	dma.local @!p0 [spmem:s18], $0x2800  }
0xb6: {  	s12 =	simm.s32 @!p0 $0xD  }
0xb7: {  	_ =	swait.ge @!p0 [sflag:s12], $0x2800  }
0xb8: {  	s15 =	sadd.s32 $0x1, s15;
	s22 =	rddreg [dreg:$0x11]  }
0xb9: {  	p1 =	sne.s32 s15, s22  }
.Ltmp1:
0xba: {  	_ = 	snop;
	(pc) =	sbr.rel @p1 .LBB2_1-.Ltmp1, $3  }
0xbb: {  	_ =	sdelay $0x1  }
0xbc: {  	[sflag:s12] =	ssyncset.done @!p0 $0x0  }
0xbd: {  	[sflag:s12] =	ssyncadd.s32 @!p0 $0xFFFFD800  }
0xbe: {  	_ =	sfence.sel $0x180000  }
0xbf: {  	[bflag:$0x0] =	sbarrier.arrive $0xFFFF  }
0xc0: {  	_ =	strace $0x9000004A  }
0xc1: {  	s0 =	stileid.u32;
	[bflag:$0x2] =	sbarrier.arrive $0xFFFF  }
0xc2: {  	p0 =	sne.s32 s0, $0x0;
	s0 =	rddreg [dreg:$0x2]  }
0xc3: {  	s0 =	sadd.s32 @!p0 $0x100000, s0  }
0xc4: {  	[sflag:s0] =	ssyncadd.tile.s32 @!p0 $0x1;
	_ =	shalt  }
.Lfunc_end2:
_tile_overlayer_lowered:
.L_overlay_start_2:
0xc5: {  	(tag) =	ssettag $0x2  }
0xc6: {  	s0 =	rddreg [dreg:$0x0];
	s2 =	stileid.u32  }
0xc7: {  	s1 =	rddreg [dreg:$0x1];
	p0 =	sne.s32 s2, $0x0  }
0xc8: {  	s3 =	rddreg [dreg:$0x2];
	[bflag:$0x3] =	sbarrier.arrive $0xFFFF;
	s2 =	simm.s32 @!p0 $0x1C0D  }
0xc9: {  	[timem:s3], [sflag:s2] =	dma.local @!p0 [hbm:s0], s1  }
0xca: {  	s0 =	simm.s32 @!p0 $0xD  }
0xcb: {  	_ =	swait.ge @!p0 [sflag:s0], s1  }
0xcc: {  	s1 =	ssub.s32 @!p0 $0x0, s1;
	[sflag:s0] =	ssyncset.done @!p0 $0x0  }
0xcd: {  	[sflag:s0] =	ssyncadd.s32 @!p0 s1  }
0xce: {  	[bflag:$0x3] =	sbarrier.arrive $0xFFFF  }
0xcf: {  	_ =	shalt  }

// kernel: kernel.14.cloned.1.call-start
scs
__scs_entry_jumppad:
0x0: {  	(pc) =	sbr.rel $0x88, $3  }
0x1: {  	(tag) =	ssettag $0x0;
	lr =	simm.s32 $0x1  }
0x2: {  	[smem:$0x3F98] =	sst lr;
	_ =	strace $0xD0000000  }
0x3: {  	_ = 	snop  }
0x4: {  	_ = 	snop  }
0x5: {  	_ = 	snop  }
0x6: {  	_ = 	snop  }
0x7: {  	_ = 	snop  }
__scs_overlays_trampoline_lowered:
0x8: {  	[smem:$0x3FA7] =	sst s0  }
0x9: {  	[smem:$0x3FA8] =	sst s1  }
0xa: {  	[smem:$0x3FA9] =	sst s2  }
0xb: {  	[smem:$0x3FAA] =	sst s3  }
0xc: {  	[smem:$0x3FAB] =	sst s4  }
0xd: {  	[smem:$0x3FAC] =	sst s5  }
0xe: {  	[smem:$0x3FAD] =	sst s6  }
0xf: {  	[smem:$0x3FAE] =	sst s7  }
0x10: {  	[smem:$0x3FAF] =	sst s8  }
0x11: {  	[smem:$0x3FB0] =	sst s9;
	s0 =	simm.s32 @!p0 $0x0  }
0x12: {  	s1 =	sld [smem:$0x3F96];
	s0 =	simm.s32 @p0 $0x1  }
0x13: {  	[smem:$0x3FB1] =	sst s0;
	s0 =	simm.s32 @!p1 $0x0  }
0x14: {  	s2 =	sld [smem:$0x3F95];
	s0 =	simm.s32 @p1 $0x1  }
0x15: {  	[smem:$0x3FB2] =	sst s0;
	s0 =	simm.s32 @!p2 $0x0  }
0x16: {  	s3 =	sld [smem:$0x3FDB];
	s0 =	simm.s32 @p2 $0x1  }
0x17: {  	s4 =	simm.s32 $0x1BF5;
	[smem:$0x3FB4] =	sst s0  }
0x18: {  	s0 =	sld [smem:$0x3F97];
	_ =	swait.ge [sflag:s4], $0x0  }
0x19: {  	s7 =	sld [smem:$0x3F98]  }
0x1a: {  	s8 =	sadd.s32 $0xFFFFE003, lr  }
0x1b: {  	s9 =	sadd.s32 $0xFFFFFEF7, lr;
	s5 =	simm.s32 $0xFFFFFFFF;
	p2 =	slt.u32 s8, $0xFFFFF086  }
0x1c: {  	p1 =	slt.u32 s9, $0xF7A;
	s5 =	simm.s32 @!p2 $0x0  }
0x1d: {  	s5 =	simm.s32 @p1 $0x1;
	p0 =	seq.s32 s7, s2  }
0x1e: {  	s7 =	smul.u32 @!p0 $0xF7A, s2;
	p2 =	seq.s32 @!p0 s5, $0x0  }
0x1f: {  	s9 =	smul.u32 $0xF7A, s1;
	s8 =	simm.s32 @!p0 $0x1BF5;
	p2 =	por !p2, p0  }
0x20: {  	[sflag:s8] =	ssyncset.s32 @!p0 $0xFFFFF086;
	s6 =	sadd.s32 @!p0 s3, s7;
	s7 =	simm.s32 @!p0 $0x108  }
0x21: {  	s3 =	sadd.s32 s3, s9;
	s6 =	sadd.s32 @!p0 $0x88, s6;
	s7 =	simm.s32 @p2 $0x1082  }
0x22: {  	[simem:s7], [sflag:s8] =	dma.local @!p0 [hbm:s6], $0xF7A  }
0x23: {  	s9 =	sor.u32 $0xD0000000, s2;
	s6 =	simm.s32 $0x108;
	_ =	swait.ge @!p0 [sflag:s8], $0x0  }
0x24: {  	s3 =	sadd.s32 $0x88, s3;
	s6 =	simm.s32 @!p1 $0x1082;
	[sflag:s4] =	ssyncset.s32 $0xFFFFF086  }
0x25: {  	[simem:s6], [sflag:s4] =	dma.local [hbm:s3], $0xF7A  }
0x26: {  	[smem:$0x3F98] =	sst s1;
	(tag) =	ssettag s2;
	_ =	strace s9  }
0x27: {  	s1 =	sld [smem:$0x3FA8]  }
0x28: {  	s2 =	sld [smem:$0x3FA9]  }
0x29: {  	s4 =	sld [smem:$0x3FAB]  }
0x2a: {  	p0 =	seq.s32 s5, $0x0;
	s5 =	sld [smem:$0x3FAC]  }
0x2b: {  	s6 =	sld [smem:$0x3FAD]  }
0x2c: {  	s7 =	sld [smem:$0x3FAE]  }
0x2d: {  	s3 =	simm.s32 $0x108;
	s8 =	sld [smem:$0x3FAF]  }
0x2e: {  	s3 =	simm.s32 @!p0 $0x1082;
	s9 =	sld [smem:$0x3FB0]  }
0x2f: {  	lr =	sadd.s32 s0, s3;
	s0 =	sld [smem:$0x3FA7]  }
0x30: {  	s3 =	sld [smem:$0x3FAA]  }
0x31: {  	[smem:$0x3FB3] =	sst s10  }
0x32: {  	s10 =	sld [smem:$0x3FB1];
	_ =	sdelay $0x3  }
0x33: {  	p0 =	seq.s32 s10, $0x1;
	s10 =	sld [smem:$0x3FB3];
	_ =	sdelay $0x3  }
0x34: {  	[smem:$0x3FB3] =	sst s10  }
0x35: {  	s10 =	sld [smem:$0x3FB2];
	_ =	sdelay $0x3  }
0x36: {  	p1 =	seq.s32 s10, $0x1;
	s10 =	sld [smem:$0x3FB3];
	_ =	sdelay $0x3  }
0x37: {  	[smem:$0x3FB3] =	sst s10  }
0x38: {  	s10 =	sld [smem:$0x3FB4]  }
0x39: {  	_ = 	snop;
	(pc) =	sbr.ind lr, $3  }
0x3a: {  	_ = 	snop  }
0x3b: {  	_ = 	snop  }
0x3c: {  	p2 =	seq.s32 s10, $0x1;
	s10 =	sld [smem:$0x3FB3]  }
0x3d: {  	_ =	shalt  }
0x3e: {  	_ =	shalt  }
0x3f: {  	_ =	shalt  }
0x40: {  	_ =	shalt  }
0x41: {  	_ =	shalt  }
0x42: {  	_ =	shalt  }
0x43: {  	_ =	shalt  }
0x44: {  	_ =	shalt  }
0x45: {  	_ =	shalt  }
0x46: {  	_ =	shalt  }
0x47: {  	_ =	shalt  }
0x48: {  	_ =	shalt  }
0x49: {  	_ =	shalt  }
0x4a: {  	_ =	shalt  }
0x4b: {  	_ =	shalt  }
0x4c: {  	_ =	shalt  }
0x4d: {  	_ =	shalt  }
0x4e: {  	_ =	shalt  }
0x4f: {  	_ =	shalt  }
0x50: {  	_ =	shalt  }
0x51: {  	_ =	shalt  }
0x52: {  	_ =	shalt  }
0x53: {  	_ =	shalt  }
0x54: {  	_ =	shalt  }
0x55: {  	_ =	shalt  }
0x56: {  	_ =	shalt  }
0x57: {  	_ =	shalt  }
0x58: {  	_ =	shalt  }
0x59: {  	_ =	shalt  }
0x5a: {  	_ =	shalt  }
0x5b: {  	_ =	shalt  }
0x5c: {  	_ =	shalt  }
0x5d: {  	_ =	shalt  }
0x5e: {  	_ =	shalt  }
0x5f: {  	_ =	shalt  }
0x60: {  	_ =	shalt  }
0x61: {  	_ =	shalt  }
0x62: {  	_ =	shalt  }
0x63: {  	_ =	shalt  }
0x64: {  	_ =	shalt  }
0x65: {  	_ =	shalt  }
0x66: {  	_ =	shalt  }
0x67: {  	_ =	shalt  }
0x68: {  	_ =	shalt  }
0x69: {  	_ =	shalt  }
0x6a: {  	_ =	shalt  }
0x6b: {  	_ =	shalt  }
0x6c: {  	_ =	shalt  }
0x6d: {  	_ =	shalt  }
0x6e: {  	_ =	shalt  }
0x6f: {  	_ =	shalt  }
0x70: {  	_ =	shalt  }
0x71: {  	_ =	shalt  }
0x72: {  	_ =	shalt  }
0x73: {  	_ =	shalt  }
0x74: {  	_ =	shalt  }
0x75: {  	_ =	shalt  }
0x76: {  	_ =	shalt  }
0x77: {  	_ =	shalt  }
0x78: {  	_ =	shalt  }
0x79: {  	_ =	shalt  }
0x7a: {  	_ =	shalt  }
0x7b: {  	_ =	shalt  }
0x7c: {  	_ =	shalt  }
0x7d: {  	_ =	shalt  }
0x7e: {  	_ =	shalt  }
0x7f: {  	_ =	shalt  }
0x80: {  	_ =	shalt  }
0x81: {  	_ =	shalt  }
0x82: {  	_ =	shalt  }
0x83: {  	_ =	shalt  }
0x84: {  	_ =	shalt  }
0x85: {  	_ =	shalt  }
0x86: {  	_ =	shalt  }
0x87: {  	_ =	shalt  }
.Lfunc_end0:
.L_simem_size_0:
called_computation.2_lowered:
.L_overlay_start_0:
0x88: {  	s2 =	sld [smem:$0x3FD9]  }
0x89: {  	s3 =	sld [smem:$0x3FFE];
	_ =	sdelay $0x1  }
0x8a: {  	s1 =	srdreg.scid  }
0x8b: {  	s0 =	sand.u32 $0x1, s1  }
0x8c: {  	s16 =	sshll.u32 s0, $0xA;
	s2 =	sadd.s32 s3, s2  }
0x8d: {  	s2 =	sadd.s32 s2, s16  }
0x8e: {  	[smem:$0x3FBF] =	sst s2  }
0x8f: {  	_ = 	snop  }
0x90: {  	(tm) =	ssettm $0x1  }
0x91: {  	s17 =	sld [smem:$0x3FFB];
	_ =	sdelay $0x3  }
0x92: {  	_ =	strace s17  }
0x93: {  	s2 =	sld [smem:$0x3FFC];
	_ =	sdelay $0x3  }
0x94: {  	_ =	strace s2  }
0x95: {  	s2 =	sld [smem:$0x3FFD];
	_ =	sdelay $0x3  }
0x96: {  	_ =	strace s2  }
0x97: {  	_ =	strace $0x8FFFFFFF  }
0x98: {  	s18 =	sld [smem:$0x3FDB];
	_ =	sdelay $0x1  }
0x99: {  	s19 =	simm.s32 $_scs_section_size  }
0x9a: {  	s4 =	simm.s32 $_size__tile_overlayer_lowered;
	s5 =	simm.s32 $_tile_overlayer_lowered  }
0x9b: {  	s22 =	simm.s32 $0x1BFF;
	s21 =	sshll.u32 s5, $0x1;
	s2 =	sadd.s32 s19, s18  }
0x9c: {  	s6 =	simm.s32 $0x0;
	s20 =	sshll.u32 s4, $0x1;
	s4 =	sadd.s32 s21, s2  }
0x9d: {  	[timem:s6], [sflag:s22] =	dma.local [hbm:s4], s20  }
0x9e: {  	_ =	swait.ge [sflag:s22], s20  }
0x9f: {  	s3 =	ssub.s32 $0x0, s20;
	[sflag:s22] =	ssyncset.done $0x0  }
0xa0: {  	[sflag:s22] =	ssyncadd.s32 s3;
	_ =	sdelay $0x1  }
0xa1: {  	s23 =	simm.s32 $0x1B8B  }
0xa2: {  	_ =	swait.ge [sflag:s23], $0x1  }
0xa3: {  	[sflag:s23] =	ssyncset.done $0x0  }
0xa4: {  	s25 =	simm.s32 $0x1B8E;
	s24 =	sld [smem:$0x3FFE];
	[sflag:s23] =	ssyncadd.s32 $0xFFFFFFFF  }
0xa5: {  	s26 =	simm.s32 $execute0_lowered;
	[smem:$0x3FD2] =	sst s25  }
0xa6: {  	s4 =	sshll.u32 s26, $0x1;
	_ =	strace $0x8000004C;
	[dreg:$0x1] =	wrdreg $0xFFFFFFFF  }
0xa7: {  	s28 =	simm.s32 $_size_execute0_lowered;
	s2 =	sadd.s32 s2, s4;
	[dreg:$0x0] =	wrdreg $0x0  }
0xa8: {  	s4 =	sshll.u32 s28, $0x1;
	[dreg:$0x2] =	wrdreg s2  }
0xa9: {  	[dreg:$0x3] =	wrdreg s4  }
0xaa: {  	[dreg:$0x4] =	wrdreg $0xC0  }
0xab: {  	_ =	task [dreg:s6], $0x5FFFF  }
0xac: {  	[dreg:$0x1] =	wrdreg $0xFFFFFFFF  }
0xad: {  	[dreg:$0x0] =	wrdreg $0x60  }
0xae: {  	[dreg:$0x2] =	wrdreg s24  }
0xaf: {  	[dreg:$0x3] =	wrdreg $0xA8000  }
0xb0: {  	[dreg:$0x4] =	wrdreg $0x9  }
0xb1: {  	_ =	task.clear_ibuf [dreg:s6], $0x5FFFF;
	_ =	strace $0x9000004C  }
0xb2: {  	s29 =	simm.s32 $0x9;
	_ =	strace $0x8000004E  }
0xb3: {  	_ =	swait.ge [sflag:s29], $0x1  }
0xb4: {  	[sflag:s29] =	ssyncadd.s32 $0xFFFFFFFF  }
0xb5: {  	_ =	strace $0x9000004E  }
0xb6: {  	_ =	sfence  }
0xb7: {  	s30 =	sld [smem:$0x0];
	_ =	sdelay $0x2  }
0xb8: {  	s31 =	sshll.u32 s1, $0xD;
	s1 =	sshrl.u32 s1, $0x2  }
0xb9: {  	s3 =	sand.u32 $0x4000, s31;
	s1 =	sadd.s32 s1, s30  }
0xba: {  	s0 =	sor.u32 s3, s0;
	s1 =	sshll.u32 s1, $0x11  }
0xbb: {  	s0 =	sor.u32 s1, s0  }
0xbc: {  	s0 =	sadd.s32 $0x8F2B, s0  }
0xbd: {  	[sflag:s0] =	ssyncadd.remote.s32 $0x1  }
0xbe: {  	_ =	sfence.sel $0xFFFF  }
0xbf: {  	[dreg:$0x0] =	wrdreg $0xFFFFFFFF;
	(pc) =	sbr.abs _section_cstart, $3  }
0xc0: {  	[dreg:$0x1] =	wrdreg $0xFFFFFFFF  }
0xc1: {  	_ =	task.clear_ibuf [dreg:s6], $0x2FFFF;
	_ =	strace $0x9FFFFFFF  }
0xc2: {  	(tm) =	ssettm $0x7FFFFFFF  }
0xc3: {  	_ =	shalt  }
tec
execute0_lowered:
.L_overlay_start_1:
0x0: {  	(tag) =	ssettag $0x1  }
0x1: {  	s0 =	rddreg [dreg:$0x0]  }
0x2: {  	s1 =	rddreg [dreg:$0x1];
	s2 =	simm.s32 $0x0;
	s3 =	srdreg.scid  }
0x3: {  	s13 =	stileid.u32;
	s31 =	simm.s32 $0x1;
	s28 =	simm.s32 $0x4  }
0x4: {  	s29 =	simm.s32 $0x8000;
	s30 =	simm.s32 $0x5;
	[smem:$0x7FF] =	sst s2  }
0x5: {  	s4 =	sadd.s32 $0x12800, s0;
	s3 =	sand.u32 $0x1, s3;
	s7 =	smul.u32 $0x2800, s13  }
0x6: {  	s5 =	sadd.s32 $0x2800, s0;
	s6 =	sadd.s32 $0x22800, s0;
	s10 =	smul.u32 $0x50000, s13  }
0x7: {  	s11 =	sadd.s32 $0x70C00, s0;
	s12 =	sshll.u32 s13, $0xE;
	s19 =	smul.u32 $0x14000, s13  }
0x8: {  	p0 =	seq.s32 s13, $0xF;
	_ =	strace $0x8000004D;
	s8 =	ssub.s32 $0x2, s3  }
0x9: {  	s26 =	sshll.u32 s3, $0x12;
	s3 =	smul.u32 $0x138800, s3;
	s9 =	sshrl.u32 s8, $0x1  }
0xa: {  	s7 =	sadd.s32 s7, s0;
	s25 =	sshrl.u32 s10, $0x2;
	s10 =	sadd.s32 $0x12C000, s1  }
0xb: {  	s0 =	sadd.s32 $0x6F200, s0;
	s8 =	ssub.s32 s8, s9;
	[dreg:$0x5] =	wrdreg s10  }
0xc: {  	s9 =	sadd.s32 s25, s1;
	s7 =	sadd.s32 $0x49A00, s7;
	[dreg:$0x6] =	wrdreg s0  }
0xd: {  	s22 =	sadd.s32 s19, s3;
	s3 =	sshrl.u32 s3, $0x3;
	[dreg:$0x3] =	wrdreg s9  }
0xe: {  	s10 =	simm.s32 $0x8;
	[dreg:$0x4] =	wrdreg s7;
	s9 =	sor.u32 s12, s26  }
0xf: {  	s25 =	sadd.s32 s11, s3;
	s26 =	smax.u32 s8, $0x1;
	s12 =	sshrl.u32 s9, $0x3  }
0x10: {  	s3 =	simm.s32 $0x800;
	[dreg:$0x11] =	wrdreg s26;
	s15 =	sadd.s32 s4, s12  }
0x11: {  	s16 =	sadd.s32 s5, s12;
	s17 =	sor.u32 $0x10, s12;
	[dreg:$0x7] =	wrdreg s15  }
0x12: {  	s8 =	simm.s32 $0x7;
	[dreg:$0x8] =	wrdreg s16;
	s14 =	sadd.s32 s4, s17  }
0x13: {  	s18 =	sor.u32 $0x20, s12;
	s7 =	sadd.s32 s5, s17;
	[dreg:$0x9] =	wrdreg s14  }
0x14: {  	s26 =	simm.s32 $0x5800;
	s20 =	sadd.s32 s4, s18;
	[dreg:$0xa] =	wrdreg s7  }
0x15: {  	s0 =	sor.u32 $0x30, s12;
	s21 =	sadd.s32 s5, s18;
	[dreg:$0xb] =	wrdreg s20  }
0x16: {  	s23 =	sadd.s32 s4, s0;
	s0 =	sadd.s32 s5, s0;
	[dreg:$0xc] =	wrdreg s21  }
0x17: {  	s15 =	simm.s32 $0x0;
	[dreg:$0xd] =	wrdreg s23;
	s7 =	sshrl.u32 s22, $0x3  }
0x18: {  	[dreg:$0xe] =	wrdreg s0;
	s0 =	sadd.s32 $0x25800, s25;
	s23 =	simm.s32 $0x2  }
0x19: {  	s25 =	simm.s32 $0x3;
	s14 =	simm.s32 $0xC;
	s24 =	sadd.s32 s11, s7  }
0x1a: {  	[dreg:$0x10] =	wrdreg s0;
	s0 =	simm.s32 $0x50;
	s7 =	simm.s32 $0x6  }
0x1b: {  	s11 =	simm.s32 $0x9;
	[dreg:$0xf] =	wrdreg s24;
	s24 =	simm.s32 $0x3000  }
.LBB2_1:
0x1c: {  	s12 =	rddreg [dreg:$0x5]  }
0x1d: {  	s17 =	simm.s32 @p0 $0x1FCD;
	s16 =	sshrl.u32 @p0 s12, $0x3;
	s12 =	rddreg [dreg:$0x6]  }
0x1e: {  	[spmem:s16], [sflag:s17] =	dma.local @p0 [hbm:s12], $0x1900  }
0x1f: {  	s17 =	simm.s32 @p0 $0xD  }
0x20: {  	_ =	swait.ge @p0 [sflag:s17], $0x1900  }
0x21: {  	s19 =	simm.s32 @!p0 $0xD;
	s12 =	stileid.u32;
	[sflag:s17] =	ssyncset.done @p0 $0x0  }
0x22: {  	s18 =	sshll.u32 @!p0 s12, $0x6;
	s12 =	rddreg [dreg:$0x3];
	[sflag:s17] =	ssyncadd.s32 @p0 $0xFFFFE700  }
0x23: {  	s17 =	sor.u32 @!p0 $0x1C0D, s18;
	s18 =	sshrl.u32 @!p0 s12, $0x3;
	s12 =	rddreg [dreg:$0x4]  }
0x24: {  	[spmem:s18], [sflag:s17] =	dma.local @!p0 [hbm:s12], $0x2800  }
0x25: {  	_ =	swait.ge @!p0 [sflag:s19], $0x2800  }
0x26: {  	[sflag:s19] =	ssyncset.done @!p0 $0x0  }
0x27: {  	[sflag:s19] =	ssyncadd.s32 @!p0 $0xFFFFD800  }
0x28: {  	[bflag:$0x0] =	sbarrier.arrive $0xFFFF  }
0x29: {  	s21 =	rddreg [dreg:$0x7]  }
0x2a: {  	[tilespmem:s2], [sflag:$0x1] =	stream.linear.gather [hbm4b:s21+s2], $0x80, $0x38;
	[tilespmem:$0x1E080] =	vst v63  }
0x2b: {  	s13 =	simm.s32 $0x400;
	s22 =	rddreg [dreg:$0x8]  }
0x2c: {  	[tilespmem:s13], [sflag:$0x1] =	stream.linear.gather [hbm4b:s22+s2], $0x80, $0x38;
	[tilespmem:$0x1E080] =	vst v63  }
0x2d: {  	s20 =	simm.s32 $0x80;
	s19 =	rddreg [dreg:$0x9]  }
0x2e: {  	[tilespmem:s20], [sflag:$0x2] =	stream.linear.gather [hbm4b:s19+s2], $0x80, $0x38;
	[tilespmem:$0x1E080] =	vst v63  }
0x2f: {  	s21 =	rddreg [dreg:$0xa];
	s22 =	simm.s32 $0x480  }
0x30: {  	[tilespmem:s22], [sflag:$0x2] =	stream.linear.gather [hbm4b:s21+s2], $0x80, $0x38;
	[tilespmem:$0x1E080] =	vst v63  }
0x31: {  	s19 =	rddreg [dreg:$0xb];
	s20 =	simm.s32 $0x100  }
0x32: {  	[tilespmem:s20], [sflag:$0x3] =	stream.linear.gather [hbm4b:s19+s2], $0x80, $0x38;
	[tilespmem:$0x1E080] =	vst v63  }
0x33: {  	s21 =	rddreg [dreg:$0xc];
	s22 =	simm.s32 $0x500  }
0x34: {  	[tilespmem:s22], [sflag:$0x3] =	stream.linear.gather [hbm4b:s21+s2], $0x80, $0x38;
	[tilespmem:$0x1E080] =	vst v63  }
0x35: {  	s19 =	rddreg [dreg:$0xd];
	s20 =	simm.s32 $0x180  }
0x36: {  	[tilespmem:s20], [sflag:$0x4] =	stream.linear.gather [hbm4b:s19+s2], $0x80, $0x38;
	[tilespmem:$0x1E080] =	vst v63  }
0x37: {  	s21 =	rddreg [dreg:$0xe];
	s22 =	simm.s32 $0x580;
	s19 =	simm.s32 $0x0  }
0x38: {  	[tilespmem:s22], [sflag:$0x4] =	stream.linear.gather [hbm4b:s21+s2], $0x80, $0x38;
	[tilespmem:$0x1E080] =	vst v63  }
.LBB2_2:
0x39: {  	_ =	swait.ge [sflag:s31], $0x80  }
0x3a: {  	[sflag:s31] =	ssyncset.done $0x0  }
0x3b: {  	[sflag:s31] =	ssyncadd.s32 $0xFFFFFF80  }
0x3c: {  	_ =	swait.ge [sflag:s31], $0x80  }
0x3d: {  	p1 =	seq.s32 s19, $0x0;
	[sflag:s31] =	ssyncset.done $0x0  }
0x3e: {  	s20 =	simm.s32 @!p1 $0x9;
	[sflag:s31] =	ssyncadd.s32 $0xFFFFFF80  }
0x3f: {  	_ =	swait.ge @!p1 [sflag:s20], $0x2800  }
0x40: {  	[sflag:s20] =	ssyncset.done @!p1 $0x0  }
0x41: {  	s21 =	sand.u32 $0x200, s19;
	[sflag:s20] =	ssyncadd.s32 @!p1 $0xFFFFD800  }
0x42: {  	[tilespmem:s3], [sflag:$0x5] =	stream.indirect.gather [hbm4b:s6+s0], $0x80, s21, s0, $0xb8;
	[tilespmem:$0x1E080] =	vst v63  }
0x43: {  	_ =	swait.ge [sflag:s23], $0x80  }
0x44: {  	[sflag:s23] =	ssyncset.done $0x0  }
0x45: {  	[sflag:s23] =	ssyncadd.s32 $0xFFFFFF80  }
0x46: {  	_ =	swait.ge [sflag:s23], $0x80  }
0x47: {  	[sflag:s23] =	ssyncset.done $0x0  }
0x48: {  	s20 =	simm.s32 @!p1 $0xA;
	[sflag:s23] =	ssyncadd.s32 $0xFFFFFF80  }
0x49: {  	_ =	swait.ge @!p1 [sflag:s20], $0x2800  }
0x4a: {  	[sflag:s20] =	ssyncset.done @!p1 $0x0  }
0x4b: {  	s22 =	sor.u32 $0x80, s21;
	[sflag:s20] =	ssyncadd.s32 @!p1 $0xFFFFD800  }
0x4c: {  	[tilespmem:s24], [sflag:$0x6] =	stream.indirect.gather [hbm4b:s6+s0], $0x80, s22, s0, $0xb8;
	[tilespmem:$0x1E080] =	vst v63  }
0x4d: {  	_ =	swait.ge [sflag:s25], $0x80  }
0x4e: {  	[sflag:s25] =	ssyncset.done $0x0  }
0x4f: {  	[sflag:s25] =	ssyncadd.s32 $0xFFFFFF80  }
0x50: {  	_ =	swait.ge [sflag:s25], $0x80  }
0x51: {  	[sflag:s25] =	ssyncset.done $0x0  }
0x52: {  	s20 =	simm.s32 @!p1 $0xB;
	[sflag:s25] =	ssyncadd.s32 $0xFFFFFF80  }
0x53: {  	_ =	swait.ge @!p1 [sflag:s20], $0x2800  }
0x54: {  	[sflag:s20] =	ssyncset.done @!p1 $0x0  }
0x55: {  	s12 =	sor.u32 $0x100, s21;
	[sflag:s20] =	ssyncadd.s32 @!p1 $0xFFFFD800  }
0x56: {  	[tilespmem:s26], [sflag:$0x7] =	stream.indirect.gather [hbm4b:s6+s0], $0x80, s12, s0, $0xb8;
	[tilespmem:$0x1E080] =	vst v63  }
0x57: {  	_ =	swait.ge [sflag:s28], $0x80  }
0x58: {  	[sflag:s28] =	ssyncset.done $0x0  }
0x59: {  	[sflag:s28] =	ssyncadd.s32 $0xFFFFFF80  }
0x5a: {  	_ =	swait.ge [sflag:s28], $0x80  }
0x5b: {  	[sflag:s28] =	ssyncset.done $0x0  }
0x5c: {  	s20 =	simm.s32 @!p1 $0xC;
	[sflag:s28] =	ssyncadd.s32 $0xFFFFFF80  }
0x5d: {  	_ =	swait.ge @!p1 [sflag:s20], $0x2800  }
0x5e: {  	[sflag:s20] =	ssyncset.done @!p1 $0x0  }
0x5f: {  	s13 =	sor.u32 $0x180, s21;
	[sflag:s20] =	ssyncadd.s32 @!p1 $0xFFFFD800  }
0x60: {  	[tilespmem:s29], [sflag:$0x8] =	stream.indirect.gather [hbm4b:s6+s0], $0x80, s13, s0, $0xb8;
	[tilespmem:$0x1E080] =	vst v63  }
0x61: {  	_ =	swait.ge [sflag:s30], $0x2800  }
0x62: {  	[sflag:s30] =	ssyncset.done $0x0  }
0x63: {  	s22 =	sor.u32 $0x400, s21;
	[sflag:s30] =	ssyncadd.s32 $0xFFFFD800  }
0x64: {  	[spmem:s1] =	stream.indirect.scatter.add.f32 [tilespmem:s3], [sflag:$0x9], $0x80, s22, s0, $0xb8;
	[tilespmem:$0x1E080] =	vst v63  }
0x65: {  	_ =	swait.ge [sflag:s7], $0x2800  }
0x66: {  	[sflag:s7] =	ssyncset.done $0x0  }
0x67: {  	s12 =	sor.u32 $0x480, s21;
	[sflag:s7] =	ssyncadd.s32 $0xFFFFD800  }
0x68: {  	[spmem:s1] =	stream.indirect.scatter.add.f32 [tilespmem:s24], [sflag:$0xA], $0x80, s12, s0, $0xb8;
	[tilespmem:$0x1E080] =	vst v63  }
0x69: {  	_ =	swait.ge [sflag:s8], $0x2800  }
0x6a: {  	[sflag:s8] =	ssyncset.done $0x0  }
0x6b: {  	s13 =	sor.u32 $0x500, s21;
	s12 =	sadd.s32 $0x200, s19;
	[sflag:s8] =	ssyncadd.s32 $0xFFFFD800  }
0x6c: {  	[spmem:s1] =	stream.indirect.scatter.add.f32 [tilespmem:s26], [sflag:$0xB], $0x80, s13, s0, $0xb8;
	[tilespmem:$0x1E080] =	vst v63  }
0x6d: {  	s22 =	sor.u32 $0x580, s21;
	s13 =	sand.u32 $0x7C00, s12;
	_ =	swait.ge [sflag:s10], $0x2800  }
0x6e: {  	s20 =	sand.u32 $0x200, s12;
	s21 =	sadd.s32 s9, s13;
	[sflag:s10] =	ssyncset.done $0x0  }
0x6f: {  	s20 =	sor.u32 s20, s21;
	[sflag:s10] =	ssyncadd.s32 $0xFFFFD800  }
0x70: {  	[spmem:s1] =	stream.indirect.scatter.add.f32 [tilespmem:s29], [sflag:$0xC], $0x80, s22, s0, $0xb8;
	[tilespmem:$0x1E080] =	vst v63  }
0x71: {  	s20 =	sshrl.u32 s20, $0x3;
	s22 =	sxor.u32 $0xFFFFFFFF, s19  }
0x72: {  	s12 =	sadd.s32 s4, s20;
	s21 =	sand.u32 $0x200, s22  }
0x73: {  	[tilespmem:s21], [sflag:$0x1] =	stream.linear.gather [hbm4b:s12+s2], $0x80, $0x38;
	[tilespmem:$0x1E080] =	vst v63  }
0x74: {  	p1 =	seq.s32 s19, $0x3C00;
	s20 =	sadd.s32 s5, s20;
	s13 =	sor.u32 $0x400, s21  }
0x75: {  	[tilespmem:s13], [sflag:$0x1] =	stream.linear.gather [hbm4b:s20+s2], $0x80, $0x38;
	[tilespmem:$0x1E080] =	vst v63  }
0x76: {  	s20 =	sadd.s32 @!p1 $0x280, s19  }
0x77: {  	s22 =	sand.u32 @!p1 $0x7C00, s20  }
0x78: {  	s20 =	sand.u32 @!p1 $0x280, s20;
	s22 =	sadd.s32 @!p1 s9, s22  }
0x79: {  	s20 =	sor.u32 @!p1 s20, s22  }
0x7a: {  	s20 =	sshrl.u32 @!p1 s20, $0x3  }
0x7b: {  	s13 =	simm.s32 @!p1 $0x0;
	s22 =	sor.u32 @!p1 $0x80, s21;
	s12 =	sadd.s32 @!p1 s4, s20  }
0x7c: {  	[tilespmem:s22], [sflag:$0x2] =	stream.linear.gather @!p1 [hbm4b:s12+s13], $0x80, $0x38;
	[tilespmem:$0x1E080] =	vst v63  }
0x7d: {  	s20 =	sadd.s32 @!p1 s5, s20;
	s12 =	sor.u32 @!p1 $0x480, s21  }
0x7e: {  	[tilespmem:s12], [sflag:$0x2] =	stream.linear.gather @!p1 [hbm4b:s20+s13], $0x80, $0x38;
	[tilespmem:$0x1E080] =	vst v63  }
0x7f: {  	s12 =	sadd.s32 @!p1 $0x300, s19  }
0x80: {  	s20 =	sand.u32 @!p1 $0x7C00, s12  }
0x81: {  	s12 =	sand.u32 @!p1 $0x300, s12;
	s20 =	sadd.s32 @!p1 s9, s20  }
0x82: {  	s12 =	sor.u32 @!p1 s12, s20  }
0x83: {  	s12 =	sshrl.u32 @!p1 s12, $0x3  }
0x84: {  	s20 =	sor.u32 @!p1 $0x100, s21;
	s22 =	sadd.s32 @!p1 s4, s12  }
0x85: {  	[tilespmem:s20], [sflag:$0x3] =	stream.linear.gather @!p1 [hbm4b:s22+s13], $0x80, $0x38;
	[tilespmem:$0x1E080] =	vst v63  }
0x86: {  	s12 =	sadd.s32 @!p1 s5, s12;
	s20 =	sor.u32 @!p1 $0x500, s21  }
0x87: {  	[tilespmem:s20], [sflag:$0x3] =	stream.linear.gather @!p1 [hbm4b:s12+s13], $0x80, $0x38;
	[tilespmem:$0x1E080] =	vst v63  }
0x88: {  	s12 =	sadd.s32 @!p1 $0x380, s19  }
0x89: {  	s20 =	sand.u32 @!p1 $0x7C00, s12  }
0x8a: {  	s12 =	sand.u32 @!p1 $0x380, s12;
	s20 =	sadd.s32 @!p1 s9, s20  }
0x8b: {  	s12 =	sor.u32 @!p1 s12, s20  }
0x8c: {  	s12 =	sshrl.u32 @!p1 s12, $0x3  }
0x8d: {  	s19 =	sadd.s32 @!p1 $0x200, s19;
	s20 =	sor.u32 @!p1 $0x180, s21;
	s22 =	sadd.s32 @!p1 s4, s12  }
0x8e: {  	[tilespmem:s20], [sflag:$0x4] =	stream.linear.gather @!p1 [hbm4b:s22+s13], $0x80, $0x38;
	[tilespmem:$0x1E080] =	vst v63  }
0x8f: {  	p2 =	sne.s32 @!p1 s19, $0x3E00;
	s12 =	sadd.s32 @!p1 s5, s12;
	s20 =	sor.u32 @!p1 $0x580, s21  }
0x90: {  	[tilespmem:s20], [sflag:$0x4] =	stream.linear.gather @!p1 [hbm4b:s12+s13], $0x80, $0x38;
	[tilespmem:$0x1E080] =	vst v63  }
0x91: {  	p1 =	por p1, !p2  }
.Ltmp0:
0x92: {  	_ = 	snop;
	(pc) =	sbr.rel @!p1 .LBB2_2-.Ltmp0, $1  }
0x93: {  	_ =	sdelay $0x3  }
0x94: {  	_ =	swait.ge [sflag:s31], $0x80  }
0x95: {  	[sflag:s31] =	ssyncset.done $0x0  }
0x96: {  	[sflag:s31] =	ssyncadd.s32 $0xFFFFFF80  }
0x97: {  	_ =	swait.ge [sflag:s31], $0x80  }
0x98: {  	[sflag:s31] =	ssyncset.done $0x0  }
0x99: {  	[sflag:s31] =	ssyncadd.s32 $0xFFFFFF80  }
0x9a: {  	_ =	swait.ge [sflag:s11], $0x2800  }
0x9b: {  	[sflag:s11] =	ssyncset.done $0x0  }
0x9c: {  	s12 =	simm.s32 $0x200;
	[sflag:s11] =	ssyncadd.s32 $0xFFFFD800  }
0x9d: {  	[tilespmem:s3], [sflag:$0x5] =	stream.indirect.gather [hbm4b:s6+s0], $0x80, s12, s0, $0xb8;
	[tilespmem:$0x1E080] =	vst v63  }
0x9e: {  	_ =	swait.ge [sflag:s30], $0x2800  }
0x9f: {  	[sflag:s30] =	ssyncset.done $0x0  }
0xa0: {  	s19 =	simm.s32 $0x600;
	[sflag:s30] =	ssyncadd.s32 $0xFFFFD800  }
0xa1: {  	[spmem:s1] =	stream.indirect.scatter.add.f32 [tilespmem:s3], [sflag:$0x9], $0x80, s19, s0, $0xb8;
	[tilespmem:$0x1E080] =	vst v63  }
0xa2: {  	_ =	swait.ge [sflag:s11], $0x2800  }
0xa3: {  	[sflag:s11] =	ssyncset.done $0x0  }
0xa4: {  	s20 =	simm.s32 $0xA;
	[sflag:s11] =	ssyncadd.s32 $0xFFFFD800  }
0xa5: {  	_ =	swait.ge [sflag:s20], $0x2800  }
0xa6: {  	[sflag:s20] =	ssyncset.done $0x0  }
0xa7: {  	s21 =	simm.s32 $0xB;
	[sflag:s20] =	ssyncadd.s32 $0xFFFFD800  }
0xa8: {  	_ =	swait.ge [sflag:s21], $0x2800  }
0xa9: {  	[sflag:s21] =	ssyncset.done $0x0  }
0xaa: {  	[sflag:s21] =	ssyncadd.s32 $0xFFFFD800  }
0xab: {  	_ =	swait.ge [sflag:s14], $0x2800  }
0xac: {  	[sflag:s14] =	ssyncset.done $0x0  }
0xad: {  	[sflag:s14] =	ssyncadd.s32 $0xFFFFD800  }
0xae: {  	[bflag:$0x0] =	sbarrier.arrive $0xFFFF  }
0xaf: {  	s12 =	simm.s32 @p0 $0x1FCD;
	s13 =	rddreg [dreg:$0x10]  }
0xb0: {  	[hbm:s13], [sflag:s12] =	dma.local @p0 [spmem:s16], $0x1900  }
0xb1: {  	s12 =	simm.s32 @p0 $0xD  }
0xb2: {  	_ =	swait.ge @p0 [sflag:s12], $0x1900  }
0xb3: {  	[sflag:s12] =	ssyncset.done @p0 $0x0  }
0xb4: {  	[sflag:s12] =	ssyncadd.s32 @p0 $0xFFFFE700;
	s12 =	rddreg [dreg:$0xf]  }
0xb5: {  	[hbm:s12], [sflag:s17] =	dma.local @!p0 [spmem:s18], $0x2800  }
0xb6: {  	s12 =	simm.s32 @!p0 $0xD  }
0xb7: {  	_ =	swait.ge @!p0 [sflag:s12], $0x2800  }
0xb8: {  	s15 =	sadd.s32 $0x1, s15;
	s22 =	rddreg [dreg:$0x11]  }
0xb9: {  	p1 =	sne.s32 s15, s22  }
.Ltmp1:
0xba: {  	_ = 	snop;
	(pc) =	sbr.rel @p1 .LBB2_1-.Ltmp1, $3  }
0xbb: {  	_ =	sdelay $0x1  }
0xbc: {  	[sflag:s12] =	ssyncset.done @!p0 $0x0  }
0xbd: {  	[sflag:s12] =	ssyncadd.s32 @!p0 $0xFFFFD800  }
0xbe: {  	_ =	sfence.sel $0x180000  }
0xbf: {  	[bflag:$0x0] =	sbarrier.arrive $0xFFFF  }
0xc0: {  	_ =	strace $0x9000004D  }
0xc1: {  	s0 =	stileid.u32;
	[bflag:$0x2] =	sbarrier.arrive $0xFFFF  }
0xc2: {  	p0 =	sne.s32 s0, $0x0;
	s0 =	rddreg [dreg:$0x2]  }
0xc3: {  	s0 =	sadd.s32 @!p0 $0x100000, s0  }
0xc4: {  	[sflag:s0] =	ssyncadd.tile.s32 @!p0 $0x1;
	_ =	shalt  }
.Lfunc_end2:
_tile_overlayer_lowered:
.L_overlay_start_2:
0xc5: {  	(tag) =	ssettag $0x2  }
0xc6: {  	s0 =	rddreg [dreg:$0x0];
	s2 =	stileid.u32  }
0xc7: {  	s1 =	rddreg [dreg:$0x1];
	p0 =	sne.s32 s2, $0x0  }
0xc8: {  	s3 =	rddreg [dreg:$0x2];
	[bflag:$0x3] =	sbarrier.arrive $0xFFFF;
	s2 =	simm.s32 @!p0 $0x1C0D  }
0xc9: {  	[timem:s3], [sflag:s2] =	dma.local @!p0 [hbm:s0], s1  }
0xca: {  	s0 =	simm.s32 @!p0 $0xD  }
0xcb: {  	_ =	swait.ge @!p0 [sflag:s0], s1  }
0xcc: {  	s1 =	ssub.s32 @!p0 $0x0, s1;
	[sflag:s0] =	ssyncset.done @!p0 $0x0  }
0xcd: {  	[sflag:s0] =	ssyncadd.s32 @!p0 s1  }
0xce: {  	[bflag:$0x3] =	sbarrier.arrive $0xFFFF  }
0xcf: {  	_ =	shalt  }

// kernel: kernel.8.cloned.1.call-start
scs
__scs_entry_jumppad:
0x0: {  	(pc) =	sbr.rel $0x88, $3  }
0x1: {  	(tag) =	ssettag $0x0;
	lr =	simm.s32 $0x1  }
0x2: {  	[smem:$0x3F98] =	sst lr;
	_ =	strace $0xD0000000  }
0x3: {  	_ = 	snop  }
0x4: {  	_ = 	snop  }
0x5: {  	_ = 	snop  }
0x6: {  	_ = 	snop  }
0x7: {  	_ = 	snop  }
__scs_overlays_trampoline_lowered:
0x8: {  	[smem:$0x3FA7] =	sst s0  }
0x9: {  	[smem:$0x3FA8] =	sst s1  }
0xa: {  	[smem:$0x3FA9] =	sst s2  }
0xb: {  	[smem:$0x3FAA] =	sst s3  }
0xc: {  	[smem:$0x3FAB] =	sst s4  }
0xd: {  	[smem:$0x3FAC] =	sst s5  }
0xe: {  	[smem:$0x3FAD] =	sst s6  }
0xf: {  	[smem:$0x3FAE] =	sst s7  }
0x10: {  	[smem:$0x3FAF] =	sst s8  }
0x11: {  	[smem:$0x3FB0] =	sst s9;
	s0 =	simm.s32 @!p0 $0x0  }
0x12: {  	s1 =	sld [smem:$0x3F96];
	s0 =	simm.s32 @p0 $0x1  }
0x13: {  	[smem:$0x3FB1] =	sst s0;
	s0 =	simm.s32 @!p1 $0x0  }
0x14: {  	s2 =	sld [smem:$0x3F95];
	s0 =	simm.s32 @p1 $0x1  }
0x15: {  	[smem:$0x3FB2] =	sst s0;
	s0 =	simm.s32 @!p2 $0x0  }
0x16: {  	s3 =	sld [smem:$0x3FDB];
	s0 =	simm.s32 @p2 $0x1  }
0x17: {  	s4 =	simm.s32 $0x1BF5;
	[smem:$0x3FB4] =	sst s0  }
0x18: {  	s0 =	sld [smem:$0x3F97];
	_ =	swait.ge [sflag:s4], $0x0  }
0x19: {  	s7 =	sld [smem:$0x3F98]  }
0x1a: {  	s8 =	sadd.s32 $0xFFFFE003, lr  }
0x1b: {  	s9 =	sadd.s32 $0xFFFFFEF7, lr;
	s5 =	simm.s32 $0xFFFFFFFF;
	p2 =	slt.u32 s8, $0xFFFFF086  }
0x1c: {  	p1 =	slt.u32 s9, $0xF7A;
	s5 =	simm.s32 @!p2 $0x0  }
0x1d: {  	s5 =	simm.s32 @p1 $0x1;
	p0 =	seq.s32 s7, s2  }
0x1e: {  	s7 =	smul.u32 @!p0 $0xF7A, s2;
	p2 =	seq.s32 @!p0 s5, $0x0  }
0x1f: {  	s9 =	smul.u32 $0xF7A, s1;
	s8 =	simm.s32 @!p0 $0x1BF5;
	p2 =	por !p2, p0  }
0x20: {  	[sflag:s8] =	ssyncset.s32 @!p0 $0xFFFFF086;
	s6 =	sadd.s32 @!p0 s3, s7;
	s7 =	simm.s32 @!p0 $0x108  }
0x21: {  	s3 =	sadd.s32 s3, s9;
	s6 =	sadd.s32 @!p0 $0x88, s6;
	s7 =	simm.s32 @p2 $0x1082  }
0x22: {  	[simem:s7], [sflag:s8] =	dma.local @!p0 [hbm:s6], $0xF7A  }
0x23: {  	s9 =	sor.u32 $0xD0000000, s2;
	s6 =	simm.s32 $0x108;
	_ =	swait.ge @!p0 [sflag:s8], $0x0  }
0x24: {  	s3 =	sadd.s32 $0x88, s3;
	s6 =	simm.s32 @!p1 $0x1082;
	[sflag:s4] =	ssyncset.s32 $0xFFFFF086  }
0x25: {  	[simem:s6], [sflag:s4] =	dma.local [hbm:s3], $0xF7A  }
0x26: {  	[smem:$0x3F98] =	sst s1;
	(tag) =	ssettag s2;
	_ =	strace s9  }
0x27: {  	s1 =	sld [smem:$0x3FA8]  }
0x28: {  	s2 =	sld [smem:$0x3FA9]  }
0x29: {  	s4 =	sld [smem:$0x3FAB]  }
0x2a: {  	p0 =	seq.s32 s5, $0x0;
	s5 =	sld [smem:$0x3FAC]  }
0x2b: {  	s6 =	sld [smem:$0x3FAD]  }
0x2c: {  	s7 =	sld [smem:$0x3FAE]  }
0x2d: {  	s3 =	simm.s32 $0x108;
	s8 =	sld [smem:$0x3FAF]  }
0x2e: {  	s3 =	simm.s32 @!p0 $0x1082;
	s9 =	sld [smem:$0x3FB0]  }
0x2f: {  	lr =	sadd.s32 s0, s3;
	s0 =	sld [smem:$0x3FA7]  }
0x30: {  	s3 =	sld [smem:$0x3FAA]  }
0x31: {  	[smem:$0x3FB3] =	sst s10  }
0x32: {  	s10 =	sld [smem:$0x3FB1];
	_ =	sdelay $0x3  }
0x33: {  	p0 =	seq.s32 s10, $0x1;
	s10 =	sld [smem:$0x3FB3];
	_ =	sdelay $0x3  }
0x34: {  	[smem:$0x3FB3] =	sst s10  }
0x35: {  	s10 =	sld [smem:$0x3FB2];
	_ =	sdelay $0x3  }
0x36: {  	p1 =	seq.s32 s10, $0x1;
	s10 =	sld [smem:$0x3FB3];
	_ =	sdelay $0x3  }
0x37: {  	[smem:$0x3FB3] =	sst s10  }
0x38: {  	s10 =	sld [smem:$0x3FB4]  }
0x39: {  	_ = 	snop;
	(pc) =	sbr.ind lr, $3  }
0x3a: {  	_ = 	snop  }
0x3b: {  	_ = 	snop  }
0x3c: {  	p2 =	seq.s32 s10, $0x1;
	s10 =	sld [smem:$0x3FB3]  }
0x3d: {  	_ =	shalt  }
0x3e: {  	_ =	shalt  }
0x3f: {  	_ =	shalt  }
0x40: {  	_ =	shalt  }
0x41: {  	_ =	shalt  }
0x42: {  	_ =	shalt  }
0x43: {  	_ =	shalt  }
0x44: {  	_ =	shalt  }
0x45: {  	_ =	shalt  }
0x46: {  	_ =	shalt  }
0x47: {  	_ =	shalt  }
0x48: {  	_ =	shalt  }
0x49: {  	_ =	shalt  }
0x4a: {  	_ =	shalt  }
0x4b: {  	_ =	shalt  }
0x4c: {  	_ =	shalt  }
0x4d: {  	_ =	shalt  }
0x4e: {  	_ =	shalt  }
0x4f: {  	_ =	shalt  }
0x50: {  	_ =	shalt  }
0x51: {  	_ =	shalt  }
0x52: {  	_ =	shalt  }
0x53: {  	_ =	shalt  }
0x54: {  	_ =	shalt  }
0x55: {  	_ =	shalt  }
0x56: {  	_ =	shalt  }
0x57: {  	_ =	shalt  }
0x58: {  	_ =	shalt  }
0x59: {  	_ =	shalt  }
0x5a: {  	_ =	shalt  }
0x5b: {  	_ =	shalt  }
0x5c: {  	_ =	shalt  }
0x5d: {  	_ =	shalt  }
0x5e: {  	_ =	shalt  }
0x5f: {  	_ =	shalt  }
0x60: {  	_ =	shalt  }
0x61: {  	_ =	shalt  }
0x62: {  	_ =	shalt  }
0x63: {  	_ =	shalt  }
0x64: {  	_ =	shalt  }
0x65: {  	_ =	shalt  }
0x66: {  	_ =	shalt  }
0x67: {  	_ =	shalt  }
0x68: {  	_ =	shalt  }
0x69: {  	_ =	shalt  }
0x6a: {  	_ =	shalt  }
0x6b: {  	_ =	shalt  }
0x6c: {  	_ =	shalt  }
0x6d: {  	_ =	shalt  }
0x6e: {  	_ =	shalt  }
0x6f: {  	_ =	shalt  }
0x70: {  	_ =	shalt  }
0x71: {  	_ =	shalt  }
0x72: {  	_ =	shalt  }
0x73: {  	_ =	shalt  }
0x74: {  	_ =	shalt  }
0x75: {  	_ =	shalt  }
0x76: {  	_ =	shalt  }
0x77: {  	_ =	shalt  }
0x78: {  	_ =	shalt  }
0x79: {  	_ =	shalt  }
0x7a: {  	_ =	shalt  }
0x7b: {  	_ =	shalt  }
0x7c: {  	_ =	shalt  }
0x7d: {  	_ =	shalt  }
0x7e: {  	_ =	shalt  }
0x7f: {  	_ =	shalt  }
0x80: {  	_ =	shalt  }
0x81: {  	_ =	shalt  }
0x82: {  	_ =	shalt  }
0x83: {  	_ =	shalt  }
0x84: {  	_ =	shalt  }
0x85: {  	_ =	shalt  }
0x86: {  	_ =	shalt  }
0x87: {  	_ =	shalt  }
.Lfunc_end0:
.L_simem_size_0:
called_computation_lowered:
.L_overlay_start_0:
0x88: {  	s2 =	sld [smem:$0x3FD9]  }
0x89: {  	s3 =	sld [smem:$0x3FFE];
	_ =	sdelay $0x1  }
0x8a: {  	s1 =	srdreg.scid  }
0x8b: {  	s0 =	sand.u32 $0x1, s1  }
0x8c: {  	s17 =	sshll.u32 s0, $0xA;
	s2 =	sadd.s32 s3, s2  }
0x8d: {  	s2 =	sadd.s32 s2, s17  }
0x8e: {  	[smem:$0x3FBF] =	sst s2  }
0x8f: {  	_ = 	snop  }
0x90: {  	s2 =	sld [smem:$0x3FD0];
	(tm) =	ssettm $0x1  }
0x91: {  	s18 =	sld [smem:$0x3FFB];
	_ =	sdelay $0x3  }
0x92: {  	_ =	strace s18  }
0x93: {  	s3 =	sld [smem:$0x3FFC];
	_ =	sdelay $0x3  }
0x94: {  	_ =	strace s3  }
0x95: {  	s3 =	sld [smem:$0x3FFD];
	_ =	sdelay $0x3  }
0x96: {  	_ =	strace s3  }
0x97: {  	_ =	strace $0x8FFFFFFF  }
0x98: {  	s19 =	sld [smem:$0x3FDB];
	_ =	sdelay $0x1  }
0x99: {  	s4 =	simm.s32 $_scs_section_size  }
0x9a: {  	s5 =	simm.s32 $_size__tile_overlayer_lowered;
	s6 =	simm.s32 $_tile_overlayer_lowered  }
0x9b: {  	s22 =	simm.s32 $0x1BFF;
	s21 =	sshll.u32 s6, $0x1;
	s3 =	sadd.s32 s4, s19  }
0x9c: {  	s7 =	simm.s32 $0x0;
	s20 =	sshll.u32 s5, $0x1;
	s5 =	sadd.s32 s21, s3  }
0x9d: {  	[timem:s7], [sflag:s22] =	dma.local [hbm:s5], s20  }
0x9e: {  	_ =	swait.ge [sflag:s22], s20  }
0x9f: {  	s4 =	ssub.s32 $0x0, s20;
	[sflag:s22] =	ssyncset.done $0x0  }
0xa0: {  	[sflag:s22] =	ssyncadd.s32 s4;
	_ =	sdelay $0x1  }
0xa1: {  	s23 =	simm.s32 $0x1B8B  }
0xa2: {  	_ =	swait.ge [sflag:s23], $0x1  }
0xa3: {  	[sflag:s23] =	ssyncset.done $0x0  }
0xa4: {  	s25 =	simm.s32 $0x1B8E;
	s24 =	sld [smem:$0x3FFE];
	[sflag:s23] =	ssyncadd.s32 $0xFFFFFFFF  }
0xa5: {  	s26 =	simm.s32 $execute0_lowered;
	[smem:$0x3FD2] =	sst s25  }
0xa6: {  	s5 =	sshll.u32 s26, $0x1;
	_ =	strace $0x80000046;
	[dreg:$0x1] =	wrdreg $0xFFFFFFFF  }
0xa7: {  	s28 =	simm.s32 $_size_execute0_lowered;
	s3 =	sadd.s32 s3, s5;
	[dreg:$0x0] =	wrdreg $0x0  }
0xa8: {  	s5 =	sshll.u32 s28, $0x1;
	[dreg:$0x2] =	wrdreg s3  }
0xa9: {  	[dreg:$0x3] =	wrdreg s5  }
0xaa: {  	[dreg:$0x4] =	wrdreg $0xC0  }
0xab: {  	_ =	task [dreg:s7], $0x5FFFF  }
0xac: {  	[dreg:$0x1] =	wrdreg $0xFFFFFFFF  }
0xad: {  	[dreg:$0x0] =	wrdreg $0x60  }
0xae: {  	[dreg:$0x2] =	wrdreg s24  }
0xaf: {  	[dreg:$0x3] =	wrdreg s2  }
0xb0: {  	[dreg:$0x4] =	wrdreg $0x43000  }
0xb1: {  	[dreg:$0x5] =	wrdreg $0x9  }
0xb2: {  	_ =	task.clear_ibuf [dreg:s7], $0x6FFFF;
	_ =	strace $0x90000046  }
0xb3: {  	s29 =	simm.s32 $0x9;
	_ =	strace $0x80000048  }
0xb4: {  	_ =	swait.ge [sflag:s29], $0x1  }
0xb5: {  	[sflag:s29] =	ssyncadd.s32 $0xFFFFFFFF  }
0xb6: {  	_ =	strace $0x90000048  }
0xb7: {  	_ =	sfence  }
0xb8: {  	s30 =	sld [smem:$0x0];
	_ =	sdelay $0x2  }
0xb9: {  	s31 =	sshll.u32 s1, $0xD;
	s1 =	sshrl.u32 s1, $0x2  }
0xba: {  	s3 =	sand.u32 $0x4000, s31;
	s1 =	sadd.s32 s1, s30  }
0xbb: {  	s0 =	sor.u32 s3, s0;
	s1 =	sshll.u32 s1, $0x11  }
0xbc: {  	s0 =	sor.u32 s1, s0  }
0xbd: {  	s0 =	sadd.s32 $0x8F2B, s0  }
0xbe: {  	[sflag:s0] =	ssyncadd.remote.s32 $0x1  }
0xbf: {  	_ =	sfence.sel $0xFFFF  }
0xc0: {  	[dreg:$0x0] =	wrdreg $0xFFFFFFFF;
	(pc) =	sbr.abs _section_cstart, $3  }
0xc1: {  	[dreg:$0x1] =	wrdreg $0xFFFFFFFF  }
0xc2: {  	_ =	task.clear_ibuf [dreg:s7], $0x2FFFF;
	_ =	strace $0x9FFFFFFF  }
0xc3: {  	(tm) =	ssettm $0x7FFFFFFF  }
tec
execute0_lowered:
.L_overlay_start_1:
0x0: {  	(tag) =	ssettag $0x1  }
0x1: {  	s3 =	rddreg [dreg:$0x0]  }
0x2: {  	s6 =	rddreg [dreg:$0x1]  }
0x3: {  	s1 =	rddreg [dreg:$0x2]  }
0x4: {  	s0 =	rddreg [dreg:$0x3]  }
0x5: {  	s2 =	simm.s32 $0x0;
	s15 =	stileid.u32;
	s4 =	srdreg.scid  }
0x6: {  	s10 =	simm.s32 $0x4000;
	s11 =	simm.s32 $0x80;
	s12 =	simm.s32 $0x100  }
0x7: {  	s13 =	simm.s32 $0x180;
	s14 =	simm.s32 $0x200;
	s17 =	simm.s32 $0x0  }
0x8: {  	[smem:$0x7FF] =	sst s2;
	s5 =	sand.u32 $0x1, s4;
	s29 =	smul.u32 $0xA00, s15  }
0x9: {  	s7 =	sshll.u32 s15, $0xB;
	p0 =	seq.s32 s15, $0xF;
	p1 =	sne.s32 s15, $0x0  }
0xa: {  	s15 =	simm.s32 $0x1;
	_ =	strace $0x80000047;
	s8 =	ssub.s32 $0x2, s5  }
0xb: {  	s7 =	sadd.s32 s7, s3;
	s9 =	sshll.u32 s5, $0xF;
	s31 =	sshll.u32 s5, $0x4  }
0xc: {  	s16 =	sshrl.u32 @!p1 s1, $0x3;
	s30 =	sshrl.u32 s8, $0x1;
	s4 =	sshrl.u32 s29, $0x2  }
0xd: {  	s7 =	sadd.s32 s9, s7;
	s6 =	sadd.s32 s6, s31;
	s9 =	simm.s32 $0x50  }
0xe: {  	s8 =	ssub.s32 s8, s30;
	s3 =	sadd.s32 s4, s1;
	s4 =	sadd.s32 $0x2580, s1  }
0xf: {  	v0 =	vimm.f32 $1.000000000e+00;
	v1 =	vimm.f32 $0.0e+00;
	s5 =	sadd.s32 $0x2800, s7;
	s7 =	smax.u32 s8, $0x1;
	s8 =	simm.s32 $0x2  }
.LBB2_1:
0x10: {  	[tilespmem:$0x4000] =	vst v0  }
0x11: {  	[tilespmem:$0x4010] =	vst v0  }
0x12: {  	[tilespmem:$0x4020] =	vst v0  }
0x13: {  	[tilespmem:$0x4030] =	vst v0  }
0x14: {  	[tilespmem:$0x4040] =	vst v0  }
0x15: {  	[tilespmem:$0x4080] =	vst v1  }
0x16: {  	[tilespmem:$0x4090] =	vst v1  }
0x17: {  	[tilespmem:$0x40A0] =	vst v1  }
0x18: {  	[tilespmem:$0x40B0] =	vst v1  }
0x19: {  	[tilespmem:$0x40C0] =	vst v1  }
0x1a: {  	[tilespmem:$0x40D0] =	vst v1  }
0x1b: {  	[tilespmem:$0x40E0] =	vst v1  }
0x1c: {  	[tilespmem:$0x40F0] =	vst v1  }
0x1d: {  	[tilespmem:$0x4100] =	vst v1  }
0x1e: {  	[tilespmem:$0x4110] =	vst v1  }
0x1f: {  	[tilespmem:$0x4120] =	vst v1  }
0x20: {  	[tilespmem:$0x4130] =	vst v1  }
0x21: {  	[tilespmem:$0x4140] =	vst v1  }
0x22: {  	[tilespmem:$0x4150] =	vst v1  }
0x23: {  	[tilespmem:$0x4160] =	vst v1  }
0x24: {  	[tilespmem:$0x4170] =	vst v1  }
0x25: {  	[tilespmem:$0x4180] =	vst v1  }
0x26: {  	[tilespmem:$0x4190] =	vst v1  }
0x27: {  	[tilespmem:$0x41A0] =	vst v1  }
0x28: {  	[tilespmem:$0x41B0] =	vst v1  }
0x29: {  	[tilespmem:$0x41C0] =	vst v1  }
0x2a: {  	[tilespmem:$0x41D0] =	vst v1  }
0x2b: {  	[tilespmem:$0x41E0] =	vst v1  }
0x2c: {  	[tilespmem:$0x41F0] =	vst v1  }
0x2d: {  	[tilespmem:$0x4200] =	vst v1  }
0x2e: {  	[tilespmem:$0x4210] =	vst v1  }
0x2f: {  	[tilespmem:$0x4220] =	vst v1  }
0x30: {  	[tilespmem:$0x4230] =	vst v1  }
0x31: {  	[tilespmem:$0x4240] =	vst v1  }
0x32: {  	[tilespmem:$0x4250] =	vst v1  }
0x33: {  	[tilespmem:$0x4260] =	vst v1  }
0x34: {  	[tilespmem:$0x4270] =	vst v1  }
0x35: {  	[tilespmem:$0x4280] =	vst v1  }
0x36: {  	[tilespmem:$0x4290] =	vst v1  }
0x37: {  	[tilespmem:$0x42A0] =	vst v1  }
0x38: {  	[tilespmem:$0x42B0] =	vst v1  }
0x39: {  	[tilespmem:$0x42C0] =	vst v1  }
0x3a: {  	[tilespmem:$0x42D0] =	vst v1  }
0x3b: {  	[tilespmem:$0x42E0] =	vst v1  }
0x3c: {  	[tilespmem:$0x42F0] =	vst v1;
	s18 =	simm.s32 @p0 $0x4080  }
0x3d: {  	[spmem:s4] =	stream.linear.scatter @p0 [tilespmem:s18], [sflag:$0x2], $0x190, $0x38;
	[tilespmem:$0x4578] =	vst v63  }
0x3e: {  	s18 =	simm.s32 @p0 $0x2  }
0x3f: {  	_ =	swait.ge @p0 [sflag:s18], $0x190  }
0x40: {  	[sflag:s18] =	ssyncset.done @p0 $0x0  }
0x41: {  	[sflag:s18] =	ssyncadd.s32 @p0 $0xFFFFFE70;
	s18 =	simm.s32 @!p0 $0x4080  }
0x42: {  	[spmem:s3] =	stream.linear.scatter @!p0 [tilespmem:s18], [sflag:$0x2], $0x280, $0x38;
	[tilespmem:$0x4578] =	vst v63  }
0x43: {  	s18 =	simm.s32 @!p0 $0x2  }
0x44: {  	_ =	swait.ge @!p0 [sflag:s18], $0x280  }
0x45: {  	[sflag:s18] =	ssyncset.done @!p0 $0x0  }
0x46: {  	[sflag:s18] =	ssyncadd.s32 @!p0 $0xFFFFFD80  }
0x47: {  	[tilespmem:s2], [sflag:$0x2] =	stream.linear.gather [hbm4b:s5+s2], $0x3E80, $0x38;
	[tilespmem:$0x4578] =	vst v63  }
0x48: {  	_ =	swait.ge [sflag:s8], $0x3E80  }
0x49: {  	[sflag:s8] =	ssyncset.done $0x0  }
0x4a: {  	[sflag:s8] =	ssyncadd.s32 $0xFFFFC180  }
0x4b: {  	[bflag:$0x0] =	sbarrier.arrive $0xFFFF  }
0x4c: {  	[spmem:s1] =	stream.indirect.scatter.add.f32 [tilespmem:s10], [sflag:$0x1], $0x1, s2, s9, $0xb8;
	[tilespmem:$0x4578] =	vst v63  }
0x4d: {  	_ = 	snop  }
0x4e: {  	[spmem:s1] =	stream.indirect.scatter.add.f32 [tilespmem:s10], [sflag:$0x1], $0x1, s11, s9, $0xb8;
	[tilespmem:$0x4578] =	vst v63  }
0x4f: {  	_ = 	snop  }
0x50: {  	[spmem:s1] =	stream.indirect.scatter.add.f32 [tilespmem:s10], [sflag:$0x1], $0x1, s12, s9, $0xb8;
	[tilespmem:$0x4578] =	vst v63  }
0x51: {  	_ = 	snop  }
0x52: {  	[spmem:s1] =	stream.indirect.scatter.add.f32 [tilespmem:s10], [sflag:$0x1], $0x1, s13, s9, $0xb8;
	[tilespmem:$0x4578] =	vst v63  }
0x53: {  	_ = 	snop  }
0x54: {  	[spmem:s1] =	stream.indirect.scatter.add.f32 [tilespmem:s10], [sflag:$0x1], $0x1, s14, s9, $0xb8;
	[tilespmem:$0x4578] =	vst v63  }
0x55: {  	s26 =	simm.s32 $0x280  }
0x56: {  	[spmem:s1] =	stream.indirect.scatter.add.f32 [tilespmem:s10], [sflag:$0x1], $0x1, s26, s9, $0xb8;
	[tilespmem:$0x4578] =	vst v63  }
0x57: {  	s28 =	simm.s32 $0x300  }
0x58: {  	[spmem:s1] =	stream.indirect.scatter.add.f32 [tilespmem:s10], [sflag:$0x1], $0x1, s28, s9, $0xb8;
	[tilespmem:$0x4578] =	vst v63  }
0x59: {  	s29 =	simm.s32 $0x380  }
0x5a: {  	[spmem:s1] =	stream.indirect.scatter.add.f32 [tilespmem:s10], [sflag:$0x1], $0x1, s29, s9, $0xb8;
	[tilespmem:$0x4578] =	vst v63  }
0x5b: {  	s30 =	simm.s32 $0x400  }
0x5c: {  	[spmem:s1] =	stream.indirect.scatter.add.f32 [tilespmem:s10], [sflag:$0x1], $0x1, s30, s9, $0xb8;
	[tilespmem:$0x4578] =	vst v63  }
0x5d: {  	s31 =	simm.s32 $0x480  }
0x5e: {  	[spmem:s1] =	stream.indirect.scatter.add.f32 [tilespmem:s10], [sflag:$0x1], $0x1, s31, s9, $0xb8;
	[tilespmem:$0x4578] =	vst v63  }
0x5f: {  	_ =	swait.ge [sflag:s15], $0x50  }
0x60: {  	[sflag:s15] =	ssyncset.done $0x0  }
0x61: {  	[sflag:s15] =	ssyncadd.s32 $0xFFFFFFB0  }
0x62: {  	_ =	swait.ge [sflag:s15], $0x50  }
0x63: {  	[sflag:s15] =	ssyncset.done $0x0  }
0x64: {  	[sflag:s15] =	ssyncadd.s32 $0xFFFFFFB0  }
0x65: {  	_ =	swait.ge [sflag:s15], $0x50  }
0x66: {  	[sflag:s15] =	ssyncset.done $0x0  }
0x67: {  	[sflag:s15] =	ssyncadd.s32 $0xFFFFFFB0  }
0x68: {  	_ =	swait.ge [sflag:s15], $0x50  }
0x69: {  	[sflag:s15] =	ssyncset.done $0x0  }
0x6a: {  	[sflag:s15] =	ssyncadd.s32 $0xFFFFFFB0  }
0x6b: {  	_ =	swait.ge [sflag:s15], $0x50  }
0x6c: {  	s19 =	simm.s32 $0xFFFF2400;
	s18 =	simm.s32 $0xFFFFC680;
	[sflag:s15] =	ssyncset.done $0x0  }
.LBB2_2:
0x6d: {  	s20 =	sadd.s32 $0x3E80, s18  }
0x6e: {  	[sflag:s15] =	ssyncadd.s32 $0xFFFFFFB0;
	s21 =	smov.u32 s19;
	s22 =	sadd.s32 $0xA00, s19  }
0x6f: {  	[spmem:s1] =	stream.indirect.scatter.add.f32 [tilespmem:s10], [sflag:$0x1], $0x1, s20, s9, $0xb8;
	[tilespmem:$0x4578] =	vst v63  }
0x70: {  	p2 =	sne.s32 s19, $0xFFFFF600;
	s19 =	sadd.s32 $0x3F00, s18  }
0x71: {  	[spmem:s1] =	stream.indirect.scatter.add.f32 [tilespmem:s10], [sflag:$0x1], $0x1, s19, s9, $0xb8;
	[tilespmem:$0x4578] =	vst v63  }
0x72: {  	s19 =	sadd.s32 $0x3F80, s18  }
0x73: {  	[spmem:s1] =	stream.indirect.scatter.add.f32 [tilespmem:s10], [sflag:$0x1], $0x1, s19, s9, $0xb8;
	[tilespmem:$0x4578] =	vst v63  }
0x74: {  	s19 =	sadd.s32 $0x4000, s18  }
0x75: {  	[spmem:s1] =	stream.indirect.scatter.add.f32 [tilespmem:s10], [sflag:$0x1], $0x1, s19, s9, $0xb8;
	[tilespmem:$0x4578] =	vst v63  }
0x76: {  	s18 =	sadd.s32 $0x4080, s18  }
0x77: {  	[spmem:s1] =	stream.indirect.scatter.add.f32 [tilespmem:s10], [sflag:$0x1], $0x1, s18, s9, $0xb8;
	[tilespmem:$0x4578] =	vst v63  }
0x78: {  	_ =	swait.ge [sflag:s15], $0x50  }
0x79: {  	[sflag:s15] =	ssyncset.done $0x0  }
0x7a: {  	[sflag:s15] =	ssyncadd.s32 $0xFFFFFFB0  }
0x7b: {  	_ =	swait.ge [sflag:s15], $0x50  }
0x7c: {  	[sflag:s15] =	ssyncset.done $0x0  }
0x7d: {  	[sflag:s15] =	ssyncadd.s32 $0xFFFFFFB0  }
0x7e: {  	_ =	swait.ge [sflag:s15], $0x50  }
0x7f: {  	[sflag:s15] =	ssyncset.done $0x0  }
0x80: {  	[sflag:s15] =	ssyncadd.s32 $0xFFFFFFB0  }
.Ltmp0:
0x81: {  	_ =	swait.ge [sflag:s15], $0x50;
	(pc) =	sbr.rel @p2 .LBB2_2-.Ltmp0, $4  }
0x82: {  	[sflag:s15] =	ssyncset.done $0x0  }
0x83: {  	[sflag:s15] =	ssyncadd.s32 $0xFFFFFFB0  }
0x84: {  	_ =	swait.ge [sflag:s15], $0x50  }
0x85: {  	s19 =	smov.u32 s22;
	s18 =	sshra.s32 s21, $0x2;
	[sflag:s15] =	ssyncset.done $0x0  }
0x86: {  	s19 =	sadd.s32 $0x3E80, s18;
	[sflag:s15] =	ssyncadd.s32 $0xFFFFFFB0  }
0x87: {  	[spmem:s1] =	stream.indirect.scatter.add.f32 [tilespmem:s10], [sflag:$0x1], $0x1, s19, s9, $0xb8;
	[tilespmem:$0x4578] =	vst v63  }
0x88: {  	s28 =	sadd.s32 $0x3F00, s18  }
0x89: {  	[spmem:s1] =	stream.indirect.scatter.add.f32 [tilespmem:s10], [sflag:$0x1], $0x1, s28, s9, $0xb8;
	[tilespmem:$0x4578] =	vst v63  }
0x8a: {  	s29 =	sadd.s32 $0x3F80, s18  }
0x8b: {  	[spmem:s1] =	stream.indirect.scatter.add.f32 [tilespmem:s10], [sflag:$0x1], $0x1, s29, s9, $0xb8;
	[tilespmem:$0x4578] =	vst v63  }
0x8c: {  	s30 =	sadd.s32 $0x4000, s18  }
0x8d: {  	[spmem:s1] =	stream.indirect.scatter.add.f32 [tilespmem:s10], [sflag:$0x1], $0x1, s30, s9, $0xb8;
	[tilespmem:$0x4578] =	vst v63  }
0x8e: {  	s31 =	sadd.s32 $0x4080, s18  }
0x8f: {  	[spmem:s1] =	stream.indirect.scatter.add.f32 [tilespmem:s10], [sflag:$0x1], $0x1, s31, s9, $0xb8;
	[tilespmem:$0x4578] =	vst v63  }
0x90: {  	_ =	swait.ge [sflag:s15], $0x50  }
0x91: {  	[sflag:s15] =	ssyncset.done $0x0  }
0x92: {  	[sflag:s15] =	ssyncadd.s32 $0xFFFFFFB0  }
0x93: {  	_ =	swait.ge [sflag:s15], $0x50  }
0x94: {  	[sflag:s15] =	ssyncset.done $0x0  }
0x95: {  	[sflag:s15] =	ssyncadd.s32 $0xFFFFFFB0  }
0x96: {  	_ =	swait.ge [sflag:s15], $0x50  }
0x97: {  	[sflag:s15] =	ssyncset.done $0x0  }
0x98: {  	[sflag:s15] =	ssyncadd.s32 $0xFFFFFFB0  }
0x99: {  	_ =	swait.ge [sflag:s15], $0x50  }
0x9a: {  	[sflag:s15] =	ssyncset.done $0x0  }
0x9b: {  	[sflag:s15] =	ssyncadd.s32 $0xFFFFFFB0  }
0x9c: {  	_ =	swait.ge [sflag:s15], $0x50  }
0x9d: {  	[sflag:s15] =	ssyncset.done $0x0  }
0x9e: {  	[sflag:s15] =	ssyncadd.s32 $0xFFFFFFB0  }
0x9f: {  	_ =	swait.ge [sflag:s15], $0x50  }
0xa0: {  	[sflag:s15] =	ssyncset.done $0x0  }
0xa1: {  	[sflag:s15] =	ssyncadd.s32 $0xFFFFFFB0  }
0xa2: {  	_ =	swait.ge [sflag:s15], $0x50  }
0xa3: {  	[sflag:s15] =	ssyncset.done $0x0  }
0xa4: {  	[sflag:s15] =	ssyncadd.s32 $0xFFFFFFB0  }
0xa5: {  	_ =	swait.ge [sflag:s15], $0x50  }
0xa6: {  	[sflag:s15] =	ssyncset.done $0x0  }
0xa7: {  	[sflag:s15] =	ssyncadd.s32 $0xFFFFFFB0  }
0xa8: {  	_ =	swait.ge [sflag:s15], $0x50  }
0xa9: {  	[sflag:s15] =	ssyncset.done $0x0  }
0xaa: {  	[sflag:s15] =	ssyncadd.s32 $0xFFFFFFB0  }
0xab: {  	_ =	swait.ge [sflag:s15], $0x50  }
0xac: {  	s18 =	simm.s32 @!p1 $0x1;
	s20 =	simm.s32 @!p1 $0x10;
	[sflag:s15] =	ssyncset.done $0x0  }
0xad: {  	s21 =	simm.s32 @!p1 $0x1C02;
	s17 =	sadd.s32 $0x1, s17;
	[sflag:s15] =	ssyncadd.s32 $0xFFFFFFB0  }
0xae: {  	s19 =	simm.s32 @!p1 $0x20;
	p2 =	sne.s32 s17, s7;
	[bflag:$0x0] =	sbarrier.arrive $0xFFFF  }
0xaf: {  	[hbm:s6@s19], [sflag:s21] =	dma.strided @!p1 [spmem:s16@s20], $0x4F0, s18, $0x10   }
.Ltmp1:
0xb0: {  	_ = 	snop;
	(pc) =	sbr.rel @p2 .LBB2_1-.Ltmp1, $4  }
0xb1: {  	s18 =	simm.s32 @!p1 $0x2  }
0xb2: {  	_ =	swait.ge @!p1 [sflag:s18], $0x4F0  }
0xb3: {  	[sflag:s18] =	ssyncset.done @!p1 $0x0  }
0xb4: {  	[sflag:s18] =	ssyncadd.s32 @!p1 $0xFFFFFB10  }
0xb5: {  	_ =	sfence.sel $0x180000  }
0xb6: {  	[bflag:$0x0] =	sbarrier.arrive $0xFFFF  }
0xb7: {  	_ =	strace $0x90000047  }
0xb8: {  	s0 =	sadd.s32 @!p1 $0x100000, s0;
	[bflag:$0x2] =	sbarrier.arrive $0xFFFF  }
0xb9: {  	[sflag:s0] =	ssyncadd.tile.s32 @!p1 $0x1;
	_ =	shalt  }
.Lfunc_end2:
_tile_overlayer_lowered:
.L_overlay_start_2:
0xba: {  	(tag) =	ssettag $0x2  }
0xbb: {  	s0 =	rddreg [dreg:$0x0];
	s2 =	stileid.u32  }
0xbc: {  	s1 =	rddreg [dreg:$0x1];
	p0 =	sne.s32 s2, $0x0  }
0xbd: {  	s3 =	rddreg [dreg:$0x2];
	[bflag:$0x3] =	sbarrier.arrive $0xFFFF;
	s2 =	simm.s32 @!p0 $0x1C02  }
0xbe: {  	[timem:s3], [sflag:s2] =	dma.local @!p0 [hbm:s0], s1  }
0xbf: {  	s0 =	simm.s32 @!p0 $0x2  }
0xc0: {  	_ =	swait.ge @!p0 [sflag:s0], s1  }
0xc1: {  	s1 =	ssub.s32 @!p0 $0x0, s1;
	[sflag:s0] =	ssyncset.done @!p0 $0x0  }
0xc2: {  	[sflag:s0] =	ssyncadd.s32 @!p0 s1  }
0xc3: {  	[bflag:$0x3] =	sbarrier.arrive $0xFFFF  }
0xc4: {  	_ =	shalt  }

</sc_bundles>
